<compile_context>
chip_gen: v7x
topology: tpu7x:2x2x1
jax: 0.10.2.dev20260603
libtpu: 0.0.44.dev20260713+nightly
codegen_flags: <defaults>
</compile_context>

<pallas_src>
import jax
import jax.numpy as jnp
from jax import lax
from jax.experimental import pallas as pl
from jax.experimental.pallas import tpu as pltpu
from jax.experimental.pallas import tpu_sc as plsc

N = 10000
E = 320000
D = 128
EF = 16
H = 4

NC = 2
NS = 16
NW = NC * NS
ECH = E // NS
CHUNK = E // NW
B3 = 1000
B4 = 40
ACC_R = 10240
ROWS_PT = ACC_R // NS

f32 = jnp.float32
i32 = jnp.int32

_sc_mesh = dict(
    mesh=plsc.VectorSubcoreMesh(
        core_axis_name="c", subcore_axis_name="s", num_cores=NC,
        num_subcores=NS),
    compiler_params=pltpu.CompilerParams(needs_layout_passes=False),
)


def _node_dense_body(x_ref, wd01_ref, wd23_ref, ws01_ref, ws23_ref,
                     ww0_ref, ww1_ref, bw0_ref, bw1_ref,
                     xw_ref, ad_ref, as_ref):
    xb = x_ref[...]
    xw_ref[0] = (jnp.dot(xb, ww0_ref[...], preferred_element_type=f32)
                 + bw0_ref[...]).astype(jnp.bfloat16)
    xw_ref[1] = (jnp.dot(xb, ww1_ref[...], preferred_element_type=f32)
                 + bw1_ref[...]).astype(jnp.bfloat16)
    ad_ref[0] = jnp.dot(xb, wd01_ref[...], preferred_element_type=f32)
    ad_ref[1] = jnp.dot(xb, wd23_ref[...], preferred_element_type=f32)
    as_ref[0] = jnp.dot(xb, ws01_ref[...], preferred_element_type=f32)
    as_ref[1] = jnp.dot(xb, ws23_ref[...], preferred_element_type=f32)


_node_dense = pl.pallas_call(
    _node_dense_body,
    grid=(5,),
    in_specs=[
        pl.BlockSpec((2000, D), lambda i: (i, 0)),
        pl.BlockSpec((D, 2), lambda i: (0, 0)),
        pl.BlockSpec((D, 2), lambda i: (0, 0)),
        pl.BlockSpec((D, 2), lambda i: (0, 0)),
        pl.BlockSpec((D, 2), lambda i: (0, 0)),
        pl.BlockSpec((D, H * D // 2), lambda i: (0, 0)),
        pl.BlockSpec((D, H * D // 2), lambda i: (0, 0)),
        pl.BlockSpec((1, H * D // 2), lambda i: (0, 0)),
        pl.BlockSpec((1, H * D // 2), lambda i: (0, 0)),
    ],
    out_specs=[
        pl.BlockSpec((NC, 2000, H * D // 2), lambda i: (0, i, 0)),
        pl.BlockSpec((NC, 2000, 2), lambda i: (0, i, 0)),
        pl.BlockSpec((NC, 2000, 2), lambda i: (0, i, 0)),
    ],
    out_shape=[
        jax.ShapeDtypeStruct((NC, N, H * D // 2), jnp.bfloat16),
        jax.ShapeDtypeStruct((NC, N, 2), f32),
        jax.ShapeDtypeStruct((NC, N, 2), f32),
    ],
)


def _edge_dense_body(ea_ref, wrel_ref, brel_ref, g_ref, b_ref,
                     w301_ref, w323_ref, batt_ref, ue_ref):
    w = jnp.dot(ea_ref[...], wrel_ref[...], preferred_element_type=f32) + brel_ref[...]
    mu = jnp.mean(w, axis=-1, keepdims=True)
    var = jnp.mean((w - mu) ** 2, axis=-1, keepdims=True)
    w = (w - mu) * lax.rsqrt(var + 1e-5) * g_ref[...] + b_ref[...]
    w = jnp.maximum(w, 0.0)
    ue_ref[0] = (jnp.dot(w, w301_ref[...], preferred_element_type=f32)
                 + batt_ref[:, 0:2])
    ue_ref[1] = (jnp.dot(w, w323_ref[...], preferred_element_type=f32)
                 + batt_ref[:, 2:4])


_edge_dense = pl.pallas_call(
    _edge_dense_body,
    grid=(E // 8000,),
    in_specs=[
        pl.BlockSpec((8000, EF), lambda i: (i, 0)),
        pl.BlockSpec((EF, D), lambda i: (0, 0)),
        pl.BlockSpec((1, D), lambda i: (0, 0)),
        pl.BlockSpec((1, D), lambda i: (0, 0)),
        pl.BlockSpec((1, D), lambda i: (0, 0)),
        pl.BlockSpec((D, 2), lambda i: (0, 0)),
        pl.BlockSpec((D, 2), lambda i: (0, 0)),
        pl.BlockSpec((1, H), lambda i: (0, 0)),
    ],
    out_specs=pl.BlockSpec((NC, 8000, 2), lambda i: (0, i, 0)),
    out_shape=jax.ShapeDtypeStruct((NC, E, 2), f32),
)


def _sc_pass1(src_h, dst_h, ad_h, as_h, ue_h, p_h, spart_h,
              ad_t, as_t, src_v, dst_v, ue_v, p_v, s_loc):
    cid = lax.axis_index("c")
    sid = lax.axis_index("s")
    wid = cid * NS + sid
    base = sid * ECH
    iota = lax.iota(i32, 16)
    lane_h = lax.bitwise_and(iota, 1)
    lane_e = lax.shift_right_logical(iota, 1)

    noff = cid * (N * 2)
    eoff = cid * (E * 2)
    pltpu.sync_copy(ad_h.at[pl.ds(noff, N * 2)], ad_t)
    pltpu.sync_copy(as_h.at[pl.ds(noff, N * 2)], as_t)

    def zbody(i, c):
        s_loc[pl.ds(i * 16, 16)] = jnp.zeros((16,), f32)
        return c
    lax.fori_loop(0, N * 2 // 16, zbody, 0)

    def blk(b, c):
        eb = base + b * B3
        pltpu.sync_copy(src_h.at[pl.ds(eb, B3)], src_v)
        pltpu.sync_copy(dst_h.at[pl.ds(eb, B3)], dst_v)
        pltpu.sync_copy(ue_h.at[pl.ds(eoff + eb * 2, B3 * 2)], ue_v)

        def inner(i, c2):
            eidx = i * 8 + lane_e
            dstv = plsc.load_gather(dst_v, [eidx])
            srcv = plsc.load_gather(src_v, [eidx])
            fd = dstv * 2 + lane_h
            gd = plsc.load_gather(ad_t, [fd])
            gs = plsc.load_gather(as_t, [srcv * 2 + lane_h])
            u = gd + gs + ue_v[pl.ds(i * 16, 16)]
            u = jnp.where(u >= 0, u, u * 0.2)
            p = jnp.exp(u)
            p_v[pl.ds(i * 16, 16)] = p
            plsc.addupdate_scatter(s_loc, [fd], p)
            return c2
        lax.fori_loop(0, B3 * 2 // 16, inner, 0)
        pltpu.sync_copy(p_v, p_h.at[pl.ds(eoff + eb * 2, B3 * 2)])
        return c
    lax.fori_loop(0, ECH // B3, blk, 0)
    pltpu.sync_copy(s_loc, spart_h.at[pl.ds(wid * (N * 2), N * 2)])


_sc1 = pl.kernel(
    _sc_pass1,
    out_type=[
        jax.ShapeDtypeStruct((NC * E * 2,), f32),
        jax.ShapeDtypeStruct((NW * N * 2,), f32),
    ],
    scratch_types=[
        pltpu.VMEM((N * 2,), f32),
        pltpu.VMEM((N * 2,), f32),
        pltpu.VMEM((B3,), i32),
        pltpu.VMEM((B3,), i32),
        pltpu.VMEM((B3 * 2,), f32),
        pltpu.VMEM((B3 * 2,), f32),
        pltpu.VMEM((N * 2,), f32),
    ],
    **_sc_mesh,
)


def _s_reduce_body(sp_ref, rs_ref):
    s0 = jnp.sum(sp_ref[0:NS], axis=0)
    s1 = jnp.sum(sp_ref[NS:NW], axis=0)
    s = jnp.stack([s0, s1], axis=0)
    rs_ref[...] = jnp.where(s > 0, 1.0 / s, 0.0)


_s_reduce = pl.pallas_call(
    _s_reduce_body,
    grid=(1,),
    in_specs=[pl.BlockSpec((NW, N * 2), lambda i: (0, 0))],
    out_specs=pl.BlockSpec((NC, N * 2), lambda i: (0, 0)),
    out_shape=jax.ShapeDtypeStruct((NC, N * 2), f32),
)


def _sc_alpha(dst_h, p_h, rs_h, al_h, rs_t, dst_v, p_v, al_v):
    cid = lax.axis_index("c")
    sid = lax.axis_index("s")
    base = sid * ECH
    iota = lax.iota(i32, 16)
    lane_h = lax.bitwise_and(iota, 1)
    lane_e = lax.shift_right_logical(iota, 1)

    noff = cid * (N * 2)
    eoff = cid * (E * 2)
    pltpu.sync_copy(rs_h.at[pl.ds(noff, N * 2)], rs_t)

    def blk(b, c):
        eb = base + b * B3
        pltpu.sync_copy(dst_h.at[pl.ds(eb, B3)], dst_v)
        pltpu.sync_copy(p_h.at[pl.ds(eoff + eb * 2, B3 * 2)], p_v)

        def inner(i, c2):
            eidx = i * 8 + lane_e
            dstv = plsc.load_gather(dst_v, [eidx])
            rsv = plsc.load_gather(rs_t, [dstv * 2 + lane_h])
            al_v[pl.ds(i * 16, 16)] = p_v[pl.ds(i * 16, 16)] * rsv
            return c2
        lax.fori_loop(0, B3 * 2 // 16, inner, 0)
        pltpu.sync_copy(al_v, al_h.at[pl.ds(eoff + eb * 2, B3 * 2)])
        return c
    lax.fori_loop(0, ECH // B3, blk, 0)


_sc_al = pl.kernel(
    _sc_alpha,
    out_type=jax.ShapeDtypeStruct((NC * E * 2,), f32),
    scratch_types=[
        pltpu.VMEM((N * 2,), f32),
        pltpu.VMEM((B3,), i32),
        pltpu.VMEM((B3 * 2,), f32),
        pltpu.VMEM((B3 * 2,), f32),
    ],
    **_sc_mesh,
)


HD2 = H * D // 2
FH = D // 2
SUP = 2000
NSUP = ECH // SUP
BPS = SUP // B4


NBUF = 2

import numpy as _np
_PIDX_np = _np.zeros((H * D,), _np.int32)
for _h in range(H):
    for _c in range(D // 32):
        _b = _h * D + _c * 32
        for _j in range(16):
            _PIDX_np[_b + 2 * _j] = _b + _j
            _PIDX_np[_b + 2 * _j + 1] = _b + 16 + _j
_PIDX = _PIDX_np


def _sc_msg(srcx_h, dst_h, al_h, xw_h, acc_h,
            idx_sb, dst_sb, al0_sb,
            xw_bufs, m_bufs, acc_sh, g_sems, s_sems):
    cid = lax.axis_index("c")
    sid = lax.axis_index("s")
    base = sid * ECH

    for i in range(B4):
        for c in range(D // 16):
            m_bufs[0][i, pl.ds(c * 16, 16)] = jnp.zeros((16,), f32)
    row0 = sid * ROWS_PT

    def zcp(j, c):
        pltpu.sync_copy(m_bufs[0], acc_sh.at[pl.ds(row0 + j * B4, B4)])
        return c
    lax.fori_loop(0, ROWS_PT // B4, zcp, 0)
    plsc.subcore_barrier()

    def eloop(blk, xwv, mv):
        def eb(ii, c):
            for k in range(4):
                e = ii * 4 + k
                le2 = (blk * B4 + e) * 2
                a0 = plsc.load_gather(al0_sb, [jnp.full((16,), le2, i32)])
                a1 = plsc.load_gather(al0_sb, [jnp.full((16,), le2 + 1, i32)])
                for c4 in range(D // 32):
                    h0 = plsc.bitcast(xwv[e, pl.ds(c4 * 16, 16)],
                                      jnp.bfloat16)
                    h1 = plsc.bitcast(xwv[e, pl.ds(D // 2 + c4 * 16, 16)],
                                      jnp.bfloat16)
                    va0, vb0 = plsc.unpack(h0, format=plsc.PackFormat.INTERLEAVED)
                    va1, vb1 = plsc.unpack(h1, format=plsc.PackFormat.INTERLEAVED)
                    mv[e, pl.ds(c4 * 32, 16)] = a0 * va0 + a1 * va1
                    mv[e, pl.ds(c4 * 32 + 16, 16)] = a0 * vb0 + a1 * vb1
            return c
        lax.fori_loop(0, B4 // 4, eb, 0)

    def super_body(s, c):
        off = base + s * SUP
        pltpu.sync_copy(al_h.at[pl.ds(cid * (E * 2) + off * 2, SUP * 2)],
                        al0_sb)
        pltpu.sync_copy(srcx_h.at[cid, sid, s], idx_sb)
        pltpu.sync_copy(dst_h.at[sid, s], dst_sb)

        def wait_g(j):
            pltpu.make_async_copy(
                xw_h.at[idx_sb.at[0]], xw_bufs[j], g_sems[j]).wait()

        def wait_s(j):
            pltpu.make_async_copy(
                m_bufs[j], acc_sh.at[dst_sb.at[0]], s_sems[j]).wait()

        pltpu.async_copy(xw_h.at[idx_sb.at[0]], xw_bufs[0], g_sems[0])

        def pair(g, c2):
            blkA = 2 * g
            wait_g(0)
            pltpu.async_copy(
                xw_h.at[idx_sb.at[blkA + 1]], xw_bufs[1], g_sems[1])

            @pl.when(g > 0)
            def _():
                wait_s(0)
            eloop(blkA, xw_bufs[0], m_bufs[0])
            pltpu.async_copy(
                m_bufs[0], acc_sh.at[dst_sb.at[blkA]], s_sems[0], add=True)

            wait_g(1)

            @pl.when(g < BPS // 2 - 1)
            def _():
                pltpu.async_copy(
                    xw_h.at[idx_sb.at[blkA + 2]], xw_bufs[0], g_sems[0])

            @pl.when(g > 0)
            def _():
                wait_s(1)
            eloop(blkA + 1, xw_bufs[1], m_bufs[1])
            pltpu.async_copy(
                m_bufs[1], acc_sh.at[dst_sb.at[blkA + 1]], s_sems[1],
                add=True)
            return c2
        lax.fori_loop(0, BPS // 2, pair, 0)
        wait_s(0)
        wait_s(1)
        return c
    lax.fori_loop(0, NSUP, super_body, 0)
    plsc.subcore_barrier()
    pltpu.sync_copy(acc_sh.at[pl.ds(row0, ROWS_PT)],
                    acc_h.at[cid, pl.ds(row0, ROWS_PT)])


_sc_m = pl.kernel(
    _sc_msg,
    out_type=jax.ShapeDtypeStruct((NC, ACC_R, D), f32),
    scratch_types=[
        pltpu.VMEM((BPS, B4), i32),
        pltpu.VMEM((BPS, B4), i32),
        pltpu.VMEM((SUP * 2,), f32),
        [pltpu.VMEM((B4, HD2 // 2), f32)] * NBUF,
        [pltpu.VMEM((B4, D), f32)] * NBUF,
        pltpu.VMEM_SHARED((ACC_R, D), f32),
        [pltpu.SemaphoreType.DMA] * NBUF,
        [pltpu.SemaphoreType.DMA] * NBUF,
    ],
    **_sc_mesh,
)


def _final_body(acc_ref, x_ref, rs_ref, pa_ref, out_ref):
    s = (acc_ref[0] + acc_ref[1]) * (1.0 / H)
    h = jnp.where(s >= 0, s, s * pa_ref[0, 0])
    mask = rs_ref[:, 0:1] > 0
    out_ref[...] = jnp.where(mask, h, x_ref[...])


_finalize = pl.pallas_call(
    _final_body,
    grid=(10,),
    in_specs=[
        pl.BlockSpec((NC, 1000, D), lambda i: (0, i, 0)),
        pl.BlockSpec((1000, D), lambda i: (i, 0)),
        pl.BlockSpec((1000, 2), lambda i: (i, 0)),
        pl.BlockSpec((1, 1), lambda i: (0, 0)),
    ],
    out_specs=pl.BlockSpec((1000, D), lambda i: (i, 0)),
    out_shape=jax.ShapeDtypeStruct((N, D), f32),
)


@jax.jit
def _run(x, edge_index, edge_attr, W_rel, b_rel, ln_gamma, ln_beta,
         W_att, b_att, W_w, b_w, prelu_a):
    src = edge_index[0]
    dst = edge_index[1]
    wwp = W_w[:, _PIDX]
    bwp = b_w[_PIDX]
    xw, ad, a_s = _node_dense(
        x, W_att[:D, 0:2], W_att[:D, 2:4], W_att[D:2 * D, 0:2],
        W_att[D:2 * D, 2:4],
        wwp[:, :HD2], wwp[:, HD2:],
        bwp[:HD2].reshape(1, HD2), bwp[HD2:].reshape(1, HD2))
    ue = _edge_dense(
        edge_attr, W_rel, b_rel.reshape(1, D), ln_gamma.reshape(1, D),
        ln_beta.reshape(1, D), W_att[2 * D:, 0:2], W_att[2 * D:, 2:4],
        b_att.reshape(1, H))
    p_sc, s_part = _sc1(src, dst, ad.reshape(NC * N * 2),
                        a_s.reshape(NC * N * 2), ue.reshape(NC * E * 2))
    rs = _s_reduce(s_part.reshape(NW, N * 2))
    alpha = _sc_al(dst, p_sc, rs.reshape(NC * N * 2))
    srcx = jnp.stack([src, src + N]).reshape(NC, NS, NSUP, BPS, B4)
    xw32 = lax.bitcast_convert_type(
        xw.reshape(NC * N, HD2 // 2, 2), f32)
    acc = _sc_m(srcx, dst.reshape(NS, NSUP, BPS, B4), alpha, xw32)
    return _finalize(acc, x, rs[0].reshape(N, 2), prelu_a.reshape(1, 1))


def kernel(x, edge_index, edge_attr, W_rel, b_rel, ln_gamma, ln_beta,
           W_att, b_att, W_w, b_w, prelu_a):
    return _run(x, edge_index, edge_attr, W_rel, b_rel, ln_gamma, ln_beta,
                W_att, b_att, W_w, b_w, prelu_a)

# --- scband reference (transcript-rebuilt; emitter-appended) ---
"""Pipeline reference for scband-edge-graph-conv-layer-58188216926420 (READ-ONLY COPY).

The authoritative reference and input builder live on the scoring server;
editing this copy changes nothing except your own understanding.
"""

import jax, jax.numpy as jnp
import numpy as np

N = 10000
E = 320000
D = 128
EF = 16
H = 4


def setup_inputs(seed: int = 0) -> dict:
    key = jax.random.key(seed)
    ks = jax.random.split(key, 8)
    x = jax.random.normal(ks[0], (N, D), dtype=jnp.float32)
    edge_index = jax.random.randint(ks[1], (2, E), 0, N, dtype=jnp.int32)
    edge_attr = jax.random.normal(ks[2], (E, EF), dtype=jnp.float32)
    W_rel = jax.random.normal(ks[3], (EF, D), dtype=jnp.float32) / np.sqrt(EF)
    b_rel = jnp.zeros((D,), jnp.float32)
    ln_gamma = jnp.ones((D,), jnp.float32)
    ln_beta = jnp.zeros((D,), jnp.float32)
    W_att = jax.random.normal(ks[4], (3 * D, H), dtype=jnp.float32) / np.sqrt(3 * D)
    b_att = jnp.zeros((H,), jnp.float32)
    W_w = jax.random.normal(ks[5], (D, H * D), dtype=jnp.float32) / np.sqrt(D)
    b_w = jnp.zeros((H * D,), jnp.float32)
    prelu_a = jnp.full((1,), 0.25, jnp.float32)
    return {"x": x, "edge_index": edge_index, "edge_attr": edge_attr,
            "W_rel": W_rel, "b_rel": b_rel, "ln_gamma": ln_gamma, "ln_beta": ln_beta,
            "W_att": W_att, "b_att": b_att, "W_w": W_w, "b_w": b_w, "prelu_a": prelu_a}


def _forward(x, edge_attr, W_rel, b_rel, ln_gamma, ln_beta, W_att, b_att, W_w, b_w, prelu_a, edge_index):
    src = edge_index[0]
    dst = edge_index[1]
    # relative_layer: Linear -> LayerNorm -> ReLU on edge features
    wef = edge_attr @ W_rel + b_rel
    mu = jnp.mean(wef, axis=-1, keepdims=True)
    var = jnp.mean((wef - mu) ** 2, axis=-1, keepdims=True)
    wef = (wef - mu) / jnp.sqrt(var + 1e-5) * ln_gamma + ln_beta
    wef = jax.nn.relu(wef)
    # message_func
    h_src = x[src]
    h_dst = x[dst]
    tmp = jnp.concatenate([h_dst, h_src, wef], axis=1)
    u = tmp @ W_att + b_att
    u = jnp.where(u >= 0, u, 0.2 * u)  # LeakyReLU(0.2), shape [E, H]
    weighted_src = (h_src @ W_w + b_w).reshape(E, H, D)
    # reduce_func: per-dst-node, per-head softmax over incoming edges
    u_max = jax.ops.segment_max(u, dst, num_segments=N)
    u_max = jnp.where(jnp.isfinite(u_max), u_max, 0.0)
    u_exp = jnp.exp(u - u_max[dst])
    denom = jax.ops.segment_sum(u_exp, dst, num_segments=N)
    alpha = u_exp / denom[dst]  # [E, H]
    msg = (alpha[:, :, None] * weighted_src).reshape(E, H * D)
    h_agg = jax.ops.segment_sum(msg, dst, num_segments=N).reshape(N, H, D)
    h_new = jnp.sum(h_agg, axis=1) / H
    h_new = jnp.where(h_new >= 0, h_new, prelu_a * h_new)  # PReLU (single shared param)
    # DGL UDF degree-bucketing skips zero-in-degree nodes: they keep original h
    deg = jax.ops.segment_sum(jnp.ones((E,), jnp.float32), dst, num_segments=N)
    out = jnp.where((deg > 0)[:, None], h_new, x)
    return out


def reference(x, edge_index, edge_attr, W_rel, b_rel, ln_gamma, ln_beta, W_att, b_att, W_w, b_w, prelu_a):
    return _forward(x, edge_attr, W_rel, b_rel, ln_gamma, ln_beta, W_att, b_att, W_w, b_w, prelu_a, edge_index)

if __name__ == "__main__":
    import jax
    _d = setup_inputs()
    print(jax.jit(kernel)(*tuple(_d.values())))

</pallas_src>

<mosaic_0001>
#map = affine_map<(d0, d1) -> (0, 0, 0, 0, 0)>
#map1 = affine_map<(d0, d1) -> (0, 0, 0, 0)>
#map2 = affine_map<(d0, d1) -> (0)>
#map3 = affine_map<(d0, d1) -> (0, 0)>
#map4 = affine_map<(d0, d1) -> (0, 0, 0)>
module attributes {stable_mosaic.version = 14 : i64} {
  func.func @_sc_msg(%arg0: i32, %arg1: i32, %arg2: memref<2x16x10x50x40xi32, #tpu.memory_space<hbm>>, %arg3: memref<16x10x50x40xi32, #tpu.memory_space<hbm>>, %arg4: memref<1280000xf32, #tpu.memory_space<hbm>>, %arg5: memref<20000x128xf32, #tpu.memory_space<hbm>>, %arg6: memref<2x10240x128xf32, #tpu.memory_space<hbm>>, %arg7: memref<50x40xi32, #tpu.memory_space<vmem>>, %arg8: memref<50x40xi32, #tpu.memory_space<vmem>>, %arg9: memref<4000xf32, #tpu.memory_space<vmem>>, %arg10: memref<40x128xf32, #tpu.memory_space<vmem>>, %arg11: memref<40x128xf32, #tpu.memory_space<vmem>>, %arg12: memref<40x128xf32, #tpu.memory_space<vmem>>, %arg13: memref<40x128xf32, #tpu.memory_space<vmem>>, %arg14: memref<10240x128xf32, #tpu.memory_space<vmem_shared>>, %arg15: memref<!tpu.dma_semaphore, #tpu.memory_space<semaphore_mem>>, %arg16: memref<!tpu.dma_semaphore, #tpu.memory_space<semaphore_mem>>, %arg17: memref<!tpu.dma_semaphore, #tpu.memory_space<semaphore_mem>>, %arg18: memref<!tpu.dma_semaphore, #tpu.memory_space<semaphore_mem>>) attributes {dimension_semantics = [#tpu.dimension_semantics<core_parallel>, #tpu.dimension_semantics<subcore_parallel>], iteration_bounds = array<i64: 2, 16>, scalar_prefetch = 0 : i64, scratch_operands = 12 : i64, tpu.core_type = #tpu.core_type<sc_vector_subcore>, window_params = [{transform_indices = #map}, {transform_indices = #map1}, {transform_indices = #map2}, {transform_indices = #map3}, {transform_indices = #map4}]} {
    %mul3A = arith.constant 20000 : i32
    %mul3A_0 = arith.muli %arg1, %mul3A : i32
    %broadcast_in_dim3A = arith.constant 0.000000e+00 : f32
    %broadcast_in_dim3A_1 = vector.broadcast %broadcast_in_dim3A : f32 to vector<16xf32>
    %swap3A = arith.constant 0 : i32
    %swap3A_2 = arith.index_cast %swap3A : i32 to index
    %swap3A_3 = arith.constant 0 : index
    %swap3A_4 = tpu.vector_load %arg12[%swap3A_2, %swap3A_3] {strides = array<i32>} : memref<40x128xf32, #tpu.memory_space<vmem>>, vector<16xf32>,
    tpu.vector_store %arg12[%swap3A_2, %swap3A_3], %broadcast_in_dim3A_1 {strides = array<i32>} : memref<40x128xf32, #tpu.memory_space<vmem>>, vector<16xf32>,
    %broadcast_in_dim3A_5 = arith.constant 0.000000e+00 : f32
    %broadcast_in_dim3A_6 = vector.broadcast %broadcast_in_dim3A_5 : f32 to vector<16xf32>
    %swap3A_7 = arith.constant 0 : i32
    %swap3A_8 = arith.index_cast %swap3A_7 : i32 to index
    %swap3A_9 = arith.constant 16 : index
    %swap3A_10 = tpu.vector_load %arg12[%swap3A_8, %swap3A_9] {strides = array<i32>} : memref<40x128xf32, #tpu.memory_space<vmem>>, vector<16xf32>,
    tpu.vector_store %arg12[%swap3A_8, %swap3A_9], %broadcast_in_dim3A_6 {strides = array<i32>} : memref<40x128xf32, #tpu.memory_space<vmem>>, vector<16xf32>,
    %broadcast_in_dim3A_11 = arith.constant 0.000000e+00 : f32
    %broadcast_in_dim3A_12 = vector.broadcast %broadcast_in_dim3A_11 : f32 to vector<16xf32>
    %swap3A_13 = arith.constant 0 : i32
    %swap3A_14 = arith.index_cast %swap3A_13 : i32 to index
    %swap3A_15 = arith.constant 32 : index
    %swap3A_16 = tpu.vector_load %arg12[%swap3A_14, %swap3A_15] {strides = array<i32>} : memref<40x128xf32, #tpu.memory_space<vmem>>, vector<16xf32>,
    tpu.vector_store %arg12[%swap3A_14, %swap3A_15], %broadcast_in_dim3A_12 {strides = array<i32>} : memref<40x128xf32, #tpu.memory_space<vmem>>, vector<16xf32>,
    %broadcast_in_dim3A_17 = arith.constant 0.000000e+00 : f32
    %broadcast_in_dim3A_18 = vector.broadcast %broadcast_in_dim3A_17 : f32 to vector<16xf32>
    %swap3A_19 = arith.constant 0 : i32
    %swap3A_20 = arith.index_cast %swap3A_19 : i32 to index
    %swap3A_21 = arith.constant 48 : index
    %swap3A_22 = tpu.vector_load %arg12[%swap3A_20, %swap3A_21] {strides = array<i32>} : memref<40x128xf32, #tpu.memory_space<vmem>>, vector<16xf32>,
    tpu.vector_store %arg12[%swap3A_20, %swap3A_21], %broadcast_in_dim3A_18 {strides = array<i32>} : memref<40x128xf32, #tpu.memory_space<vmem>>, vector<16xf32>,
    %broadcast_in_dim3A_23 = arith.constant 0.000000e+00 : f32
    %broadcast_in_dim3A_24 = vector.broadcast %broadcast_in_dim3A_23 : f32 to vector<16xf32>
    %swap3A_25 = arith.constant 0 : i32
    %swap3A_26 = arith.index_cast %swap3A_25 : i32 to index
    %swap3A_27 = arith.constant 64 : index
    %swap3A_28 = tpu.vector_load %arg12[%swap3A_26, %swap3A_27] {strides = array<i32>} : memref<40x128xf32, #tpu.memory_space<vmem>>, vector<16xf32>,
    tpu.vector_store %arg12[%swap3A_26, %swap3A_27], %broadcast_in_dim3A_24 {strides = array<i32>} : memref<40x128xf32, #tpu.memory_space<vmem>>, vector<16xf32>,
    %broadcast_in_dim3A_29 = arith.constant 0.000000e+00 : f32
    %broadcast_in_dim3A_30 = vector.broadcast %broadcast_in_dim3A_29 : f32 to vector<16xf32>
    %swap3A_31 = arith.constant 0 : i32
    %swap3A_32 = arith.index_cast %swap3A_31 : i32 to index
    %swap3A_33 = arith.constant 80 : index
    %swap3A_34 = tpu.vector_load %arg12[%swap3A_32, %swap3A_33] {strides = array<i32>} : memref<40x128xf32, #tpu.memory_space<vmem>>, vector<16xf32>,
    tpu.vector_store %arg12[%swap3A_32, %swap3A_33], %broadcast_in_dim3A_30 {strides = array<i32>} : memref<40x128xf32, #tpu.memory_space<vmem>>, vector<16xf32>,
    %broadcast_in_dim3A_35 = arith.constant 0.000000e+00 : f32
    %broadcast_in_dim3A_36 = vector.broadcast %broadcast_in_dim3A_35 : f32 to vector<16xf32>
    %swap3A_37 = arith.constant 0 : i32
    %swap3A_38 = arith.index_cast %swap3A_37 : i32 to index
    %swap3A_39 = arith.constant 96 : index
    %swap3A_40 = tpu.vector_load %arg12[%swap3A_38, %swap3A_39] {strides = array<i32>} : memref<40x128xf32, #tpu.memory_space<vmem>>, vector<16xf32>,
    tpu.vector_store %arg12[%swap3A_38, %swap3A_39], %broadcast_in_dim3A_36 {strides = array<i32>} : memref<40x128xf32, #tpu.memory_space<vmem>>, vector<16xf32>,
    %broadcast_in_dim3A_41 = arith.constant 0.000000e+00 : f32
    %broadcast_in_dim3A_42 = vector.broadcast %broadcast_in_dim3A_41 : f32 to vector<16xf32>
    %swap3A_43 = arith.constant 0 : i32
    %swap3A_44 = arith.index_cast %swap3A_43 : i32 to index
    %swap3A_45 = arith.constant 112 : index
    %swap3A_46 = tpu.vector_load %arg12[%swap3A_44, %swap3A_45] {strides = array<i32>} : memref<40x128xf32, #tpu.memory_space<vmem>>, vector<16xf32>,
    tpu.vector_store %arg12[%swap3A_44, %swap3A_45], %broadcast_in_dim3A_42 {strides = array<i32>} : memref<40x128xf32, #tpu.memory_space<vmem>>, vector<16xf32>,
    %broadcast_in_dim3A_47 = arith.constant 0.000000e+00 : f32
    %broadcast_in_dim3A_48 = vector.broadcast %broadcast_in_dim3A_47 : f32 to vector<16xf32>
    %swap3A_49 = arith.constant 1 : i32
    %swap3A_50 = arith.index_cast %swap3A_49 : i32 to index
    %swap3A_51 = arith.constant 0 : index
    %swap3A_52 = tpu.vector_load %arg12[%swap3A_50, %swap3A_51] {strides = array<i32>} : memref<40x128xf32, #tpu.memory_space<vmem>>, vector<16xf32>,
    tpu.vector_store %arg12[%swap3A_50, %swap3A_51], %broadcast_in_dim3A_48 {strides = array<i32>} : memref<40x128xf32, #tpu.memory_space<vmem>>, vector<16xf32>,
    %broadcast_in_dim3A_53 = arith.constant 0.000000e+00 : f32
    %broadcast_in_dim3A_54 = vector.broadcast %broadcast_in_dim3A_53 : f32 to vector<16xf32>
    %swap3A_55 = arith.constant 1 : i32
    %swap3A_56 = arith.index_cast %swap3A_55 : i32 to index
    %swap3A_57 = arith.constant 16 : index
    %swap3A_58 = tpu.vector_load %arg12[%swap3A_56, %swap3A_57] {strides = array<i32>} : memref<40x128xf32, #tpu.memory_space<vmem>>, vector<16xf32>,
    tpu.vector_store %arg12[%swap3A_56, %swap3A_57], %broadcast_in_dim3A_54 {strides = array<i32>} : memref<40x128xf32, #tpu.memory_space<vmem>>, vector<16xf32>,
    %broadcast_in_dim3A_59 = arith.constant 0.000000e+00 : f32
    %broadcast_in_dim3A_60 = vector.broadcast %broadcast_in_dim3A_59 : f32 to vector<16xf32>
    %swap3A_61 = arith.constant 1 : i32
    %swap3A_62 = arith.index_cast %swap3A_61 : i32 to index
    %swap3A_63 = arith.constant 32 : index
    %swap3A_64 = tpu.vector_load %arg12[%swap3A_62, %swap3A_63] {strides = array<i32>} : memref<40x128xf32, #tpu.memory_space<vmem>>, vector<16xf32>,
    tpu.vector_store %arg12[%swap3A_62, %swap3A_63], %broadcast_in_dim3A_60 {strides = array<i32>} : memref<40x128xf32, #tpu.memory_space<vmem>>, vector<16xf32>,
    %broadcast_in_dim3A_65 = arith.constant 0.000000e+00 : f32
    %broadcast_in_dim3A_66 = vector.broadcast %broadcast_in_dim3A_65 : f32 to vector<16xf32>
    %swap3A_67 = arith.constant 1 : i32
    %swap3A_68 = arith.index_cast %swap3A_67 : i32 to index
    %swap3A_69 = arith.constant 48 : index
    %swap3A_70 = tpu.vector_load %arg12[%swap3A_68, %swap3A_69] {strides = array<i32>} : memref<40x128xf32, #tpu.memory_space<vmem>>, vector<16xf32>,
    tpu.vector_store %arg12[%swap3A_68, %swap3A_69], %broadcast_in_dim3A_66 {strides = array<i32>} : memref<40x128xf32, #tpu.memory_space<vmem>>, vector<16xf32>,
    %broadcast_in_dim3A_71 = arith.constant 0.000000e+00 : f32
    %broadcast_in_dim3A_72 = vector.broadcast %broadcast_in_dim3A_71 : f32 to vector<16xf32>
    %swap3A_73 = arith.constant 1 : i32
    %swap3A_74 = arith.index_cast %swap3A_73 : i32 to index
    %swap3A_75 = arith.constant 64 : index
    %swap3A_76 = tpu.vector_load %arg12[%swap3A_74, %swap3A_75] {strides = array<i32>} : memref<40x128xf32, #tpu.memory_space<vmem>>, vector<16xf32>,
    tpu.vector_store %arg12[%swap3A_74, %swap3A_75], %broadcast_in_dim3A_72 {strides = array<i32>} : memref<40x128xf32, #tpu.memory_space<vmem>>, vector<16xf32>,
    %broadcast_in_dim3A_77 = arith.constant 0.000000e+00 : f32
    %broadcast_in_dim3A_78 = vector.broadcast %broadcast_in_dim3A_77 : f32 to vector<16xf32>
    %swap3A_79 = arith.constant 1 : i32
    %swap3A_80 = arith.index_cast %swap3A_79 : i32 to index
    %swap3A_81 = arith.constant 80 : index
    %swap3A_82 = tpu.vector_load %arg12[%swap3A_80, %swap3A_81] {strides = array<i32>} : memref<40x128xf32, #tpu.memory_space<vmem>>, vector<16xf32>,
    tpu.vector_store %arg12[%swap3A_80, %swap3A_81], %broadcast_in_dim3A_78 {strides = array<i32>} : memref<40x128xf32, #tpu.memory_space<vmem>>, vector<16xf32>,
    %broadcast_in_dim3A_83 = arith.constant 0.000000e+00 : f32
    %broadcast_in_dim3A_84 = vector.broadcast %broadcast_in_dim3A_83 : f32 to vector<16xf32>
    %swap3A_85 = arith.constant 1 : i32
    %swap3A_86 = arith.index_cast %swap3A_85 : i32 to index
    %swap3A_87 = arith.constant 96 : index
    %swap3A_88 = tpu.vector_load %arg12[%swap3A_86, %swap3A_87] {strides = array<i32>} : memref<40x128xf32, #tpu.memory_space<vmem>>, vector<16xf32>,
    tpu.vector_store %arg12[%swap3A_86, %swap3A_87], %broadcast_in_dim3A_84 {strides = array<i32>} : memref<40x128xf32, #tpu.memory_space<vmem>>, vector<16xf32>,
    %broadcast_in_dim3A_89 = arith.constant 0.000000e+00 : f32
    %broadcast_in_dim3A_90 = vector.broadcast %broadcast_in_dim3A_89 : f32 to vector<16xf32>
    %swap3A_91 = arith.constant 1 : i32
    %swap3A_92 = arith.index_cast %swap3A_91 : i32 to index
    %swap3A_93 = arith.constant 112 : index
    %swap3A_94 = tpu.vector_load %arg12[%swap3A_92, %swap3A_93] {strides = array<i32>} : memref<40x128xf32, #tpu.memory_space<vmem>>, vector<16xf32>,
    tpu.vector_store %arg12[%swap3A_92, %swap3A_93], %broadcast_in_dim3A_90 {strides = array<i32>} : memref<40x128xf32, #tpu.memory_space<vmem>>, vector<16xf32>,
    %broadcast_in_dim3A_95 = arith.constant 0.000000e+00 : f32
    %broadcast_in_dim3A_96 = vector.broadcast %broadcast_in_dim3A_95 : f32 to vector<16xf32>
    %swap3A_97 = arith.constant 2 : i32
    %swap3A_98 = arith.index_cast %swap3A_97 : i32 to index
    %swap3A_99 = arith.constant 0 : index
    %swap3A_100 = tpu.vector_load %arg12[%swap3A_98, %swap3A_99] {strides = array<i32>} : memref<40x128xf32, #tpu.memory_space<vmem>>, vector<16xf32>,
    tpu.vector_store %arg12[%swap3A_98, %swap3A_99], %broadcast_in_dim3A_96 {strides = array<i32>} : memref<40x128xf32, #tpu.memory_space<vmem>>, vector<16xf32>,
    %broadcast_in_dim3A_101 = arith.constant 0.000000e+00 : f32
    %broadcast_in_dim3A_102 = vector.broadcast %broadcast_in_dim3A_101 : f32 to vector<16xf32>
    %swap3A_103 = arith.constant 2 : i32
    %swap3A_104 = arith.index_cast %swap3A_103 : i32 to index
    %swap3A_105 = arith.constant 16 : index
    %swap3A_106 = tpu.vector_load %arg12[%swap3A_104, %swap3A_105] {strides = array<i32>} : memref<40x128xf32, #tpu.memory_space<vmem>>, vector<16xf32>,
    tpu.vector_store %arg12[%swap3A_104, %swap3A_105], %broadcast_in_dim3A_102 {strides = array<i32>} : memref<40x128xf32, #tpu.memory_space<vmem>>, vector<16xf32>,
    %broadcast_in_dim3A_107 = arith.constant 0.000000e+00 : f32
    %broadcast_in_dim3A_108 = vector.broadcast %broadcast_in_dim3A_107 : f32 to vector<16xf32>
    %swap3A_109 = arith.constant 2 : i32
    %swap3A_110 = arith.index_cast %swap3A_109 : i32 to index
    %swap3A_111 = arith.constant 32 : index
    %swap3A_112 = tpu.vector_load %arg12[%swap3A_110, %swap3A_111] {strides = array<i32>} : memref<40x128xf32, #tpu.memory_space<vmem>>, vector<16xf32>,
    tpu.vector_store %arg12[%swap3A_110, %swap3A_111], %broadcast_in_dim3A_108 {strides = array<i32>} : memref<40x128xf32, #tpu.memory_space<vmem>>, vector<16xf32>,
    %broadcast_in_dim3A_113 = arith.constant 0.000000e+00 : f32
    %broadcast_in_dim3A_114 = vector.broadcast %broadcast_in_dim3A_113 : f32 to vector<16xf32>
    %swap3A_115 = arith.constant 2 : i32
    %swap3A_116 = arith.index_cast %swap3A_115 : i32 to index
    %swap3A_117 = arith.constant 48 : index
    %swap3A_118 = tpu.vector_load %arg12[%swap3A_116, %swap3A_117] {strides = array<i32>} : memref<40x128xf32, #tpu.memory_space<vmem>>, vector<16xf32>,
    tpu.vector_store %arg12[%swap3A_116, %swap3A_117], %broadcast_in_dim3A_114 {strides = array<i32>} : memref<40x128xf32, #tpu.memory_space<vmem>>, vector<16xf32>,
    %broadcast_in_dim3A_119 = arith.constant 0.000000e+00 : f32
    %broadcast_in_dim3A_120 = vector.broadcast %broadcast_in_dim3A_119 : f32 to vector<16xf32>
    %swap3A_121 = arith.constant 2 : i32
    %swap3A_122 = arith.index_cast %swap3A_121 : i32 to index
    %swap3A_123 = arith.constant 64 : index
    %swap3A_124 = tpu.vector_load %arg12[%swap3A_122, %swap3A_123] {strides = array<i32>} : memref<40x128xf32, #tpu.memory_space<vmem>>, vector<16xf32>,
    tpu.vector_store %arg12[%swap3A_122, %swap3A_123], %broadcast_in_dim3A_120 {strides = array<i32>} : memref<40x128xf32, #tpu.memory_space<vmem>>, vector<16xf32>,
    %broadcast_in_dim3A_125 = arith.constant 0.000000e+00 : f32
    %broadcast_in_dim3A_126 = vector.broadcast %broadcast_in_dim3A_125 : f32 to vector<16xf32>
    %swap3A_127 = arith.constant 2 : i32
    %swap3A_128 = arith.index_cast %swap3A_127 : i32 to index
    %swap3A_129 = arith.constant 80 : index
    %swap3A_130 = tpu.vector_load %arg12[%swap3A_128, %swap3A_129] {strides = array<i32>} : memref<40x128xf32, #tpu.memory_space<vmem>>, vector<16xf32>,
    tpu.vector_store %arg12[%swap3A_128, %swap3A_129], %broadcast_in_dim3A_126 {strides = array<i32>} : memref<40x128xf32, #tpu.memory_space<vmem>>, vector<16xf32>,
    %broadcast_in_dim3A_131 = arith.constant 0.000000e+00 : f32
    %broadcast_in_dim3A_132 = vector.broadcast %broadcast_in_dim3A_131 : f32 to vector<16xf32>
    %swap3A_133 = arith.constant 2 : i32
    %swap3A_134 = arith.index_cast %swap3A_133 : i32 to index
    %swap3A_135 = arith.constant 96 : index
    %swap3A_136 = tpu.vector_load %arg12[%swap3A_134, %swap3A_135] {strides = array<i32>} : memref<40x128xf32, #tpu.memory_space<vmem>>, vector<16xf32>,
    tpu.vector_store %arg12[%swap3A_134, %swap3A_135], %broadcast_in_dim3A_132 {strides = array<i32>} : memref<40x128xf32, #tpu.memory_space<vmem>>, vector<16xf32>,
    %broadcast_in_dim3A_137 = arith.constant 0.000000e+00 : f32
    %broadcast_in_dim3A_138 = vector.broadcast %broadcast_in_dim3A_137 : f32 to vector<16xf32>
    %swap3A_139 = arith.constant 2 : i32
    %swap3A_140 = arith.index_cast %swap3A_139 : i32 to index
    %swap3A_141 = arith.constant 112 : index
    %swap3A_142 = tpu.vector_load %arg12[%swap3A_140, %swap3A_141] {strides = array<i32>} : memref<40x128xf32, #tpu.memory_space<vmem>>, vector<16xf32>,
    tpu.vector_store %arg12[%swap3A_140, %swap3A_141], %broadcast_in_dim3A_138 {strides = array<i32>} : memref<40x128xf32, #tpu.memory_space<vmem>>, vector<16xf32>,
    %broadcast_in_dim3A_143 = arith.constant 0.000000e+00 : f32
    %broadcast_in_dim3A_144 = vector.broadcast %broadcast_in_dim3A_143 : f32 to vector<16xf32>
    %swap3A_145 = arith.constant 3 : i32
    %swap3A_146 = arith.index_cast %swap3A_145 : i32 to index
    %swap3A_147 = arith.constant 0 : index
    %swap3A_148 = tpu.vector_load %arg12[%swap3A_146, %swap3A_147] {strides = array<i32>} : memref<40x128xf32, #tpu.memory_space<vmem>>, vector<16xf32>,
    tpu.vector_store %arg12[%swap3A_146, %swap3A_147], %broadcast_in_dim3A_144 {strides = array<i32>} : memref<40x128xf32, #tpu.memory_space<vmem>>, vector<16xf32>,
    %broadcast_in_dim3A_149 = arith.constant 0.000000e+00 : f32
    %broadcast_in_dim3A_150 = vector.broadcast %broadcast_in_dim3A_149 : f32 to vector<16xf32>
    %swap3A_151 = arith.constant 3 : i32
    %swap3A_152 = arith.index_cast %swap3A_151 : i32 to index
    %swap3A_153 = arith.constant 16 : index
    %swap3A_154 = tpu.vector_load %arg12[%swap3A_152, %swap3A_153] {strides = array<i32>} : memref<40x128xf32, #tpu.memory_space<vmem>>, vector<16xf32>,
    tpu.vector_store %arg12[%swap3A_152, %swap3A_153], %broadcast_in_dim3A_150 {strides = array<i32>} : memref<40x128xf32, #tpu.memory_space<vmem>>, vector<16xf32>,
    %broadcast_in_dim3A_155 = arith.constant 0.000000e+00 : f32
    %broadcast_in_dim3A_156 = vector.broadcast %broadcast_in_dim3A_155 : f32 to vector<16xf32>
    %swap3A_157 = arith.constant 3 : i32
    %swap3A_158 = arith.index_cast %swap3A_157 : i32 to index
    %swap3A_159 = arith.constant 32 : index
    %swap3A_160 = tpu.vector_load %arg12[%swap3A_158, %swap3A_159] {strides = array<i32>} : memref<40x128xf32, #tpu.memory_space<vmem>>, vector<16xf32>,
    tpu.vector_store %arg12[%swap3A_158, %swap3A_159], %broadcast_in_dim3A_156 {strides = array<i32>} : memref<40x128xf32, #tpu.memory_space<vmem>>, vector<16xf32>,
    %broadcast_in_dim3A_161 = arith.constant 0.000000e+00 : f32
    %broadcast_in_dim3A_162 = vector.broadcast %broadcast_in_dim3A_161 : f32 to vector<16xf32>
    %swap3A_163 = arith.constant 3 : i32
    %swap3A_164 = arith.index_cast %swap3A_163 : i32 to index
    %swap3A_165 = arith.constant 48 : index
    %swap3A_166 = tpu.vector_load %arg12[%swap3A_164, %swap3A_165] {strides = array<i32>} : memref<40x128xf32, #tpu.memory_space<vmem>>, vector<16xf32>,
    tpu.vector_store %arg12[%swap3A_164, %swap3A_165], %broadcast_in_dim3A_162 {strides = array<i32>} : memref<40x128xf32, #tpu.memory_space<vmem>>, vector<16xf32>,
    %broadcast_in_dim3A_167 = arith.constant 0.000000e+00 : f32
    %broadcast_in_dim3A_168 = vector.broadcast %broadcast_in_dim3A_167 : f32 to vector<16xf32>
    %swap3A_169 = arith.constant 3 : i32
    %swap3A_170 = arith.index_cast %swap3A_169 : i32 to index
    %swap3A_171 = arith.constant 64 : index
    %swap3A_172 = tpu.vector_load %arg12[%swap3A_170, %swap3A_171] {strides = array<i32>} : memref<40x128xf32, #tpu.memory_space<vmem>>, vector<16xf32>,
    tpu.vector_store %arg12[%swap3A_170, %swap3A_171], %broadcast_in_dim3A_168 {strides = array<i32>} : memref<40x128xf32, #tpu.memory_space<vmem>>, vector<16xf32>,
    %broadcast_in_dim3A_173 = arith.constant 0.000000e+00 : f32
    %broadcast_in_dim3A_174 = vector.broadcast %broadcast_in_dim3A_173 : f32 to vector<16xf32>
    %swap3A_175 = arith.constant 3 : i32
    %swap3A_176 = arith.index_cast %swap3A_175 : i32 to index
    %swap3A_177 = arith.constant 80 : index
    %swap3A_178 = tpu.vector_load %arg12[%swap3A_176, %swap3A_177] {strides = array<i32>} : memref<40x128xf32, #tpu.memory_space<vmem>>, vector<16xf32>,
    tpu.vector_store %arg12[%swap3A_176, %swap3A_177], %broadcast_in_dim3A_174 {strides = array<i32>} : memref<40x128xf32, #tpu.memory_space<vmem>>, vector<16xf32>,
    %broadcast_in_dim3A_179 = arith.constant 0.000000e+00 : f32
    %broadcast_in_dim3A_180 = vector.broadcast %broadcast_in_dim3A_179 : f32 to vector<16xf32>
    %swap3A_181 = arith.constant 3 : i32
    %swap3A_182 = arith.index_cast %swap3A_181 : i32 to index
    %swap3A_183 = arith.constant 96 : index
    %swap3A_184 = tpu.vector_load %arg12[%swap3A_182, %swap3A_183] {strides = array<i32>} : memref<40x128xf32, #tpu.memory_space<vmem>>, vector<16xf32>,
    tpu.vector_store %arg12[%swap3A_182, %swap3A_183], %broadcast_in_dim3A_180 {strides = array<i32>} : memref<40x128xf32, #tpu.memory_space<vmem>>, vector<16xf32>,
    %broadcast_in_dim3A_185 = arith.constant 0.000000e+00 : f32
    %broadcast_in_dim3A_186 = vector.broadcast %broadcast_in_dim3A_185 : f32 to vector<16xf32>
    %swap3A_187 = arith.constant 3 : i32
    %swap3A_188 = arith.index_cast %swap3A_187 : i32 to index
    %swap3A_189 = arith.constant 112 : index
    %swap3A_190 = tpu.vector_load %arg12[%swap3A_188, %swap3A_189] {strides = array<i32>} : memref<40x128xf32, #tpu.memory_space<vmem>>, vector<16xf32>,
    tpu.vector_store %arg12[%swap3A_188, %swap3A_189], %broadcast_in_dim3A_186 {strides = array<i32>} : memref<40x128xf32, #tpu.memory_space<vmem>>, vector<16xf32>,
    %broadcast_in_dim3A_191 = arith.constant 0.000000e+00 : f32
    %broadcast_in_dim3A_192 = vector.broadcast %broadcast_in_dim3A_191 : f32 to vector<16xf32>
    %swap3A_193 = arith.constant 4 : i32
    %swap3A_194 = arith.index_cast %swap3A_193 : i32 to index
    %swap3A_195 = arith.constant 0 : index
    %swap3A_196 = tpu.vector_load %arg12[%swap3A_194, %swap3A_195] {strides = array<i32>} : memref<40x128xf32, #tpu.memory_space<vmem>>, vector<16xf32>,
    tpu.vector_store %arg12[%swap3A_194, %swap3A_195], %broadcast_in_dim3A_192 {strides = array<i32>} : memref<40x128xf32, #tpu.memory_space<vmem>>, vector<16xf32>,
    %broadcast_in_dim3A_197 = arith.constant 0.000000e+00 : f32
    %broadcast_in_dim3A_198 = vector.broadcast %broadcast_in_dim3A_197 : f32 to vector<16xf32>
    %swap3A_199 = arith.constant 4 : i32
    %swap3A_200 = arith.index_cast %swap3A_199 : i32 to index
    %swap3A_201 = arith.constant 16 : index
    %swap3A_202 = tpu.vector_load %arg12[%swap3A_200, %swap3A_201] {strides = array<i32>} : memref<40x128xf32, #tpu.memory_space<vmem>>, vector<16xf32>,
    tpu.vector_store %arg12[%swap3A_200, %swap3A_201], %broadcast_in_dim3A_198 {strides = array<i32>} : memref<40x128xf32, #tpu.memory_space<vmem>>, vector<16xf32>,
    %broadcast_in_dim3A_203 = arith.constant 0.000000e+00 : f32
    %broadcast_in_dim3A_204 = vector.broadcast %broadcast_in_dim3A_203 : f32 to vector<16xf32>
    %swap3A_205 = arith.constant 4 : i32
    %swap3A_206 = arith.index_cast %swap3A_205 : i32 to index
    %swap3A_207 = arith.constant 32 : index
    %swap3A_208 = tpu.vector_load %arg12[%swap3A_206, %swap3A_207] {strides = array<i32>} : memref<40x128xf32, #tpu.memory_space<vmem>>, vector<16xf32>,
    tpu.vector_store %arg12[%swap3A_206, %swap3A_207], %broadcast_in_dim3A_204 {strides = array<i32>} : memref<40x128xf32, #tpu.memory_space<vmem>>, vector<16xf32>,
    %broadcast_in_dim3A_209 = arith.constant 0.000000e+00 : f32
    %broadcast_in_dim3A_210 = vector.broadcast %broadcast_in_dim3A_209 : f32 to vector<16xf32>
    %swap3A_211 = arith.constant 4 : i32
    %swap3A_212 = arith.index_cast %swap3A_211 : i32 to index
    %swap3A_213 = arith.constant 48 : index
    %swap3A_214 = tpu.vector_load %arg12[%swap3A_212, %swap3A_213] {strides = array<i32>} : memref<40x128xf32, #tpu.memory_space<vmem>>, vector<16xf32>,
    tpu.vector_store %arg12[%swap3A_212, %swap3A_213], %broadcast_in_dim3A_210 {strides = array<i32>} : memref<40x128xf32, #tpu.memory_space<vmem>>, vector<16xf32>,
    %broadcast_in_dim3A_215 = arith.constant 0.000000e+00 : f32
    %broadcast_in_dim3A_216 = vector.broadcast %broadcast_in_dim3A_215 : f32 to vector<16xf32>
    %swap3A_217 = arith.constant 4 : i32
    %swap3A_218 = arith.index_cast %swap3A_217 : i32 to index
    %swap3A_219 = arith.constant 64 : index
    %swap3A_220 = tpu.vector_load %arg12[%swap3A_218, %swap3A_219] {strides = array<i32>} : memref<40x128xf32, #tpu.memory_space<vmem>>, vector<16xf32>,
    tpu.vector_store %arg12[%swap3A_218, %swap3A_219], %broadcast_in_dim3A_216 {strides = array<i32>} : memref<40x128xf32, #tpu.memory_space<vmem>>, vector<16xf32>,
    %broadcast_in_dim3A_221 = arith.constant 0.000000e+00 : f32
    %broadcast_in_dim3A_222 = vector.broadcast %broadcast_in_dim3A_221 : f32 to vector<16xf32>
    %swap3A_223 = arith.constant 4 : i32
    %swap3A_224 = arith.index_cast %swap3A_223 : i32 to index
    %swap3A_225 = arith.constant 80 : index
    %swap3A_226 = tpu.vector_load %arg12[%swap3A_224, %swap3A_225] {strides = array<i32>} : memref<40x128xf32, #tpu.memory_space<vmem>>, vector<16xf32>,
    tpu.vector_store %arg12[%swap3A_224, %swap3A_225], %broadcast_in_dim3A_222 {strides = array<i32>} : memref<40x128xf32, #tpu.memory_space<vmem>>, vector<16xf32>,
    %broadcast_in_dim3A_227 = arith.constant 0.000000e+00 : f32
    %broadcast_in_dim3A_228 = vector.broadcast %broadcast_in_dim3A_227 : f32 to vector<16xf32>
    %swap3A_229 = arith.constant 4 : i32
    %swap3A_230 = arith.index_cast %swap3A_229 : i32 to index
    %swap3A_231 = arith.constant 96 : index
    %swap3A_232 = tpu.vector_load %arg12[%swap3A_230, %swap3A_231] {strides = array<i32>} : memref<40x128xf32, #tpu.memory_space<vmem>>, vector<16xf32>,
    tpu.vector_store %arg12[%swap3A_230, %swap3A_231], %broadcast_in_dim3A_228 {strides = array<i32>} : memref<40x128xf32, #tpu.memory_space<vmem>>, vector<16xf32>,
    %broadcast_in_dim3A_233 = arith.constant 0.000000e+00 : f32
    %broadcast_in_dim3A_234 = vector.broadcast %broadcast_in_dim3A_233 : f32 to vector<16xf32>
    %swap3A_235 = arith.constant 4 : i32
    %swap3A_236 = arith.index_cast %swap3A_235 : i32 to index
    %swap3A_237 = arith.constant 112 : index
    %swap3A_238 = tpu.vector_load %arg12[%swap3A_236, %swap3A_237] {strides = array<i32>} : memref<40x128xf32, #tpu.memory_space<vmem>>, vector<16xf32>,
    tpu.vector_store %arg12[%swap3A_236, %swap3A_237], %broadcast_in_dim3A_234 {strides = array<i32>} : memref<40x128xf32, #tpu.memory_space<vmem>>, vector<16xf32>,
    %broadcast_in_dim3A_239 = arith.constant 0.000000e+00 : f32
    %broadcast_in_dim3A_240 = vector.broadcast %broadcast_in_dim3A_239 : f32 to vector<16xf32>
    %swap3A_241 = arith.constant 5 : i32
    %swap3A_242 = arith.index_cast %swap3A_241 : i32 to index
    %swap3A_243 = arith.constant 0 : index
    %swap3A_244 = tpu.vector_load %arg12[%swap3A_242, %swap3A_243] {strides = array<i32>} : memref<40x128xf32, #tpu.memory_space<vmem>>, vector<16xf32>,
    tpu.vector_store %arg12[%swap3A_242, %swap3A_243], %broadcast_in_dim3A_240 {strides = array<i32>} : memref<40x128xf32, #tpu.memory_space<vmem>>, vector<16xf32>,
    %broadcast_in_dim3A_245 = arith.constant 0.000000e+00 : f32
    %broadcast_in_dim3A_246 = vector.broadcast %broadcast_in_dim3A_245 : f32 to vector<16xf32>
    %swap3A_247 = arith.constant 5 : i32
    %swap3A_248 = arith.index_cast %swap3A_247 : i32 to index
    %swap3A_249 = arith.constant 16 : index
    %swap3A_250 = tpu.vector_load %arg12[%swap3A_248, %swap3A_249] {strides = array<i32>} : memref<40x128xf32, #tpu.memory_space<vmem>>, vector<16xf32>,
    tpu.vector_store %arg12[%swap3A_248, %swap3A_249], %broadcast_in_dim3A_246 {strides = array<i32>} : memref<40x128xf32, #tpu.memory_space<vmem>>, vector<16xf32>,
    %broadcast_in_dim3A_251 = arith.constant 0.000000e+00 : f32
    %broadcast_in_dim3A_252 = vector.broadcast %broadcast_in_dim3A_251 : f32 to vector<16xf32>
    %swap3A_253 = arith.constant 5 : i32
    %swap3A_254 = arith.index_cast %swap3A_253 : i32 to index
    %swap3A_255 = arith.constant 32 : index
    %swap3A_256 = tpu.vector_load %arg12[%swap3A_254, %swap3A_255] {strides = array<i32>} : memref<40x128xf32, #tpu.memory_space<vmem>>, vector<16xf32>,
    tpu.vector_store %arg12[%swap3A_254, %swap3A_255], %broadcast_in_dim3A_252 {strides = array<i32>} : memref<40x128xf32, #tpu.memory_space<vmem>>, vector<16xf32>,
    %broadcast_in_dim3A_257 = arith.constant 0.000000e+00 : f32
    %broadcast_in_dim3A_258 = vector.broadcast %broadcast_in_dim3A_257 : f32 to vector<16xf32>
    %swap3A_259 = arith.constant 5 : i32
    %swap3A_260 = arith.index_cast %swap3A_259 : i32 to index
    %swap3A_261 = arith.constant 48 : index
    %swap3A_262 = tpu.vector_load %arg12[%swap3A_260, %swap3A_261] {strides = array<i32>} : memref<40x128xf32, #tpu.memory_space<vmem>>, vector<16xf32>,
    tpu.vector_store %arg12[%swap3A_260, %swap3A_261], %broadcast_in_dim3A_258 {strides = array<i32>} : memref<40x128xf32, #tpu.memory_space<vmem>>, vector<16xf32>,
    %broadcast_in_dim3A_263 = arith.constant 0.000000e+00 : f32
    %broadcast_in_dim3A_264 = vector.broadcast %broadcast_in_dim3A_263 : f32 to vector<16xf32>
    %swap3A_265 = arith.constant 5 : i32
    %swap3A_266 = arith.index_cast %swap3A_265 : i32 to index
    %swap3A_267 = arith.constant 64 : index
    %swap3A_268 = tpu.vector_load %arg12[%swap3A_266, %swap3A_267] {strides = array<i32>} : memref<40x128xf32, #tpu.memory_space<vmem>>, vector<16xf32>,
    tpu.vector_store %arg12[%swap3A_266, %swap3A_267], %broadcast_in_dim3A_264 {strides = array<i32>} : memref<40x128xf32, #tpu.memory_space<vmem>>, vector<16xf32>,
    %broadcast_in_dim3A_269 = arith.constant 0.000000e+00 : f32
    %broadcast_in_dim3A_270 = vector.broadcast %broadcast_in_dim3A_269 : f32 to vector<16xf32>
    %swap3A_271 = arith.constant 5 : i32
    %swap3A_272 = arith.index_cast %swap3A_271 : i32 to index
    %swap3A_273 = arith.constant 80 : index
    %swap3A_274 = tpu.vector_load %arg12[%swap3A_272, %swap3A_273] {strides = array<i32>} : memref<40x128xf32, #tpu.memory_space<vmem>>, vector<16xf32>,
    tpu.vector_store %arg12[%swap3A_272, %swap3A_273], %broadcast_in_dim3A_270 {strides = array<i32>} : memref<40x128xf32, #tpu.memory_space<vmem>>, vector<16xf32>,
    %broadcast_in_dim3A_275 = arith.constant 0.000000e+00 : f32
    %broadcast_in_dim3A_276 = vector.broadcast %broadcast_in_dim3A_275 : f32 to vector<16xf32>
    %swap3A_277 = arith.constant 5 : i32
    %swap3A_278 = arith.index_cast %swap3A_277 : i32 to index
    %swap3A_279 = arith.constant 96 : index
    %swap3A_280 = tpu.vector_load %arg12[%swap3A_278, %swap3A_279] {strides = array<i32>} : memref<40x128xf32, #tpu.memory_space<vmem>>, vector<16xf32>,
    tpu.vector_store %arg12[%swap3A_278, %swap3A_279], %broadcast_in_dim3A_276 {strides = array<i32>} : memref<40x128xf32, #tpu.memory_space<vmem>>, vector<16xf32>,
    %broadcast_in_dim3A_281 = arith.constant 0.000000e+00 : f32
    %broadcast_in_dim3A_282 = vector.broadcast %broadcast_in_dim3A_281 : f32 to vector<16xf32>
    %swap3A_283 = arith.constant 5 : i32
    %swap3A_284 = arith.index_cast %swap3A_283 : i32 to index
    %swap3A_285 = arith.constant 112 : index
    %swap3A_286 = tpu.vector_load %arg12[%swap3A_284, %swap3A_285] {strides = array<i32>} : memref<40x128xf32, #tpu.memory_space<vmem>>, vector<16xf32>,
    tpu.vector_store %arg12[%swap3A_284, %swap3A_285], %broadcast_in_dim3A_282 {strides = array<i32>} : memref<40x128xf32, #tpu.memory_space<vmem>>, vector<16xf32>,
    %broadcast_in_dim3A_287 = arith.constant 0.000000e+00 : f32
    %broadcast_in_dim3A_288 = vector.broadcast %broadcast_in_dim3A_287 : f32 to vector<16xf32>
    %swap3A_289 = arith.constant 6 : i32
    %swap3A_290 = arith.index_cast %swap3A_289 : i32 to index
    %swap3A_291 = arith.constant 0 : index
    %swap3A_292 = tpu.vector_load %arg12[%swap3A_290, %swap3A_291] {strides = array<i32>} : memref<40x128xf32, #tpu.memory_space<vmem>>, vector<16xf32>,
    tpu.vector_store %arg12[%swap3A_290, %swap3A_291], %broadcast_in_dim3A_288 {strides = array<i32>} : memref<40x128xf32, #tpu.memory_space<vmem>>, vector<16xf32>,
    %broadcast_in_dim3A_293 = arith.constant 0.000000e+00 : f32
    %broadcast_in_dim3A_294 = vector.broadcast %broadcast_in_dim3A_293 : f32 to vector<16xf32>
    %swap3A_295 = arith.constant 6 : i32
    %swap3A_296 = arith.index_cast %swap3A_295 : i32 to index
    %swap3A_297 = arith.constant 16 : index
    %swap3A_298 = tpu.vector_load %arg12[%swap3A_296, %swap3A_297] {strides = array<i32>} : memref<40x128xf32, #tpu.memory_space<vmem>>, vector<16xf32>,
    tpu.vector_store %arg12[%swap3A_296, %swap3A_297], %broadcast_in_dim3A_294 {strides = array<i32>} : memref<40x128xf32, #tpu.memory_space<vmem>>, vector<16xf32>,
    %broadcast_in_dim3A_299 = arith.constant 0.000000e+00 : f32
    %broadcast_in_dim3A_300 = vector.broadcast %broadcast_in_dim3A_299 : f32 to vector<16xf32>
    %swap3A_301 = arith.constant 6 : i32
    %swap3A_302 = arith.index_cast %swap3A_301 : i32 to index
    %swap3A_303 = arith.constant 32 : index
    %swap3A_304 = tpu.vector_load %arg12[%swap3A_302, %swap3A_303] {strides = array<i32>} : memref<40x128xf32, #tpu.memory_space<vmem>>, vector<16xf32>,
    tpu.vector_store %arg12[%swap3A_302, %swap3A_303], %broadcast_in_dim3A_300 {strides = array<i32>} : memref<40x128xf32, #tpu.memory_space<vmem>>, vector<16xf32>,
    %broadcast_in_dim3A_305 = arith.constant 0.000000e+00 : f32
    %broadcast_in_dim3A_306 = vector.broadcast %broadcast_in_dim3A_305 : f32 to vector<16xf32>
    %swap3A_307 = arith.constant 6 : i32
    %swap3A_308 = arith.index_cast %swap3A_307 : i32 to index
    %swap3A_309 = arith.constant 48 : index
    %swap3A_310 = tpu.vector_load %arg12[%swap3A_308, %swap3A_309] {strides = array<i32>} : memref<40x128xf32, #tpu.memory_space<vmem>>, vector<16xf32>,
    tpu.vector_store %arg12[%swap3A_308, %swap3A_309], %broadcast_in_dim3A_306 {strides = array<i32>} : memref<40x128xf32, #tpu.memory_space<vmem>>, vector<16xf32>,
    %broadcast_in_dim3A_311 = arith.constant 0.000000e+00 : f32
    %broadcast_in_dim3A_312 = vector.broadcast %broadcast_in_dim3A_311 : f32 to vector<16xf32>
    %swap3A_313 = arith.constant 6 : i32
    %swap3A_314 = arith.index_cast %swap3A_313 : i32 to index
    %swap3A_315 = arith.constant 64 : index
    %swap3A_316 = tpu.vector_load %arg12[%swap3A_314, %swap3A_315] {strides = array<i32>} : memref<40x128xf32, #tpu.memory_space<vmem>>, vector<16xf32>,
    tpu.vector_store %arg12[%swap3A_314, %swap3A_315], %broadcast_in_dim3A_312 {strides = array<i32>} : memref<40x128xf32, #tpu.memory_space<vmem>>, vector<16xf32>,
    %broadcast_in_dim3A_317 = arith.constant 0.000000e+00 : f32
    %broadcast_in_dim3A_318 = vector.broadcast %broadcast_in_dim3A_317 : f32 to vector<16xf32>
    %swap3A_319 = arith.constant 6 : i32
    %swap3A_320 = arith.index_cast %swap3A_319 : i32 to index
    %swap3A_321 = arith.constant 80 : index
    %swap3A_322 = tpu.vector_load %arg12[%swap3A_320, %swap3A_321] {strides = array<i32>} : memref<40x128xf32, #tpu.memory_space<vmem>>, vector<16xf32>,
    tpu.vector_store %arg12[%swap3A_320, %swap3A_321], %broadcast_in_dim3A_318 {strides = array<i32>} : memref<40x128xf32, #tpu.memory_space<vmem>>, vector<16xf32>,
    %broadcast_in_dim3A_323 = arith.constant 0.000000e+00 : f32
    %broadcast_in_dim3A_324 = vector.broadcast %broadcast_in_dim3A_323 : f32 to vector<16xf32>
    %swap3A_325 = arith.constant 6 : i32
    %swap3A_326 = arith.index_cast %swap3A_325 : i32 to index
    %swap3A_327 = arith.constant 96 : index
    %swap3A_328 = tpu.vector_load %arg12[%swap3A_326, %swap3A_327] {strides = array<i32>} : memref<40x128xf32, #tpu.memory_space<vmem>>, vector<16xf32>,
    tpu.vector_store %arg12[%swap3A_326, %swap3A_327], %broadcast_in_dim3A_324 {strides = array<i32>} : memref<40x128xf32, #tpu.memory_space<vmem>>, vector<16xf32>,
    %broadcast_in_dim3A_329 = arith.constant 0.000000e+00 : f32
    %broadcast_in_dim3A_330 = vector.broadcast %broadcast_in_dim3A_329 : f32 to vector<16xf32>
    %swap3A_331 = arith.constant 6 : i32
    %swap3A_332 = arith.index_cast %swap3A_331 : i32 to index
    %swap3A_333 = arith.constant 112 : index
    %swap3A_334 = tpu.vector_load %arg12[%swap3A_332, %swap3A_333] {strides = array<i32>} : memref<40x128xf32, #tpu.memory_space<vmem>>, vector<16xf32>,
    tpu.vector_store %arg12[%swap3A_332, %swap3A_333], %broadcast_in_dim3A_330 {strides = array<i32>} : memref<40x128xf32, #tpu.memory_space<vmem>>, vector<16xf32>,
    %broadcast_in_dim3A_335 = arith.constant 0.000000e+00 : f32
    %broadcast_in_dim3A_336 = vector.broadcast %broadcast_in_dim3A_335 : f32 to vector<16xf32>
    %swap3A_337 = arith.constant 7 : i32
    %swap3A_338 = arith.index_cast %swap3A_337 : i32 to index
    %swap3A_339 = arith.constant 0 : index
    %swap3A_340 = tpu.vector_load %arg12[%swap3A_338, %swap3A_339] {strides = array<i32>} : memref<40x128xf32, #tpu.memory_space<vmem>>, vector<16xf32>,
    tpu.vector_store %arg12[%swap3A_338, %swap3A_339], %broadcast_in_dim3A_336 {strides = array<i32>} : memref<40x128xf32, #tpu.memory_space<vmem>>, vector<16xf32>,
    %broadcast_in_dim3A_341 = arith.constant 0.000000e+00 : f32
    %broadcast_in_dim3A_342 = vector.broadcast %broadcast_in_dim3A_341 : f32 to vector<16xf32>
    %swap3A_343 = arith.constant 7 : i32
    %swap3A_344 = arith.index_cast %swap3A_343 : i32 to index
    %swap3A_345 = arith.constant 16 : index
    %swap3A_346 = tpu.vector_load %arg12[%swap3A_344, %swap3A_345] {strides = array<i32>} : memref<40x128xf32, #tpu.memory_space<vmem>>, vector<16xf32>,
    tpu.vector_store %arg12[%swap3A_344, %swap3A_345], %broadcast_in_dim3A_342 {strides = array<i32>} : memref<40x128xf32, #tpu.memory_space<vmem>>, vector<16xf32>,
    %broadcast_in_dim3A_347 = arith.constant 0.000000e+00 : f32
    %broadcast_in_dim3A_348 = vector.broadcast %broadcast_in_dim3A_347 : f32 to vector<16xf32>
    %swap3A_349 = arith.constant 7 : i32
    %swap3A_350 = arith.index_cast %swap3A_349 : i32 to index
    %swap3A_351 = arith.constant 32 : index
    %swap3A_352 = tpu.vector_load %arg12[%swap3A_350, %swap3A_351] {strides = array<i32>} : memref<40x128xf32, #tpu.memory_space<vmem>>, vector<16xf32>,
    tpu.vector_store %arg12[%swap3A_350, %swap3A_351], %broadcast_in_dim3A_348 {strides = array<i32>} : memref<40x128xf32, #tpu.memory_space<vmem>>, vector<16xf32>,
    %broadcast_in_dim3A_353 = arith.constant 0.000000e+00 : f32
    %broadcast_in_dim3A_354 = vector.broadcast %broadcast_in_dim3A_353 : f32 to vector<16xf32>
    %swap3A_355 = arith.constant 7 : i32
    %swap3A_356 = arith.index_cast %swap3A_355 : i32 to index
    %swap3A_357 = arith.constant 48 : index
    %swap3A_358 = tpu.vector_load %arg12[%swap3A_356, %swap3A_357] {strides = array<i32>} : memref<40x128xf32, #tpu.memory_space<vmem>>, vector<16xf32>,
    tpu.vector_store %arg12[%swap3A_356, %swap3A_357], %broadcast_in_dim3A_354 {strides = array<i32>} : memref<40x128xf32, #tpu.memory_space<vmem>>, vector<16xf32>,
    %broadcast_in_dim3A_359 = arith.constant 0.000000e+00 : f32
    %broadcast_in_dim3A_360 = vector.broadcast %broadcast_in_dim3A_359 : f32 to vector<16xf32>
    %swap3A_361 = arith.constant 7 : i32
    %swap3A_362 = arith.index_cast %swap3A_361 : i32 to index
    %swap3A_363 = arith.constant 64 : index
    %swap3A_364 = tpu.vector_load %arg12[%swap3A_362, %swap3A_363] {strides = array<i32>} : memref<40x128xf32, #tpu.memory_space<vmem>>, vector<16xf32>,
    tpu.vector_store %arg12[%swap3A_362, %swap3A_363], %broadcast_in_dim3A_360 {strides = array<i32>} : memref<40x128xf32, #tpu.memory_space<vmem>>, vector<16xf32>,
    %broadcast_in_dim3A_365 = arith.constant 0.000000e+00 : f32
    %broadcast_in_dim3A_366 = vector.broadcast %broadcast_in_dim3A_365 : f32 to vector<16xf32>
    %swap3A_367 = arith.constant 7 : i32
    %swap3A_368 = arith.index_cast %swap3A_367 : i32 to index
    %swap3A_369 = arith.constant 80 : index
    %swap3A_370 = tpu.vector_load %arg12[%swap3A_368, %swap3A_369] {strides = array<i32>} : memref<40x128xf32, #tpu.memory_space<vmem>>, vector<16xf32>,
    tpu.vector_store %arg12[%swap3A_368, %swap3A_369], %broadcast_in_dim3A_366 {strides = array<i32>} : memref<40x128xf32, #tpu.memory_space<vmem>>, vector<16xf32>,
    %broadcast_in_dim3A_371 = arith.constant 0.000000e+00 : f32
    %broadcast_in_dim3A_372 = vector.broadcast %broadcast_in_dim3A_371 : f32 to vector<16xf32>
    %swap3A_373 = arith.constant 7 : i32
    %swap3A_374 = arith.index_cast %swap3A_373 : i32 to index
    %swap3A_375 = arith.constant 96 : index
    %swap3A_376 = tpu.vector_load %arg12[%swap3A_374, %swap3A_375] {strides = array<i32>} : memref<40x128xf32, #tpu.memory_space<vmem>>, vector<16xf32>,
    tpu.vector_store %arg12[%swap3A_374, %swap3A_375], %broadcast_in_dim3A_372 {strides = array<i32>} : memref<40x128xf32, #tpu.memory_space<vmem>>, vector<16xf32>,
    %broadcast_in_dim3A_377 = arith.constant 0.000000e+00 : f32
    %broadcast_in_dim3A_378 = vector.broadcast %broadcast_in_dim3A_377 : f32 to vector<16xf32>
    %swap3A_379 = arith.constant 7 : i32
    %swap3A_380 = arith.index_cast %swap3A_379 : i32 to index
    %swap3A_381 = arith.constant 112 : index
    %swap3A_382 = tpu.vector_load %arg12[%swap3A_380, %swap3A_381] {strides = array<i32>} : memref<40x128xf32, #tpu.memory_space<vmem>>, vector<16xf32>,
    tpu.vector_store %arg12[%swap3A_380, %swap3A_381], %broadcast_in_dim3A_378 {strides = array<i32>} : memref<40x128xf32, #tpu.memory_space<vmem>>, vector<16xf32>,
    %broadcast_in_dim3A_383 = arith.constant 0.000000e+00 : f32
    %broadcast_in_dim3A_384 = vector.broadcast %broadcast_in_dim3A_383 : f32 to vector<16xf32>
    %swap3A_385 = arith.constant 8 : i32
    %swap3A_386 = arith.index_cast %swap3A_385 : i32 to index
    %swap3A_387 = arith.constant 0 : index
    %swap3A_388 = tpu.vector_load %arg12[%swap3A_386, %swap3A_387] {strides = array<i32>} : memref<40x128xf32, #tpu.memory_space<vmem>>, vector<16xf32>,
    tpu.vector_store %arg12[%swap3A_386, %swap3A_387], %broadcast_in_dim3A_384 {strides = array<i32>} : memref<40x128xf32, #tpu.memory_space<vmem>>, vector<16xf32>,
    %broadcast_in_dim3A_389 = arith.constant 0.000000e+00 : f32
    %broadcast_in_dim3A_390 = vector.broadcast %broadcast_in_dim3A_389 : f32 to vector<16xf32>
    %swap3A_391 = arith.constant 8 : i32
    %swap3A_392 = arith.index_cast %swap3A_391 : i32 to index
    %swap3A_393 = arith.constant 16 : index
    %swap3A_394 = tpu.vector_load %arg12[%swap3A_392, %swap3A_393] {strides = array<i32>} : memref<40x128xf32, #tpu.memory_space<vmem>>, vector<16xf32>,
    tpu.vector_store %arg12[%swap3A_392, %swap3A_393], %broadcast_in_dim3A_390 {strides = array<i32>} : memref<40x128xf32, #tpu.memory_space<vmem>>, vector<16xf32>,
    %broadcast_in_dim3A_395 = arith.constant 0.000000e+00 : f32
    %broadcast_in_dim3A_396 = vector.broadcast %broadcast_in_dim3A_395 : f32 to vector<16xf32>
    %swap3A_397 = arith.constant 8 : i32
    %swap3A_398 = arith.index_cast %swap3A_397 : i32 to index
    %swap3A_399 = arith.constant 32 : index
    %swap3A_400 = tpu.vector_load %arg12[%swap3A_398, %swap3A_399] {strides = array<i32>} : memref<40x128xf32, #tpu.memory_space<vmem>>, vector<16xf32>,
    tpu.vector_store %arg12[%swap3A_398, %swap3A_399], %broadcast_in_dim3A_396 {strides = array<i32>} : memref<40x128xf32, #tpu.memory_space<vmem>>, vector<16xf32>,
    %broadcast_in_dim3A_401 = arith.constant 0.000000e+00 : f32
    %broadcast_in_dim3A_402 = vector.broadcast %broadcast_in_dim3A_401 : f32 to vector<16xf32>
    %swap3A_403 = arith.constant 8 : i32
    %swap3A_404 = arith.index_cast %swap3A_403 : i32 to index
    %swap3A_405 = arith.constant 48 : index
    %swap3A_406 = tpu.vector_load %arg12[%swap3A_404, %swap3A_405] {strides = array<i32>} : memref<40x128xf32, #tpu.memory_space<vmem>>, vector<16xf32>,
    tpu.vector_store %arg12[%swap3A_404, %swap3A_405], %broadcast_in_dim3A_402 {strides = array<i32>} : memref<40x128xf32, #tpu.memory_space<vmem>>, vector<16xf32>,
    %broadcast_in_dim3A_407 = arith.constant 0.000000e+00 : f32
    %broadcast_in_dim3A_408 = vector.broadcast %broadcast_in_dim3A_407 : f32 to vector<16xf32>
    %swap3A_409 = arith.constant 8 : i32
    %swap3A_410 = arith.index_cast %swap3A_409 : i32 to index
    %swap3A_411 = arith.constant 64 : index
    %swap3A_412 = tpu.vector_load %arg12[%swap3A_410, %swap3A_411] {strides = array<i32>} : memref<40x128xf32, #tpu.memory_space<vmem>>, vector<16xf32>,
    tpu.vector_store %arg12[%swap3A_410, %swap3A_411], %broadcast_in_dim3A_408 {strides = array<i32>} : memref<40x128xf32, #tpu.memory_space<vmem>>, vector<16xf32>,
    %broadcast_in_dim3A_413 = arith.constant 0.000000e+00 : f32
    %broadcast_in_dim3A_414 = vector.broadcast %broadcast_in_dim3A_413 : f32 to vector<16xf32>
    %swap3A_415 = arith.constant 8 : i32
    %swap3A_416 = arith.index_cast %swap3A_415 : i32 to index
    %swap3A_417 = arith.constant 80 : index
    %swap3A_418 = tpu.vector_load %arg12[%swap3A_416, %swap3A_417] {strides = array<i32>} : memref<40x128xf32, #tpu.memory_space<vmem>>, vector<16xf32>,
    tpu.vector_store %arg12[%swap3A_416, %swap3A_417], %broadcast_in_dim3A_414 {strides = array<i32>} : memref<40x128xf32, #tpu.memory_space<vmem>>, vector<16xf32>,
    %broadcast_in_dim3A_419 = arith.constant 0.000000e+00 : f32
    %broadcast_in_dim3A_420 = vector.broadcast %broadcast_in_dim3A_419 : f32 to vector<16xf32>
    %swap3A_421 = arith.constant 8 : i32
    %swap3A_422 = arith.index_cast %swap3A_421 : i32 to index
    %swap3A_423 = arith.constant 96 : index
    %swap3A_424 = tpu.vector_load %arg12[%swap3A_422, %swap3A_423] {strides = array<i32>} : memref<40x128xf32, #tpu.memory_space<vmem>>, vector<16xf32>,
    tpu.vector_store %arg12[%swap3A_422, %swap3A_423], %broadcast_in_dim3A_420 {strides = array<i32>} : memref<40x128xf32, #tpu.memory_space<vmem>>, vector<16xf32>,
    %broadcast_in_dim3A_425 = arith.constant 0.000000e+00 : f32
    %broadcast_in_dim3A_426 = vector.broadcast %broadcast_in_dim3A_425 : f32 to vector<16xf32>
    %swap3A_427 = arith.constant 8 : i32
    %swap3A_428 = arith.index_cast %swap3A_427 : i32 to index
    %swap3A_429 = arith.constant 112 : index
    %swap3A_430 = tpu.vector_load %arg12[%swap3A_428, %swap3A_429] {strides = array<i32>} : memref<40x128xf32, #tpu.memory_space<vmem>>, vector<16xf32>,
    tpu.vector_store %arg12[%swap3A_428, %swap3A_429], %broadcast_in_dim3A_426 {strides = array<i32>} : memref<40x128xf32, #tpu.memory_space<vmem>>, vector<16xf32>,
    %broadcast_in_dim3A_431 = arith.constant 0.000000e+00 : f32
    %broadcast_in_dim3A_432 = vector.broadcast %broadcast_in_dim3A_431 : f32 to vector<16xf32>
    %swap3A_433 = arith.constant 9 : i32
    %swap3A_434 = arith.index_cast %swap3A_433 : i32 to index
    %swap3A_435 = arith.constant 0 : index
    %swap3A_436 = tpu.vector_load %arg12[%swap3A_434, %swap3A_435] {strides = array<i32>} : memref<40x128xf32, #tpu.memory_space<vmem>>, vector<16xf32>,
    tpu.vector_store %arg12[%swap3A_434, %swap3A_435], %broadcast_in_dim3A_432 {strides = array<i32>} : memref<40x128xf32, #tpu.memory_space<vmem>>, vector<16xf32>,
    %broadcast_in_dim3A_437 = arith.constant 0.000000e+00 : f32
    %broadcast_in_dim3A_438 = vector.broadcast %broadcast_in_dim3A_437 : f32 to vector<16xf32>
    %swap3A_439 = arith.constant 9 : i32
    %swap3A_440 = arith.index_cast %swap3A_439 : i32 to index
    %swap3A_441 = arith.constant 16 : index
    %swap3A_442 = tpu.vector_load %arg12[%swap3A_440, %swap3A_441] {strides = array<i32>} : memref<40x128xf32, #tpu.memory_space<vmem>>, vector<16xf32>,
    tpu.vector_store %arg12[%swap3A_440, %swap3A_441], %broadcast_in_dim3A_438 {strides = array<i32>} : memref<40x128xf32, #tpu.memory_space<vmem>>, vector<16xf32>,
    %broadcast_in_dim3A_443 = arith.constant 0.000000e+00 : f32
    %broadcast_in_dim3A_444 = vector.broadcast %broadcast_in_dim3A_443 : f32 to vector<16xf32>
    %swap3A_445 = arith.constant 9 : i32
    %swap3A_446 = arith.index_cast %swap3A_445 : i32 to index
    %swap3A_447 = arith.constant 32 : index
    %swap3A_448 = tpu.vector_load %arg12[%swap3A_446, %swap3A_447] {strides = array<i32>} : memref<40x128xf32, #tpu.memory_space<vmem>>, vector<16xf32>,
    tpu.vector_store %arg12[%swap3A_446, %swap3A_447], %broadcast_in_dim3A_444 {strides = array<i32>} : memref<40x128xf32, #tpu.memory_space<vmem>>, vector<16xf32>,
    %broadcast_in_dim3A_449 = arith.constant 0.000000e+00 : f32
    %broadcast_in_dim3A_450 = vector.broadcast %broadcast_in_dim3A_449 : f32 to vector<16xf32>
    %swap3A_451 = arith.constant 9 : i32
    %swap3A_452 = arith.index_cast %swap3A_451 : i32 to index
    %swap3A_453 = arith.constant 48 : index
    %swap3A_454 = tpu.vector_load %arg12[%swap3A_452, %swap3A_453] {strides = array<i32>} : memref<40x128xf32, #tpu.memory_space<vmem>>, vector<16xf32>,
    tpu.vector_store %arg12[%swap3A_452, %swap3A_453], %broadcast_in_dim3A_450 {strides = array<i32>} : memref<40x128xf32, #tpu.memory_space<vmem>>, vector<16xf32>,
    %broadcast_in_dim3A_455 = arith.constant 0.000000e+00 : f32
    %broadcast_in_dim3A_456 = vector.broadcast %broadcast_in_dim3A_455 : f32 to vector<16xf32>
    %swap3A_457 = arith.constant 9 : i32
    %swap3A_458 = arith.index_cast %swap3A_457 : i32 to index
    %swap3A_459 = arith.constant 64 : index
    %swap3A_460 = tpu.vector_load %arg12[%swap3A_458, %swap3A_459] {strides = array<i32>} : memref<40x128xf32, #tpu.memory_space<vmem>>, vector<16xf32>,
    tpu.vector_store %arg12[%swap3A_458, %swap3A_459], %broadcast_in_dim3A_456 {strides = array<i32>} : memref<40x128xf32, #tpu.memory_space<vmem>>, vector<16xf32>,
    %broadcast_in_dim3A_461 = arith.constant 0.000000e+00 : f32
    %broadcast_in_dim3A_462 = vector.broadcast %broadcast_in_dim3A_461 : f32 to vector<16xf32>
    %swap3A_463 = arith.constant 9 : i32
    %swap3A_464 = arith.index_cast %swap3A_463 : i32 to index
    %swap3A_465 = arith.constant 80 : index
    %swap3A_466 = tpu.vector_load %arg12[%swap3A_464, %swap3A_465] {strides = array<i32>} : memref<40x128xf32, #tpu.memory_space<vmem>>, vector<16xf32>,
    tpu.vector_store %arg12[%swap3A_464, %swap3A_465], %broadcast_in_dim3A_462 {strides = array<i32>} : memref<40x128xf32, #tpu.memory_space<vmem>>, vector<16xf32>,
    %broadcast_in_dim3A_467 = arith.constant 0.000000e+00 : f32
    %broadcast_in_dim3A_468 = vector.broadcast %broadcast_in_dim3A_467 : f32 to vector<16xf32>
    %swap3A_469 = arith.constant 9 : i32
    %swap3A_470 = arith.index_cast %swap3A_469 : i32 to index
    %swap3A_471 = arith.constant 96 : index
    %swap3A_472 = tpu.vector_load %arg12[%swap3A_470, %swap3A_471] {strides = array<i32>} : memref<40x128xf32, #tpu.memory_space<vmem>>, vector<16xf32>,
    tpu.vector_store %arg12[%swap3A_470, %swap3A_471], %broadcast_in_dim3A_468 {strides = array<i32>} : memref<40x128xf32, #tpu.memory_space<vmem>>, vector<16xf32>,
    %broadcast_in_dim3A_473 = arith.constant 0.000000e+00 : f32
    %broadcast_in_dim3A_474 = vector.broadcast %broadcast_in_dim3A_473 : f32 to vector<16xf32>
    %swap3A_475 = arith.constant 9 : i32
    %swap3A_476 = arith.index_cast %swap3A_475 : i32 to index
    %swap3A_477 = arith.constant 112 : index
    %swap3A_478 = tpu.vector_load %arg12[%swap3A_476, %swap3A_477] {strides = array<i32>} : memref<40x128xf32, #tpu.memory_space<vmem>>, vector<16xf32>,
    tpu.vector_store %arg12[%swap3A_476, %swap3A_477], %broadcast_in_dim3A_474 {strides = array<i32>} : memref<40x128xf32, #tpu.memory_space<vmem>>, vector<16xf32>,
    %broadcast_in_dim3A_479 = arith.constant 0.000000e+00 : f32
    %broadcast_in_dim3A_480 = vector.broadcast %broadcast_in_dim3A_479 : f32 to vector<16xf32>
    %swap3A_481 = arith.constant 10 : i32
    %swap3A_482 = arith.index_cast %swap3A_481 : i32 to index
    %swap3A_483 = arith.constant 0 : index
    %swap3A_484 = tpu.vector_load %arg12[%swap3A_482, %swap3A_483] {strides = array<i32>} : memref<40x128xf32, #tpu.memory_space<vmem>>, vector<16xf32>,
    tpu.vector_store %arg12[%swap3A_482, %swap3A_483], %broadcast_in_dim3A_480 {strides = array<i32>} : memref<40x128xf32, #tpu.memory_space<vmem>>, vector<16xf32>,
    %broadcast_in_dim3A_485 = arith.constant 0.000000e+00 : f32
    %broadcast_in_dim3A_486 = vector.broadcast %broadcast_in_dim3A_485 : f32 to vector<16xf32>
    %swap3A_487 = arith.constant 10 : i32
    %swap3A_488 = arith.index_cast %swap3A_487 : i32 to index
    %swap3A_489 = arith.constant 16 : index
    %swap3A_490 = tpu.vector_load %arg12[%swap3A_488, %swap3A_489] {strides = array<i32>} : memref<40x128xf32, #tpu.memory_space<vmem>>, vector<16xf32>,
    tpu.vector_store %arg12[%swap3A_488, %swap3A_489], %broadcast_in_dim3A_486 {strides = array<i32>} : memref<40x128xf32, #tpu.memory_space<vmem>>, vector<16xf32>,
    %broadcast_in_dim3A_491 = arith.constant 0.000000e+00 : f32
    %broadcast_in_dim3A_492 = vector.broadcast %broadcast_in_dim3A_491 : f32 to vector<16xf32>
    %swap3A_493 = arith.constant 10 : i32
    %swap3A_494 = arith.index_cast %swap3A_493 : i32 to index
    %swap3A_495 = arith.constant 32 : index
    %swap3A_496 = tpu.vector_load %arg12[%swap3A_494, %swap3A_495] {strides = array<i32>} : memref<40x128xf32, #tpu.memory_space<vmem>>, vector<16xf32>,
    tpu.vector_store %arg12[%swap3A_494, %swap3A_495], %broadcast_in_dim3A_492 {strides = array<i32>} : memref<40x128xf32, #tpu.memory_space<vmem>>, vector<16xf32>,
    %broadcast_in_dim3A_497 = arith.constant 0.000000e+00 : f32
    %broadcast_in_dim3A_498 = vector.broadcast %broadcast_in_dim3A_497 : f32 to vector<16xf32>
    %swap3A_499 = arith.constant 10 : i32
    %swap3A_500 = arith.index_cast %swap3A_499 : i32 to index
    %swap3A_501 = arith.constant 48 : index
    %swap3A_502 = tpu.vector_load %arg12[%swap3A_500, %swap3A_501] {strides = array<i32>} : memref<40x128xf32, #tpu.memory_space<vmem>>, vector<16xf32>,
    tpu.vector_store %arg12[%swap3A_500, %swap3A_501], %broadcast_in_dim3A_498 {strides = array<i32>} : memref<40x128xf32, #tpu.memory_space<vmem>>, vector<16xf32>,
    %broadcast_in_dim3A_503 = arith.constant 0.000000e+00 : f32
    %broadcast_in_dim3A_504 = vector.broadcast %broadcast_in_dim3A_503 : f32 to vector<16xf32>
    %swap3A_505 = arith.constant 10 : i32
    %swap3A_506 = arith.index_cast %swap3A_505 : i32 to index
    %swap3A_507 = arith.constant 64 : index
    %swap3A_508 = tpu.vector_load %arg12[%swap3A_506, %swap3A_507] {strides = array<i32>} : memref<40x128xf32, #tpu.memory_space<vmem>>, vector<16xf32>,
    tpu.vector_store %arg12[%swap3A_506, %swap3A_507], %broadcast_in_dim3A_504 {strides = array<i32>} : memref<40x128xf32, #tpu.memory_space<vmem>>, vector<16xf32>,
    %broadcast_in_dim3A_509 = arith.constant 0.000000e+00 : f32
    %broadcast_in_dim3A_510 = vector.broadcast %broadcast_in_dim3A_509 : f32 to vector<16xf32>
    %swap3A_511 = arith.constant 10 : i32
    %swap3A_512 = arith.index_cast %swap3A_511 : i32 to index
    %swap3A_513 = arith.constant 80 : index
    %swap3A_514 = tpu.vector_load %arg12[%swap3A_512, %swap3A_513] {strides = array<i32>} : memref<40x128xf32, #tpu.memory_space<vmem>>, vector<16xf32>,
    tpu.vector_store %arg12[%swap3A_512, %swap3A_513], %broadcast_in_dim3A_510 {strides = array<i32>} : memref<40x128xf32, #tpu.memory_space<vmem>>, vector<16xf32>,
    %broadcast_in_dim3A_515 = arith.constant 0.000000e+00 : f32
    %broadcast_in_dim3A_516 = vector.broadcast %broadcast_in_dim3A_515 : f32 to vector<16xf32>
    %swap3A_517 = arith.constant 10 : i32
    %swap3A_518 = arith.index_cast %swap3A_517 : i32 to index
    %swap3A_519 = arith.constant 96 : index
    %swap3A_520 = tpu.vector_load %arg12[%swap3A_518, %swap3A_519] {strides = array<i32>} : memref<40x128xf32, #tpu.memory_space<vmem>>, vector<16xf32>,
    tpu.vector_store %arg12[%swap3A_518, %swap3A_519], %broadcast_in_dim3A_516 {strides = array<i32>} : memref<40x128xf32, #tpu.memory_space<vmem>>, vector<16xf32>,
    %broadcast_in_dim3A_521 = arith.constant 0.000000e+00 : f32
    %broadcast_in_dim3A_522 = vector.broadcast %broadcast_in_dim3A_521 : f32 to vector<16xf32>
    %swap3A_523 = arith.constant 10 : i32
    %swap3A_524 = arith.index_cast %swap3A_523 : i32 to index
    %swap3A_525 = arith.constant 112 : index
    %swap3A_526 = tpu.vector_load %arg12[%swap3A_524, %swap3A_525] {strides = array<i32>} : memref<40x128xf32, #tpu.memory_space<vmem>>, vector<16xf32>,
    tpu.vector_store %arg12[%swap3A_524, %swap3A_525], %broadcast_in_dim3A_522 {strides = array<i32>} : memref<40x128xf32, #tpu.memory_space<vmem>>, vector<16xf32>,
    %broadcast_in_dim3A_527 = arith.constant 0.000000e+00 : f32
    %broadcast_in_dim3A_528 = vector.broadcast %broadcast_in_dim3A_527 : f32 to vector<16xf32>
    %swap3A_529 = arith.constant 11 : i32
    %swap3A_530 = arith.index_cast %swap3A_529 : i32 to index
    %swap3A_531 = arith.constant 0 : index
    %swap3A_532 = tpu.vector_load %arg12[%swap3A_530, %swap3A_531] {strides = array<i32>} : memref<40x128xf32, #tpu.memory_space<vmem>>, vector<16xf32>,
    tpu.vector_store %arg12[%swap3A_530, %swap3A_531], %broadcast_in_dim3A_528 {strides = array<i32>} : memref<40x128xf32, #tpu.memory_space<vmem>>, vector<16xf32>,
    %broadcast_in_dim3A_533 = arith.constant 0.000000e+00 : f32
    %broadcast_in_dim3A_534 = vector.broadcast %broadcast_in_dim3A_533 : f32 to vector<16xf32>
    %swap3A_535 = arith.constant 11 : i32
    %swap3A_536 = arith.index_cast %swap3A_535 : i32 to index
    %swap3A_537 = arith.constant 16 : index
    %swap3A_538 = tpu.vector_load %arg12[%swap3A_536, %swap3A_537] {strides = array<i32>} : memref<40x128xf32, #tpu.memory_space<vmem>>, vector<16xf32>,
    tpu.vector_store %arg12[%swap3A_536, %swap3A_537], %broadcast_in_dim3A_534 {strides = array<i32>} : memref<40x128xf32, #tpu.memory_space<vmem>>, vector<16xf32>,
    %broadcast_in_dim3A_539 = arith.constant 0.000000e+00 : f32
    %broadcast_in_dim3A_540 = vector.broadcast %broadcast_in_dim3A_539 : f32 to vector<16xf32>
    %swap3A_541 = arith.constant 11 : i32
    %swap3A_542 = arith.index_cast %swap3A_541 : i32 to index
    %swap3A_543 = arith.constant 32 : index
    %swap3A_544 = tpu.vector_load %arg12[%swap3A_542, %swap3A_543] {strides = array<i32>} : memref<40x128xf32, #tpu.memory_space<vmem>>, vector<16xf32>,
    tpu.vector_store %arg12[%swap3A_542, %swap3A_543], %broadcast_in_dim3A_540 {strides = array<i32>} : memref<40x128xf32, #tpu.memory_space<vmem>>, vector<16xf32>,
    %broadcast_in_dim3A_545 = arith.constant 0.000000e+00 : f32
    %broadcast_in_dim3A_546 = vector.broadcast %broadcast_in_dim3A_545 : f32 to vector<16xf32>
    %swap3A_547 = arith.constant 11 : i32
    %swap3A_548 = arith.index_cast %swap3A_547 : i32 to index
    %swap3A_549 = arith.constant 48 : index
    %swap3A_550 = tpu.vector_load %arg12[%swap3A_548, %swap3A_549] {strides = array<i32>} : memref<40x128xf32, #tpu.memory_space<vmem>>, vector<16xf32>,
    tpu.vector_store %arg12[%swap3A_548, %swap3A_549], %broadcast_in_dim3A_546 {strides = array<i32>} : memref<40x128xf32, #tpu.memory_space<vmem>>, vector<16xf32>,
    %broadcast_in_dim3A_551 = arith.constant 0.000000e+00 : f32
    %broadcast_in_dim3A_552 = vector.broadcast %broadcast_in_dim3A_551 : f32 to vector<16xf32>
    %swap3A_553 = arith.constant 11 : i32
    %swap3A_554 = arith.index_cast %swap3A_553 : i32 to index
    %swap3A_555 = arith.constant 64 : index
    %swap3A_556 = tpu.vector_load %arg12[%swap3A_554, %swap3A_555] {strides = array<i32>} : memref<40x128xf32, #tpu.memory_space<vmem>>, vector<16xf32>,
    tpu.vector_store %arg12[%swap3A_554, %swap3A_555], %broadcast_in_dim3A_552 {strides = array<i32>} : memref<40x128xf32, #tpu.memory_space<vmem>>, vector<16xf32>,
    %broadcast_in_dim3A_557 = arith.constant 0.000000e+00 : f32
    %broadcast_in_dim3A_558 = vector.broadcast %broadcast_in_dim3A_557 : f32 to vector<16xf32>
    %swap3A_559 = arith.constant 11 : i32
    %swap3A_560 = arith.index_cast %swap3A_559 : i32 to index
    %swap3A_561 = arith.constant 80 : index
    %swap3A_562 = tpu.vector_load %arg12[%swap3A_560, %swap3A_561] {strides = array<i32>} : memref<40x128xf32, #tpu.memory_space<vmem>>, vector<16xf32>,
    tpu.vector_store %arg12[%swap3A_560, %swap3A_561], %broadcast_in_dim3A_558 {strides = array<i32>} : memref<40x128xf32, #tpu.memory_space<vmem>>, vector<16xf32>,
    %broadcast_in_dim3A_563 = arith.constant 0.000000e+00 : f32
    %broadcast_in_dim3A_564 = vector.broadcast %broadcast_in_dim3A_563 : f32 to vector<16xf32>
    %swap3A_565 = arith.constant 11 : i32
    %swap3A_566 = arith.index_cast %swap3A_565 : i32 to index
    %swap3A_567 = arith.constant 96 : index
    %swap3A_568 = tpu.vector_load %arg12[%swap3A_566, %swap3A_567] {strides = array<i32>} : memref<40x128xf32, #tpu.memory_space<vmem>>, vector<16xf32>,
    tpu.vector_store %arg12[%swap3A_566, %swap3A_567], %broadcast_in_dim3A_564 {strides = array<i32>} : memref<40x128xf32, #tpu.memory_space<vmem>>, vector<16xf32>,
    %broadcast_in_dim3A_569 = arith.constant 0.000000e+00 : f32
    %broadcast_in_dim3A_570 = vector.broadcast %broadcast_in_dim3A_569 : f32 to vector<16xf32>
    %swap3A_571 = arith.constant 11 : i32
    %swap3A_572 = arith.index_cast %swap3A_571 : i32 to index
    %swap3A_573 = arith.constant 112 : index
    %swap3A_574 = tpu.vector_load %arg12[%swap3A_572, %swap3A_573] {strides = array<i32>} : memref<40x128xf32, #tpu.memory_space<vmem>>, vector<16xf32>,
    tpu.vector_store %arg12[%swap3A_572, %swap3A_573], %broadcast_in_dim3A_570 {strides = array<i32>} : memref<40x128xf32, #tpu.memory_space<vmem>>, vector<16xf32>,
    %broadcast_in_dim3A_575 = arith.constant 0.000000e+00 : f32
    %broadcast_in_dim3A_576 = vector.broadcast %broadcast_in_dim3A_575 : f32 to vector<16xf32>
    %swap3A_577 = arith.constant 12 : i32
    %swap3A_578 = arith.index_cast %swap3A_577 : i32 to index
    %swap3A_579 = arith.constant 0 : index
    %swap3A_580 = tpu.vector_load %arg12[%swap3A_578, %swap3A_579] {strides = array<i32>} : memref<40x128xf32, #tpu.memory_space<vmem>>, vector<16xf32>,
    tpu.vector_store %arg12[%swap3A_578, %swap3A_579], %broadcast_in_dim3A_576 {strides = array<i32>} : memref<40x128xf32, #tpu.memory_space<vmem>>, vector<16xf32>,
    %broadcast_in_dim3A_581 = arith.constant 0.000000e+00 : f32
    %broadcast_in_dim3A_582 = vector.broadcast %broadcast_in_dim3A_581 : f32 to vector<16xf32>
    %swap3A_583 = arith.constant 12 : i32
    %swap3A_584 = arith.index_cast %swap3A_583 : i32 to index
    %swap3A_585 = arith.constant 16 : index
    %swap3A_586 = tpu.vector_load %arg12[%swap3A_584, %swap3A_585] {strides = array<i32>} : memref<40x128xf32, #tpu.memory_space<vmem>>, vector<16xf32>,
    tpu.vector_store %arg12[%swap3A_584, %swap3A_585], %broadcast_in_dim3A_582 {strides = array<i32>} : memref<40x128xf32, #tpu.memory_space<vmem>>, vector<16xf32>,
    %broadcast_in_dim3A_587 = arith.constant 0.000000e+00 : f32
    %broadcast_in_dim3A_588 = vector.broadcast %broadcast_in_dim3A_587 : f32 to vector<16xf32>
    %swap3A_589 = arith.constant 12 : i32
    %swap3A_590 = arith.index_cast %swap3A_589 : i32 to index
    %swap3A_591 = arith.constant 32 : index
    %swap3A_592 = tpu.vector_load %arg12[%swap3A_590, %swap3A_591] {strides = array<i32>} : memref<40x128xf32, #tpu.memory_space<vmem>>, vector<16xf32>,
    tpu.vector_store %arg12[%swap3A_590, %swap3A_591], %broadcast_in_dim3A_588 {strides = array<i32>} : memref<40x128xf32, #tpu.memory_space<vmem>>, vector<16xf32>,
    %broadcast_in_dim3A_593 = arith.constant 0.000000e+00 : f32
    %broadcast_in_dim3A_594 = vector.broadcast %broadcast_in_dim3A_593 : f32 to vector<16xf32>
    %swap3A_595 = arith.constant 12 : i32
    %swap3A_596 = arith.index_cast %swap3A_595 : i32 to index
    %swap3A_597 = arith.constant 48 : index
    %swap3A_598 = tpu.vector_load %arg12[%swap3A_596, %swap3A_597] {strides = array<i32>} : memref<40x128xf32, #tpu.memory_space<vmem>>, vector<16xf32>,
    tpu.vector_store %arg12[%swap3A_596, %swap3A_597], %broadcast_in_dim3A_594 {strides = array<i32>} : memref<40x128xf32, #tpu.memory_space<vmem>>, vector<16xf32>,
    %broadcast_in_dim3A_599 = arith.constant 0.000000e+00 : f32
    %broadcast_in_dim3A_600 = vector.broadcast %broadcast_in_dim3A_599 : f32 to vector<16xf32>
    %swap3A_601 = arith.constant 12 : i32
    %swap3A_602 = arith.index_cast %swap3A_601 : i32 to index
    %swap3A_603 = arith.constant 64 : index
    %swap3A_604 = tpu.vector_load %arg12[%swap3A_602, %swap3A_603] {strides = array<i32>} : memref<40x128xf32, #tpu.memory_space<vmem>>, vector<16xf32>,
    tpu.vector_store %arg12[%swap3A_602, %swap3A_603], %broadcast_in_dim3A_600 {strides = array<i32>} : memref<40x128xf32, #tpu.memory_space<vmem>>, vector<16xf32>,
    %broadcast_in_dim3A_605 = arith.constant 0.000000e+00 : f32
    %broadcast_in_dim3A_606 = vector.broadcast %broadcast_in_dim3A_605 : f32 to vector<16xf32>
    %swap3A_607 = arith.constant 12 : i32
    %swap3A_608 = arith.index_cast %swap3A_607 : i32 to index
    %swap3A_609 = arith.constant 80 : index
    %swap3A_610 = tpu.vector_load %arg12[%swap3A_608, %swap3A_609] {strides = array<i32>} : memref<40x128xf32, #tpu.memory_space<vmem>>, vector<16xf32>,
    tpu.vector_store %arg12[%swap3A_608, %swap3A_609], %broadcast_in_dim3A_606 {strides = array<i32>} : memref<40x128xf32, #tpu.memory_space<vmem>>, vector<16xf32>,
    %broadcast_in_dim3A_611 = arith.constant 0.000000e+00 : f32
    %broadcast_in_dim3A_612 = vector.broadcast %broadcast_in_dim3A_611 : f32 to vector<16xf32>
    %swap3A_613 = arith.constant 12 : i32
    %swap3A_614 = arith.index_cast %swap3A_613 : i32 to index
    %swap3A_615 = arith.constant 96 : index
    %swap3A_616 = tpu.vector_load %arg12[%swap3A_614, %swap3A_615] {strides = array<i32>} : memref<40x128xf32, #tpu.memory_space<vmem>>, vector<16xf32>,
    tpu.vector_store %arg12[%swap3A_614, %swap3A_615], %broadcast_in_dim3A_612 {strides = array<i32>} : memref<40x128xf32, #tpu.memory_space<vmem>>, vector<16xf32>,
    %broadcast_in_dim3A_617 = arith.constant 0.000000e+00 : f32
    %broadcast_in_dim3A_618 = vector.broadcast %broadcast_in_dim3A_617 : f32 to vector<16xf32>
    %swap3A_619 = arith.constant 12 : i32
    %swap3A_620 = arith.index_cast %swap3A_619 : i32 to index
    %swap3A_621 = arith.constant 112 : index
    %swap3A_622 = tpu.vector_load %arg12[%swap3A_620, %swap3A_621] {strides = array<i32>} : memref<40x128xf32, #tpu.memory_space<vmem>>, vector<16xf32>,
    tpu.vector_store %arg12[%swap3A_620, %swap3A_621], %broadcast_in_dim3A_618 {strides = array<i32>} : memref<40x128xf32, #tpu.memory_space<vmem>>, vector<16xf32>,
    %broadcast_in_dim3A_623 = arith.constant 0.000000e+00 : f32
    %broadcast_in_dim3A_624 = vector.broadcast %broadcast_in_dim3A_623 : f32 to vector<16xf32>
    %swap3A_625 = arith.constant 13 : i32
    %swap3A_626 = arith.index_cast %swap3A_625 : i32 to index
    %swap3A_627 = arith.constant 0 : index
    %swap3A_628 = tpu.vector_load %arg12[%swap3A_626, %swap3A_627] {strides = array<i32>} : memref<40x128xf32, #tpu.memory_space<vmem>>, vector<16xf32>,
    tpu.vector_store %arg12[%swap3A_626, %swap3A_627], %broadcast_in_dim3A_624 {strides = array<i32>} : memref<40x128xf32, #tpu.memory_space<vmem>>, vector<16xf32>,
    %broadcast_in_dim3A_629 = arith.constant 0.000000e+00 : f32
    %broadcast_in_dim3A_630 = vector.broadcast %broadcast_in_dim3A_629 : f32 to vector<16xf32>
    %swap3A_631 = arith.constant 13 : i32
    %swap3A_632 = arith.index_cast %swap3A_631 : i32 to index
    %swap3A_633 = arith.constant 16 : index
    %swap3A_634 = tpu.vector_load %arg12[%swap3A_632, %swap3A_633] {strides = array<i32>} : memref<40x128xf32, #tpu.memory_space<vmem>>, vector<16xf32>,
    tpu.vector_store %arg12[%swap3A_632, %swap3A_633], %broadcast_in_dim3A_630 {strides = array<i32>} : memref<40x128xf32, #tpu.memory_space<vmem>>, vector<16xf32>,
    %broadcast_in_dim3A_635 = arith.constant 0.000000e+00 : f32
    %broadcast_in_dim3A_636 = vector.broadcast %broadcast_in_dim3A_635 : f32 to vector<16xf32>
    %swap3A_637 = arith.constant 13 : i32
    %swap3A_638 = arith.index_cast %swap3A_637 : i32 to index
    %swap3A_639 = arith.constant 32 : index
    %swap3A_640 = tpu.vector_load %arg12[%swap3A_638, %swap3A_639] {strides = array<i32>} : memref<40x128xf32, #tpu.memory_space<vmem>>, vector<16xf32>,
    tpu.vector_store %arg12[%swap3A_638, %swap3A_639], %broadcast_in_dim3A_636 {strides = array<i32>} : memref<40x128xf32, #tpu.memory_space<vmem>>, vector<16xf32>,
    %broadcast_in_dim3A_641 = arith.constant 0.000000e+00 : f32
    %broadcast_in_dim3A_642 = vector.broadcast %broadcast_in_dim3A_641 : f32 to vector<16xf32>
    %swap3A_643 = arith.constant 13 : i32
    %swap3A_644 = arith.index_cast %swap3A_643 : i32 to index
    %swap3A_645 = arith.constant 48 : index
    %swap3A_646 = tpu.vector_load %arg12[%swap3A_644, %swap3A_645] {strides = array<i32>} : memref<40x128xf32, #tpu.memory_space<vmem>>, vector<16xf32>,
    tpu.vector_store %arg12[%swap3A_644, %swap3A_645], %broadcast_in_dim3A_642 {strides = array<i32>} : memref<40x128xf32, #tpu.memory_space<vmem>>, vector<16xf32>,
    %broadcast_in_dim3A_647 = arith.constant 0.000000e+00 : f32
    %broadcast_in_dim3A_648 = vector.broadcast %broadcast_in_dim3A_647 : f32 to vector<16xf32>
    %swap3A_649 = arith.constant 13 : i32
    %swap3A_650 = arith.index_cast %swap3A_649 : i32 to index
    %swap3A_651 = arith.constant 64 : index
    %swap3A_652 = tpu.vector_load %arg12[%swap3A_650, %swap3A_651] {strides = array<i32>} : memref<40x128xf32, #tpu.memory_space<vmem>>, vector<16xf32>,
    tpu.vector_store %arg12[%swap3A_650, %swap3A_651], %broadcast_in_dim3A_648 {strides = array<i32>} : memref<40x128xf32, #tpu.memory_space<vmem>>, vector<16xf32>,
    %broadcast_in_dim3A_653 = arith.constant 0.000000e+00 : f32
    %broadcast_in_dim3A_654 = vector.broadcast %broadcast_in_dim3A_653 : f32 to vector<16xf32>
    %swap3A_655 = arith.constant 13 : i32
    %swap3A_656 = arith.index_cast %swap3A_655 : i32 to index
    %swap3A_657 = arith.constant 80 : index
    %swap3A_658 = tpu.vector_load %arg12[%swap3A_656, %swap3A_657] {strides = array<i32>} : memref<40x128xf32, #tpu.memory_space<vmem>>, vector<16xf32>,
    tpu.vector_store %arg12[%swap3A_656, %swap3A_657], %broadcast_in_dim3A_654 {strides = array<i32>} : memref<40x128xf32, #tpu.memory_space<vmem>>, vector<16xf32>,
    %broadcast_in_dim3A_659 = arith.constant 0.000000e+00 : f32
    %broadcast_in_dim3A_660 = vector.broadcast %broadcast_in_dim3A_659 : f32 to vector<16xf32>
    %swap3A_661 = arith.constant 13 : i32
    %swap3A_662 = arith.index_cast %swap3A_661 : i32 to index
    %swap3A_663 = arith.constant 96 : index
    %swap3A_664 = tpu.vector_load %arg12[%swap3A_662, %swap3A_663] {strides = array<i32>} : memref<40x128xf32, #tpu.memory_space<vmem>>, vector<16xf32>,
    tpu.vector_store %arg12[%swap3A_662, %swap3A_663], %broadcast_in_dim3A_660 {strides = array<i32>} : memref<40x128xf32, #tpu.memory_space<vmem>>, vector<16xf32>,
    %broadcast_in_dim3A_665 = arith.constant 0.000000e+00 : f32
    %broadcast_in_dim3A_666 = vector.broadcast %broadcast_in_dim3A_665 : f32 to vector<16xf32>
    %swap3A_667 = arith.constant 13 : i32
    %swap3A_668 = arith.index_cast %swap3A_667 : i32 to index
    %swap3A_669 = arith.constant 112 : index
    %swap3A_670 = tpu.vector_load %arg12[%swap3A_668, %swap3A_669] {strides = array<i32>} : memref<40x128xf32, #tpu.memory_space<vmem>>, vector<16xf32>,
    tpu.vector_store %arg12[%swap3A_668, %swap3A_669], %broadcast_in_dim3A_666 {strides = array<i32>} : memref<40x128xf32, #tpu.memory_space<vmem>>, vector<16xf32>,
    %broadcast_in_dim3A_671 = arith.constant 0.000000e+00 : f32
    %broadcast_in_dim3A_672 = vector.broadcast %broadcast_in_dim3A_671 : f32 to vector<16xf32>
    %swap3A_673 = arith.constant 14 : i32
    %swap3A_674 = arith.index_cast %swap3A_673 : i32 to index
    %swap3A_675 = arith.constant 0 : index
    %swap3A_676 = tpu.vector_load %arg12[%swap3A_674, %swap3A_675] {strides = array<i32>} : memref<40x128xf32, #tpu.memory_space<vmem>>, vector<16xf32>,
    tpu.vector_store %arg12[%swap3A_674, %swap3A_675], %broadcast_in_dim3A_672 {strides = array<i32>} : memref<40x128xf32, #tpu.memory_space<vmem>>, vector<16xf32>,
    %broadcast_in_dim3A_677 = arith.constant 0.000000e+00 : f32
    %broadcast_in_dim3A_678 = vector.broadcast %broadcast_in_dim3A_677 : f32 to vector<16xf32>
    %swap3A_679 = arith.constant 14 : i32
    %swap3A_680 = arith.index_cast %swap3A_679 : i32 to index
    %swap3A_681 = arith.constant 16 : index
    %swap3A_682 = tpu.vector_load %arg12[%swap3A_680, %swap3A_681] {strides = array<i32>} : memref<40x128xf32, #tpu.memory_space<vmem>>, vector<16xf32>,
    tpu.vector_store %arg12[%swap3A_680, %swap3A_681], %broadcast_in_dim3A_678 {strides = array<i32>} : memref<40x128xf32, #tpu.memory_space<vmem>>, vector<16xf32>,
    %broadcast_in_dim3A_683 = arith.constant 0.000000e+00 : f32
    %broadcast_in_dim3A_684 = vector.broadcast %broadcast_in_dim3A_683 : f32 to vector<16xf32>
    %swap3A_685 = arith.constant 14 : i32
    %swap3A_686 = arith.index_cast %swap3A_685 : i32 to index
    %swap3A_687 = arith.constant 32 : index
    %swap3A_688 = tpu.vector_load %arg12[%swap3A_686, %swap3A_687] {strides = array<i32>} : memref<40x128xf32, #tpu.memory_space<vmem>>, vector<16xf32>,
    tpu.vector_store %arg12[%swap3A_686, %swap3A_687], %broadcast_in_dim3A_684 {strides = array<i32>} : memref<40x128xf32, #tpu.memory_space<vmem>>, vector<16xf32>,
    %broadcast_in_dim3A_689 = arith.constant 0.000000e+00 : f32
    %broadcast_in_dim3A_690 = vector.broadcast %broadcast_in_dim3A_689 : f32 to vector<16xf32>
    %swap3A_691 = arith.constant 14 : i32
    %swap3A_692 = arith.index_cast %swap3A_691 : i32 to index
    %swap3A_693 = arith.constant 48 : index
    %swap3A_694 = tpu.vector_load %arg12[%swap3A_692, %swap3A_693] {strides = array<i32>} : memref<40x128xf32, #tpu.memory_space<vmem>>, vector<16xf32>,
    tpu.vector_store %arg12[%swap3A_692, %swap3A_693], %broadcast_in_dim3A_690 {strides = array<i32>} : memref<40x128xf32, #tpu.memory_space<vmem>>, vector<16xf32>,
    %broadcast_in_dim3A_695 = arith.constant 0.000000e+00 : f32
    %broadcast_in_dim3A_696 = vector.broadcast %broadcast_in_dim3A_695 : f32 to vector<16xf32>
    %swap3A_697 = arith.constant 14 : i32
    %swap3A_698 = arith.index_cast %swap3A_697 : i32 to index
    %swap3A_699 = arith.constant 64 : index
    %swap3A_700 = tpu.vector_load %arg12[%swap3A_698, %swap3A_699] {strides = array<i32>} : memref<40x128xf32, #tpu.memory_space<vmem>>, vector<16xf32>,
    tpu.vector_store %arg12[%swap3A_698, %swap3A_699], %broadcast_in_dim3A_696 {strides = array<i32>} : memref<40x128xf32, #tpu.memory_space<vmem>>, vector<16xf32>,
    %broadcast_in_dim3A_701 = arith.constant 0.000000e+00 : f32
    %broadcast_in_dim3A_702 = vector.broadcast %broadcast_in_dim3A_701 : f32 to vector<16xf32>
    %swap3A_703 = arith.constant 14 : i32
    %swap3A_704 = arith.index_cast %swap3A_703 : i32 to index
    %swap3A_705 = arith.constant 80 : index
    %swap3A_706 = tpu.vector_load %arg12[%swap3A_704, %swap3A_705] {strides = array<i32>} : memref<40x128xf32, #tpu.memory_space<vmem>>, vector<16xf32>,
    tpu.vector_store %arg12[%swap3A_704, %swap3A_705], %broadcast_in_dim3A_702 {strides = array<i32>} : memref<40x128xf32, #tpu.memory_space<vmem>>, vector<16xf32>,
    %broadcast_in_dim3A_707 = arith.constant 0.000000e+00 : f32
    %broadcast_in_dim3A_708 = vector.broadcast %broadcast_in_dim3A_707 : f32 to vector<16xf32>
    %swap3A_709 = arith.constant 14 : i32
    %swap3A_710 = arith.index_cast %swap3A_709 : i32 to index
    %swap3A_711 = arith.constant 96 : index
    %swap3A_712 = tpu.vector_load %arg12[%swap3A_710, %swap3A_711] {strides = array<i32>} : memref<40x128xf32, #tpu.memory_space<vmem>>, vector<16xf32>,
    tpu.vector_store %arg12[%swap3A_710, %swap3A_711], %broadcast_in_dim3A_708 {strides = array<i32>} : memref<40x128xf32, #tpu.memory_space<vmem>>, vector<16xf32>,
    %broadcast_in_dim3A_713 = arith.constant 0.000000e+00 : f32
    %broadcast_in_dim3A_714 = vector.broadcast %broadcast_in_dim3A_713 : f32 to vector<16xf32>
    %swap3A_715 = arith.constant 14 : i32
    %swap3A_716 = arith.index_cast %swap3A_715 : i32 to index
    %swap3A_717 = arith.constant 112 : index
    %swap3A_718 = tpu.vector_load %arg12[%swap3A_716, %swap3A_717] {strides = array<i32>} : memref<40x128xf32, #tpu.memory_space<vmem>>, vector<16xf32>,
    tpu.vector_store %arg12[%swap3A_716, %swap3A_717], %broadcast_in_dim3A_714 {strides = array<i32>} : memref<40x128xf32, #tpu.memory_space<vmem>>, vector<16xf32>,
    %broadcast_in_dim3A_719 = arith.constant 0.000000e+00 : f32
    %broadcast_in_dim3A_720 = vector.broadcast %broadcast_in_dim3A_719 : f32 to vector<16xf32>
    %swap3A_721 = arith.constant 15 : i32
    %swap3A_722 = arith.index_cast %swap3A_721 : i32 to index
    %swap3A_723 = arith.constant 0 : index
    %swap3A_724 = tpu.vector_load %arg12[%swap3A_722, %swap3A_723] {strides = array<i32>} : memref<40x128xf32, #tpu.memory_space<vmem>>, vector<16xf32>,
    tpu.vector_store %arg12[%swap3A_722, %swap3A_723], %broadcast_in_dim3A_720 {strides = array<i32>} : memref<40x128xf32, #tpu.memory_space<vmem>>, vector<16xf32>,
    %broadcast_in_dim3A_725 = arith.constant 0.000000e+00 : f32
    %broadcast_in_dim3A_726 = vector.broadcast %broadcast_in_dim3A_725 : f32 to vector<16xf32>
    %swap3A_727 = arith.constant 15 : i32
    %swap3A_728 = arith.index_cast %swap3A_727 : i32 to index
    %swap3A_729 = arith.constant 16 : index
    %swap3A_730 = tpu.vector_load %arg12[%swap3A_728, %swap3A_729] {strides = array<i32>} : memref<40x128xf32, #tpu.memory_space<vmem>>, vector<16xf32>,
    tpu.vector_store %arg12[%swap3A_728, %swap3A_729], %broadcast_in_dim3A_726 {strides = array<i32>} : memref<40x128xf32, #tpu.memory_space<vmem>>, vector<16xf32>,
    %broadcast_in_dim3A_731 = arith.constant 0.000000e+00 : f32
    %broadcast_in_dim3A_732 = vector.broadcast %broadcast_in_dim3A_731 : f32 to vector<16xf32>
    %swap3A_733 = arith.constant 15 : i32
    %swap3A_734 = arith.index_cast %swap3A_733 : i32 to index
    %swap3A_735 = arith.constant 32 : index
    %swap3A_736 = tpu.vector_load %arg12[%swap3A_734, %swap3A_735] {strides = array<i32>} : memref<40x128xf32, #tpu.memory_space<vmem>>, vector<16xf32>,
    tpu.vector_store %arg12[%swap3A_734, %swap3A_735], %broadcast_in_dim3A_732 {strides = array<i32>} : memref<40x128xf32, #tpu.memory_space<vmem>>, vector<16xf32>,
    %broadcast_in_dim3A_737 = arith.constant 0.000000e+00 : f32
    %broadcast_in_dim3A_738 = vector.broadcast %broadcast_in_dim3A_737 : f32 to vector<16xf32>
    %swap3A_739 = arith.constant 15 : i32
    %swap3A_740 = arith.index_cast %swap3A_739 : i32 to index
    %swap3A_741 = arith.constant 48 : index
    %swap3A_742 = tpu.vector_load %arg12[%swap3A_740, %swap3A_741] {strides = array<i32>} : memref<40x128xf32, #tpu.memory_space<vmem>>, vector<16xf32>,
    tpu.vector_store %arg12[%swap3A_740, %swap3A_741], %broadcast_in_dim3A_738 {strides = array<i32>} : memref<40x128xf32, #tpu.memory_space<vmem>>, vector<16xf32>,
    %broadcast_in_dim3A_743 = arith.constant 0.000000e+00 : f32
    %broadcast_in_dim3A_744 = vector.broadcast %broadcast_in_dim3A_743 : f32 to vector<16xf32>
    %swap3A_745 = arith.constant 15 : i32
    %swap3A_746 = arith.index_cast %swap3A_745 : i32 to index
    %swap3A_747 = arith.constant 64 : index
    %swap3A_748 = tpu.vector_load %arg12[%swap3A_746, %swap3A_747] {strides = array<i32>} : memref<40x128xf32, #tpu.memory_space<vmem>>, vector<16xf32>,
    tpu.vector_store %arg12[%swap3A_746, %swap3A_747], %broadcast_in_dim3A_744 {strides = array<i32>} : memref<40x128xf32, #tpu.memory_space<vmem>>, vector<16xf32>,
    %broadcast_in_dim3A_749 = arith.constant 0.000000e+00 : f32
    %broadcast_in_dim3A_750 = vector.broadcast %broadcast_in_dim3A_749 : f32 to vector<16xf32>
    %swap3A_751 = arith.constant 15 : i32
    %swap3A_752 = arith.index_cast %swap3A_751 : i32 to index
    %swap3A_753 = arith.constant 80 : index
    %swap3A_754 = tpu.vector_load %arg12[%swap3A_752, %swap3A_753] {strides = array<i32>} : memref<40x128xf32, #tpu.memory_space<vmem>>, vector<16xf32>,
    tpu.vector_store %arg12[%swap3A_752, %swap3A_753], %broadcast_in_dim3A_750 {strides = array<i32>} : memref<40x128xf32, #tpu.memory_space<vmem>>, vector<16xf32>,
    %broadcast_in_dim3A_755 = arith.constant 0.000000e+00 : f32
    %broadcast_in_dim3A_756 = vector.broadcast %broadcast_in_dim3A_755 : f32 to vector<16xf32>
    %swap3A_757 = arith.constant 15 : i32
    %swap3A_758 = arith.index_cast %swap3A_757 : i32 to index
    %swap3A_759 = arith.constant 96 : index
    %swap3A_760 = tpu.vector_load %arg12[%swap3A_758, %swap3A_759] {strides = array<i32>} : memref<40x128xf32, #tpu.memory_space<vmem>>, vector<16xf32>,
    tpu.vector_store %arg12[%swap3A_758, %swap3A_759], %broadcast_in_dim3A_756 {strides = array<i32>} : memref<40x128xf32, #tpu.memory_space<vmem>>, vector<16xf32>,
    %broadcast_in_dim3A_761 = arith.constant 0.000000e+00 : f32
    %broadcast_in_dim3A_762 = vector.broadcast %broadcast_in_dim3A_761 : f32 to vector<16xf32>
    %swap3A_763 = arith.constant 15 : i32
    %swap3A_764 = arith.index_cast %swap3A_763 : i32 to index
    %swap3A_765 = arith.constant 112 : index
    %swap3A_766 = tpu.vector_load %arg12[%swap3A_764, %swap3A_765] {strides = array<i32>} : memref<40x128xf32, #tpu.memory_space<vmem>>, vector<16xf32>,
    tpu.vector_store %arg12[%swap3A_764, %swap3A_765], %broadcast_in_dim3A_762 {strides = array<i32>} : memref<40x128xf32, #tpu.memory_space<vmem>>, vector<16xf32>,
    %broadcast_in_dim3A_767 = arith.constant 0.000000e+00 : f32
    %broadcast_in_dim3A_768 = vector.broadcast %broadcast_in_dim3A_767 : f32 to vector<16xf32>
    %swap3A_769 = arith.constant 16 : i32
    %swap3A_770 = arith.index_cast %swap3A_769 : i32 to index
    %swap3A_771 = arith.constant 0 : index
    %swap3A_772 = tpu.vector_load %arg12[%swap3A_770, %swap3A_771] {strides = array<i32>} : memref<40x128xf32, #tpu.memory_space<vmem>>, vector<16xf32>,
    tpu.vector_store %arg12[%swap3A_770, %swap3A_771], %broadcast_in_dim3A_768 {strides = array<i32>} : memref<40x128xf32, #tpu.memory_space<vmem>>, vector<16xf32>,
    %broadcast_in_dim3A_773 = arith.constant 0.000000e+00 : f32
    %broadcast_in_dim3A_774 = vector.broadcast %broadcast_in_dim3A_773 : f32 to vector<16xf32>
    %swap3A_775 = arith.constant 16 : i32
    %swap3A_776 = arith.index_cast %swap3A_775 : i32 to index
    %swap3A_777 = arith.constant 16 : index
    %swap3A_778 = tpu.vector_load %arg12[%swap3A_776, %swap3A_777] {strides = array<i32>} : memref<40x128xf32, #tpu.memory_space<vmem>>, vector<16xf32>,
    tpu.vector_store %arg12[%swap3A_776, %swap3A_777], %broadcast_in_dim3A_774 {strides = array<i32>} : memref<40x128xf32, #tpu.memory_space<vmem>>, vector<16xf32>,
    %broadcast_in_dim3A_779 = arith.constant 0.000000e+00 : f32
    %broadcast_in_dim3A_780 = vector.broadcast %broadcast_in_dim3A_779 : f32 to vector<16xf32>
    %swap3A_781 = arith.constant 16 : i32
    %swap3A_782 = arith.index_cast %swap3A_781 : i32 to index
    %swap3A_783 = arith.constant 32 : index
    %swap3A_784 = tpu.vector_load %arg12[%swap3A_782, %swap3A_783] {strides = array<i32>} : memref<40x128xf32, #tpu.memory_space<vmem>>, vector<16xf32>,
    tpu.vector_store %arg12[%swap3A_782, %swap3A_783], %broadcast_in_dim3A_780 {strides = array<i32>} : memref<40x128xf32, #tpu.memory_space<vmem>>, vector<16xf32>,
    %broadcast_in_dim3A_785 = arith.constant 0.000000e+00 : f32
    %broadcast_in_dim3A_786 = vector.broadcast %broadcast_in_dim3A_785 : f32 to vector<16xf32>
    %swap3A_787 = arith.constant 16 : i32
    %swap3A_788 = arith.index_cast %swap3A_787 : i32 to index
    %swap3A_789 = arith.constant 48 : index
    %swap3A_790 = tpu.vector_load %arg12[%swap3A_788, %swap3A_789] {strides = array<i32>} : memref<40x128xf32, #tpu.memory_space<vmem>>, vector<16xf32>,
    tpu.vector_store %arg12[%swap3A_788, %swap3A_789], %broadcast_in_dim3A_786 {strides = array<i32>} : memref<40x128xf32, #tpu.memory_space<vmem>>, vector<16xf32>,
    %broadcast_in_dim3A_791 = arith.constant 0.000000e+00 : f32
    %broadcast_in_dim3A_792 = vector.broadcast %broadcast_in_dim3A_791 : f32 to vector<16xf32>
    %swap3A_793 = arith.constant 16 : i32
    %swap3A_794 = arith.index_cast %swap3A_793 : i32 to index
    %swap3A_795 = arith.constant 64 : index
    %swap3A_796 = tpu.vector_load %arg12[%swap3A_794, %swap3A_795] {strides = array<i32>} : memref<40x128xf32, #tpu.memory_space<vmem>>, vector<16xf32>,
    tpu.vector_store %arg12[%swap3A_794, %swap3A_795], %broadcast_in_dim3A_792 {strides = array<i32>} : memref<40x128xf32, #tpu.memory_space<vmem>>, vector<16xf32>,
    %broadcast_in_dim3A_797 = arith.constant 0.000000e+00 : f32
    %broadcast_in_dim3A_798 = vector.broadcast %broadcast_in_dim3A_797 : f32 to vector<16xf32>
    %swap3A_799 = arith.constant 16 : i32
    %swap3A_800 = arith.index_cast %swap3A_799 : i32 to index
    %swap3A_801 = arith.constant 80 : index
    %swap3A_802 = tpu.vector_load %arg12[%swap3A_800, %swap3A_801] {strides = array<i32>} : memref<40x128xf32, #tpu.memory_space<vmem>>, vector<16xf32>,
    tpu.vector_store %arg12[%swap3A_800, %swap3A_801], %broadcast_in_dim3A_798 {strides = array<i32>} : memref<40x128xf32, #tpu.memory_space<vmem>>, vector<16xf32>,
    %broadcast_in_dim3A_803 = arith.constant 0.000000e+00 : f32
    %broadcast_in_dim3A_804 = vector.broadcast %broadcast_in_dim3A_803 : f32 to vector<16xf32>
    %swap3A_805 = arith.constant 16 : i32
    %swap3A_806 = arith.index_cast %swap3A_805 : i32 to index
    %swap3A_807 = arith.constant 96 : index
    %swap3A_808 = tpu.vector_load %arg12[%swap3A_806, %swap3A_807] {strides = array<i32>} : memref<40x128xf32, #tpu.memory_space<vmem>>, vector<16xf32>,
    tpu.vector_store %arg12[%swap3A_806, %swap3A_807], %broadcast_in_dim3A_804 {strides = array<i32>} : memref<40x128xf32, #tpu.memory_space<vmem>>, vector<16xf32>,
    %broadcast_in_dim3A_809 = arith.constant 0.000000e+00 : f32
    %broadcast_in_dim3A_810 = vector.broadcast %broadcast_in_dim3A_809 : f32 to vector<16xf32>
    %swap3A_811 = arith.constant 16 : i32
    %swap3A_812 = arith.index_cast %swap3A_811 : i32 to index
    %swap3A_813 = arith.constant 112 : index
    %swap3A_814 = tpu.vector_load %arg12[%swap3A_812, %swap3A_813] {strides = array<i32>} : memref<40x128xf32, #tpu.memory_space<vmem>>, vector<16xf32>,
    tpu.vector_store %arg12[%swap3A_812, %swap3A_813], %broadcast_in_dim3A_810 {strides = array<i32>} : memref<40x128xf32, #tpu.memory_space<vmem>>, vector<16xf32>,
    %broadcast_in_dim3A_815 = arith.constant 0.000000e+00 : f32
    %broadcast_in_dim3A_816 = vector.broadcast %broadcast_in_dim3A_815 : f32 to vector<16xf32>
    %swap3A_817 = arith.constant 17 : i32
    %swap3A_818 = arith.index_cast %swap3A_817 : i32 to index
    %swap3A_819 = arith.constant 0 : index
    %swap3A_820 = tpu.vector_load %arg12[%swap3A_818, %swap3A_819] {strides = array<i32>} : memref<40x128xf32, #tpu.memory_space<vmem>>, vector<16xf32>,
    tpu.vector_store %arg12[%swap3A_818, %swap3A_819], %broadcast_in_dim3A_816 {strides = array<i32>} : memref<40x128xf32, #tpu.memory_space<vmem>>, vector<16xf32>,
    %broadcast_in_dim3A_821 = arith.constant 0.000000e+00 : f32
    %broadcast_in_dim3A_822 = vector.broadcast %broadcast_in_dim3A_821 : f32 to vector<16xf32>
    %swap3A_823 = arith.constant 17 : i32
    %swap3A_824 = arith.index_cast %swap3A_823 : i32 to index
    %swap3A_825 = arith.constant 16 : index
    %swap3A_826 = tpu.vector_load %arg12[%swap3A_824, %swap3A_825] {strides = array<i32>} : memref<40x128xf32, #tpu.memory_space<vmem>>, vector<16xf32>,
    tpu.vector_store %arg12[%swap3A_824, %swap3A_825], %broadcast_in_dim3A_822 {strides = array<i32>} : memref<40x128xf32, #tpu.memory_space<vmem>>, vector<16xf32>,
    %broadcast_in_dim3A_827 = arith.constant 0.000000e+00 : f32
    %broadcast_in_dim3A_828 = vector.broadcast %broadcast_in_dim3A_827 : f32 to vector<16xf32>
    %swap3A_829 = arith.constant 17 : i32
    %swap3A_830 = arith.index_cast %swap3A_829 : i32 to index
    %swap3A_831 = arith.constant 32 : index
    %swap3A_832 = tpu.vector_load %arg12[%swap3A_830, %swap3A_831] {strides = array<i32>} : memref<40x128xf32, #tpu.memory_space<vmem>>, vector<16xf32>,
    tpu.vector_store %arg12[%swap3A_830, %swap3A_831], %broadcast_in_dim3A_828 {strides = array<i32>} : memref<40x128xf32, #tpu.memory_space<vmem>>, vector<16xf32>,
    %broadcast_in_dim3A_833 = arith.constant 0.000000e+00 : f32
    %broadcast_in_dim3A_834 = vector.broadcast %broadcast_in_dim3A_833 : f32 to vector<16xf32>
    %swap3A_835 = arith.constant 17 : i32
    %swap3A_836 = arith.index_cast %swap3A_835 : i32 to index
    %swap3A_837 = arith.constant 48 : index
    %swap3A_838 = tpu.vector_load %arg12[%swap3A_836, %swap3A_837] {strides = array<i32>} : memref<40x128xf32, #tpu.memory_space<vmem>>, vector<16xf32>,
    tpu.vector_store %arg12[%swap3A_836, %swap3A_837], %broadcast_in_dim3A_834 {strides = array<i32>} : memref<40x128xf32, #tpu.memory_space<vmem>>, vector<16xf32>,
    %broadcast_in_dim3A_839 = arith.constant 0.000000e+00 : f32
    %broadcast_in_dim3A_840 = vector.broadcast %broadcast_in_dim3A_839 : f32 to vector<16xf32>
    %swap3A_841 = arith.constant 17 : i32
    %swap3A_842 = arith.index_cast %swap3A_841 : i32 to index
    %swap3A_843 = arith.constant 64 : index
    %swap3A_844 = tpu.vector_load %arg12[%swap3A_842, %swap3A_843] {strides = array<i32>} : memref<40x128xf32, #tpu.memory_space<vmem>>, vector<16xf32>,
    tpu.vector_store %arg12[%swap3A_842, %swap3A_843], %broadcast_in_dim3A_840 {strides = array<i32>} : memref<40x128xf32, #tpu.memory_space<vmem>>, vector<16xf32>,
    %broadcast_in_dim3A_845 = arith.constant 0.000000e+00 : f32
    %broadcast_in_dim3A_846 = vector.broadcast %broadcast_in_dim3A_845 : f32 to vector<16xf32>
    %swap3A_847 = arith.constant 17 : i32
    %swap3A_848 = arith.index_cast %swap3A_847 : i32 to index
    %swap3A_849 = arith.constant 80 : index
    %swap3A_850 = tpu.vector_load %arg12[%swap3A_848, %swap3A_849] {strides = array<i32>} : memref<40x128xf32, #tpu.memory_space<vmem>>, vector<16xf32>,
    tpu.vector_store %arg12[%swap3A_848, %swap3A_849], %broadcast_in_dim3A_846 {strides = array<i32>} : memref<40x128xf32, #tpu.memory_space<vmem>>, vector<16xf32>,
    %broadcast_in_dim3A_851 = arith.constant 0.000000e+00 : f32
    %broadcast_in_dim3A_852 = vector.broadcast %broadcast_in_dim3A_851 : f32 to vector<16xf32>
    %swap3A_853 = arith.constant 17 : i32
    %swap3A_854 = arith.index_cast %swap3A_853 : i32 to index
    %swap3A_855 = arith.constant 96 : index
    %swap3A_856 = tpu.vector_load %arg12[%swap3A_854, %swap3A_855] {strides = array<i32>} : memref<40x128xf32, #tpu.memory_space<vmem>>, vector<16xf32>,
    tpu.vector_store %arg12[%swap3A_854, %swap3A_855], %broadcast_in_dim3A_852 {strides = array<i32>} : memref<40x128xf32, #tpu.memory_space<vmem>>, vector<16xf32>,
    %broadcast_in_dim3A_857 = arith.constant 0.000000e+00 : f32
    %broadcast_in_dim3A_858 = vector.broadcast %broadcast_in_dim3A_857 : f32 to vector<16xf32>
    %swap3A_859 = arith.constant 17 : i32
    %swap3A_860 = arith.index_cast %swap3A_859 : i32 to index
    %swap3A_861 = arith.constant 112 : index
    %swap3A_862 = tpu.vector_load %arg12[%swap3A_860, %swap3A_861] {strides = array<i32>} : memref<40x128xf32, #tpu.memory_space<vmem>>, vector<16xf32>,
    tpu.vector_store %arg12[%swap3A_860, %swap3A_861], %broadcast_in_dim3A_858 {strides = array<i32>} : memref<40x128xf32, #tpu.memory_space<vmem>>, vector<16xf32>,
    %broadcast_in_dim3A_863 = arith.constant 0.000000e+00 : f32
    %broadcast_in_dim3A_864 = vector.broadcast %broadcast_in_dim3A_863 : f32 to vector<16xf32>
    %swap3A_865 = arith.constant 18 : i32
    %swap3A_866 = arith.index_cast %swap3A_865 : i32 to index
    %swap3A_867 = arith.constant 0 : index
    %swap3A_868 = tpu.vector_load %arg12[%swap3A_866, %swap3A_867] {strides = array<i32>} : memref<40x128xf32, #tpu.memory_space<vmem>>, vector<16xf32>,
    tpu.vector_store %arg12[%swap3A_866, %swap3A_867], %broadcast_in_dim3A_864 {strides = array<i32>} : memref<40x128xf32, #tpu.memory_space<vmem>>, vector<16xf32>,
    %broadcast_in_dim3A_869 = arith.constant 0.000000e+00 : f32
    %broadcast_in_dim3A_870 = vector.broadcast %broadcast_in_dim3A_869 : f32 to vector<16xf32>
    %swap3A_871 = arith.constant 18 : i32
    %swap3A_872 = arith.index_cast %swap3A_871 : i32 to index
    %swap3A_873 = arith.constant 16 : index
    %swap3A_874 = tpu.vector_load %arg12[%swap3A_872, %swap3A_873] {strides = array<i32>} : memref<40x128xf32, #tpu.memory_space<vmem>>, vector<16xf32>,
    tpu.vector_store %arg12[%swap3A_872, %swap3A_873], %broadcast_in_dim3A_870 {strides = array<i32>} : memref<40x128xf32, #tpu.memory_space<vmem>>, vector<16xf32>,
    %broadcast_in_dim3A_875 = arith.constant 0.000000e+00 : f32
    %broadcast_in_dim3A_876 = vector.broadcast %broadcast_in_dim3A_875 : f32 to vector<16xf32>
    %swap3A_877 = arith.constant 18 : i32
    %swap3A_878 = arith.index_cast %swap3A_877 : i32 to index
    %swap3A_879 = arith.constant 32 : index
    %swap3A_880 = tpu.vector_load %arg12[%swap3A_878, %swap3A_879] {strides = array<i32>} : memref<40x128xf32, #tpu.memory_space<vmem>>, vector<16xf32>,
    tpu.vector_store %arg12[%swap3A_878, %swap3A_879], %broadcast_in_dim3A_876 {strides = array<i32>} : memref<40x128xf32, #tpu.memory_space<vmem>>, vector<16xf32>,
    %broadcast_in_dim3A_881 = arith.constant 0.000000e+00 : f32
    %broadcast_in_dim3A_882 = vector.broadcast %broadcast_in_dim3A_881 : f32 to vector<16xf32>
    %swap3A_883 = arith.constant 18 : i32
    %swap3A_884 = arith.index_cast %swap3A_883 : i32 to index
    %swap3A_885 = arith.constant 48 : index
    %swap3A_886 = tpu.vector_load %arg12[%swap3A_884, %swap3A_885] {strides = array<i32>} : memref<40x128xf32, #tpu.memory_space<vmem>>, vector<16xf32>,
    tpu.vector_store %arg12[%swap3A_884, %swap3A_885], %broadcast_in_dim3A_882 {strides = array<i32>} : memref<40x128xf32, #tpu.memory_space<vmem>>, vector<16xf32>,
    %broadcast_in_dim3A_887 = arith.constant 0.000000e+00 : f32
    %broadcast_in_dim3A_888 = vector.broadcast %broadcast_in_dim3A_887 : f32 to vector<16xf32>
    %swap3A_889 = arith.constant 18 : i32
    %swap3A_890 = arith.index_cast %swap3A_889 : i32 to index
    %swap3A_891 = arith.constant 64 : index
    %swap3A_892 = tpu.vector_load %arg12[%swap3A_890, %swap3A_891] {strides = array<i32>} : memref<40x128xf32, #tpu.memory_space<vmem>>, vector<16xf32>,
    tpu.vector_store %arg12[%swap3A_890, %swap3A_891], %broadcast_in_dim3A_888 {strides = array<i32>} : memref<40x128xf32, #tpu.memory_space<vmem>>, vector<16xf32>,
    %broadcast_in_dim3A_893 = arith.constant 0.000000e+00 : f32
    %broadcast_in_dim3A_894 = vector.broadcast %broadcast_in_dim3A_893 : f32 to vector<16xf32>
    %swap3A_895 = arith.constant 18 : i32
    %swap3A_896 = arith.index_cast %swap3A_895 : i32 to index
    %swap3A_897 = arith.constant 80 : index
    %swap3A_898 = tpu.vector_load %arg12[%swap3A_896, %swap3A_897] {strides = array<i32>} : memref<40x128xf32, #tpu.memory_space<vmem>>, vector<16xf32>,
    tpu.vector_store %arg12[%swap3A_896, %swap3A_897], %broadcast_in_dim3A_894 {strides = array<i32>} : memref<40x128xf32, #tpu.memory_space<vmem>>, vector<16xf32>,
    %broadcast_in_dim3A_899 = arith.constant 0.000000e+00 : f32
    %broadcast_in_dim3A_900 = vector.broadcast %broadcast_in_dim3A_899 : f32 to vector<16xf32>
    %swap3A_901 = arith.constant 18 : i32
    %swap3A_902 = arith.index_cast %swap3A_901 : i32 to index
    %swap3A_903 = arith.constant 96 : index
    %swap3A_904 = tpu.vector_load %arg12[%swap3A_902, %swap3A_903] {strides = array<i32>} : memref<40x128xf32, #tpu.memory_space<vmem>>, vector<16xf32>,
    tpu.vector_store %arg12[%swap3A_902, %swap3A_903], %broadcast_in_dim3A_900 {strides = array<i32>} : memref<40x128xf32, #tpu.memory_space<vmem>>, vector<16xf32>,
    %broadcast_in_dim3A_905 = arith.constant 0.000000e+00 : f32
    %broadcast_in_dim3A_906 = vector.broadcast %broadcast_in_dim3A_905 : f32 to vector<16xf32>
    %swap3A_907 = arith.constant 18 : i32
    %swap3A_908 = arith.index_cast %swap3A_907 : i32 to index
    %swap3A_909 = arith.constant 112 : index
    %swap3A_910 = tpu.vector_load %arg12[%swap3A_908, %swap3A_909] {strides = array<i32>} : memref<40x128xf32, #tpu.memory_space<vmem>>, vector<16xf32>,
    tpu.vector_store %arg12[%swap3A_908, %swap3A_909], %broadcast_in_dim3A_906 {strides = array<i32>} : memref<40x128xf32, #tpu.memory_space<vmem>>, vector<16xf32>,
    %broadcast_in_dim3A_911 = arith.constant 0.000000e+00 : f32
    %broadcast_in_dim3A_912 = vector.broadcast %broadcast_in_dim3A_911 : f32 to vector<16xf32>
    %swap3A_913 = arith.constant 19 : i32
    %swap3A_914 = arith.index_cast %swap3A_913 : i32 to index
    %swap3A_915 = arith.constant 0 : index
    %swap3A_916 = tpu.vector_load %arg12[%swap3A_914, %swap3A_915] {strides = array<i32>} : memref<40x128xf32, #tpu.memory_space<vmem>>, vector<16xf32>,
    tpu.vector_store %arg12[%swap3A_914, %swap3A_915], %broadcast_in_dim3A_912 {strides = array<i32>} : memref<40x128xf32, #tpu.memory_space<vmem>>, vector<16xf32>,
    %broadcast_in_dim3A_917 = arith.constant 0.000000e+00 : f32
    %broadcast_in_dim3A_918 = vector.broadcast %broadcast_in_dim3A_917 : f32 to vector<16xf32>
    %swap3A_919 = arith.constant 19 : i32
    %swap3A_920 = arith.index_cast %swap3A_919 : i32 to index
    %swap3A_921 = arith.constant 16 : index
    %swap3A_922 = tpu.vector_load %arg12[%swap3A_920, %swap3A_921] {strides = array<i32>} : memref<40x128xf32, #tpu.memory_space<vmem>>, vector<16xf32>,
    tpu.vector_store %arg12[%swap3A_920, %swap3A_921], %broadcast_in_dim3A_918 {strides = array<i32>} : memref<40x128xf32, #tpu.memory_space<vmem>>, vector<16xf32>,
    %broadcast_in_dim3A_923 = arith.constant 0.000000e+00 : f32
    %broadcast_in_dim3A_924 = vector.broadcast %broadcast_in_dim3A_923 : f32 to vector<16xf32>
    %swap3A_925 = arith.constant 19 : i32
    %swap3A_926 = arith.index_cast %swap3A_925 : i32 to index
    %swap3A_927 = arith.constant 32 : index
    %swap3A_928 = tpu.vector_load %arg12[%swap3A_926, %swap3A_927] {strides = array<i32>} : memref<40x128xf32, #tpu.memory_space<vmem>>, vector<16xf32>,
    tpu.vector_store %arg12[%swap3A_926, %swap3A_927], %broadcast_in_dim3A_924 {strides = array<i32>} : memref<40x128xf32, #tpu.memory_space<vmem>>, vector<16xf32>,
    %broadcast_in_dim3A_929 = arith.constant 0.000000e+00 : f32
    %broadcast_in_dim3A_930 = vector.broadcast %broadcast_in_dim3A_929 : f32 to vector<16xf32>
    %swap3A_931 = arith.constant 19 : i32
    %swap3A_932 = arith.index_cast %swap3A_931 : i32 to index
    %swap3A_933 = arith.constant 48 : index
    %swap3A_934 = tpu.vector_load %arg12[%swap3A_932, %swap3A_933] {strides = array<i32>} : memref<40x128xf32, #tpu.memory_space<vmem>>, vector<16xf32>,
    tpu.vector_store %arg12[%swap3A_932, %swap3A_933], %broadcast_in_dim3A_930 {strides = array<i32>} : memref<40x128xf32, #tpu.memory_space<vmem>>, vector<16xf32>,
    %broadcast_in_dim3A_935 = arith.constant 0.000000e+00 : f32
    %broadcast_in_dim3A_936 = vector.broadcast %broadcast_in_dim3A_935 : f32 to vector<16xf32>
    %swap3A_937 = arith.constant 19 : i32
    %swap3A_938 = arith.index_cast %swap3A_937 : i32 to index
    %swap3A_939 = arith.constant 64 : index
    %swap3A_940 = tpu.vector_load %arg12[%swap3A_938, %swap3A_939] {strides = array<i32>} : memref<40x128xf32, #tpu.memory_space<vmem>>, vector<16xf32>,
    tpu.vector_store %arg12[%swap3A_938, %swap3A_939], %broadcast_in_dim3A_936 {strides = array<i32>} : memref<40x128xf32, #tpu.memory_space<vmem>>, vector<16xf32>,
    %broadcast_in_dim3A_941 = arith.constant 0.000000e+00 : f32
    %broadcast_in_dim3A_942 = vector.broadcast %broadcast_in_dim3A_941 : f32 to vector<16xf32>
    %swap3A_943 = arith.constant 19 : i32
    %swap3A_944 = arith.index_cast %swap3A_943 : i32 to index
    %swap3A_945 = arith.constant 80 : index
    %swap3A_946 = tpu.vector_load %arg12[%swap3A_944, %swap3A_945] {strides = array<i32>} : memref<40x128xf32, #tpu.memory_space<vmem>>, vector<16xf32>,
    tpu.vector_store %arg12[%swap3A_944, %swap3A_945], %broadcast_in_dim3A_942 {strides = array<i32>} : memref<40x128xf32, #tpu.memory_space<vmem>>, vector<16xf32>,
    %broadcast_in_dim3A_947 = arith.constant 0.000000e+00 : f32
    %broadcast_in_dim3A_948 = vector.broadcast %broadcast_in_dim3A_947 : f32 to vector<16xf32>
    %swap3A_949 = arith.constant 19 : i32
    %swap3A_950 = arith.index_cast %swap3A_949 : i32 to index
    %swap3A_951 = arith.constant 96 : index
    %swap3A_952 = tpu.vector_load %arg12[%swap3A_950, %swap3A_951] {strides = array<i32>} : memref<40x128xf32, #tpu.memory_space<vmem>>, vector<16xf32>,
    tpu.vector_store %arg12[%swap3A_950, %swap3A_951], %broadcast_in_dim3A_948 {strides = array<i32>} : memref<40x128xf32, #tpu.memory_space<vmem>>, vector<16xf32>,
    %broadcast_in_dim3A_953 = arith.constant 0.000000e+00 : f32
    %broadcast_in_dim3A_954 = vector.broadcast %broadcast_in_dim3A_953 : f32 to vector<16xf32>
    %swap3A_955 = arith.constant 19 : i32
    %swap3A_956 = arith.index_cast %swap3A_955 : i32 to index
    %swap3A_957 = arith.constant 112 : index
    %swap3A_958 = tpu.vector_load %arg12[%swap3A_956, %swap3A_957] {strides = array<i32>} : memref<40x128xf32, #tpu.memory_space<vmem>>, vector<16xf32>,
    tpu.vector_store %arg12[%swap3A_956, %swap3A_957], %broadcast_in_dim3A_954 {strides = array<i32>} : memref<40x128xf32, #tpu.memory_space<vmem>>, vector<16xf32>,
    %broadcast_in_dim3A_959 = arith.constant 0.000000e+00 : f32
    %broadcast_in_dim3A_960 = vector.broadcast %broadcast_in_dim3A_959 : f32 to vector<16xf32>
    %swap3A_961 = arith.constant 20 : i32
    %swap3A_962 = arith.index_cast %swap3A_961 : i32 to index
    %swap3A_963 = arith.constant 0 : index
    %swap3A_964 = tpu.vector_load %arg12[%swap3A_962, %swap3A_963] {strides = array<i32>} : memref<40x128xf32, #tpu.memory_space<vmem>>, vector<16xf32>,
    tpu.vector_store %arg12[%swap3A_962, %swap3A_963], %broadcast_in_dim3A_960 {strides = array<i32>} : memref<40x128xf32, #tpu.memory_space<vmem>>, vector<16xf32>,
    %broadcast_in_dim3A_965 = arith.constant 0.000000e+00 : f32
    %broadcast_in_dim3A_966 = vector.broadcast %broadcast_in_dim3A_965 : f32 to vector<16xf32>
    %swap3A_967 = arith.constant 20 : i32
    %swap3A_968 = arith.index_cast %swap3A_967 : i32 to index
    %swap3A_969 = arith.constant 16 : index
    %swap3A_970 = tpu.vector_load %arg12[%swap3A_968, %swap3A_969] {strides = array<i32>} : memref<40x128xf32, #tpu.memory_space<vmem>>, vector<16xf32>,
    tpu.vector_store %arg12[%swap3A_968, %swap3A_969], %broadcast_in_dim3A_966 {strides = array<i32>} : memref<40x128xf32, #tpu.memory_space<vmem>>, vector<16xf32>,
    %broadcast_in_dim3A_971 = arith.constant 0.000000e+00 : f32
    %broadcast_in_dim3A_972 = vector.broadcast %broadcast_in_dim3A_971 : f32 to vector<16xf32>
    %swap3A_973 = arith.constant 20 : i32
    %swap3A_974 = arith.index_cast %swap3A_973 : i32 to index
    %swap3A_975 = arith.constant 32 : index
    %swap3A_976 = tpu.vector_load %arg12[%swap3A_974, %swap3A_975] {strides = array<i32>} : memref<40x128xf32, #tpu.memory_space<vmem>>, vector<16xf32>,
    tpu.vector_store %arg12[%swap3A_974, %swap3A_975], %broadcast_in_dim3A_972 {strides = array<i32>} : memref<40x128xf32, #tpu.memory_space<vmem>>, vector<16xf32>,
    %broadcast_in_dim3A_977 = arith.constant 0.000000e+00 : f32
    %broadcast_in_dim3A_978 = vector.broadcast %broadcast_in_dim3A_977 : f32 to vector<16xf32>
    %swap3A_979 = arith.constant 20 : i32
    %swap3A_980 = arith.index_cast %swap3A_979 : i32 to index
    %swap3A_981 = arith.constant 48 : index
    %swap3A_982 = tpu.vector_load %arg12[%swap3A_980, %swap3A_981] {strides = array<i32>} : memref<40x128xf32, #tpu.memory_space<vmem>>, vector<16xf32>,
    tpu.vector_store %arg12[%swap3A_980, %swap3A_981], %broadcast_in_dim3A_978 {strides = array<i32>} : memref<40x128xf32, #tpu.memory_space<vmem>>, vector<16xf32>,
    %broadcast_in_dim3A_983 = arith.constant 0.000000e+00 : f32
    %broadcast_in_dim3A_984 = vector.broadcast %broadcast_in_dim3A_983 : f32 to vector<16xf32>
    %swap3A_985 = arith.constant 20 : i32
    %swap3A_986 = arith.index_cast %swap3A_985 : i32 to index
    %swap3A_987 = arith.constant 64 : index
    %swap3A_988 = tpu.vector_load %arg12[%swap3A_986, %swap3A_987] {strides = array<i32>} : memref<40x128xf32, #tpu.memory_space<vmem>>, vector<16xf32>,
    tpu.vector_store %arg12[%swap3A_986, %swap3A_987], %broadcast_in_dim3A_984 {strides = array<i32>} : memref<40x128xf32, #tpu.memory_space<vmem>>, vector<16xf32>,
    %broadcast_in_dim3A_989 = arith.constant 0.000000e+00 : f32
    %broadcast_in_dim3A_990 = vector.broadcast %broadcast_in_dim3A_989 : f32 to vector<16xf32>
    %swap3A_991 = arith.constant 20 : i32
    %swap3A_992 = arith.index_cast %swap3A_991 : i32 to index
    %swap3A_993 = arith.constant 80 : index
    %swap3A_994 = tpu.vector_load %arg12[%swap3A_992, %swap3A_993] {strides = array<i32>} : memref<40x128xf32, #tpu.memory_space<vmem>>, vector<16xf32>,
    tpu.vector_store %arg12[%swap3A_992, %swap3A_993], %broadcast_in_dim3A_990 {strides = array<i32>} : memref<40x128xf32, #tpu.memory_space<vmem>>, vector<16xf32>,
    %broadcast_in_dim3A_995 = arith.constant 0.000000e+00 : f32
    %broadcast_in_dim3A_996 = vector.broadcast %broadcast_in_dim3A_995 : f32 to vector<16xf32>
    %swap3A_997 = arith.constant 20 : i32
    %swap3A_998 = arith.index_cast %swap3A_997 : i32 to index
    %swap3A_999 = arith.constant 96 : index
    %swap3A_1000 = tpu.vector_load %arg12[%swap3A_998, %swap3A_999] {strides = array<i32>} : memref<40x128xf32, #tpu.memory_space<vmem>>, vector<16xf32>,
    tpu.vector_store %arg12[%swap3A_998, %swap3A_999], %broadcast_in_dim3A_996 {strides = array<i32>} : memref<40x128xf32, #tpu.memory_space<vmem>>, vector<16xf32>,
    %broadcast_in_dim3A_1001 = arith.constant 0.000000e+00 : f32
    %broadcast_in_dim3A_1002 = vector.broadcast %broadcast_in_dim3A_1001 : f32 to vector<16xf32>
    %swap3A_1003 = arith.constant 20 : i32
    %swap3A_1004 = arith.index_cast %swap3A_1003 : i32 to index
    %swap3A_1005 = arith.constant 112 : index
    %swap3A_1006 = tpu.vector_load %arg12[%swap3A_1004, %swap3A_1005] {strides = array<i32>} : memref<40x128xf32, #tpu.memory_space<vmem>>, vector<16xf32>,
    tpu.vector_store %arg12[%swap3A_1004, %swap3A_1005], %broadcast_in_dim3A_1002 {strides = array<i32>} : memref<40x128xf32, #tpu.memory_space<vmem>>, vector<16xf32>,
    %broadcast_in_dim3A_1007 = arith.constant 0.000000e+00 : f32
    %broadcast_in_dim3A_1008 = vector.broadcast %broadcast_in_dim3A_1007 : f32 to vector<16xf32>
    %swap3A_1009 = arith.constant 21 : i32
    %swap3A_1010 = arith.index_cast %swap3A_1009 : i32 to index
    %swap3A_1011 = arith.constant 0 : index
    %swap3A_1012 = tpu.vector_load %arg12[%swap3A_1010, %swap3A_1011] {strides = array<i32>} : memref<40x128xf32, #tpu.memory_space<vmem>>, vector<16xf32>,
    tpu.vector_store %arg12[%swap3A_1010, %swap3A_1011], %broadcast_in_dim3A_1008 {strides = array<i32>} : memref<40x128xf32, #tpu.memory_space<vmem>>, vector<16xf32>,
    %broadcast_in_dim3A_1013 = arith.constant 0.000000e+00 : f32
    %broadcast_in_dim3A_1014 = vector.broadcast %broadcast_in_dim3A_1013 : f32 to vector<16xf32>
    %swap3A_1015 = arith.constant 21 : i32
    %swap3A_1016 = arith.index_cast %swap3A_1015 : i32 to index
    %swap3A_1017 = arith.constant 16 : index
    %swap3A_1018 = tpu.vector_load %arg12[%swap3A_1016, %swap3A_1017] {strides = array<i32>} : memref<40x128xf32, #tpu.memory_space<vmem>>, vector<16xf32>,
    tpu.vector_store %arg12[%swap3A_1016, %swap3A_1017], %broadcast_in_dim3A_1014 {strides = array<i32>} : memref<40x128xf32, #tpu.memory_space<vmem>>, vector<16xf32>,
    %broadcast_in_dim3A_1019 = arith.constant 0.000000e+00 : f32
    %broadcast_in_dim3A_1020 = vector.broadcast %broadcast_in_dim3A_1019 : f32 to vector<16xf32>
    %swap3A_1021 = arith.constant 21 : i32
    %swap3A_1022 = arith.index_cast %swap3A_1021 : i32 to index
    %swap3A_1023 = arith.constant 32 : index
    %swap3A_1024 = tpu.vector_load %arg12[%swap3A_1022, %swap3A_1023] {strides = array<i32>} : memref<40x128xf32, #tpu.memory_space<vmem>>, vector<16xf32>,
    tpu.vector_store %arg12[%swap3A_1022, %swap3A_1023], %broadcast_in_dim3A_1020 {strides = array<i32>} : memref<40x128xf32, #tpu.memory_space<vmem>>, vector<16xf32>,
    %broadcast_in_dim3A_1025 = arith.constant 0.000000e+00 : f32
    %broadcast_in_dim3A_1026 = vector.broadcast %broadcast_in_dim3A_1025 : f32 to vector<16xf32>
    %swap3A_1027 = arith.constant 21 : i32
    %swap3A_1028 = arith.index_cast %swap3A_1027 : i32 to index
    %swap3A_1029 = arith.constant 48 : index
    %swap3A_1030 = tpu.vector_load %arg12[%swap3A_1028, %swap3A_1029] {strides = array<i32>} : memref<40x128xf32, #tpu.memory_space<vmem>>, vector<16xf32>,
    tpu.vector_store %arg12[%swap3A_1028, %swap3A_1029], %broadcast_in_dim3A_1026 {strides = array<i32>} : memref<40x128xf32, #tpu.memory_space<vmem>>, vector<16xf32>,
    %broadcast_in_dim3A_1031 = arith.constant 0.000000e+00 : f32
    %broadcast_in_dim3A_1032 = vector.broadcast %broadcast_in_dim3A_1031 : f32 to vector<16xf32>
    %swap3A_1033 = arith.constant 21 : i32
    %swap3A_1034 = arith.index_cast %swap3A_1033 : i32 to index
    %swap3A_1035 = arith.constant 64 : index
    %swap3A_1036 = tpu.vector_load %arg12[%swap3A_1034, %swap3A_1035] {strides = array<i32>} : memref<40x128xf32, #tpu.memory_space<vmem>>, vector<16xf32>,
    tpu.vector_store %arg12[%swap3A_1034, %swap3A_1035], %broadcast_in_dim3A_1032 {strides = array<i32>} : memref<40x128xf32, #tpu.memory_space<vmem>>, vector<16xf32>,
    %broadcast_in_dim3A_1037 = arith.constant 0.000000e+00 : f32
    %broadcast_in_dim3A_1038 = vector.broadcast %broadcast_in_dim3A_1037 : f32 to vector<16xf32>
    %swap3A_1039 = arith.constant 21 : i32
    %swap3A_1040 = arith.index_cast %swap3A_1039 : i32 to index
    %swap3A_1041 = arith.constant 80 : index
    %swap3A_1042 = tpu.vector_load %arg12[%swap3A_1040, %swap3A_1041] {strides = array<i32>} : memref<40x128xf32, #tpu.memory_space<vmem>>, vector<16xf32>,
    tpu.vector_store %arg12[%swap3A_1040, %swap3A_1041], %broadcast_in_dim3A_1038 {strides = array<i32>} : memref<40x128xf32, #tpu.memory_space<vmem>>, vector<16xf32>,
    %broadcast_in_dim3A_1043 = arith.constant 0.000000e+00 : f32
    %broadcast_in_dim3A_1044 = vector.broadcast %broadcast_in_dim3A_1043 : f32 to vector<16xf32>
    %swap3A_1045 = arith.constant 21 : i32
    %swap3A_1046 = arith.index_cast %swap3A_1045 : i32 to index
    %swap3A_1047 = arith.constant 96 : index
    %swap3A_1048 = tpu.vector_load %arg12[%swap3A_1046, %swap3A_1047] {strides = array<i32>} : memref<40x128xf32, #tpu.memory_space<vmem>>, vector<16xf32>,
    tpu.vector_store %arg12[%swap3A_1046, %swap3A_1047], %broadcast_in_dim3A_1044 {strides = array<i32>} : memref<40x128xf32, #tpu.memory_space<vmem>>, vector<16xf32>,
    %broadcast_in_dim3A_1049 = arith.constant 0.000000e+00 : f32
    %broadcast_in_dim3A_1050 = vector.broadcast %broadcast_in_dim3A_1049 : f32 to vector<16xf32>
    %swap3A_1051 = arith.constant 21 : i32
    %swap3A_1052 = arith.index_cast %swap3A_1051 : i32 to index
    %swap3A_1053 = arith.constant 112 : index
    %swap3A_1054 = tpu.vector_load %arg12[%swap3A_1052, %swap3A_1053] {strides = array<i32>} : memref<40x128xf32, #tpu.memory_space<vmem>>, vector<16xf32>,
    tpu.vector_store %arg12[%swap3A_1052, %swap3A_1053], %broadcast_in_dim3A_1050 {strides = array<i32>} : memref<40x128xf32, #tpu.memory_space<vmem>>, vector<16xf32>,
    %broadcast_in_dim3A_1055 = arith.constant 0.000000e+00 : f32
    %broadcast_in_dim3A_1056 = vector.broadcast %broadcast_in_dim3A_1055 : f32 to vector<16xf32>
    %swap3A_1057 = arith.constant 22 : i32
    %swap3A_1058 = arith.index_cast %swap3A_1057 : i32 to index
    %swap3A_1059 = arith.constant 0 : index
    %swap3A_1060 = tpu.vector_load %arg12[%swap3A_1058, %swap3A_1059] {strides = array<i32>} : memref<40x128xf32, #tpu.memory_space<vmem>>, vector<16xf32>,
    tpu.vector_store %arg12[%swap3A_1058, %swap3A_1059], %broadcast_in_dim3A_1056 {strides = array<i32>} : memref<40x128xf32, #tpu.memory_space<vmem>>, vector<16xf32>,
    %broadcast_in_dim3A_1061 = arith.constant 0.000000e+00 : f32
    %broadcast_in_dim3A_1062 = vector.broadcast %broadcast_in_dim3A_1061 : f32 to vector<16xf32>
    %swap3A_1063 = arith.constant 22 : i32
    %swap3A_1064 = arith.index_cast %swap3A_1063 : i32 to index
    %swap3A_1065 = arith.constant 16 : index
    %swap3A_1066 = tpu.vector_load %arg12[%swap3A_1064, %swap3A_1065] {strides = array<i32>} : memref<40x128xf32, #tpu.memory_space<vmem>>, vector<16xf32>,
    tpu.vector_store %arg12[%swap3A_1064, %swap3A_1065], %broadcast_in_dim3A_1062 {strides = array<i32>} : memref<40x128xf32, #tpu.memory_space<vmem>>, vector<16xf32>,
    %broadcast_in_dim3A_1067 = arith.constant 0.000000e+00 : f32
    %broadcast_in_dim3A_1068 = vector.broadcast %broadcast_in_dim3A_1067 : f32 to vector<16xf32>
    %swap3A_1069 = arith.constant 22 : i32
    %swap3A_1070 = arith.index_cast %swap3A_1069 : i32 to index
    %swap3A_1071 = arith.constant 32 : index
    %swap3A_1072 = tpu.vector_load %arg12[%swap3A_1070, %swap3A_1071] {strides = array<i32>} : memref<40x128xf32, #tpu.memory_space<vmem>>, vector<16xf32>,
    tpu.vector_store %arg12[%swap3A_1070, %swap3A_1071], %broadcast_in_dim3A_1068 {strides = array<i32>} : memref<40x128xf32, #tpu.memory_space<vmem>>, vector<16xf32>,
    %broadcast_in_dim3A_1073 = arith.constant 0.000000e+00 : f32
    %broadcast_in_dim3A_1074 = vector.broadcast %broadcast_in_dim3A_1073 : f32 to vector<16xf32>
    %swap3A_1075 = arith.constant 22 : i32
    %swap3A_1076 = arith.index_cast %swap3A_1075 : i32 to index
    %swap3A_1077 = arith.constant 48 : index
    %swap3A_1078 = tpu.vector_load %arg12[%swap3A_1076, %swap3A_1077] {strides = array<i32>} : memref<40x128xf32, #tpu.memory_space<vmem>>, vector<16xf32>,
    tpu.vector_store %arg12[%swap3A_1076, %swap3A_1077], %broadcast_in_dim3A_1074 {strides = array<i32>} : memref<40x128xf32, #tpu.memory_space<vmem>>, vector<16xf32>,
    %broadcast_in_dim3A_1079 = arith.constant 0.000000e+00 : f32
    %broadcast_in_dim3A_1080 = vector.broadcast %broadcast_in_dim3A_1079 : f32 to vector<16xf32>
    %swap3A_1081 = arith.constant 22 : i32
    %swap3A_1082 = arith.index_cast %swap3A_1081 : i32 to index
    %swap3A_1083 = arith.constant 64 : index
    %swap3A_1084 = tpu.vector_load %arg12[%swap3A_1082, %swap3A_1083] {strides = array<i32>} : memref<40x128xf32, #tpu.memory_space<vmem>>, vector<16xf32>,
    tpu.vector_store %arg12[%swap3A_1082, %swap3A_1083], %broadcast_in_dim3A_1080 {strides = array<i32>} : memref<40x128xf32, #tpu.memory_space<vmem>>, vector<16xf32>,
    %broadcast_in_dim3A_1085 = arith.constant 0.000000e+00 : f32
    %broadcast_in_dim3A_1086 = vector.broadcast %broadcast_in_dim3A_1085 : f32 to vector<16xf32>
    %swap3A_1087 = arith.constant 22 : i32
    %swap3A_1088 = arith.index_cast %swap3A_1087 : i32 to index
    %swap3A_1089 = arith.constant 80 : index
    %swap3A_1090 = tpu.vector_load %arg12[%swap3A_1088, %swap3A_1089] {strides = array<i32>} : memref<40x128xf32, #tpu.memory_space<vmem>>, vector<16xf32>,
    tpu.vector_store %arg12[%swap3A_1088, %swap3A_1089], %broadcast_in_dim3A_1086 {strides = array<i32>} : memref<40x128xf32, #tpu.memory_space<vmem>>, vector<16xf32>,
    %broadcast_in_dim3A_1091 = arith.constant 0.000000e+00 : f32
    %broadcast_in_dim3A_1092 = vector.broadcast %broadcast_in_dim3A_1091 : f32 to vector<16xf32>
    %swap3A_1093 = arith.constant 22 : i32
    %swap3A_1094 = arith.index_cast %swap3A_1093 : i32 to index
    %swap3A_1095 = arith.constant 96 : index
    %swap3A_1096 = tpu.vector_load %arg12[%swap3A_1094, %swap3A_1095] {strides = array<i32>} : memref<40x128xf32, #tpu.memory_space<vmem>>, vector<16xf32>,
    tpu.vector_store %arg12[%swap3A_1094, %swap3A_1095], %broadcast_in_dim3A_1092 {strides = array<i32>} : memref<40x128xf32, #tpu.memory_space<vmem>>, vector<16xf32>,
    %broadcast_in_dim3A_1097 = arith.constant 0.000000e+00 : f32
    %broadcast_in_dim3A_1098 = vector.broadcast %broadcast_in_dim3A_1097 : f32 to vector<16xf32>
    %swap3A_1099 = arith.constant 22 : i32
    %swap3A_1100 = arith.index_cast %swap3A_1099 : i32 to index
    %swap3A_1101 = arith.constant 112 : index
    %swap3A_1102 = tpu.vector_load %arg12[%swap3A_1100, %swap3A_1101] {strides = array<i32>} : memref<40x128xf32, #tpu.memory_space<vmem>>, vector<16xf32>,
    tpu.vector_store %arg12[%swap3A_1100, %swap3A_1101], %broadcast_in_dim3A_1098 {strides = array<i32>} : memref<40x128xf32, #tpu.memory_space<vmem>>, vector<16xf32>,
    %broadcast_in_dim3A_1103 = arith.constant 0.000000e+00 : f32
    %broadcast_in_dim3A_1104 = vector.broadcast %broadcast_in_dim3A_1103 : f32 to vector<16xf32>
    %swap3A_1105 = arith.constant 23 : i32
    %swap3A_1106 = arith.index_cast %swap3A_1105 : i32 to index
    %swap3A_1107 = arith.constant 0 : index
    %swap3A_1108 = tpu.vector_load %arg12[%swap3A_1106, %swap3A_1107] {strides = array<i32>} : memref<40x128xf32, #tpu.memory_space<vmem>>, vector<16xf32>,
    tpu.vector_store %arg12[%swap3A_1106, %swap3A_1107], %broadcast_in_dim3A_1104 {strides = array<i32>} : memref<40x128xf32, #tpu.memory_space<vmem>>, vector<16xf32>,
    %broadcast_in_dim3A_1109 = arith.constant 0.000000e+00 : f32
    %broadcast_in_dim3A_1110 = vector.broadcast %broadcast_in_dim3A_1109 : f32 to vector<16xf32>
    %swap3A_1111 = arith.constant 23 : i32
    %swap3A_1112 = arith.index_cast %swap3A_1111 : i32 to index
    %swap3A_1113 = arith.constant 16 : index
    %swap3A_1114 = tpu.vector_load %arg12[%swap3A_1112, %swap3A_1113] {strides = array<i32>} : memref<40x128xf32, #tpu.memory_space<vmem>>, vector<16xf32>,
    tpu.vector_store %arg12[%swap3A_1112, %swap3A_1113], %broadcast_in_dim3A_1110 {strides = array<i32>} : memref<40x128xf32, #tpu.memory_space<vmem>>, vector<16xf32>,
    %broadcast_in_dim3A_1115 = arith.constant 0.000000e+00 : f32
    %broadcast_in_dim3A_1116 = vector.broadcast %broadcast_in_dim3A_1115 : f32 to vector<16xf32>
    %swap3A_1117 = arith.constant 23 : i32
    %swap3A_1118 = arith.index_cast %swap3A_1117 : i32 to index
    %swap3A_1119 = arith.constant 32 : index
    %swap3A_1120 = tpu.vector_load %arg12[%swap3A_1118, %swap3A_1119] {strides = array<i32>} : memref<40x128xf32, #tpu.memory_space<vmem>>, vector<16xf32>,
    tpu.vector_store %arg12[%swap3A_1118, %swap3A_1119], %broadcast_in_dim3A_1116 {strides = array<i32>} : memref<40x128xf32, #tpu.memory_space<vmem>>, vector<16xf32>,
    %broadcast_in_dim3A_1121 = arith.constant 0.000000e+00 : f32
    %broadcast_in_dim3A_1122 = vector.broadcast %broadcast_in_dim3A_1121 : f32 to vector<16xf32>
    %swap3A_1123 = arith.constant 23 : i32
    %swap3A_1124 = arith.index_cast %swap3A_1123 : i32 to index
    %swap3A_1125 = arith.constant 48 : index
    %swap3A_1126 = tpu.vector_load %arg12[%swap3A_1124, %swap3A_1125] {strides = array<i32>} : memref<40x128xf32, #tpu.memory_space<vmem>>, vector<16xf32>,
    tpu.vector_store %arg12[%swap3A_1124, %swap3A_1125], %broadcast_in_dim3A_1122 {strides = array<i32>} : memref<40x128xf32, #tpu.memory_space<vmem>>, vector<16xf32>,
    %broadcast_in_dim3A_1127 = arith.constant 0.000000e+00 : f32
    %broadcast_in_dim3A_1128 = vector.broadcast %broadcast_in_dim3A_1127 : f32 to vector<16xf32>
    %swap3A_1129 = arith.constant 23 : i32
    %swap3A_1130 = arith.index_cast %swap3A_1129 : i32 to index
    %swap3A_1131 = arith.constant 64 : index
    %swap3A_1132 = tpu.vector_load %arg12[%swap3A_1130, %swap3A_1131] {strides = array<i32>} : memref<40x128xf32, #tpu.memory_space<vmem>>, vector<16xf32>,
    tpu.vector_store %arg12[%swap3A_1130, %swap3A_1131], %broadcast_in_dim3A_1128 {strides = array<i32>} : memref<40x128xf32, #tpu.memory_space<vmem>>, vector<16xf32>,
    %broadcast_in_dim3A_1133 = arith.constant 0.000000e+00 : f32
    %broadcast_in_dim3A_1134 = vector.broadcast %broadcast_in_dim3A_1133 : f32 to vector<16xf32>
    %swap3A_1135 = arith.constant 23 : i32
    %swap3A_1136 = arith.index_cast %swap3A_1135 : i32 to index
    %swap3A_1137 = arith.constant 80 : index
    %swap3A_1138 = tpu.vector_load %arg12[%swap3A_1136, %swap3A_1137] {strides = array<i32>} : memref<40x128xf32, #tpu.memory_space<vmem>>, vector<16xf32>,
    tpu.vector_store %arg12[%swap3A_1136, %swap3A_1137], %broadcast_in_dim3A_1134 {strides = array<i32>} : memref<40x128xf32, #tpu.memory_space<vmem>>, vector<16xf32>,
    %broadcast_in_dim3A_1139 = arith.constant 0.000000e+00 : f32
    %broadcast_in_dim3A_1140 = vector.broadcast %broadcast_in_dim3A_1139 : f32 to vector<16xf32>
    %swap3A_1141 = arith.constant 23 : i32
    %swap3A_1142 = arith.index_cast %swap3A_1141 : i32 to index
    %swap3A_1143 = arith.constant 96 : index
    %swap3A_1144 = tpu.vector_load %arg12[%swap3A_1142, %swap3A_1143] {strides = array<i32>} : memref<40x128xf32, #tpu.memory_space<vmem>>, vector<16xf32>,
    tpu.vector_store %arg12[%swap3A_1142, %swap3A_1143], %broadcast_in_dim3A_1140 {strides = array<i32>} : memref<40x128xf32, #tpu.memory_space<vmem>>, vector<16xf32>,
    %broadcast_in_dim3A_1145 = arith.constant 0.000000e+00 : f32
    %broadcast_in_dim3A_1146 = vector.broadcast %broadcast_in_dim3A_1145 : f32 to vector<16xf32>
    %swap3A_1147 = arith.constant 23 : i32
    %swap3A_1148 = arith.index_cast %swap3A_1147 : i32 to index
    %swap3A_1149 = arith.constant 112 : index
    %swap3A_1150 = tpu.vector_load %arg12[%swap3A_1148, %swap3A_1149] {strides = array<i32>} : memref<40x128xf32, #tpu.memory_space<vmem>>, vector<16xf32>,
    tpu.vector_store %arg12[%swap3A_1148, %swap3A_1149], %broadcast_in_dim3A_1146 {strides = array<i32>} : memref<40x128xf32, #tpu.memory_space<vmem>>, vector<16xf32>,
    %broadcast_in_dim3A_1151 = arith.constant 0.000000e+00 : f32
    %broadcast_in_dim3A_1152 = vector.broadcast %broadcast_in_dim3A_1151 : f32 to vector<16xf32>
    %swap3A_1153 = arith.constant 24 : i32
    %swap3A_1154 = arith.index_cast %swap3A_1153 : i32 to index
    %swap3A_1155 = arith.constant 0 : index
    %swap3A_1156 = tpu.vector_load %arg12[%swap3A_1154, %swap3A_1155] {strides = array<i32>} : memref<40x128xf32, #tpu.memory_space<vmem>>, vector<16xf32>,
    tpu.vector_store %arg12[%swap3A_1154, %swap3A_1155], %broadcast_in_dim3A_1152 {strides = array<i32>} : memref<40x128xf32, #tpu.memory_space<vmem>>, vector<16xf32>,
    %broadcast_in_dim3A_1157 = arith.constant 0.000000e+00 : f32
    %broadcast_in_dim3A_1158 = vector.broadcast %broadcast_in_dim3A_1157 : f32 to vector<16xf32>
    %swap3A_1159 = arith.constant 24 : i32
    %swap3A_1160 = arith.index_cast %swap3A_1159 : i32 to index
    %swap3A_1161 = arith.constant 16 : index
    %swap3A_1162 = tpu.vector_load %arg12[%swap3A_1160, %swap3A_1161] {strides = array<i32>} : memref<40x128xf32, #tpu.memory_space<vmem>>, vector<16xf32>,
    tpu.vector_store %arg12[%swap3A_1160, %swap3A_1161], %broadcast_in_dim3A_1158 {strides = array<i32>} : memref<40x128xf32, #tpu.memory_space<vmem>>, vector<16xf32>,
    %broadcast_in_dim3A_1163 = arith.constant 0.000000e+00 : f32
    %broadcast_in_dim3A_1164 = vector.broadcast %broadcast_in_dim3A_1163 : f32 to vector<16xf32>
    %swap3A_1165 = arith.constant 24 : i32
    %swap3A_1166 = arith.index_cast %swap3A_1165 : i32 to index
    %swap3A_1167 = arith.constant 32 : index
    %swap3A_1168 = tpu.vector_load %arg12[%swap3A_1166, %swap3A_1167] {strides = array<i32>} : memref<40x128xf32, #tpu.memory_space<vmem>>, vector<16xf32>,
    tpu.vector_store %arg12[%swap3A_1166, %swap3A_1167], %broadcast_in_dim3A_1164 {strides = array<i32>} : memref<40x128xf32, #tpu.memory_space<vmem>>, vector<16xf32>,
    %broadcast_in_dim3A_1169 = arith.constant 0.000000e+00 : f32
    %broadcast_in_dim3A_1170 = vector.broadcast %broadcast_in_dim3A_1169 : f32 to vector<16xf32>
    %swap3A_1171 = arith.constant 24 : i32
    %swap3A_1172 = arith.index_cast %swap3A_1171 : i32 to index
    %swap3A_1173 = arith.constant 48 : index
    %swap3A_1174 = tpu.vector_load %arg12[%swap3A_1172, %swap3A_1173] {strides = array<i32>} : memref<40x128xf32, #tpu.memory_space<vmem>>, vector<16xf32>,
    tpu.vector_store %arg12[%swap3A_1172, %swap3A_1173], %broadcast_in_dim3A_1170 {strides = array<i32>} : memref<40x128xf32, #tpu.memory_space<vmem>>, vector<16xf32>,
    %broadcast_in_dim3A_1175 = arith.constant 0.000000e+00 : f32
    %broadcast_in_dim3A_1176 = vector.broadcast %broadcast_in_dim3A_1175 : f32 to vector<16xf32>
    %swap3A_1177 = arith.constant 24 : i32
    %swap3A_1178 = arith.index_cast %swap3A_1177 : i32 to index
    %swap3A_1179 = arith.constant 64 : index
    %swap3A_1180 = tpu.vector_load %arg12[%swap3A_1178, %swap3A_1179] {strides = array<i32>} : memref<40x128xf32, #tpu.memory_space<vmem>>, vector<16xf32>,
    tpu.vector_store %arg12[%swap3A_1178, %swap3A_1179], %broadcast_in_dim3A_1176 {strides = array<i32>} : memref<40x128xf32, #tpu.memory_space<vmem>>, vector<16xf32>,
    %broadcast_in_dim3A_1181 = arith.constant 0.000000e+00 : f32
    %broadcast_in_dim3A_1182 = vector.broadcast %broadcast_in_dim3A_1181 : f32 to vector<16xf32>
    %swap3A_1183 = arith.constant 24 : i32
    %swap3A_1184 = arith.index_cast %swap3A_1183 : i32 to index
    %swap3A_1185 = arith.constant 80 : index
    %swap3A_1186 = tpu.vector_load %arg12[%swap3A_1184, %swap3A_1185] {strides = array<i32>} : memref<40x128xf32, #tpu.memory_space<vmem>>, vector<16xf32>,
    tpu.vector_store %arg12[%swap3A_1184, %swap3A_1185], %broadcast_in_dim3A_1182 {strides = array<i32>} : memref<40x128xf32, #tpu.memory_space<vmem>>, vector<16xf32>,
    %broadcast_in_dim3A_1187 = arith.constant 0.000000e+00 : f32
    %broadcast_in_dim3A_1188 = vector.broadcast %broadcast_in_dim3A_1187 : f32 to vector<16xf32>
    %swap3A_1189 = arith.constant 24 : i32
    %swap3A_1190 = arith.index_cast %swap3A_1189 : i32 to index
    %swap3A_1191 = arith.constant 96 : index
    %swap3A_1192 = tpu.vector_load %arg12[%swap3A_1190, %swap3A_1191] {strides = array<i32>} : memref<40x128xf32, #tpu.memory_space<vmem>>, vector<16xf32>,
    tpu.vector_store %arg12[%swap3A_1190, %swap3A_1191], %broadcast_in_dim3A_1188 {strides = array<i32>} : memref<40x128xf32, #tpu.memory_space<vmem>>, vector<16xf32>,
    %broadcast_in_dim3A_1193 = arith.constant 0.000000e+00 : f32
    %broadcast_in_dim3A_1194 = vector.broadcast %broadcast_in_dim3A_1193 : f32 to vector<16xf32>
    %swap3A_1195 = arith.constant 24 : i32
    %swap3A_1196 = arith.index_cast %swap3A_1195 : i32 to index
    %swap3A_1197 = arith.constant 112 : index
    %swap3A_1198 = tpu.vector_load %arg12[%swap3A_1196, %swap3A_1197] {strides = array<i32>} : memref<40x128xf32, #tpu.memory_space<vmem>>, vector<16xf32>,
    tpu.vector_store %arg12[%swap3A_1196, %swap3A_1197], %broadcast_in_dim3A_1194 {strides = array<i32>} : memref<40x128xf32, #tpu.memory_space<vmem>>, vector<16xf32>,
    %broadcast_in_dim3A_1199 = arith.constant 0.000000e+00 : f32
    %broadcast_in_dim3A_1200 = vector.broadcast %broadcast_in_dim3A_1199 : f32 to vector<16xf32>
    %swap3A_1201 = arith.constant 25 : i32
    %swap3A_1202 = arith.index_cast %swap3A_1201 : i32 to index
    %swap3A_1203 = arith.constant 0 : index
    %swap3A_1204 = tpu.vector_load %arg12[%swap3A_1202, %swap3A_1203] {strides = array<i32>} : memref<40x128xf32, #tpu.memory_space<vmem>>, vector<16xf32>,
    tpu.vector_store %arg12[%swap3A_1202, %swap3A_1203], %broadcast_in_dim3A_1200 {strides = array<i32>} : memref<40x128xf32, #tpu.memory_space<vmem>>, vector<16xf32>,
    %broadcast_in_dim3A_1205 = arith.constant 0.000000e+00 : f32
    %broadcast_in_dim3A_1206 = vector.broadcast %broadcast_in_dim3A_1205 : f32 to vector<16xf32>
    %swap3A_1207 = arith.constant 25 : i32
    %swap3A_1208 = arith.index_cast %swap3A_1207 : i32 to index
    %swap3A_1209 = arith.constant 16 : index
    %swap3A_1210 = tpu.vector_load %arg12[%swap3A_1208, %swap3A_1209] {strides = array<i32>} : memref<40x128xf32, #tpu.memory_space<vmem>>, vector<16xf32>,
    tpu.vector_store %arg12[%swap3A_1208, %swap3A_1209], %broadcast_in_dim3A_1206 {strides = array<i32>} : memref<40x128xf32, #tpu.memory_space<vmem>>, vector<16xf32>,
    %broadcast_in_dim3A_1211 = arith.constant 0.000000e+00 : f32
    %broadcast_in_dim3A_1212 = vector.broadcast %broadcast_in_dim3A_1211 : f32 to vector<16xf32>
    %swap3A_1213 = arith.constant 25 : i32
    %swap3A_1214 = arith.index_cast %swap3A_1213 : i32 to index
    %swap3A_1215 = arith.constant 32 : index
    %swap3A_1216 = tpu.vector_load %arg12[%swap3A_1214, %swap3A_1215] {strides = array<i32>} : memref<40x128xf32, #tpu.memory_space<vmem>>, vector<16xf32>,
    tpu.vector_store %arg12[%swap3A_1214, %swap3A_1215], %broadcast_in_dim3A_1212 {strides = array<i32>} : memref<40x128xf32, #tpu.memory_space<vmem>>, vector<16xf32>,
    %broadcast_in_dim3A_1217 = arith.constant 0.000000e+00 : f32
    %broadcast_in_dim3A_1218 = vector.broadcast %broadcast_in_dim3A_1217 : f32 to vector<16xf32>
    %swap3A_1219 = arith.constant 25 : i32
    %swap3A_1220 = arith.index_cast %swap3A_1219 : i32 to index
    %swap3A_1221 = arith.constant 48 : index
    %swap3A_1222 = tpu.vector_load %arg12[%swap3A_1220, %swap3A_1221] {strides = array<i32>} : memref<40x128xf32, #tpu.memory_space<vmem>>, vector<16xf32>,
    tpu.vector_store %arg12[%swap3A_1220, %swap3A_1221], %broadcast_in_dim3A_1218 {strides = array<i32>} : memref<40x128xf32, #tpu.memory_space<vmem>>, vector<16xf32>,
    %broadcast_in_dim3A_1223 = arith.constant 0.000000e+00 : f32
    %broadcast_in_dim3A_1224 = vector.broadcast %broadcast_in_dim3A_1223 : f32 to vector<16xf32>
    %swap3A_1225 = arith.constant 25 : i32
    %swap3A_1226 = arith.index_cast %swap3A_1225 : i32 to index
    %swap3A_1227 = arith.constant 64 : index
    %swap3A_1228 = tpu.vector_load %arg12[%swap3A_1226, %swap3A_1227] {strides = array<i32>} : memref<40x128xf32, #tpu.memory_space<vmem>>, vector<16xf32>,
    tpu.vector_store %arg12[%swap3A_1226, %swap3A_1227], %broadcast_in_dim3A_1224 {strides = array<i32>} : memref<40x128xf32, #tpu.memory_space<vmem>>, vector<16xf32>,
    %broadcast_in_dim3A_1229 = arith.constant 0.000000e+00 : f32
    %broadcast_in_dim3A_1230 = vector.broadcast %broadcast_in_dim3A_1229 : f32 to vector<16xf32>
    %swap3A_1231 = arith.constant 25 : i32
    %swap3A_1232 = arith.index_cast %swap3A_1231 : i32 to index
    %swap3A_1233 = arith.constant 80 : index
    %swap3A_1234 = tpu.vector_load %arg12[%swap3A_1232, %swap3A_1233] {strides = array<i32>} : memref<40x128xf32, #tpu.memory_space<vmem>>, vector<16xf32>,
    tpu.vector_store %arg12[%swap3A_1232, %swap3A_1233], %broadcast_in_dim3A_1230 {strides = array<i32>} : memref<40x128xf32, #tpu.memory_space<vmem>>, vector<16xf32>,
    %broadcast_in_dim3A_1235 = arith.constant 0.000000e+00 : f32
    %broadcast_in_dim3A_1236 = vector.broadcast %broadcast_in_dim3A_1235 : f32 to vector<16xf32>
    %swap3A_1237 = arith.constant 25 : i32
    %swap3A_1238 = arith.index_cast %swap3A_1237 : i32 to index
    %swap3A_1239 = arith.constant 96 : index
    %swap3A_1240 = tpu.vector_load %arg12[%swap3A_1238, %swap3A_1239] {strides = array<i32>} : memref<40x128xf32, #tpu.memory_space<vmem>>, vector<16xf32>,
    tpu.vector_store %arg12[%swap3A_1238, %swap3A_1239], %broadcast_in_dim3A_1236 {strides = array<i32>} : memref<40x128xf32, #tpu.memory_space<vmem>>, vector<16xf32>,
    %broadcast_in_dim3A_1241 = arith.constant 0.000000e+00 : f32
    %broadcast_in_dim3A_1242 = vector.broadcast %broadcast_in_dim3A_1241 : f32 to vector<16xf32>
    %swap3A_1243 = arith.constant 25 : i32
    %swap3A_1244 = arith.index_cast %swap3A_1243 : i32 to index
    %swap3A_1245 = arith.constant 112 : index
    %swap3A_1246 = tpu.vector_load %arg12[%swap3A_1244, %swap3A_1245] {strides = array<i32>} : memref<40x128xf32, #tpu.memory_space<vmem>>, vector<16xf32>,
    tpu.vector_store %arg12[%swap3A_1244, %swap3A_1245], %broadcast_in_dim3A_1242 {strides = array<i32>} : memref<40x128xf32, #tpu.memory_space<vmem>>, vector<16xf32>,
    %broadcast_in_dim3A_1247 = arith.constant 0.000000e+00 : f32
    %broadcast_in_dim3A_1248 = vector.broadcast %broadcast_in_dim3A_1247 : f32 to vector<16xf32>
    %swap3A_1249 = arith.constant 26 : i32
    %swap3A_1250 = arith.index_cast %swap3A_1249 : i32 to index
    %swap3A_1251 = arith.constant 0 : index
    %swap3A_1252 = tpu.vector_load %arg12[%swap3A_1250, %swap3A_1251] {strides = array<i32>} : memref<40x128xf32, #tpu.memory_space<vmem>>, vector<16xf32>,
    tpu.vector_store %arg12[%swap3A_1250, %swap3A_1251], %broadcast_in_dim3A_1248 {strides = array<i32>} : memref<40x128xf32, #tpu.memory_space<vmem>>, vector<16xf32>,
    %broadcast_in_dim3A_1253 = arith.constant 0.000000e+00 : f32
    %broadcast_in_dim3A_1254 = vector.broadcast %broadcast_in_dim3A_1253 : f32 to vector<16xf32>
    %swap3A_1255 = arith.constant 26 : i32
    %swap3A_1256 = arith.index_cast %swap3A_1255 : i32 to index
    %swap3A_1257 = arith.constant 16 : index
    %swap3A_1258 = tpu.vector_load %arg12[%swap3A_1256, %swap3A_1257] {strides = array<i32>} : memref<40x128xf32, #tpu.memory_space<vmem>>, vector<16xf32>,
    tpu.vector_store %arg12[%swap3A_1256, %swap3A_1257], %broadcast_in_dim3A_1254 {strides = array<i32>} : memref<40x128xf32, #tpu.memory_space<vmem>>, vector<16xf32>,
    %broadcast_in_dim3A_1259 = arith.constant 0.000000e+00 : f32
    %broadcast_in_dim3A_1260 = vector.broadcast %broadcast_in_dim3A_1259 : f32 to vector<16xf32>
    %swap3A_1261 = arith.constant 26 : i32
    %swap3A_1262 = arith.index_cast %swap3A_1261 : i32 to index
    %swap3A_1263 = arith.constant 32 : index
    %swap3A_1264 = tpu.vector_load %arg12[%swap3A_1262, %swap3A_1263] {strides = array<i32>} : memref<40x128xf32, #tpu.memory_space<vmem>>, vector<16xf32>,
    tpu.vector_store %arg12[%swap3A_1262, %swap3A_1263], %broadcast_in_dim3A_1260 {strides = array<i32>} : memref<40x128xf32, #tpu.memory_space<vmem>>, vector<16xf32>,
    %broadcast_in_dim3A_1265 = arith.constant 0.000000e+00 : f32
    %broadcast_in_dim3A_1266 = vector.broadcast %broadcast_in_dim3A_1265 : f32 to vector<16xf32>
    %swap3A_1267 = arith.constant 26 : i32
    %swap3A_1268 = arith.index_cast %swap3A_1267 : i32 to index
    %swap3A_1269 = arith.constant 48 : index
    %swap3A_1270 = tpu.vector_load %arg12[%swap3A_1268, %swap3A_1269] {strides = array<i32>} : memref<40x128xf32, #tpu.memory_space<vmem>>, vector<16xf32>,
    tpu.vector_store %arg12[%swap3A_1268, %swap3A_1269], %broadcast_in_dim3A_1266 {strides = array<i32>} : memref<40x128xf32, #tpu.memory_space<vmem>>, vector<16xf32>,
    %broadcast_in_dim3A_1271 = arith.constant 0.000000e+00 : f32
    %broadcast_in_dim3A_1272 = vector.broadcast %broadcast_in_dim3A_1271 : f32 to vector<16xf32>
    %swap3A_1273 = arith.constant 26 : i32
    %swap3A_1274 = arith.index_cast %swap3A_1273 : i32 to index
    %swap3A_1275 = arith.constant 64 : index
    %swap3A_1276 = tpu.vector_load %arg12[%swap3A_1274, %swap3A_1275] {strides = array<i32>} : memref<40x128xf32, #tpu.memory_space<vmem>>, vector<16xf32>,
    tpu.vector_store %arg12[%swap3A_1274, %swap3A_1275], %broadcast_in_dim3A_1272 {strides = array<i32>} : memref<40x128xf32, #tpu.memory_space<vmem>>, vector<16xf32>,
    %broadcast_in_dim3A_1277 = arith.constant 0.000000e+00 : f32
    %broadcast_in_dim3A_1278 = vector.broadcast %broadcast_in_dim3A_1277 : f32 to vector<16xf32>
    %swap3A_1279 = arith.constant 26 : i32
    %swap3A_1280 = arith.index_cast %swap3A_1279 : i32 to index
    %swap3A_1281 = arith.constant 80 : index
    %swap3A_1282 = tpu.vector_load %arg12[%swap3A_1280, %swap3A_1281] {strides = array<i32>} : memref<40x128xf32, #tpu.memory_space<vmem>>, vector<16xf32>,
    tpu.vector_store %arg12[%swap3A_1280, %swap3A_1281], %broadcast_in_dim3A_1278 {strides = array<i32>} : memref<40x128xf32, #tpu.memory_space<vmem>>, vector<16xf32>,
    %broadcast_in_dim3A_1283 = arith.constant 0.000000e+00 : f32
    %broadcast_in_dim3A_1284 = vector.broadcast %broadcast_in_dim3A_1283 : f32 to vector<16xf32>
    %swap3A_1285 = arith.constant 26 : i32
    %swap3A_1286 = arith.index_cast %swap3A_1285 : i32 to index
    %swap3A_1287 = arith.constant 96 : index
    %swap3A_1288 = tpu.vector_load %arg12[%swap3A_1286, %swap3A_1287] {strides = array<i32>} : memref<40x128xf32, #tpu.memory_space<vmem>>, vector<16xf32>,
    tpu.vector_store %arg12[%swap3A_1286, %swap3A_1287], %broadcast_in_dim3A_1284 {strides = array<i32>} : memref<40x128xf32, #tpu.memory_space<vmem>>, vector<16xf32>,
    %broadcast_in_dim3A_1289 = arith.constant 0.000000e+00 : f32
    %broadcast_in_dim3A_1290 = vector.broadcast %broadcast_in_dim3A_1289 : f32 to vector<16xf32>
    %swap3A_1291 = arith.constant 26 : i32
    %swap3A_1292 = arith.index_cast %swap3A_1291 : i32 to index
    %swap3A_1293 = arith.constant 112 : index
    %swap3A_1294 = tpu.vector_load %arg12[%swap3A_1292, %swap3A_1293] {strides = array<i32>} : memref<40x128xf32, #tpu.memory_space<vmem>>, vector<16xf32>,
    tpu.vector_store %arg12[%swap3A_1292, %swap3A_1293], %broadcast_in_dim3A_1290 {strides = array<i32>} : memref<40x128xf32, #tpu.memory_space<vmem>>, vector<16xf32>,
    %broadcast_in_dim3A_1295 = arith.constant 0.000000e+00 : f32
    %broadcast_in_dim3A_1296 = vector.broadcast %broadcast_in_dim3A_1295 : f32 to vector<16xf32>
    %swap3A_1297 = arith.constant 27 : i32
    %swap3A_1298 = arith.index_cast %swap3A_1297 : i32 to index
    %swap3A_1299 = arith.constant 0 : index
    %swap3A_1300 = tpu.vector_load %arg12[%swap3A_1298, %swap3A_1299] {strides = array<i32>} : memref<40x128xf32, #tpu.memory_space<vmem>>, vector<16xf32>,
    tpu.vector_store %arg12[%swap3A_1298, %swap3A_1299], %broadcast_in_dim3A_1296 {strides = array<i32>} : memref<40x128xf32, #tpu.memory_space<vmem>>, vector<16xf32>,
    %broadcast_in_dim3A_1301 = arith.constant 0.000000e+00 : f32
    %broadcast_in_dim3A_1302 = vector.broadcast %broadcast_in_dim3A_1301 : f32 to vector<16xf32>
    %swap3A_1303 = arith.constant 27 : i32
    %swap3A_1304 = arith.index_cast %swap3A_1303 : i32 to index
    %swap3A_1305 = arith.constant 16 : index
    %swap3A_1306 = tpu.vector_load %arg12[%swap3A_1304, %swap3A_1305] {strides = array<i32>} : memref<40x128xf32, #tpu.memory_space<vmem>>, vector<16xf32>,
    tpu.vector_store %arg12[%swap3A_1304, %swap3A_1305], %broadcast_in_dim3A_1302 {strides = array<i32>} : memref<40x128xf32, #tpu.memory_space<vmem>>, vector<16xf32>,
    %broadcast_in_dim3A_1307 = arith.constant 0.000000e+00 : f32
    %broadcast_in_dim3A_1308 = vector.broadcast %broadcast_in_dim3A_1307 : f32 to vector<16xf32>
    %swap3A_1309 = arith.constant 27 : i32
    %swap3A_1310 = arith.index_cast %swap3A_1309 : i32 to index
    %swap3A_1311 = arith.constant 32 : index
    %swap3A_1312 = tpu.vector_load %arg12[%swap3A_1310, %swap3A_1311] {strides = array<i32>} : memref<40x128xf32, #tpu.memory_space<vmem>>, vector<16xf32>,
    tpu.vector_store %arg12[%swap3A_1310, %swap3A_1311], %broadcast_in_dim3A_1308 {strides = array<i32>} : memref<40x128xf32, #tpu.memory_space<vmem>>, vector<16xf32>,
    %broadcast_in_dim3A_1313 = arith.constant 0.000000e+00 : f32
    %broadcast_in_dim3A_1314 = vector.broadcast %broadcast_in_dim3A_1313 : f32 to vector<16xf32>
    %swap3A_1315 = arith.constant 27 : i32
    %swap3A_1316 = arith.index_cast %swap3A_1315 : i32 to index
    %swap3A_1317 = arith.constant 48 : index
    %swap3A_1318 = tpu.vector_load %arg12[%swap3A_1316, %swap3A_1317] {strides = array<i32>} : memref<40x128xf32, #tpu.memory_space<vmem>>, vector<16xf32>,
    tpu.vector_store %arg12[%swap3A_1316, %swap3A_1317], %broadcast_in_dim3A_1314 {strides = array<i32>} : memref<40x128xf32, #tpu.memory_space<vmem>>, vector<16xf32>,
    %broadcast_in_dim3A_1319 = arith.constant 0.000000e+00 : f32
    %broadcast_in_dim3A_1320 = vector.broadcast %broadcast_in_dim3A_1319 : f32 to vector<16xf32>
    %swap3A_1321 = arith.constant 27 : i32
    %swap3A_1322 = arith.index_cast %swap3A_1321 : i32 to index
    %swap3A_1323 = arith.constant 64 : index
    %swap3A_1324 = tpu.vector_load %arg12[%swap3A_1322, %swap3A_1323] {strides = array<i32>} : memref<40x128xf32, #tpu.memory_space<vmem>>, vector<16xf32>,
    tpu.vector_store %arg12[%swap3A_1322, %swap3A_1323], %broadcast_in_dim3A_1320 {strides = array<i32>} : memref<40x128xf32, #tpu.memory_space<vmem>>, vector<16xf32>,
    %broadcast_in_dim3A_1325 = arith.constant 0.000000e+00 : f32
    %broadcast_in_dim3A_1326 = vector.broadcast %broadcast_in_dim3A_1325 : f32 to vector<16xf32>
    %swap3A_1327 = arith.constant 27 : i32
    %swap3A_1328 = arith.index_cast %swap3A_1327 : i32 to index
    %swap3A_1329 = arith.constant 80 : index
    %swap3A_1330 = tpu.vector_load %arg12[%swap3A_1328, %swap3A_1329] {strides = array<i32>} : memref<40x128xf32, #tpu.memory_space<vmem>>, vector<16xf32>,
    tpu.vector_store %arg12[%swap3A_1328, %swap3A_1329], %broadcast_in_dim3A_1326 {strides = array<i32>} : memref<40x128xf32, #tpu.memory_space<vmem>>, vector<16xf32>,
    %broadcast_in_dim3A_1331 = arith.constant 0.000000e+00 : f32
    %broadcast_in_dim3A_1332 = vector.broadcast %broadcast_in_dim3A_1331 : f32 to vector<16xf32>
    %swap3A_1333 = arith.constant 27 : i32
    %swap3A_1334 = arith.index_cast %swap3A_1333 : i32 to index
    %swap3A_1335 = arith.constant 96 : index
    %swap3A_1336 = tpu.vector_load %arg12[%swap3A_1334, %swap3A_1335] {strides = array<i32>} : memref<40x128xf32, #tpu.memory_space<vmem>>, vector<16xf32>,
    tpu.vector_store %arg12[%swap3A_1334, %swap3A_1335], %broadcast_in_dim3A_1332 {strides = array<i32>} : memref<40x128xf32, #tpu.memory_space<vmem>>, vector<16xf32>,
    %broadcast_in_dim3A_1337 = arith.constant 0.000000e+00 : f32
    %broadcast_in_dim3A_1338 = vector.broadcast %broadcast_in_dim3A_1337 : f32 to vector<16xf32>
    %swap3A_1339 = arith.constant 27 : i32
    %swap3A_1340 = arith.index_cast %swap3A_1339 : i32 to index
    %swap3A_1341 = arith.constant 112 : index
    %swap3A_1342 = tpu.vector_load %arg12[%swap3A_1340, %swap3A_1341] {strides = array<i32>} : memref<40x128xf32, #tpu.memory_space<vmem>>, vector<16xf32>,
    tpu.vector_store %arg12[%swap3A_1340, %swap3A_1341], %broadcast_in_dim3A_1338 {strides = array<i32>} : memref<40x128xf32, #tpu.memory_space<vmem>>, vector<16xf32>,
    %broadcast_in_dim3A_1343 = arith.constant 0.000000e+00 : f32
    %broadcast_in_dim3A_1344 = vector.broadcast %broadcast_in_dim3A_1343 : f32 to vector<16xf32>
    %swap3A_1345 = arith.constant 28 : i32
    %swap3A_1346 = arith.index_cast %swap3A_1345 : i32 to index
    %swap3A_1347 = arith.constant 0 : index
    %swap3A_1348 = tpu.vector_load %arg12[%swap3A_1346, %swap3A_1347] {strides = array<i32>} : memref<40x128xf32, #tpu.memory_space<vmem>>, vector<16xf32>,
    tpu.vector_store %arg12[%swap3A_1346, %swap3A_1347], %broadcast_in_dim3A_1344 {strides = array<i32>} : memref<40x128xf32, #tpu.memory_space<vmem>>, vector<16xf32>,
    %broadcast_in_dim3A_1349 = arith.constant 0.000000e+00 : f32
    %broadcast_in_dim3A_1350 = vector.broadcast %broadcast_in_dim3A_1349 : f32 to vector<16xf32>
    %swap3A_1351 = arith.constant 28 : i32
    %swap3A_1352 = arith.index_cast %swap3A_1351 : i32 to index
    %swap3A_1353 = arith.constant 16 : index
    %swap3A_1354 = tpu.vector_load %arg12[%swap3A_1352, %swap3A_1353] {strides = array<i32>} : memref<40x128xf32, #tpu.memory_space<vmem>>, vector<16xf32>,
    tpu.vector_store %arg12[%swap3A_1352, %swap3A_1353], %broadcast_in_dim3A_1350 {strides = array<i32>} : memref<40x128xf32, #tpu.memory_space<vmem>>, vector<16xf32>,
    %broadcast_in_dim3A_1355 = arith.constant 0.000000e+00 : f32
    %broadcast_in_dim3A_1356 = vector.broadcast %broadcast_in_dim3A_1355 : f32 to vector<16xf32>
    %swap3A_1357 = arith.constant 28 : i32
    %swap3A_1358 = arith.index_cast %swap3A_1357 : i32 to index
    %swap3A_1359 = arith.constant 32 : index
    %swap3A_1360 = tpu.vector_load %arg12[%swap3A_1358, %swap3A_1359] {strides = array<i32>} : memref<40x128xf32, #tpu.memory_space<vmem>>, vector<16xf32>,
    tpu.vector_store %arg12[%swap3A_1358, %swap3A_1359], %broadcast_in_dim3A_1356 {strides = array<i32>} : memref<40x128xf32, #tpu.memory_space<vmem>>, vector<16xf32>,
    %broadcast_in_dim3A_1361 = arith.constant 0.000000e+00 : f32
    %broadcast_in_dim3A_1362 = vector.broadcast %broadcast_in_dim3A_1361 : f32 to vector<16xf32>
    %swap3A_1363 = arith.constant 28 : i32
    %swap3A_1364 = arith.index_cast %swap3A_1363 : i32 to index
    %swap3A_1365 = arith.constant 48 : index
    %swap3A_1366 = tpu.vector_load %arg12[%swap3A_1364, %swap3A_1365] {strides = array<i32>} : memref<40x128xf32, #tpu.memory_space<vmem>>, vector<16xf32>,
    tpu.vector_store %arg12[%swap3A_1364, %swap3A_1365], %broadcast_in_dim3A_1362 {strides = array<i32>} : memref<40x128xf32, #tpu.memory_space<vmem>>, vector<16xf32>,
    %broadcast_in_dim3A_1367 = arith.constant 0.000000e+00 : f32
    %broadcast_in_dim3A_1368 = vector.broadcast %broadcast_in_dim3A_1367 : f32 to vector<16xf32>
    %swap3A_1369 = arith.constant 28 : i32
    %swap3A_1370 = arith.index_cast %swap3A_1369 : i32 to index
    %swap3A_1371 = arith.constant 64 : index
    %swap3A_1372 = tpu.vector_load %arg12[%swap3A_1370, %swap3A_1371] {strides = array<i32>} : memref<40x128xf32, #tpu.memory_space<vmem>>, vector<16xf32>,
    tpu.vector_store %arg12[%swap3A_1370, %swap3A_1371], %broadcast_in_dim3A_1368 {strides = array<i32>} : memref<40x128xf32, #tpu.memory_space<vmem>>, vector<16xf32>,
    %broadcast_in_dim3A_1373 = arith.constant 0.000000e+00 : f32
    %broadcast_in_dim3A_1374 = vector.broadcast %broadcast_in_dim3A_1373 : f32 to vector<16xf32>
    %swap3A_1375 = arith.constant 28 : i32
    %swap3A_1376 = arith.index_cast %swap3A_1375 : i32 to index
    %swap3A_1377 = arith.constant 80 : index
    %swap3A_1378 = tpu.vector_load %arg12[%swap3A_1376, %swap3A_1377] {strides = array<i32>} : memref<40x128xf32, #tpu.memory_space<vmem>>, vector<16xf32>,
    tpu.vector_store %arg12[%swap3A_1376, %swap3A_1377], %broadcast_in_dim3A_1374 {strides = array<i32>} : memref<40x128xf32, #tpu.memory_space<vmem>>, vector<16xf32>,
    %broadcast_in_dim3A_1379 = arith.constant 0.000000e+00 : f32
    %broadcast_in_dim3A_1380 = vector.broadcast %broadcast_in_dim3A_1379 : f32 to vector<16xf32>
    %swap3A_1381 = arith.constant 28 : i32
    %swap3A_1382 = arith.index_cast %swap3A_1381 : i32 to index
    %swap3A_1383 = arith.constant 96 : index
    %swap3A_1384 = tpu.vector_load %arg12[%swap3A_1382, %swap3A_1383] {strides = array<i32>} : memref<40x128xf32, #tpu.memory_space<vmem>>, vector<16xf32>,
    tpu.vector_store %arg12[%swap3A_1382, %swap3A_1383], %broadcast_in_dim3A_1380 {strides = array<i32>} : memref<40x128xf32, #tpu.memory_space<vmem>>, vector<16xf32>,
    %broadcast_in_dim3A_1385 = arith.constant 0.000000e+00 : f32
    %broadcast_in_dim3A_1386 = vector.broadcast %broadcast_in_dim3A_1385 : f32 to vector<16xf32>
    %swap3A_1387 = arith.constant 28 : i32
    %swap3A_1388 = arith.index_cast %swap3A_1387 : i32 to index
    %swap3A_1389 = arith.constant 112 : index
    %swap3A_1390 = tpu.vector_load %arg12[%swap3A_1388, %swap3A_1389] {strides = array<i32>} : memref<40x128xf32, #tpu.memory_space<vmem>>, vector<16xf32>,
    tpu.vector_store %arg12[%swap3A_1388, %swap3A_1389], %broadcast_in_dim3A_1386 {strides = array<i32>} : memref<40x128xf32, #tpu.memory_space<vmem>>, vector<16xf32>,
    %broadcast_in_dim3A_1391 = arith.constant 0.000000e+00 : f32
    %broadcast_in_dim3A_1392 = vector.broadcast %broadcast_in_dim3A_1391 : f32 to vector<16xf32>
    %swap3A_1393 = arith.constant 29 : i32
    %swap3A_1394 = arith.index_cast %swap3A_1393 : i32 to index
    %swap3A_1395 = arith.constant 0 : index
    %swap3A_1396 = tpu.vector_load %arg12[%swap3A_1394, %swap3A_1395] {strides = array<i32>} : memref<40x128xf32, #tpu.memory_space<vmem>>, vector<16xf32>,
    tpu.vector_store %arg12[%swap3A_1394, %swap3A_1395], %broadcast_in_dim3A_1392 {strides = array<i32>} : memref<40x128xf32, #tpu.memory_space<vmem>>, vector<16xf32>,
    %broadcast_in_dim3A_1397 = arith.constant 0.000000e+00 : f32
    %broadcast_in_dim3A_1398 = vector.broadcast %broadcast_in_dim3A_1397 : f32 to vector<16xf32>
    %swap3A_1399 = arith.constant 29 : i32
    %swap3A_1400 = arith.index_cast %swap3A_1399 : i32 to index
    %swap3A_1401 = arith.constant 16 : index
    %swap3A_1402 = tpu.vector_load %arg12[%swap3A_1400, %swap3A_1401] {strides = array<i32>} : memref<40x128xf32, #tpu.memory_space<vmem>>, vector<16xf32>,
    tpu.vector_store %arg12[%swap3A_1400, %swap3A_1401], %broadcast_in_dim3A_1398 {strides = array<i32>} : memref<40x128xf32, #tpu.memory_space<vmem>>, vector<16xf32>,
    %broadcast_in_dim3A_1403 = arith.constant 0.000000e+00 : f32
    %broadcast_in_dim3A_1404 = vector.broadcast %broadcast_in_dim3A_1403 : f32 to vector<16xf32>
    %swap3A_1405 = arith.constant 29 : i32
    %swap3A_1406 = arith.index_cast %swap3A_1405 : i32 to index
    %swap3A_1407 = arith.constant 32 : index
    %swap3A_1408 = tpu.vector_load %arg12[%swap3A_1406, %swap3A_1407] {strides = array<i32>} : memref<40x128xf32, #tpu.memory_space<vmem>>, vector<16xf32>,
    tpu.vector_store %arg12[%swap3A_1406, %swap3A_1407], %broadcast_in_dim3A_1404 {strides = array<i32>} : memref<40x128xf32, #tpu.memory_space<vmem>>, vector<16xf32>,
    %broadcast_in_dim3A_1409 = arith.constant 0.000000e+00 : f32
    %broadcast_in_dim3A_1410 = vector.broadcast %broadcast_in_dim3A_1409 : f32 to vector<16xf32>
    %swap3A_1411 = arith.constant 29 : i32
    %swap3A_1412 = arith.index_cast %swap3A_1411 : i32 to index
    %swap3A_1413 = arith.constant 48 : index
    %swap3A_1414 = tpu.vector_load %arg12[%swap3A_1412, %swap3A_1413] {strides = array<i32>} : memref<40x128xf32, #tpu.memory_space<vmem>>, vector<16xf32>,
    tpu.vector_store %arg12[%swap3A_1412, %swap3A_1413], %broadcast_in_dim3A_1410 {strides = array<i32>} : memref<40x128xf32, #tpu.memory_space<vmem>>, vector<16xf32>,
    %broadcast_in_dim3A_1415 = arith.constant 0.000000e+00 : f32
    %broadcast_in_dim3A_1416 = vector.broadcast %broadcast_in_dim3A_1415 : f32 to vector<16xf32>
    %swap3A_1417 = arith.constant 29 : i32
    %swap3A_1418 = arith.index_cast %swap3A_1417 : i32 to index
    %swap3A_1419 = arith.constant 64 : index
    %swap3A_1420 = tpu.vector_load %arg12[%swap3A_1418, %swap3A_1419] {strides = array<i32>} : memref<40x128xf32, #tpu.memory_space<vmem>>, vector<16xf32>,
    tpu.vector_store %arg12[%swap3A_1418, %swap3A_1419], %broadcast_in_dim3A_1416 {strides = array<i32>} : memref<40x128xf32, #tpu.memory_space<vmem>>, vector<16xf32>,
    %broadcast_in_dim3A_1421 = arith.constant 0.000000e+00 : f32
    %broadcast_in_dim3A_1422 = vector.broadcast %broadcast_in_dim3A_1421 : f32 to vector<16xf32>
    %swap3A_1423 = arith.constant 29 : i32
    %swap3A_1424 = arith.index_cast %swap3A_1423 : i32 to index
    %swap3A_1425 = arith.constant 80 : index
    %swap3A_1426 = tpu.vector_load %arg12[%swap3A_1424, %swap3A_1425] {strides = array<i32>} : memref<40x128xf32, #tpu.memory_space<vmem>>, vector<16xf32>,
    tpu.vector_store %arg12[%swap3A_1424, %swap3A_1425], %broadcast_in_dim3A_1422 {strides = array<i32>} : memref<40x128xf32, #tpu.memory_space<vmem>>, vector<16xf32>,
    %broadcast_in_dim3A_1427 = arith.constant 0.000000e+00 : f32
    %broadcast_in_dim3A_1428 = vector.broadcast %broadcast_in_dim3A_1427 : f32 to vector<16xf32>
    %swap3A_1429 = arith.constant 29 : i32
    %swap3A_1430 = arith.index_cast %swap3A_1429 : i32 to index
    %swap3A_1431 = arith.constant 96 : index
    %swap3A_1432 = tpu.vector_load %arg12[%swap3A_1430, %swap3A_1431] {strides = array<i32>} : memref<40x128xf32, #tpu.memory_space<vmem>>, vector<16xf32>,
    tpu.vector_store %arg12[%swap3A_1430, %swap3A_1431], %broadcast_in_dim3A_1428 {strides = array<i32>} : memref<40x128xf32, #tpu.memory_space<vmem>>, vector<16xf32>,
    %broadcast_in_dim3A_1433 = arith.constant 0.000000e+00 : f32
    %broadcast_in_dim3A_1434 = vector.broadcast %broadcast_in_dim3A_1433 : f32 to vector<16xf32>
    %swap3A_1435 = arith.constant 29 : i32
    %swap3A_1436 = arith.index_cast %swap3A_1435 : i32 to index
    %swap3A_1437 = arith.constant 112 : index
    %swap3A_1438 = tpu.vector_load %arg12[%swap3A_1436, %swap3A_1437] {strides = array<i32>} : memref<40x128xf32, #tpu.memory_space<vmem>>, vector<16xf32>,
    tpu.vector_store %arg12[%swap3A_1436, %swap3A_1437], %broadcast_in_dim3A_1434 {strides = array<i32>} : memref<40x128xf32, #tpu.memory_space<vmem>>, vector<16xf32>,
    %broadcast_in_dim3A_1439 = arith.constant 0.000000e+00 : f32
    %broadcast_in_dim3A_1440 = vector.broadcast %broadcast_in_dim3A_1439 : f32 to vector<16xf32>
    %swap3A_1441 = arith.constant 30 : i32
    %swap3A_1442 = arith.index_cast %swap3A_1441 : i32 to index
    %swap3A_1443 = arith.constant 0 : index
    %swap3A_1444 = tpu.vector_load %arg12[%swap3A_1442, %swap3A_1443] {strides = array<i32>} : memref<40x128xf32, #tpu.memory_space<vmem>>, vector<16xf32>,
    tpu.vector_store %arg12[%swap3A_1442, %swap3A_1443], %broadcast_in_dim3A_1440 {strides = array<i32>} : memref<40x128xf32, #tpu.memory_space<vmem>>, vector<16xf32>,
    %broadcast_in_dim3A_1445 = arith.constant 0.000000e+00 : f32
    %broadcast_in_dim3A_1446 = vector.broadcast %broadcast_in_dim3A_1445 : f32 to vector<16xf32>
    %swap3A_1447 = arith.constant 30 : i32
    %swap3A_1448 = arith.index_cast %swap3A_1447 : i32 to index
    %swap3A_1449 = arith.constant 16 : index
    %swap3A_1450 = tpu.vector_load %arg12[%swap3A_1448, %swap3A_1449] {strides = array<i32>} : memref<40x128xf32, #tpu.memory_space<vmem>>, vector<16xf32>,
    tpu.vector_store %arg12[%swap3A_1448, %swap3A_1449], %broadcast_in_dim3A_1446 {strides = array<i32>} : memref<40x128xf32, #tpu.memory_space<vmem>>, vector<16xf32>,
    %broadcast_in_dim3A_1451 = arith.constant 0.000000e+00 : f32
    %broadcast_in_dim3A_1452 = vector.broadcast %broadcast_in_dim3A_1451 : f32 to vector<16xf32>
    %swap3A_1453 = arith.constant 30 : i32
    %swap3A_1454 = arith.index_cast %swap3A_1453 : i32 to index
    %swap3A_1455 = arith.constant 32 : index
    %swap3A_1456 = tpu.vector_load %arg12[%swap3A_1454, %swap3A_1455] {strides = array<i32>} : memref<40x128xf32, #tpu.memory_space<vmem>>, vector<16xf32>,
    tpu.vector_store %arg12[%swap3A_1454, %swap3A_1455], %broadcast_in_dim3A_1452 {strides = array<i32>} : memref<40x128xf32, #tpu.memory_space<vmem>>, vector<16xf32>,
    %broadcast_in_dim3A_1457 = arith.constant 0.000000e+00 : f32
    %broadcast_in_dim3A_1458 = vector.broadcast %broadcast_in_dim3A_1457 : f32 to vector<16xf32>
    %swap3A_1459 = arith.constant 30 : i32
    %swap3A_1460 = arith.index_cast %swap3A_1459 : i32 to index
    %swap3A_1461 = arith.constant 48 : index
    %swap3A_1462 = tpu.vector_load %arg12[%swap3A_1460, %swap3A_1461] {strides = array<i32>} : memref<40x128xf32, #tpu.memory_space<vmem>>, vector<16xf32>,
    tpu.vector_store %arg12[%swap3A_1460, %swap3A_1461], %broadcast_in_dim3A_1458 {strides = array<i32>} : memref<40x128xf32, #tpu.memory_space<vmem>>, vector<16xf32>,
    %broadcast_in_dim3A_1463 = arith.constant 0.000000e+00 : f32
    %broadcast_in_dim3A_1464 = vector.broadcast %broadcast_in_dim3A_1463 : f32 to vector<16xf32>
    %swap3A_1465 = arith.constant 30 : i32
    %swap3A_1466 = arith.index_cast %swap3A_1465 : i32 to index
    %swap3A_1467 = arith.constant 64 : index
    %swap3A_1468 = tpu.vector_load %arg12[%swap3A_1466, %swap3A_1467] {strides = array<i32>} : memref<40x128xf32, #tpu.memory_space<vmem>>, vector<16xf32>,
    tpu.vector_store %arg12[%swap3A_1466, %swap3A_1467], %broadcast_in_dim3A_1464 {strides = array<i32>} : memref<40x128xf32, #tpu.memory_space<vmem>>, vector<16xf32>,
    %broadcast_in_dim3A_1469 = arith.constant 0.000000e+00 : f32
    %broadcast_in_dim3A_1470 = vector.broadcast %broadcast_in_dim3A_1469 : f32 to vector<16xf32>
    %swap3A_1471 = arith.constant 30 : i32
    %swap3A_1472 = arith.index_cast %swap3A_1471 : i32 to index
    %swap3A_1473 = arith.constant 80 : index
    %swap3A_1474 = tpu.vector_load %arg12[%swap3A_1472, %swap3A_1473] {strides = array<i32>} : memref<40x128xf32, #tpu.memory_space<vmem>>, vector<16xf32>,
    tpu.vector_store %arg12[%swap3A_1472, %swap3A_1473], %broadcast_in_dim3A_1470 {strides = array<i32>} : memref<40x128xf32, #tpu.memory_space<vmem>>, vector<16xf32>,
    %broadcast_in_dim3A_1475 = arith.constant 0.000000e+00 : f32
    %broadcast_in_dim3A_1476 = vector.broadcast %broadcast_in_dim3A_1475 : f32 to vector<16xf32>
    %swap3A_1477 = arith.constant 30 : i32
    %swap3A_1478 = arith.index_cast %swap3A_1477 : i32 to index
    %swap3A_1479 = arith.constant 96 : index
    %swap3A_1480 = tpu.vector_load %arg12[%swap3A_1478, %swap3A_1479] {strides = array<i32>} : memref<40x128xf32, #tpu.memory_space<vmem>>, vector<16xf32>,
    tpu.vector_store %arg12[%swap3A_1478, %swap3A_1479], %broadcast_in_dim3A_1476 {strides = array<i32>} : memref<40x128xf32, #tpu.memory_space<vmem>>, vector<16xf32>,
    %broadcast_in_dim3A_1481 = arith.constant 0.000000e+00 : f32
    %broadcast_in_dim3A_1482 = vector.broadcast %broadcast_in_dim3A_1481 : f32 to vector<16xf32>
    %swap3A_1483 = arith.constant 30 : i32
    %swap3A_1484 = arith.index_cast %swap3A_1483 : i32 to index
    %swap3A_1485 = arith.constant 112 : index
    %swap3A_1486 = tpu.vector_load %arg12[%swap3A_1484, %swap3A_1485] {strides = array<i32>} : memref<40x128xf32, #tpu.memory_space<vmem>>, vector<16xf32>,
    tpu.vector_store %arg12[%swap3A_1484, %swap3A_1485], %broadcast_in_dim3A_1482 {strides = array<i32>} : memref<40x128xf32, #tpu.memory_space<vmem>>, vector<16xf32>,
    %broadcast_in_dim3A_1487 = arith.constant 0.000000e+00 : f32
    %broadcast_in_dim3A_1488 = vector.broadcast %broadcast_in_dim3A_1487 : f32 to vector<16xf32>
    %swap3A_1489 = arith.constant 31 : i32
    %swap3A_1490 = arith.index_cast %swap3A_1489 : i32 to index
    %swap3A_1491 = arith.constant 0 : index
    %swap3A_1492 = tpu.vector_load %arg12[%swap3A_1490, %swap3A_1491] {strides = array<i32>} : memref<40x128xf32, #tpu.memory_space<vmem>>, vector<16xf32>,
    tpu.vector_store %arg12[%swap3A_1490, %swap3A_1491], %broadcast_in_dim3A_1488 {strides = array<i32>} : memref<40x128xf32, #tpu.memory_space<vmem>>, vector<16xf32>,
    %broadcast_in_dim3A_1493 = arith.constant 0.000000e+00 : f32
    %broadcast_in_dim3A_1494 = vector.broadcast %broadcast_in_dim3A_1493 : f32 to vector<16xf32>
    %swap3A_1495 = arith.constant 31 : i32
    %swap3A_1496 = arith.index_cast %swap3A_1495 : i32 to index
    %swap3A_1497 = arith.constant 16 : index
    %swap3A_1498 = tpu.vector_load %arg12[%swap3A_1496, %swap3A_1497] {strides = array<i32>} : memref<40x128xf32, #tpu.memory_space<vmem>>, vector<16xf32>,
    tpu.vector_store %arg12[%swap3A_1496, %swap3A_1497], %broadcast_in_dim3A_1494 {strides = array<i32>} : memref<40x128xf32, #tpu.memory_space<vmem>>, vector<16xf32>,
    %broadcast_in_dim3A_1499 = arith.constant 0.000000e+00 : f32
    %broadcast_in_dim3A_1500 = vector.broadcast %broadcast_in_dim3A_1499 : f32 to vector<16xf32>
    %swap3A_1501 = arith.constant 31 : i32
    %swap3A_1502 = arith.index_cast %swap3A_1501 : i32 to index
    %swap3A_1503 = arith.constant 32 : index
    %swap3A_1504 = tpu.vector_load %arg12[%swap3A_1502, %swap3A_1503] {strides = array<i32>} : memref<40x128xf32, #tpu.memory_space<vmem>>, vector<16xf32>,
    tpu.vector_store %arg12[%swap3A_1502, %swap3A_1503], %broadcast_in_dim3A_1500 {strides = array<i32>} : memref<40x128xf32, #tpu.memory_space<vmem>>, vector<16xf32>,
    %broadcast_in_dim3A_1505 = arith.constant 0.000000e+00 : f32
    %broadcast_in_dim3A_1506 = vector.broadcast %broadcast_in_dim3A_1505 : f32 to vector<16xf32>
    %swap3A_1507 = arith.constant 31 : i32
    %swap3A_1508 = arith.index_cast %swap3A_1507 : i32 to index
    %swap3A_1509 = arith.constant 48 : index
    %swap3A_1510 = tpu.vector_load %arg12[%swap3A_1508, %swap3A_1509] {strides = array<i32>} : memref<40x128xf32, #tpu.memory_space<vmem>>, vector<16xf32>,
    tpu.vector_store %arg12[%swap3A_1508, %swap3A_1509], %broadcast_in_dim3A_1506 {strides = array<i32>} : memref<40x128xf32, #tpu.memory_space<vmem>>, vector<16xf32>,
    %broadcast_in_dim3A_1511 = arith.constant 0.000000e+00 : f32
    %broadcast_in_dim3A_1512 = vector.broadcast %broadcast_in_dim3A_1511 : f32 to vector<16xf32>
    %swap3A_1513 = arith.constant 31 : i32
    %swap3A_1514 = arith.index_cast %swap3A_1513 : i32 to index
    %swap3A_1515 = arith.constant 64 : index
    %swap3A_1516 = tpu.vector_load %arg12[%swap3A_1514, %swap3A_1515] {strides = array<i32>} : memref<40x128xf32, #tpu.memory_space<vmem>>, vector<16xf32>,
    tpu.vector_store %arg12[%swap3A_1514, %swap3A_1515], %broadcast_in_dim3A_1512 {strides = array<i32>} : memref<40x128xf32, #tpu.memory_space<vmem>>, vector<16xf32>,
    %broadcast_in_dim3A_1517 = arith.constant 0.000000e+00 : f32
    %broadcast_in_dim3A_1518 = vector.broadcast %broadcast_in_dim3A_1517 : f32 to vector<16xf32>
    %swap3A_1519 = arith.constant 31 : i32
    %swap3A_1520 = arith.index_cast %swap3A_1519 : i32 to index
    %swap3A_1521 = arith.constant 80 : index
    %swap3A_1522 = tpu.vector_load %arg12[%swap3A_1520, %swap3A_1521] {strides = array<i32>} : memref<40x128xf32, #tpu.memory_space<vmem>>, vector<16xf32>,
    tpu.vector_store %arg12[%swap3A_1520, %swap3A_1521], %broadcast_in_dim3A_1518 {strides = array<i32>} : memref<40x128xf32, #tpu.memory_space<vmem>>, vector<16xf32>,
    %broadcast_in_dim3A_1523 = arith.constant 0.000000e+00 : f32
    %broadcast_in_dim3A_1524 = vector.broadcast %broadcast_in_dim3A_1523 : f32 to vector<16xf32>
    %swap3A_1525 = arith.constant 31 : i32
    %swap3A_1526 = arith.index_cast %swap3A_1525 : i32 to index
    %swap3A_1527 = arith.constant 96 : index
    %swap3A_1528 = tpu.vector_load %arg12[%swap3A_1526, %swap3A_1527] {strides = array<i32>} : memref<40x128xf32, #tpu.memory_space<vmem>>, vector<16xf32>,
    tpu.vector_store %arg12[%swap3A_1526, %swap3A_1527], %broadcast_in_dim3A_1524 {strides = array<i32>} : memref<40x128xf32, #tpu.memory_space<vmem>>, vector<16xf32>,
    %broadcast_in_dim3A_1529 = arith.constant 0.000000e+00 : f32
    %broadcast_in_dim3A_1530 = vector.broadcast %broadcast_in_dim3A_1529 : f32 to vector<16xf32>
    %swap3A_1531 = arith.constant 31 : i32
    %swap3A_1532 = arith.index_cast %swap3A_1531 : i32 to index
    %swap3A_1533 = arith.constant 112 : index
    %swap3A_1534 = tpu.vector_load %arg12[%swap3A_1532, %swap3A_1533] {strides = array<i32>} : memref<40x128xf32, #tpu.memory_space<vmem>>, vector<16xf32>,
    tpu.vector_store %arg12[%swap3A_1532, %swap3A_1533], %broadcast_in_dim3A_1530 {strides = array<i32>} : memref<40x128xf32, #tpu.memory_space<vmem>>, vector<16xf32>,
    %broadcast_in_dim3A_1535 = arith.constant 0.000000e+00 : f32
    %broadcast_in_dim3A_1536 = vector.broadcast %broadcast_in_dim3A_1535 : f32 to vector<16xf32>
    %swap3A_1537 = arith.constant 32 : i32
    %swap3A_1538 = arith.index_cast %swap3A_1537 : i32 to index
    %swap3A_1539 = arith.constant 0 : index
    %swap3A_1540 = tpu.vector_load %arg12[%swap3A_1538, %swap3A_1539] {strides = array<i32>} : memref<40x128xf32, #tpu.memory_space<vmem>>, vector<16xf32>,
    tpu.vector_store %arg12[%swap3A_1538, %swap3A_1539], %broadcast_in_dim3A_1536 {strides = array<i32>} : memref<40x128xf32, #tpu.memory_space<vmem>>, vector<16xf32>,
    %broadcast_in_dim3A_1541 = arith.constant 0.000000e+00 : f32
    %broadcast_in_dim3A_1542 = vector.broadcast %broadcast_in_dim3A_1541 : f32 to vector<16xf32>
    %swap3A_1543 = arith.constant 32 : i32
    %swap3A_1544 = arith.index_cast %swap3A_1543 : i32 to index
    %swap3A_1545 = arith.constant 16 : index
    %swap3A_1546 = tpu.vector_load %arg12[%swap3A_1544, %swap3A_1545] {strides = array<i32>} : memref<40x128xf32, #tpu.memory_space<vmem>>, vector<16xf32>,
    tpu.vector_store %arg12[%swap3A_1544, %swap3A_1545], %broadcast_in_dim3A_1542 {strides = array<i32>} : memref<40x128xf32, #tpu.memory_space<vmem>>, vector<16xf32>,
    %broadcast_in_dim3A_1547 = arith.constant 0.000000e+00 : f32
    %broadcast_in_dim3A_1548 = vector.broadcast %broadcast_in_dim3A_1547 : f32 to vector<16xf32>
    %swap3A_1549 = arith.constant 32 : i32
    %swap3A_1550 = arith.index_cast %swap3A_1549 : i32 to index
    %swap3A_1551 = arith.constant 32 : index
    %swap3A_1552 = tpu.vector_load %arg12[%swap3A_1550, %swap3A_1551] {strides = array<i32>} : memref<40x128xf32, #tpu.memory_space<vmem>>, vector<16xf32>,
    tpu.vector_store %arg12[%swap3A_1550, %swap3A_1551], %broadcast_in_dim3A_1548 {strides = array<i32>} : memref<40x128xf32, #tpu.memory_space<vmem>>, vector<16xf32>,
    %broadcast_in_dim3A_1553 = arith.constant 0.000000e+00 : f32
    %broadcast_in_dim3A_1554 = vector.broadcast %broadcast_in_dim3A_1553 : f32 to vector<16xf32>
    %swap3A_1555 = arith.constant 32 : i32
    %swap3A_1556 = arith.index_cast %swap3A_1555 : i32 to index
    %swap3A_1557 = arith.constant 48 : index
    %swap3A_1558 = tpu.vector_load %arg12[%swap3A_1556, %swap3A_1557] {strides = array<i32>} : memref<40x128xf32, #tpu.memory_space<vmem>>, vector<16xf32>,
    tpu.vector_store %arg12[%swap3A_1556, %swap3A_1557], %broadcast_in_dim3A_1554 {strides = array<i32>} : memref<40x128xf32, #tpu.memory_space<vmem>>, vector<16xf32>,
    %broadcast_in_dim3A_1559 = arith.constant 0.000000e+00 : f32
    %broadcast_in_dim3A_1560 = vector.broadcast %broadcast_in_dim3A_1559 : f32 to vector<16xf32>
    %swap3A_1561 = arith.constant 32 : i32
    %swap3A_1562 = arith.index_cast %swap3A_1561 : i32 to index
    %swap3A_1563 = arith.constant 64 : index
    %swap3A_1564 = tpu.vector_load %arg12[%swap3A_1562, %swap3A_1563] {strides = array<i32>} : memref<40x128xf32, #tpu.memory_space<vmem>>, vector<16xf32>,
    tpu.vector_store %arg12[%swap3A_1562, %swap3A_1563], %broadcast_in_dim3A_1560 {strides = array<i32>} : memref<40x128xf32, #tpu.memory_space<vmem>>, vector<16xf32>,
    %broadcast_in_dim3A_1565 = arith.constant 0.000000e+00 : f32
    %broadcast_in_dim3A_1566 = vector.broadcast %broadcast_in_dim3A_1565 : f32 to vector<16xf32>
    %swap3A_1567 = arith.constant 32 : i32
    %swap3A_1568 = arith.index_cast %swap3A_1567 : i32 to index
    %swap3A_1569 = arith.constant 80 : index
    %swap3A_1570 = tpu.vector_load %arg12[%swap3A_1568, %swap3A_1569] {strides = array<i32>} : memref<40x128xf32, #tpu.memory_space<vmem>>, vector<16xf32>,
    tpu.vector_store %arg12[%swap3A_1568, %swap3A_1569], %broadcast_in_dim3A_1566 {strides = array<i32>} : memref<40x128xf32, #tpu.memory_space<vmem>>, vector<16xf32>,
    %broadcast_in_dim3A_1571 = arith.constant 0.000000e+00 : f32
    %broadcast_in_dim3A_1572 = vector.broadcast %broadcast_in_dim3A_1571 : f32 to vector<16xf32>
    %swap3A_1573 = arith.constant 32 : i32
    %swap3A_1574 = arith.index_cast %swap3A_1573 : i32 to index
    %swap3A_1575 = arith.constant 96 : index
    %swap3A_1576 = tpu.vector_load %arg12[%swap3A_1574, %swap3A_1575] {strides = array<i32>} : memref<40x128xf32, #tpu.memory_space<vmem>>, vector<16xf32>,
    tpu.vector_store %arg12[%swap3A_1574, %swap3A_1575], %broadcast_in_dim3A_1572 {strides = array<i32>} : memref<40x128xf32, #tpu.memory_space<vmem>>, vector<16xf32>,
    %broadcast_in_dim3A_1577 = arith.constant 0.000000e+00 : f32
    %broadcast_in_dim3A_1578 = vector.broadcast %broadcast_in_dim3A_1577 : f32 to vector<16xf32>
    %swap3A_1579 = arith.constant 32 : i32
    %swap3A_1580 = arith.index_cast %swap3A_1579 : i32 to index
    %swap3A_1581 = arith.constant 112 : index
    %swap3A_1582 = tpu.vector_load %arg12[%swap3A_1580, %swap3A_1581] {strides = array<i32>} : memref<40x128xf32, #tpu.memory_space<vmem>>, vector<16xf32>,
    tpu.vector_store %arg12[%swap3A_1580, %swap3A_1581], %broadcast_in_dim3A_1578 {strides = array<i32>} : memref<40x128xf32, #tpu.memory_space<vmem>>, vector<16xf32>,
    %broadcast_in_dim3A_1583 = arith.constant 0.000000e+00 : f32
    %broadcast_in_dim3A_1584 = vector.broadcast %broadcast_in_dim3A_1583 : f32 to vector<16xf32>
    %swap3A_1585 = arith.constant 33 : i32
    %swap3A_1586 = arith.index_cast %swap3A_1585 : i32 to index
    %swap3A_1587 = arith.constant 0 : index
    %swap3A_1588 = tpu.vector_load %arg12[%swap3A_1586, %swap3A_1587] {strides = array<i32>} : memref<40x128xf32, #tpu.memory_space<vmem>>, vector<16xf32>,
    tpu.vector_store %arg12[%swap3A_1586, %swap3A_1587], %broadcast_in_dim3A_1584 {strides = array<i32>} : memref<40x128xf32, #tpu.memory_space<vmem>>, vector<16xf32>,
    %broadcast_in_dim3A_1589 = arith.constant 0.000000e+00 : f32
    %broadcast_in_dim3A_1590 = vector.broadcast %broadcast_in_dim3A_1589 : f32 to vector<16xf32>
    %swap3A_1591 = arith.constant 33 : i32
    %swap3A_1592 = arith.index_cast %swap3A_1591 : i32 to index
    %swap3A_1593 = arith.constant 16 : index
    %swap3A_1594 = tpu.vector_load %arg12[%swap3A_1592, %swap3A_1593] {strides = array<i32>} : memref<40x128xf32, #tpu.memory_space<vmem>>, vector<16xf32>,
    tpu.vector_store %arg12[%swap3A_1592, %swap3A_1593], %broadcast_in_dim3A_1590 {strides = array<i32>} : memref<40x128xf32, #tpu.memory_space<vmem>>, vector<16xf32>,
    %broadcast_in_dim3A_1595 = arith.constant 0.000000e+00 : f32
    %broadcast_in_dim3A_1596 = vector.broadcast %broadcast_in_dim3A_1595 : f32 to vector<16xf32>
    %swap3A_1597 = arith.constant 33 : i32
    %swap3A_1598 = arith.index_cast %swap3A_1597 : i32 to index
    %swap3A_1599 = arith.constant 32 : index
    %swap3A_1600 = tpu.vector_load %arg12[%swap3A_1598, %swap3A_1599] {strides = array<i32>} : memref<40x128xf32, #tpu.memory_space<vmem>>, vector<16xf32>,
    tpu.vector_store %arg12[%swap3A_1598, %swap3A_1599], %broadcast_in_dim3A_1596 {strides = array<i32>} : memref<40x128xf32, #tpu.memory_space<vmem>>, vector<16xf32>,
    %broadcast_in_dim3A_1601 = arith.constant 0.000000e+00 : f32
    %broadcast_in_dim3A_1602 = vector.broadcast %broadcast_in_dim3A_1601 : f32 to vector<16xf32>
    %swap3A_1603 = arith.constant 33 : i32
    %swap3A_1604 = arith.index_cast %swap3A_1603 : i32 to index
    %swap3A_1605 = arith.constant 48 : index
    %swap3A_1606 = tpu.vector_load %arg12[%swap3A_1604, %swap3A_1605] {strides = array<i32>} : memref<40x128xf32, #tpu.memory_space<vmem>>, vector<16xf32>,
    tpu.vector_store %arg12[%swap3A_1604, %swap3A_1605], %broadcast_in_dim3A_1602 {strides = array<i32>} : memref<40x128xf32, #tpu.memory_space<vmem>>, vector<16xf32>,
    %broadcast_in_dim3A_1607 = arith.constant 0.000000e+00 : f32
    %broadcast_in_dim3A_1608 = vector.broadcast %broadcast_in_dim3A_1607 : f32 to vector<16xf32>
    %swap3A_1609 = arith.constant 33 : i32
    %swap3A_1610 = arith.index_cast %swap3A_1609 : i32 to index
    %swap3A_1611 = arith.constant 64 : index
    %swap3A_1612 = tpu.vector_load %arg12[%swap3A_1610, %swap3A_1611] {strides = array<i32>} : memref<40x128xf32, #tpu.memory_space<vmem>>, vector<16xf32>,
    tpu.vector_store %arg12[%swap3A_1610, %swap3A_1611], %broadcast_in_dim3A_1608 {strides = array<i32>} : memref<40x128xf32, #tpu.memory_space<vmem>>, vector<16xf32>,
    %broadcast_in_dim3A_1613 = arith.constant 0.000000e+00 : f32
    %broadcast_in_dim3A_1614 = vector.broadcast %broadcast_in_dim3A_1613 : f32 to vector<16xf32>
    %swap3A_1615 = arith.constant 33 : i32
    %swap3A_1616 = arith.index_cast %swap3A_1615 : i32 to index
    %swap3A_1617 = arith.constant 80 : index
    %swap3A_1618 = tpu.vector_load %arg12[%swap3A_1616, %swap3A_1617] {strides = array<i32>} : memref<40x128xf32, #tpu.memory_space<vmem>>, vector<16xf32>,
    tpu.vector_store %arg12[%swap3A_1616, %swap3A_1617], %broadcast_in_dim3A_1614 {strides = array<i32>} : memref<40x128xf32, #tpu.memory_space<vmem>>, vector<16xf32>,
    %broadcast_in_dim3A_1619 = arith.constant 0.000000e+00 : f32
    %broadcast_in_dim3A_1620 = vector.broadcast %broadcast_in_dim3A_1619 : f32 to vector<16xf32>
    %swap3A_1621 = arith.constant 33 : i32
    %swap3A_1622 = arith.index_cast %swap3A_1621 : i32 to index
    %swap3A_1623 = arith.constant 96 : index
    %swap3A_1624 = tpu.vector_load %arg12[%swap3A_1622, %swap3A_1623] {strides = array<i32>} : memref<40x128xf32, #tpu.memory_space<vmem>>, vector<16xf32>,
    tpu.vector_store %arg12[%swap3A_1622, %swap3A_1623], %broadcast_in_dim3A_1620 {strides = array<i32>} : memref<40x128xf32, #tpu.memory_space<vmem>>, vector<16xf32>,
    %broadcast_in_dim3A_1625 = arith.constant 0.000000e+00 : f32
    %broadcast_in_dim3A_1626 = vector.broadcast %broadcast_in_dim3A_1625 : f32 to vector<16xf32>
    %swap3A_1627 = arith.constant 33 : i32
    %swap3A_1628 = arith.index_cast %swap3A_1627 : i32 to index
    %swap3A_1629 = arith.constant 112 : index
    %swap3A_1630 = tpu.vector_load %arg12[%swap3A_1628, %swap3A_1629] {strides = array<i32>} : memref<40x128xf32, #tpu.memory_space<vmem>>, vector<16xf32>,
    tpu.vector_store %arg12[%swap3A_1628, %swap3A_1629], %broadcast_in_dim3A_1626 {strides = array<i32>} : memref<40x128xf32, #tpu.memory_space<vmem>>, vector<16xf32>,
    %broadcast_in_dim3A_1631 = arith.constant 0.000000e+00 : f32
    %broadcast_in_dim3A_1632 = vector.broadcast %broadcast_in_dim3A_1631 : f32 to vector<16xf32>
    %swap3A_1633 = arith.constant 34 : i32
    %swap3A_1634 = arith.index_cast %swap3A_1633 : i32 to index
    %swap3A_1635 = arith.constant 0 : index
    %swap3A_1636 = tpu.vector_load %arg12[%swap3A_1634, %swap3A_1635] {strides = array<i32>} : memref<40x128xf32, #tpu.memory_space<vmem>>, vector<16xf32>,
    tpu.vector_store %arg12[%swap3A_1634, %swap3A_1635], %broadcast_in_dim3A_1632 {strides = array<i32>} : memref<40x128xf32, #tpu.memory_space<vmem>>, vector<16xf32>,
    %broadcast_in_dim3A_1637 = arith.constant 0.000000e+00 : f32
    %broadcast_in_dim3A_1638 = vector.broadcast %broadcast_in_dim3A_1637 : f32 to vector<16xf32>
    %swap3A_1639 = arith.constant 34 : i32
    %swap3A_1640 = arith.index_cast %swap3A_1639 : i32 to index
    %swap3A_1641 = arith.constant 16 : index
    %swap3A_1642 = tpu.vector_load %arg12[%swap3A_1640, %swap3A_1641] {strides = array<i32>} : memref<40x128xf32, #tpu.memory_space<vmem>>, vector<16xf32>,
    tpu.vector_store %arg12[%swap3A_1640, %swap3A_1641], %broadcast_in_dim3A_1638 {strides = array<i32>} : memref<40x128xf32, #tpu.memory_space<vmem>>, vector<16xf32>,
    %broadcast_in_dim3A_1643 = arith.constant 0.000000e+00 : f32
    %broadcast_in_dim3A_1644 = vector.broadcast %broadcast_in_dim3A_1643 : f32 to vector<16xf32>
    %swap3A_1645 = arith.constant 34 : i32
    %swap3A_1646 = arith.index_cast %swap3A_1645 : i32 to index
    %swap3A_1647 = arith.constant 32 : index
    %swap3A_1648 = tpu.vector_load %arg12[%swap3A_1646, %swap3A_1647] {strides = array<i32>} : memref<40x128xf32, #tpu.memory_space<vmem>>, vector<16xf32>,
    tpu.vector_store %arg12[%swap3A_1646, %swap3A_1647], %broadcast_in_dim3A_1644 {strides = array<i32>} : memref<40x128xf32, #tpu.memory_space<vmem>>, vector<16xf32>,
    %broadcast_in_dim3A_1649 = arith.constant 0.000000e+00 : f32
    %broadcast_in_dim3A_1650 = vector.broadcast %broadcast_in_dim3A_1649 : f32 to vector<16xf32>
    %swap3A_1651 = arith.constant 34 : i32
    %swap3A_1652 = arith.index_cast %swap3A_1651 : i32 to index
    %swap3A_1653 = arith.constant 48 : index
    %swap3A_1654 = tpu.vector_load %arg12[%swap3A_1652, %swap3A_1653] {strides = array<i32>} : memref<40x128xf32, #tpu.memory_space<vmem>>, vector<16xf32>,
    tpu.vector_store %arg12[%swap3A_1652, %swap3A_1653], %broadcast_in_dim3A_1650 {strides = array<i32>} : memref<40x128xf32, #tpu.memory_space<vmem>>, vector<16xf32>,
    %broadcast_in_dim3A_1655 = arith.constant 0.000000e+00 : f32
    %broadcast_in_dim3A_1656 = vector.broadcast %broadcast_in_dim3A_1655 : f32 to vector<16xf32>
    %swap3A_1657 = arith.constant 34 : i32
    %swap3A_1658 = arith.index_cast %swap3A_1657 : i32 to index
    %swap3A_1659 = arith.constant 64 : index
    %swap3A_1660 = tpu.vector_load %arg12[%swap3A_1658, %swap3A_1659] {strides = array<i32>} : memref<40x128xf32, #tpu.memory_space<vmem>>, vector<16xf32>,
    tpu.vector_store %arg12[%swap3A_1658, %swap3A_1659], %broadcast_in_dim3A_1656 {strides = array<i32>} : memref<40x128xf32, #tpu.memory_space<vmem>>, vector<16xf32>,
    %broadcast_in_dim3A_1661 = arith.constant 0.000000e+00 : f32
    %broadcast_in_dim3A_1662 = vector.broadcast %broadcast_in_dim3A_1661 : f32 to vector<16xf32>
    %swap3A_1663 = arith.constant 34 : i32
    %swap3A_1664 = arith.index_cast %swap3A_1663 : i32 to index
    %swap3A_1665 = arith.constant 80 : index
    %swap3A_1666 = tpu.vector_load %arg12[%swap3A_1664, %swap3A_1665] {strides = array<i32>} : memref<40x128xf32, #tpu.memory_space<vmem>>, vector<16xf32>,
    tpu.vector_store %arg12[%swap3A_1664, %swap3A_1665], %broadcast_in_dim3A_1662 {strides = array<i32>} : memref<40x128xf32, #tpu.memory_space<vmem>>, vector<16xf32>,
    %broadcast_in_dim3A_1667 = arith.constant 0.000000e+00 : f32
    %broadcast_in_dim3A_1668 = vector.broadcast %broadcast_in_dim3A_1667 : f32 to vector<16xf32>
    %swap3A_1669 = arith.constant 34 : i32
    %swap3A_1670 = arith.index_cast %swap3A_1669 : i32 to index
    %swap3A_1671 = arith.constant 96 : index
    %swap3A_1672 = tpu.vector_load %arg12[%swap3A_1670, %swap3A_1671] {strides = array<i32>} : memref<40x128xf32, #tpu.memory_space<vmem>>, vector<16xf32>,
    tpu.vector_store %arg12[%swap3A_1670, %swap3A_1671], %broadcast_in_dim3A_1668 {strides = array<i32>} : memref<40x128xf32, #tpu.memory_space<vmem>>, vector<16xf32>,
    %broadcast_in_dim3A_1673 = arith.constant 0.000000e+00 : f32
    %broadcast_in_dim3A_1674 = vector.broadcast %broadcast_in_dim3A_1673 : f32 to vector<16xf32>
    %swap3A_1675 = arith.constant 34 : i32
    %swap3A_1676 = arith.index_cast %swap3A_1675 : i32 to index
    %swap3A_1677 = arith.constant 112 : index
    %swap3A_1678 = tpu.vector_load %arg12[%swap3A_1676, %swap3A_1677] {strides = array<i32>} : memref<40x128xf32, #tpu.memory_space<vmem>>, vector<16xf32>,
    tpu.vector_store %arg12[%swap3A_1676, %swap3A_1677], %broadcast_in_dim3A_1674 {strides = array<i32>} : memref<40x128xf32, #tpu.memory_space<vmem>>, vector<16xf32>,
    %broadcast_in_dim3A_1679 = arith.constant 0.000000e+00 : f32
    %broadcast_in_dim3A_1680 = vector.broadcast %broadcast_in_dim3A_1679 : f32 to vector<16xf32>
    %swap3A_1681 = arith.constant 35 : i32
    %swap3A_1682 = arith.index_cast %swap3A_1681 : i32 to index
    %swap3A_1683 = arith.constant 0 : index
    %swap3A_1684 = tpu.vector_load %arg12[%swap3A_1682, %swap3A_1683] {strides = array<i32>} : memref<40x128xf32, #tpu.memory_space<vmem>>, vector<16xf32>,
    tpu.vector_store %arg12[%swap3A_1682, %swap3A_1683], %broadcast_in_dim3A_1680 {strides = array<i32>} : memref<40x128xf32, #tpu.memory_space<vmem>>, vector<16xf32>,
    %broadcast_in_dim3A_1685 = arith.constant 0.000000e+00 : f32
    %broadcast_in_dim3A_1686 = vector.broadcast %broadcast_in_dim3A_1685 : f32 to vector<16xf32>
    %swap3A_1687 = arith.constant 35 : i32
    %swap3A_1688 = arith.index_cast %swap3A_1687 : i32 to index
    %swap3A_1689 = arith.constant 16 : index
    %swap3A_1690 = tpu.vector_load %arg12[%swap3A_1688, %swap3A_1689] {strides = array<i32>} : memref<40x128xf32, #tpu.memory_space<vmem>>, vector<16xf32>,
    tpu.vector_store %arg12[%swap3A_1688, %swap3A_1689], %broadcast_in_dim3A_1686 {strides = array<i32>} : memref<40x128xf32, #tpu.memory_space<vmem>>, vector<16xf32>,
    %broadcast_in_dim3A_1691 = arith.constant 0.000000e+00 : f32
    %broadcast_in_dim3A_1692 = vector.broadcast %broadcast_in_dim3A_1691 : f32 to vector<16xf32>
    %swap3A_1693 = arith.constant 35 : i32
    %swap3A_1694 = arith.index_cast %swap3A_1693 : i32 to index
    %swap3A_1695 = arith.constant 32 : index
    %swap3A_1696 = tpu.vector_load %arg12[%swap3A_1694, %swap3A_1695] {strides = array<i32>} : memref<40x128xf32, #tpu.memory_space<vmem>>, vector<16xf32>,
    tpu.vector_store %arg12[%swap3A_1694, %swap3A_1695], %broadcast_in_dim3A_1692 {strides = array<i32>} : memref<40x128xf32, #tpu.memory_space<vmem>>, vector<16xf32>,
    %broadcast_in_dim3A_1697 = arith.constant 0.000000e+00 : f32
    %broadcast_in_dim3A_1698 = vector.broadcast %broadcast_in_dim3A_1697 : f32 to vector<16xf32>
    %swap3A_1699 = arith.constant 35 : i32
    %swap3A_1700 = arith.index_cast %swap3A_1699 : i32 to index
    %swap3A_1701 = arith.constant 48 : index
    %swap3A_1702 = tpu.vector_load %arg12[%swap3A_1700, %swap3A_1701] {strides = array<i32>} : memref<40x128xf32, #tpu.memory_space<vmem>>, vector<16xf32>,
    tpu.vector_store %arg12[%swap3A_1700, %swap3A_1701], %broadcast_in_dim3A_1698 {strides = array<i32>} : memref<40x128xf32, #tpu.memory_space<vmem>>, vector<16xf32>,
    %broadcast_in_dim3A_1703 = arith.constant 0.000000e+00 : f32
    %broadcast_in_dim3A_1704 = vector.broadcast %broadcast_in_dim3A_1703 : f32 to vector<16xf32>
    %swap3A_1705 = arith.constant 35 : i32
    %swap3A_1706 = arith.index_cast %swap3A_1705 : i32 to index
    %swap3A_1707 = arith.constant 64 : index
    %swap3A_1708 = tpu.vector_load %arg12[%swap3A_1706, %swap3A_1707] {strides = array<i32>} : memref<40x128xf32, #tpu.memory_space<vmem>>, vector<16xf32>,
    tpu.vector_store %arg12[%swap3A_1706, %swap3A_1707], %broadcast_in_dim3A_1704 {strides = array<i32>} : memref<40x128xf32, #tpu.memory_space<vmem>>, vector<16xf32>,
    %broadcast_in_dim3A_1709 = arith.constant 0.000000e+00 : f32
    %broadcast_in_dim3A_1710 = vector.broadcast %broadcast_in_dim3A_1709 : f32 to vector<16xf32>
    %swap3A_1711 = arith.constant 35 : i32
    %swap3A_1712 = arith.index_cast %swap3A_1711 : i32 to index
    %swap3A_1713 = arith.constant 80 : index
    %swap3A_1714 = tpu.vector_load %arg12[%swap3A_1712, %swap3A_1713] {strides = array<i32>} : memref<40x128xf32, #tpu.memory_space<vmem>>, vector<16xf32>,
    tpu.vector_store %arg12[%swap3A_1712, %swap3A_1713], %broadcast_in_dim3A_1710 {strides = array<i32>} : memref<40x128xf32, #tpu.memory_space<vmem>>, vector<16xf32>,
    %broadcast_in_dim3A_1715 = arith.constant 0.000000e+00 : f32
    %broadcast_in_dim3A_1716 = vector.broadcast %broadcast_in_dim3A_1715 : f32 to vector<16xf32>
    %swap3A_1717 = arith.constant 35 : i32
    %swap3A_1718 = arith.index_cast %swap3A_1717 : i32 to index
    %swap3A_1719 = arith.constant 96 : index
    %swap3A_1720 = tpu.vector_load %arg12[%swap3A_1718, %swap3A_1719] {strides = array<i32>} : memref<40x128xf32, #tpu.memory_space<vmem>>, vector<16xf32>,
    tpu.vector_store %arg12[%swap3A_1718, %swap3A_1719], %broadcast_in_dim3A_1716 {strides = array<i32>} : memref<40x128xf32, #tpu.memory_space<vmem>>, vector<16xf32>,
    %broadcast_in_dim3A_1721 = arith.constant 0.000000e+00 : f32
    %broadcast_in_dim3A_1722 = vector.broadcast %broadcast_in_dim3A_1721 : f32 to vector<16xf32>
    %swap3A_1723 = arith.constant 35 : i32
    %swap3A_1724 = arith.index_cast %swap3A_1723 : i32 to index
    %swap3A_1725 = arith.constant 112 : index
    %swap3A_1726 = tpu.vector_load %arg12[%swap3A_1724, %swap3A_1725] {strides = array<i32>} : memref<40x128xf32, #tpu.memory_space<vmem>>, vector<16xf32>,
    tpu.vector_store %arg12[%swap3A_1724, %swap3A_1725], %broadcast_in_dim3A_1722 {strides = array<i32>} : memref<40x128xf32, #tpu.memory_space<vmem>>, vector<16xf32>,
    %broadcast_in_dim3A_1727 = arith.constant 0.000000e+00 : f32
    %broadcast_in_dim3A_1728 = vector.broadcast %broadcast_in_dim3A_1727 : f32 to vector<16xf32>
    %swap3A_1729 = arith.constant 36 : i32
    %swap3A_1730 = arith.index_cast %swap3A_1729 : i32 to index
    %swap3A_1731 = arith.constant 0 : index
    %swap3A_1732 = tpu.vector_load %arg12[%swap3A_1730, %swap3A_1731] {strides = array<i32>} : memref<40x128xf32, #tpu.memory_space<vmem>>, vector<16xf32>,
    tpu.vector_store %arg12[%swap3A_1730, %swap3A_1731], %broadcast_in_dim3A_1728 {strides = array<i32>} : memref<40x128xf32, #tpu.memory_space<vmem>>, vector<16xf32>,
    %broadcast_in_dim3A_1733 = arith.constant 0.000000e+00 : f32
    %broadcast_in_dim3A_1734 = vector.broadcast %broadcast_in_dim3A_1733 : f32 to vector<16xf32>
    %swap3A_1735 = arith.constant 36 : i32
    %swap3A_1736 = arith.index_cast %swap3A_1735 : i32 to index
    %swap3A_1737 = arith.constant 16 : index
    %swap3A_1738 = tpu.vector_load %arg12[%swap3A_1736, %swap3A_1737] {strides = array<i32>} : memref<40x128xf32, #tpu.memory_space<vmem>>, vector<16xf32>,
    tpu.vector_store %arg12[%swap3A_1736, %swap3A_1737], %broadcast_in_dim3A_1734 {strides = array<i32>} : memref<40x128xf32, #tpu.memory_space<vmem>>, vector<16xf32>,
    %broadcast_in_dim3A_1739 = arith.constant 0.000000e+00 : f32
    %broadcast_in_dim3A_1740 = vector.broadcast %broadcast_in_dim3A_1739 : f32 to vector<16xf32>
    %swap3A_1741 = arith.constant 36 : i32
    %swap3A_1742 = arith.index_cast %swap3A_1741 : i32 to index
    %swap3A_1743 = arith.constant 32 : index
    %swap3A_1744 = tpu.vector_load %arg12[%swap3A_1742, %swap3A_1743] {strides = array<i32>} : memref<40x128xf32, #tpu.memory_space<vmem>>, vector<16xf32>,
    tpu.vector_store %arg12[%swap3A_1742, %swap3A_1743], %broadcast_in_dim3A_1740 {strides = array<i32>} : memref<40x128xf32, #tpu.memory_space<vmem>>, vector<16xf32>,
    %broadcast_in_dim3A_1745 = arith.constant 0.000000e+00 : f32
    %broadcast_in_dim3A_1746 = vector.broadcast %broadcast_in_dim3A_1745 : f32 to vector<16xf32>
    %swap3A_1747 = arith.constant 36 : i32
    %swap3A_1748 = arith.index_cast %swap3A_1747 : i32 to index
    %swap3A_1749 = arith.constant 48 : index
    %swap3A_1750 = tpu.vector_load %arg12[%swap3A_1748, %swap3A_1749] {strides = array<i32>} : memref<40x128xf32, #tpu.memory_space<vmem>>, vector<16xf32>,
    tpu.vector_store %arg12[%swap3A_1748, %swap3A_1749], %broadcast_in_dim3A_1746 {strides = array<i32>} : memref<40x128xf32, #tpu.memory_space<vmem>>, vector<16xf32>,
    %broadcast_in_dim3A_1751 = arith.constant 0.000000e+00 : f32
    %broadcast_in_dim3A_1752 = vector.broadcast %broadcast_in_dim3A_1751 : f32 to vector<16xf32>
    %swap3A_1753 = arith.constant 36 : i32
    %swap3A_1754 = arith.index_cast %swap3A_1753 : i32 to index
    %swap3A_1755 = arith.constant 64 : index
    %swap3A_1756 = tpu.vector_load %arg12[%swap3A_1754, %swap3A_1755] {strides = array<i32>} : memref<40x128xf32, #tpu.memory_space<vmem>>, vector<16xf32>,
    tpu.vector_store %arg12[%swap3A_1754, %swap3A_1755], %broadcast_in_dim3A_1752 {strides = array<i32>} : memref<40x128xf32, #tpu.memory_space<vmem>>, vector<16xf32>,
    %broadcast_in_dim3A_1757 = arith.constant 0.000000e+00 : f32
    %broadcast_in_dim3A_1758 = vector.broadcast %broadcast_in_dim3A_1757 : f32 to vector<16xf32>
    %swap3A_1759 = arith.constant 36 : i32
    %swap3A_1760 = arith.index_cast %swap3A_1759 : i32 to index
    %swap3A_1761 = arith.constant 80 : index
    %swap3A_1762 = tpu.vector_load %arg12[%swap3A_1760, %swap3A_1761] {strides = array<i32>} : memref<40x128xf32, #tpu.memory_space<vmem>>, vector<16xf32>,
    tpu.vector_store %arg12[%swap3A_1760, %swap3A_1761], %broadcast_in_dim3A_1758 {strides = array<i32>} : memref<40x128xf32, #tpu.memory_space<vmem>>, vector<16xf32>,
    %broadcast_in_dim3A_1763 = arith.constant 0.000000e+00 : f32
    %broadcast_in_dim3A_1764 = vector.broadcast %broadcast_in_dim3A_1763 : f32 to vector<16xf32>
    %swap3A_1765 = arith.constant 36 : i32
    %swap3A_1766 = arith.index_cast %swap3A_1765 : i32 to index
    %swap3A_1767 = arith.constant 96 : index
    %swap3A_1768 = tpu.vector_load %arg12[%swap3A_1766, %swap3A_1767] {strides = array<i32>} : memref<40x128xf32, #tpu.memory_space<vmem>>, vector<16xf32>,
    tpu.vector_store %arg12[%swap3A_1766, %swap3A_1767], %broadcast_in_dim3A_1764 {strides = array<i32>} : memref<40x128xf32, #tpu.memory_space<vmem>>, vector<16xf32>,
    %broadcast_in_dim3A_1769 = arith.constant 0.000000e+00 : f32
    %broadcast_in_dim3A_1770 = vector.broadcast %broadcast_in_dim3A_1769 : f32 to vector<16xf32>
    %swap3A_1771 = arith.constant 36 : i32
    %swap3A_1772 = arith.index_cast %swap3A_1771 : i32 to index
    %swap3A_1773 = arith.constant 112 : index
    %swap3A_1774 = tpu.vector_load %arg12[%swap3A_1772, %swap3A_1773] {strides = array<i32>} : memref<40x128xf32, #tpu.memory_space<vmem>>, vector<16xf32>,
    tpu.vector_store %arg12[%swap3A_1772, %swap3A_1773], %broadcast_in_dim3A_1770 {strides = array<i32>} : memref<40x128xf32, #tpu.memory_space<vmem>>, vector<16xf32>,
    %broadcast_in_dim3A_1775 = arith.constant 0.000000e+00 : f32
    %broadcast_in_dim3A_1776 = vector.broadcast %broadcast_in_dim3A_1775 : f32 to vector<16xf32>
    %swap3A_1777 = arith.constant 37 : i32
    %swap3A_1778 = arith.index_cast %swap3A_1777 : i32 to index
    %swap3A_1779 = arith.constant 0 : index
    %swap3A_1780 = tpu.vector_load %arg12[%swap3A_1778, %swap3A_1779] {strides = array<i32>} : memref<40x128xf32, #tpu.memory_space<vmem>>, vector<16xf32>,
    tpu.vector_store %arg12[%swap3A_1778, %swap3A_1779], %broadcast_in_dim3A_1776 {strides = array<i32>} : memref<40x128xf32, #tpu.memory_space<vmem>>, vector<16xf32>,
    %broadcast_in_dim3A_1781 = arith.constant 0.000000e+00 : f32
    %broadcast_in_dim3A_1782 = vector.broadcast %broadcast_in_dim3A_1781 : f32 to vector<16xf32>
    %swap3A_1783 = arith.constant 37 : i32
    %swap3A_1784 = arith.index_cast %swap3A_1783 : i32 to index
    %swap3A_1785 = arith.constant 16 : index
    %swap3A_1786 = tpu.vector_load %arg12[%swap3A_1784, %swap3A_1785] {strides = array<i32>} : memref<40x128xf32, #tpu.memory_space<vmem>>, vector<16xf32>,
    tpu.vector_store %arg12[%swap3A_1784, %swap3A_1785], %broadcast_in_dim3A_1782 {strides = array<i32>} : memref<40x128xf32, #tpu.memory_space<vmem>>, vector<16xf32>,
    %broadcast_in_dim3A_1787 = arith.constant 0.000000e+00 : f32
    %broadcast_in_dim3A_1788 = vector.broadcast %broadcast_in_dim3A_1787 : f32 to vector<16xf32>
    %swap3A_1789 = arith.constant 37 : i32
    %swap3A_1790 = arith.index_cast %swap3A_1789 : i32 to index
    %swap3A_1791 = arith.constant 32 : index
    %swap3A_1792 = tpu.vector_load %arg12[%swap3A_1790, %swap3A_1791] {strides = array<i32>} : memref<40x128xf32, #tpu.memory_space<vmem>>, vector<16xf32>,
    tpu.vector_store %arg12[%swap3A_1790, %swap3A_1791], %broadcast_in_dim3A_1788 {strides = array<i32>} : memref<40x128xf32, #tpu.memory_space<vmem>>, vector<16xf32>,
    %broadcast_in_dim3A_1793 = arith.constant 0.000000e+00 : f32
    %broadcast_in_dim3A_1794 = vector.broadcast %broadcast_in_dim3A_1793 : f32 to vector<16xf32>
    %swap3A_1795 = arith.constant 37 : i32
    %swap3A_1796 = arith.index_cast %swap3A_1795 : i32 to index
    %swap3A_1797 = arith.constant 48 : index
    %swap3A_1798 = tpu.vector_load %arg12[%swap3A_1796, %swap3A_1797] {strides = array<i32>} : memref<40x128xf32, #tpu.memory_space<vmem>>, vector<16xf32>,
    tpu.vector_store %arg12[%swap3A_1796, %swap3A_1797], %broadcast_in_dim3A_1794 {strides = array<i32>} : memref<40x128xf32, #tpu.memory_space<vmem>>, vector<16xf32>,
    %broadcast_in_dim3A_1799 = arith.constant 0.000000e+00 : f32
    %broadcast_in_dim3A_1800 = vector.broadcast %broadcast_in_dim3A_1799 : f32 to vector<16xf32>
    %swap3A_1801 = arith.constant 37 : i32
    %swap3A_1802 = arith.index_cast %swap3A_1801 : i32 to index
    %swap3A_1803 = arith.constant 64 : index
    %swap3A_1804 = tpu.vector_load %arg12[%swap3A_1802, %swap3A_1803] {strides = array<i32>} : memref<40x128xf32, #tpu.memory_space<vmem>>, vector<16xf32>,
    tpu.vector_store %arg12[%swap3A_1802, %swap3A_1803], %broadcast_in_dim3A_1800 {strides = array<i32>} : memref<40x128xf32, #tpu.memory_space<vmem>>, vector<16xf32>,
    %broadcast_in_dim3A_1805 = arith.constant 0.000000e+00 : f32
    %broadcast_in_dim3A_1806 = vector.broadcast %broadcast_in_dim3A_1805 : f32 to vector<16xf32>
    %swap3A_1807 = arith.constant 37 : i32
    %swap3A_1808 = arith.index_cast %swap3A_1807 : i32 to index
    %swap3A_1809 = arith.constant 80 : index
    %swap3A_1810 = tpu.vector_load %arg12[%swap3A_1808, %swap3A_1809] {strides = array<i32>} : memref<40x128xf32, #tpu.memory_space<vmem>>, vector<16xf32>,
    tpu.vector_store %arg12[%swap3A_1808, %swap3A_1809], %broadcast_in_dim3A_1806 {strides = array<i32>} : memref<40x128xf32, #tpu.memory_space<vmem>>, vector<16xf32>,
    %broadcast_in_dim3A_1811 = arith.constant 0.000000e+00 : f32
    %broadcast_in_dim3A_1812 = vector.broadcast %broadcast_in_dim3A_1811 : f32 to vector<16xf32>
    %swap3A_1813 = arith.constant 37 : i32
    %swap3A_1814 = arith.index_cast %swap3A_1813 : i32 to index
    %swap3A_1815 = arith.constant 96 : index
    %swap3A_1816 = tpu.vector_load %arg12[%swap3A_1814, %swap3A_1815] {strides = array<i32>} : memref<40x128xf32, #tpu.memory_space<vmem>>, vector<16xf32>,
    tpu.vector_store %arg12[%swap3A_1814, %swap3A_1815], %broadcast_in_dim3A_1812 {strides = array<i32>} : memref<40x128xf32, #tpu.memory_space<vmem>>, vector<16xf32>,
    %broadcast_in_dim3A_1817 = arith.constant 0.000000e+00 : f32
    %broadcast_in_dim3A_1818 = vector.broadcast %broadcast_in_dim3A_1817 : f32 to vector<16xf32>
    %swap3A_1819 = arith.constant 37 : i32
    %swap3A_1820 = arith.index_cast %swap3A_1819 : i32 to index
    %swap3A_1821 = arith.constant 112 : index
    %swap3A_1822 = tpu.vector_load %arg12[%swap3A_1820, %swap3A_1821] {strides = array<i32>} : memref<40x128xf32, #tpu.memory_space<vmem>>, vector<16xf32>,
    tpu.vector_store %arg12[%swap3A_1820, %swap3A_1821], %broadcast_in_dim3A_1818 {strides = array<i32>} : memref<40x128xf32, #tpu.memory_space<vmem>>, vector<16xf32>,
    %broadcast_in_dim3A_1823 = arith.constant 0.000000e+00 : f32
    %broadcast_in_dim3A_1824 = vector.broadcast %broadcast_in_dim3A_1823 : f32 to vector<16xf32>
    %swap3A_1825 = arith.constant 38 : i32
    %swap3A_1826 = arith.index_cast %swap3A_1825 : i32 to index
    %swap3A_1827 = arith.constant 0 : index
    %swap3A_1828 = tpu.vector_load %arg12[%swap3A_1826, %swap3A_1827] {strides = array<i32>} : memref<40x128xf32, #tpu.memory_space<vmem>>, vector<16xf32>,
    tpu.vector_store %arg12[%swap3A_1826, %swap3A_1827], %broadcast_in_dim3A_1824 {strides = array<i32>} : memref<40x128xf32, #tpu.memory_space<vmem>>, vector<16xf32>,
    %broadcast_in_dim3A_1829 = arith.constant 0.000000e+00 : f32
    %broadcast_in_dim3A_1830 = vector.broadcast %broadcast_in_dim3A_1829 : f32 to vector<16xf32>
    %swap3A_1831 = arith.constant 38 : i32
    %swap3A_1832 = arith.index_cast %swap3A_1831 : i32 to index
    %swap3A_1833 = arith.constant 16 : index
    %swap3A_1834 = tpu.vector_load %arg12[%swap3A_1832, %swap3A_1833] {strides = array<i32>} : memref<40x128xf32, #tpu.memory_space<vmem>>, vector<16xf32>,
    tpu.vector_store %arg12[%swap3A_1832, %swap3A_1833], %broadcast_in_dim3A_1830 {strides = array<i32>} : memref<40x128xf32, #tpu.memory_space<vmem>>, vector<16xf32>,
    %broadcast_in_dim3A_1835 = arith.constant 0.000000e+00 : f32
    %broadcast_in_dim3A_1836 = vector.broadcast %broadcast_in_dim3A_1835 : f32 to vector<16xf32>
    %swap3A_1837 = arith.constant 38 : i32
    %swap3A_1838 = arith.index_cast %swap3A_1837 : i32 to index
    %swap3A_1839 = arith.constant 32 : index
    %swap3A_1840 = tpu.vector_load %arg12[%swap3A_1838, %swap3A_1839] {strides = array<i32>} : memref<40x128xf32, #tpu.memory_space<vmem>>, vector<16xf32>,
    tpu.vector_store %arg12[%swap3A_1838, %swap3A_1839], %broadcast_in_dim3A_1836 {strides = array<i32>} : memref<40x128xf32, #tpu.memory_space<vmem>>, vector<16xf32>,
    %broadcast_in_dim3A_1841 = arith.constant 0.000000e+00 : f32
    %broadcast_in_dim3A_1842 = vector.broadcast %broadcast_in_dim3A_1841 : f32 to vector<16xf32>
    %swap3A_1843 = arith.constant 38 : i32
    %swap3A_1844 = arith.index_cast %swap3A_1843 : i32 to index
    %swap3A_1845 = arith.constant 48 : index
    %swap3A_1846 = tpu.vector_load %arg12[%swap3A_1844, %swap3A_1845] {strides = array<i32>} : memref<40x128xf32, #tpu.memory_space<vmem>>, vector<16xf32>,
    tpu.vector_store %arg12[%swap3A_1844, %swap3A_1845], %broadcast_in_dim3A_1842 {strides = array<i32>} : memref<40x128xf32, #tpu.memory_space<vmem>>, vector<16xf32>,
    %broadcast_in_dim3A_1847 = arith.constant 0.000000e+00 : f32
    %broadcast_in_dim3A_1848 = vector.broadcast %broadcast_in_dim3A_1847 : f32 to vector<16xf32>
    %swap3A_1849 = arith.constant 38 : i32
    %swap3A_1850 = arith.index_cast %swap3A_1849 : i32 to index
    %swap3A_1851 = arith.constant 64 : index
    %swap3A_1852 = tpu.vector_load %arg12[%swap3A_1850, %swap3A_1851] {strides = array<i32>} : memref<40x128xf32, #tpu.memory_space<vmem>>, vector<16xf32>,
    tpu.vector_store %arg12[%swap3A_1850, %swap3A_1851], %broadcast_in_dim3A_1848 {strides = array<i32>} : memref<40x128xf32, #tpu.memory_space<vmem>>, vector<16xf32>,
    %broadcast_in_dim3A_1853 = arith.constant 0.000000e+00 : f32
    %broadcast_in_dim3A_1854 = vector.broadcast %broadcast_in_dim3A_1853 : f32 to vector<16xf32>
    %swap3A_1855 = arith.constant 38 : i32
    %swap3A_1856 = arith.index_cast %swap3A_1855 : i32 to index
    %swap3A_1857 = arith.constant 80 : index
    %swap3A_1858 = tpu.vector_load %arg12[%swap3A_1856, %swap3A_1857] {strides = array<i32>} : memref<40x128xf32, #tpu.memory_space<vmem>>, vector<16xf32>,
    tpu.vector_store %arg12[%swap3A_1856, %swap3A_1857], %broadcast_in_dim3A_1854 {strides = array<i32>} : memref<40x128xf32, #tpu.memory_space<vmem>>, vector<16xf32>,
    %broadcast_in_dim3A_1859 = arith.constant 0.000000e+00 : f32
    %broadcast_in_dim3A_1860 = vector.broadcast %broadcast_in_dim3A_1859 : f32 to vector<16xf32>
    %swap3A_1861 = arith.constant 38 : i32
    %swap3A_1862 = arith.index_cast %swap3A_1861 : i32 to index
    %swap3A_1863 = arith.constant 96 : index
    %swap3A_1864 = tpu.vector_load %arg12[%swap3A_1862, %swap3A_1863] {strides = array<i32>} : memref<40x128xf32, #tpu.memory_space<vmem>>, vector<16xf32>,
    tpu.vector_store %arg12[%swap3A_1862, %swap3A_1863], %broadcast_in_dim3A_1860 {strides = array<i32>} : memref<40x128xf32, #tpu.memory_space<vmem>>, vector<16xf32>,
    %broadcast_in_dim3A_1865 = arith.constant 0.000000e+00 : f32
    %broadcast_in_dim3A_1866 = vector.broadcast %broadcast_in_dim3A_1865 : f32 to vector<16xf32>
    %swap3A_1867 = arith.constant 38 : i32
    %swap3A_1868 = arith.index_cast %swap3A_1867 : i32 to index
    %swap3A_1869 = arith.constant 112 : index
    %swap3A_1870 = tpu.vector_load %arg12[%swap3A_1868, %swap3A_1869] {strides = array<i32>} : memref<40x128xf32, #tpu.memory_space<vmem>>, vector<16xf32>,
    tpu.vector_store %arg12[%swap3A_1868, %swap3A_1869], %broadcast_in_dim3A_1866 {strides = array<i32>} : memref<40x128xf32, #tpu.memory_space<vmem>>, vector<16xf32>,
    %broadcast_in_dim3A_1871 = arith.constant 0.000000e+00 : f32
    %broadcast_in_dim3A_1872 = vector.broadcast %broadcast_in_dim3A_1871 : f32 to vector<16xf32>
    %swap3A_1873 = arith.constant 39 : i32
    %swap3A_1874 = arith.index_cast %swap3A_1873 : i32 to index
    %swap3A_1875 = arith.constant 0 : index
    %swap3A_1876 = tpu.vector_load %arg12[%swap3A_1874, %swap3A_1875] {strides = array<i32>} : memref<40x128xf32, #tpu.memory_space<vmem>>, vector<16xf32>,
    tpu.vector_store %arg12[%swap3A_1874, %swap3A_1875], %broadcast_in_dim3A_1872 {strides = array<i32>} : memref<40x128xf32, #tpu.memory_space<vmem>>, vector<16xf32>,
    %broadcast_in_dim3A_1877 = arith.constant 0.000000e+00 : f32
    %broadcast_in_dim3A_1878 = vector.broadcast %broadcast_in_dim3A_1877 : f32 to vector<16xf32>
    %swap3A_1879 = arith.constant 39 : i32
    %swap3A_1880 = arith.index_cast %swap3A_1879 : i32 to index
    %swap3A_1881 = arith.constant 16 : index
    %swap3A_1882 = tpu.vector_load %arg12[%swap3A_1880, %swap3A_1881] {strides = array<i32>} : memref<40x128xf32, #tpu.memory_space<vmem>>, vector<16xf32>,
    tpu.vector_store %arg12[%swap3A_1880, %swap3A_1881], %broadcast_in_dim3A_1878 {strides = array<i32>} : memref<40x128xf32, #tpu.memory_space<vmem>>, vector<16xf32>,
    %broadcast_in_dim3A_1883 = arith.constant 0.000000e+00 : f32
    %broadcast_in_dim3A_1884 = vector.broadcast %broadcast_in_dim3A_1883 : f32 to vector<16xf32>
    %swap3A_1885 = arith.constant 39 : i32
    %swap3A_1886 = arith.index_cast %swap3A_1885 : i32 to index
    %swap3A_1887 = arith.constant 32 : index
    %swap3A_1888 = tpu.vector_load %arg12[%swap3A_1886, %swap3A_1887] {strides = array<i32>} : memref<40x128xf32, #tpu.memory_space<vmem>>, vector<16xf32>,
    tpu.vector_store %arg12[%swap3A_1886, %swap3A_1887], %broadcast_in_dim3A_1884 {strides = array<i32>} : memref<40x128xf32, #tpu.memory_space<vmem>>, vector<16xf32>,
    %broadcast_in_dim3A_1889 = arith.constant 0.000000e+00 : f32
    %broadcast_in_dim3A_1890 = vector.broadcast %broadcast_in_dim3A_1889 : f32 to vector<16xf32>
    %swap3A_1891 = arith.constant 39 : i32
    %swap3A_1892 = arith.index_cast %swap3A_1891 : i32 to index
    %swap3A_1893 = arith.constant 48 : index
    %swap3A_1894 = tpu.vector_load %arg12[%swap3A_1892, %swap3A_1893] {strides = array<i32>} : memref<40x128xf32, #tpu.memory_space<vmem>>, vector<16xf32>,
    tpu.vector_store %arg12[%swap3A_1892, %swap3A_1893], %broadcast_in_dim3A_1890 {strides = array<i32>} : memref<40x128xf32, #tpu.memory_space<vmem>>, vector<16xf32>,
    %broadcast_in_dim3A_1895 = arith.constant 0.000000e+00 : f32
    %broadcast_in_dim3A_1896 = vector.broadcast %broadcast_in_dim3A_1895 : f32 to vector<16xf32>
    %swap3A_1897 = arith.constant 39 : i32
    %swap3A_1898 = arith.index_cast %swap3A_1897 : i32 to index
    %swap3A_1899 = arith.constant 64 : index
    %swap3A_1900 = tpu.vector_load %arg12[%swap3A_1898, %swap3A_1899] {strides = array<i32>} : memref<40x128xf32, #tpu.memory_space<vmem>>, vector<16xf32>,
    tpu.vector_store %arg12[%swap3A_1898, %swap3A_1899], %broadcast_in_dim3A_1896 {strides = array<i32>} : memref<40x128xf32, #tpu.memory_space<vmem>>, vector<16xf32>,
    %broadcast_in_dim3A_1901 = arith.constant 0.000000e+00 : f32
    %broadcast_in_dim3A_1902 = vector.broadcast %broadcast_in_dim3A_1901 : f32 to vector<16xf32>
    %swap3A_1903 = arith.constant 39 : i32
    %swap3A_1904 = arith.index_cast %swap3A_1903 : i32 to index
    %swap3A_1905 = arith.constant 80 : index
    %swap3A_1906 = tpu.vector_load %arg12[%swap3A_1904, %swap3A_1905] {strides = array<i32>} : memref<40x128xf32, #tpu.memory_space<vmem>>, vector<16xf32>,
    tpu.vector_store %arg12[%swap3A_1904, %swap3A_1905], %broadcast_in_dim3A_1902 {strides = array<i32>} : memref<40x128xf32, #tpu.memory_space<vmem>>, vector<16xf32>,
    %broadcast_in_dim3A_1907 = arith.constant 0.000000e+00 : f32
    %broadcast_in_dim3A_1908 = vector.broadcast %broadcast_in_dim3A_1907 : f32 to vector<16xf32>
    %swap3A_1909 = arith.constant 39 : i32
    %swap3A_1910 = arith.index_cast %swap3A_1909 : i32 to index
    %swap3A_1911 = arith.constant 96 : index
    %swap3A_1912 = tpu.vector_load %arg12[%swap3A_1910, %swap3A_1911] {strides = array<i32>} : memref<40x128xf32, #tpu.memory_space<vmem>>, vector<16xf32>,
    tpu.vector_store %arg12[%swap3A_1910, %swap3A_1911], %broadcast_in_dim3A_1908 {strides = array<i32>} : memref<40x128xf32, #tpu.memory_space<vmem>>, vector<16xf32>,
    %broadcast_in_dim3A_1913 = arith.constant 0.000000e+00 : f32
    %broadcast_in_dim3A_1914 = vector.broadcast %broadcast_in_dim3A_1913 : f32 to vector<16xf32>
    %swap3A_1915 = arith.constant 39 : i32
    %swap3A_1916 = arith.index_cast %swap3A_1915 : i32 to index
    %swap3A_1917 = arith.constant 112 : index
    %swap3A_1918 = tpu.vector_load %arg12[%swap3A_1916, %swap3A_1917] {strides = array<i32>} : memref<40x128xf32, #tpu.memory_space<vmem>>, vector<16xf32>,
    tpu.vector_store %arg12[%swap3A_1916, %swap3A_1917], %broadcast_in_dim3A_1914 {strides = array<i32>} : memref<40x128xf32, #tpu.memory_space<vmem>>, vector<16xf32>,
    %mul3A_1919 = arith.constant 640 : i32
    %mul3A_1920 = arith.muli %arg1, %mul3A_1919 : i32
    %scan3A = arith.constant 0 : i32
    %scan3A_1921 = arith.constant 0 : i32
    %scan3A_1922 = arith.constant 16 : i32
    %scan3A_1923 = arith.addi %scan3A_1921, %scan3A_1922 : i32
    %scan3A_1924 = arith.constant 1 : i32
    scf.for %scan3A_1933 = %scan3A_1921 to %scan3A_1923 step %scan3A_1924  : i32 {
      %mul3A_1934 = arith.constant 40 : i32
      %mul3A_1935 = arith.muli %scan3A_1933, %mul3A_1934 : i32
      %add3A = arith.addi %mul3A_1920, %mul3A_1935 : i32
      "tpu.region"() ({
        %run_scoped3A = tpu.sem_alloc : memref<!tpu.dma_semaphore, #tpu.memory_space<semaphore_mem>>
        %dma_start3A = arith.constant 0 : i32
        %dma_start3A_1936 = tpu.memref_slice %arg14[%add3A, %dma_start3A] : memref<10240x128xf32, #tpu.memory_space<vmem_shared>> -> memref<40x128xf32, #tpu.memory_space<vmem_shared>>
        %dma_start3A_1937 = arith.constant 0 : i32
        %dma_start3A_1938 = tpu.memref_slice %arg14[%add3A, %dma_start3A_1937] : memref<10240x128xf32, #tpu.memory_space<vmem_shared>> -> memref<40x128xf32, #tpu.memory_space<vmem_shared>>
        tpu.enqueue_dma source(%arg12 : memref<40x128xf32, #tpu.memory_space<vmem>>) target(%dma_start3A_1938 : memref<40x128xf32, #tpu.memory_space<vmem_shared>>) target_semaphore(%run_scoped3A : memref<!tpu.dma_semaphore, #tpu.memory_space<semaphore_mem>>)
        %dma_wait3A = arith.constant 0 : i32
        %dma_wait3A_1939 = tpu.memref_slice %arg14[%add3A, %dma_wait3A] : memref<10240x128xf32, #tpu.memory_space<vmem_shared>> -> memref<40x128xf32, #tpu.memory_space<vmem_shared>>
        %dma_wait3A_1940 = arith.constant 0 : i32
        %dma_wait3A_1941 = tpu.memref_slice %arg14[%add3A, %dma_wait3A_1940] : memref<10240x128xf32, #tpu.memory_space<vmem_shared>> -> memref<40x128xf32, #tpu.memory_space<vmem_shared>>
        tpu.wait_dma2 semaphore(%run_scoped3A : memref<!tpu.dma_semaphore, #tpu.memory_space<semaphore_mem>>) src(%arg12 : memref<40x128xf32, #tpu.memory_space<vmem>>) dst(%dma_wait3A_1941 : memref<40x128xf32, #tpu.memory_space<vmem_shared>>)
        tpu.yield
      }) : () -> ()
    }
    %scan3A_1925 = arith.constant 16 : i32
    %barrier3A = arith.constant 0 : index
    tpu.barrier barrier_id(%barrier3A)
    %scan3A_1926 = arith.constant 0 : i32
    %scan3A_1927 = arith.constant 0 : i32
    %scan3A_1928 = arith.constant 10 : i32
    %scan3A_1929 = arith.addi %scan3A_1927, %scan3A_1928 : i32
    %scan3A_1930 = arith.constant 1 : i32
    scf.for %scan3A_1933 = %scan3A_1927 to %scan3A_1929 step %scan3A_1930  : i32 {
      %mul3A_1934 = arith.constant 2000 : i32
      %mul3A_1935 = arith.muli %scan3A_1933, %mul3A_1934 : i32
      %add3A = arith.addi %mul3A_0, %mul3A_1935 : i32
      %mul3A_1936 = arith.constant 640000 : i32
      %mul3A_1937 = arith.muli %arg0, %mul3A_1936 : i32
      %mul3A_1938 = arith.constant 2 : i32
      %mul3A_1939 = arith.muli %add3A, %mul3A_1938 : i32
      %add3A_1940 = arith.addi %mul3A_1937, %mul3A_1939 : i32
      "tpu.region"() ({
        %run_scoped3A = tpu.sem_alloc : memref<!tpu.dma_semaphore, #tpu.memory_space<semaphore_mem>>
        %dma_start3A_1966 = tpu.memref_slice %arg4[%add3A_1940] : memref<1280000xf32, #tpu.memory_space<hbm>> -> memref<4000xf32, #tpu.memory_space<hbm>>
        %dma_start3A_1967 = tpu.memref_slice %arg4[%add3A_1940] : memref<1280000xf32, #tpu.memory_space<hbm>> -> memref<4000xf32, #tpu.memory_space<hbm>>
        tpu.enqueue_dma source(%dma_start3A_1967 : memref<4000xf32, #tpu.memory_space<hbm>>) target(%arg9 : memref<4000xf32, #tpu.memory_space<vmem>>) target_semaphore(%run_scoped3A : memref<!tpu.dma_semaphore, #tpu.memory_space<semaphore_mem>>)
        %dma_wait3A_1968 = tpu.memref_slice %arg4[%add3A_1940] : memref<1280000xf32, #tpu.memory_space<hbm>> -> memref<4000xf32, #tpu.memory_space<hbm>>
        %dma_wait3A_1969 = tpu.memref_slice %arg4[%add3A_1940] : memref<1280000xf32, #tpu.memory_space<hbm>> -> memref<4000xf32, #tpu.memory_space<hbm>>
        tpu.wait_dma2 semaphore(%run_scoped3A : memref<!tpu.dma_semaphore, #tpu.memory_space<semaphore_mem>>) src(%dma_wait3A_1969 : memref<4000xf32, #tpu.memory_space<hbm>>) dst(%arg9 : memref<4000xf32, #tpu.memory_space<vmem>>)
        tpu.yield
      }) : () -> ()
      "tpu.region"() ({
        %run_scoped3A = tpu.sem_alloc : memref<!tpu.dma_semaphore, #tpu.memory_space<semaphore_mem>>
        %dma_start3A_1966 = arith.constant 0 : i32
        %dma_start3A_1967 = arith.constant 0 : i32
        %dma_start3A_1968 = tpu.memref_slice %arg2[%arg0, %arg1, %scan3A_1933, %dma_start3A_1966, %dma_start3A_1967] : memref<2x16x10x50x40xi32, #tpu.memory_space<hbm>> -> memref<1x1x1x50x40xi32, #tpu.memory_space<hbm>>
        %dma_start3A_1969 = tpu.memref_squeeze %dma_start3A_1968 : memref<1x1x1x50x40xi32, #tpu.memory_space<hbm>> -> memref<50x40xi32, #tpu.memory_space<hbm>>
        %dma_start3A_1970 = arith.constant 0 : i32
        %dma_start3A_1971 = arith.constant 0 : i32
        %dma_start3A_1972 = tpu.memref_slice %arg2[%arg0, %arg1, %scan3A_1933, %dma_start3A_1970, %dma_start3A_1971] : memref<2x16x10x50x40xi32, #tpu.memory_space<hbm>> -> memref<1x1x1x50x40xi32, #tpu.memory_space<hbm>>
        %dma_start3A_1973 = tpu.memref_squeeze %dma_start3A_1972 : memref<1x1x1x50x40xi32, #tpu.memory_space<hbm>> -> memref<50x40xi32, #tpu.memory_space<hbm>>
        tpu.enqueue_dma source(%dma_start3A_1973 : memref<50x40xi32, #tpu.memory_space<hbm>>) target(%arg7 : memref<50x40xi32, #tpu.memory_space<vmem>>) target_semaphore(%run_scoped3A : memref<!tpu.dma_semaphore, #tpu.memory_space<semaphore_mem>>)
        %dma_wait3A_1974 = arith.constant 0 : i32
        %dma_wait3A_1975 = arith.constant 0 : i32
        %dma_wait3A_1976 = tpu.memref_slice %arg2[%arg0, %arg1, %scan3A_1933, %dma_wait3A_1974, %dma_wait3A_1975] : memref<2x16x10x50x40xi32, #tpu.memory_space<hbm>> -> memref<1x1x1x50x40xi32, #tpu.memory_space<hbm>>
        %dma_wait3A_1977 = tpu.memref_squeeze %dma_wait3A_1976 : memref<1x1x1x50x40xi32, #tpu.memory_space<hbm>> -> memref<50x40xi32, #tpu.memory_space<hbm>>
        %dma_wait3A_1978 = arith.constant 0 : i32
        %dma_wait3A_1979 = arith.constant 0 : i32
        %dma_wait3A_1980 = tpu.memref_slice %arg2[%arg0, %arg1, %scan3A_1933, %dma_wait3A_1978, %dma_wait3A_1979] : memref<2x16x10x50x40xi32, #tpu.memory_space<hbm>> -> memref<1x1x1x50x40xi32, #tpu.memory_space<hbm>>
        %dma_wait3A_1981 = tpu.memref_squeeze %dma_wait3A_1980 : memref<1x1x1x50x40xi32, #tpu.memory_space<hbm>> -> memref<50x40xi32, #tpu.memory_space<hbm>>
        tpu.wait_dma2 semaphore(%run_scoped3A : memref<!tpu.dma_semaphore, #tpu.memory_space<semaphore_mem>>) src(%dma_wait3A_1981 : memref<50x40xi32, #tpu.memory_space<hbm>>) dst(%arg7 : memref<50x40xi32, #tpu.memory_space<vmem>>)
        tpu.yield
      }) : () -> ()
      "tpu.region"() ({
        %run_scoped3A = tpu.sem_alloc : memref<!tpu.dma_semaphore, #tpu.memory_space<semaphore_mem>>
        %dma_start3A_1966 = arith.constant 0 : i32
        %dma_start3A_1967 = arith.constant 0 : i32
        %dma_start3A_1968 = tpu.memref_slice %arg3[%arg1, %scan3A_1933, %dma_start3A_1966, %dma_start3A_1967] : memref<16x10x50x40xi32, #tpu.memory_space<hbm>> -> memref<1x1x50x40xi32, #tpu.memory_space<hbm>>
        %dma_start3A_1969 = tpu.memref_squeeze %dma_start3A_1968 : memref<1x1x50x40xi32, #tpu.memory_space<hbm>> -> memref<50x40xi32, #tpu.memory_space<hbm>>
        %dma_start3A_1970 = arith.constant 0 : i32
        %dma_start3A_1971 = arith.constant 0 : i32
        %dma_start3A_1972 = tpu.memref_slice %arg3[%arg1, %scan3A_1933, %dma_start3A_1970, %dma_start3A_1971] : memref<16x10x50x40xi32, #tpu.memory_space<hbm>> -> memref<1x1x50x40xi32, #tpu.memory_space<hbm>>
        %dma_start3A_1973 = tpu.memref_squeeze %dma_start3A_1972 : memref<1x1x50x40xi32, #tpu.memory_space<hbm>> -> memref<50x40xi32, #tpu.memory_space<hbm>>
        tpu.enqueue_dma source(%dma_start3A_1973 : memref<50x40xi32, #tpu.memory_space<hbm>>) target(%arg8 : memref<50x40xi32, #tpu.memory_space<vmem>>) target_semaphore(%run_scoped3A : memref<!tpu.dma_semaphore, #tpu.memory_space<semaphore_mem>>)
        %dma_wait3A_1974 = arith.constant 0 : i32
        %dma_wait3A_1975 = arith.constant 0 : i32
        %dma_wait3A_1976 = tpu.memref_slice %arg3[%arg1, %scan3A_1933, %dma_wait3A_1974, %dma_wait3A_1975] : memref<16x10x50x40xi32, #tpu.memory_space<hbm>> -> memref<1x1x50x40xi32, #tpu.memory_space<hbm>>
        %dma_wait3A_1977 = tpu.memref_squeeze %dma_wait3A_1976 : memref<1x1x50x40xi32, #tpu.memory_space<hbm>> -> memref<50x40xi32, #tpu.memory_space<hbm>>
        %dma_wait3A_1978 = arith.constant 0 : i32
        %dma_wait3A_1979 = arith.constant 0 : i32
        %dma_wait3A_1980 = tpu.memref_slice %arg3[%arg1, %scan3A_1933, %dma_wait3A_1978, %dma_wait3A_1979] : memref<16x10x50x40xi32, #tpu.memory_space<hbm>> -> memref<1x1x50x40xi32, #tpu.memory_space<hbm>>
        %dma_wait3A_1981 = tpu.memref_squeeze %dma_wait3A_1980 : memref<1x1x50x40xi32, #tpu.memory_space<hbm>> -> memref<50x40xi32, #tpu.memory_space<hbm>>
        tpu.wait_dma2 semaphore(%run_scoped3A : memref<!tpu.dma_semaphore, #tpu.memory_space<semaphore_mem>>) src(%dma_wait3A_1981 : memref<50x40xi32, #tpu.memory_space<hbm>>) dst(%arg8 : memref<50x40xi32, #tpu.memory_space<vmem>>)
        tpu.yield
      }) : () -> ()
      %dma_start3A = arith.constant 0 : i32
      %dma_start3A_1941 = arith.constant 0 : i32
      %dma_start3A_1942 = tpu.memref_slice %arg7[%dma_start3A, %dma_start3A_1941] : memref<50x40xi32, #tpu.memory_space<vmem>> -> memref<1x40xi32, #tpu.memory_space<vmem>>
      %dma_start3A_1943 = tpu.memref_squeeze %dma_start3A_1942 : memref<1x40xi32, #tpu.memory_space<vmem>> -> memref<40xi32, #tpu.memory_space<vmem>>
      %dma_start3A_1944 = arith.constant 0 : i32
      %dma_start3A_1945 = arith.constant 0 : i32
      %dma_start3A_1946 = tpu.memref_slice %arg5[%dma_start3A_1944, %dma_start3A_1945] : memref<20000x128xf32, #tpu.memory_space<hbm>> -> memref<20000x128xf32, #tpu.memory_space<hbm>>
      tpu.enqueue_indirect_dma source(%dma_start3A_1946 : memref<20000x128xf32, #tpu.memory_space<hbm>>) target(%arg10 : memref<40x128xf32, #tpu.memory_space<vmem>>) offsets(%dma_start3A_1943 : memref<40xi32, #tpu.memory_space<vmem>>) semaphore(%arg15 : memref<!tpu.dma_semaphore, #tpu.memory_space<semaphore_mem>>)
      %scan3A_1947 = arith.constant 0 : i32
      %scan3A_1948 = arith.constant 0 : i32
      %scan3A_1949 = arith.constant 25 : i32
      %scan3A_1950 = arith.addi %scan3A_1948, %scan3A_1949 : i32
      %scan3A_1951 = arith.constant 1 : i32
      scf.for %scan3A_1966 = %scan3A_1948 to %scan3A_1950 step %scan3A_1951  : i32 {
        %mul3A_1967 = arith.constant 2 : i32
        %mul3A_1968 = arith.muli %mul3A_1967, %scan3A_1966 : i32
        %dma_wait3A_1969 = arith.constant 0 : i32
        %dma_wait3A_1970 = arith.constant 0 : i32
        %dma_wait3A_1971 = tpu.memref_slice %arg7[%dma_wait3A_1969, %dma_wait3A_1970] : memref<50x40xi32, #tpu.memory_space<vmem>> -> memref<1x40xi32, #tpu.memory_space<vmem>>
        %dma_wait3A_1972 = tpu.memref_squeeze %dma_wait3A_1971 : memref<1x40xi32, #tpu.memory_space<vmem>> -> memref<40xi32, #tpu.memory_space<vmem>>
        %dma_wait3A_1973 = arith.constant 0 : i32
        %dma_wait3A_1974 = arith.constant 0 : i32
        %dma_wait3A_1975 = tpu.memref_slice %arg5[%dma_wait3A_1973, %dma_wait3A_1974] : memref<20000x128xf32, #tpu.memory_space<hbm>> -> memref<20000x128xf32, #tpu.memory_space<hbm>>
        tpu.wait_indirect_dma semaphore(%arg15 : memref<!tpu.dma_semaphore, #tpu.memory_space<semaphore_mem>>) src(%dma_wait3A_1975 : memref<20000x128xf32, #tpu.memory_space<hbm>>) dst(%arg10 : memref<40x128xf32, #tpu.memory_space<vmem>>)
        %add3A_1976 = arith.constant 1 : i32
        %add3A_1977 = arith.addi %mul3A_1968, %add3A_1976 : i32
        %dma_start3A_1978 = arith.constant 0 : i32
        %dma_start3A_1979 = tpu.memref_slice %arg7[%add3A_1977, %dma_start3A_1978] : memref<50x40xi32, #tpu.memory_space<vmem>> -> memref<1x40xi32, #tpu.memory_space<vmem>>
        %dma_start3A_1980 = tpu.memref_squeeze %dma_start3A_1979 : memref<1x40xi32, #tpu.memory_space<vmem>> -> memref<40xi32, #tpu.memory_space<vmem>>
        %dma_start3A_1981 = arith.constant 0 : i32
        %dma_start3A_1982 = arith.constant 0 : i32
        %dma_start3A_1983 = tpu.memref_slice %arg5[%dma_start3A_1981, %dma_start3A_1982] : memref<20000x128xf32, #tpu.memory_space<hbm>> -> memref<20000x128xf32, #tpu.memory_space<hbm>>
        tpu.enqueue_indirect_dma source(%dma_start3A_1983 : memref<20000x128xf32, #tpu.memory_space<hbm>>) target(%arg11 : memref<40x128xf32, #tpu.memory_space<vmem>>) offsets(%dma_start3A_1980 : memref<40xi32, #tpu.memory_space<vmem>>) semaphore(%arg16 : memref<!tpu.dma_semaphore, #tpu.memory_space<semaphore_mem>>)
        %gt3A = arith.constant 0 : i32
        %gt3A_1984 = arith.cmpi sgt, %scan3A_1966, %gt3A : i32
        %convert_element_type3A = arith.extui %gt3A_1984 : i1 to i32
        %cond3A = arith.constant 0 : i32
        %cond3A_1985 = arith.cmpi ne, %convert_element_type3A, %cond3A : i32
        scf.if %cond3A_1985 {
          %dma_wait3A_2030 = arith.constant 0 : i32
          %dma_wait3A_2031 = arith.constant 0 : i32
          %dma_wait3A_2032 = tpu.memref_slice %arg8[%dma_wait3A_2030, %dma_wait3A_2031] : memref<50x40xi32, #tpu.memory_space<vmem>> -> memref<1x40xi32, #tpu.memory_space<vmem>>
          %dma_wait3A_2033 = tpu.memref_squeeze %dma_wait3A_2032 : memref<1x40xi32, #tpu.memory_space<vmem>> -> memref<40xi32, #tpu.memory_space<vmem>>
          %dma_wait3A_2034 = arith.constant 0 : i32
          %dma_wait3A_2035 = arith.constant 0 : i32
          %dma_wait3A_2036 = tpu.memref_slice %arg14[%dma_wait3A_2034, %dma_wait3A_2035] : memref<10240x128xf32, #tpu.memory_space<vmem_shared>> -> memref<10240x128xf32, #tpu.memory_space<vmem_shared>>
          tpu.wait_indirect_dma semaphore(%arg17 : memref<!tpu.dma_semaphore, #tpu.memory_space<semaphore_mem>>) src(%arg12 : memref<40x128xf32, #tpu.memory_space<vmem>>) dst(%dma_wait3A_2036 : memref<10240x128xf32, #tpu.memory_space<vmem_shared>>)
        } else {
        }
        %scan3A_1986 = arith.constant 0 : i32
        %scan3A_1987 = arith.constant 0 : i32
        %scan3A_1988 = arith.constant 10 : i32
        %scan3A_1989 = arith.addi %scan3A_1987, %scan3A_1988 : i32
        %scan3A_1990 = arith.constant 1 : i32
        scf.for %scan3A_2030 = %scan3A_1987 to %scan3A_1989 step %scan3A_1990  : i32 {
          %mul3A_2031 = arith.constant 4 : i32
          %mul3A_2032 = arith.muli %scan3A_2030, %mul3A_2031 : i32
          %add3A_2033 = arith.constant 0 : i32
          %add3A_2034 = arith.addi %mul3A_2032, %add3A_2033 : i32
          %mul3A_2035 = arith.constant 40 : i32
          %mul3A_2036 = arith.muli %mul3A_1968, %mul3A_2035 : i32
          %add3A_2037 = arith.addi %mul3A_2036, %add3A_2034 : i32
          %mul3A_2038 = arith.constant 2 : i32
          %mul3A_2039 = arith.muli %add3A_2037, %mul3A_2038 : i32
          %broadcast_in_dim3A_2040 = vector.broadcast %mul3A_2039 : i32 to vector<16xi32>
          %gather3A = tpu.vector_load_idx %arg9[%broadcast_in_dim3A_2040] : memref<4000xf32, #tpu.memory_space<vmem>>[vector<16xi32>], vector<16xf32>,
          %add3A_2041 = arith.constant 1 : i32
          %add3A_2042 = arith.addi %mul3A_2039, %add3A_2041 : i32
          %broadcast_in_dim3A_2043 = vector.broadcast %add3A_2042 : i32 to vector<16xi32>
          %gather3A_2044 = tpu.vector_load_idx %arg9[%broadcast_in_dim3A_2043] : memref<4000xf32, #tpu.memory_space<vmem>>[vector<16xi32>], vector<16xf32>,
          %get3A = arith.index_cast %add3A_2034 : i32 to index
          %get3A_2045 = arith.constant 0 : index
          %get3A_2046 = tpu.vector_load %arg10[%get3A, %get3A_2045] {strides = array<i32>} : memref<40x128xf32, #tpu.memory_space<vmem>>, vector<16xf32>,
          %bitcast3A = vector.bitcast %get3A_2046 : vector<16xf32> to vector<32xbf16>
          %get3A_2047 = arith.index_cast %add3A_2034 : i32 to index
          %get3A_2048 = arith.constant 64 : index
          %get3A_2049 = tpu.vector_load %arg10[%get3A_2047, %get3A_2048] {strides = array<i32>} : memref<40x128xf32, #tpu.memory_space<vmem>>, vector<16xf32>,
          %bitcast3A_2050 = vector.bitcast %get3A_2049 : vector<16xf32> to vector<32xbf16>
          %unpack3A = tpu.unpack_subelements %bitcast3A, 0 {pack_format = #tpu.pack_format<interleaved>} : vector<32xbf16> -> vector<16xf32>
          %unpack3A_2051 = tpu.unpack_subelements %bitcast3A, 1 {pack_format = #tpu.pack_format<interleaved>} : vector<32xbf16> -> vector<16xf32>
          %unpack3A_2052 = tpu.unpack_subelements %bitcast3A_2050, 0 {pack_format = #tpu.pack_format<interleaved>} : vector<32xbf16> -> vector<16xf32>
          %unpack3A_2053 = tpu.unpack_subelements %bitcast3A_2050, 1 {pack_format = #tpu.pack_format<interleaved>} : vector<32xbf16> -> vector<16xf32>
          %mul3A_2054 = arith.mulf %gather3A, %unpack3A : vector<16xf32>
          %mul3A_2055 = arith.mulf %gather3A_2044, %unpack3A_2052 : vector<16xf32>
          %add3A_2056 = arith.addf %mul3A_2054, %mul3A_2055 : vector<16xf32>
          %swap3A_2057 = arith.index_cast %add3A_2034 : i32 to index
          %swap3A_2058 = arith.constant 0 : index
          %swap3A_2059 = tpu.vector_load %arg12[%swap3A_2057, %swap3A_2058] {strides = array<i32>} : memref<40x128xf32, #tpu.memory_space<vmem>>, vector<16xf32>,
          tpu.vector_store %arg12[%swap3A_2057, %swap3A_2058], %add3A_2056 {strides = array<i32>} : memref<40x128xf32, #tpu.memory_space<vmem>>, vector<16xf32>,
          %mul3A_2060 = arith.mulf %gather3A, %unpack3A_2051 : vector<16xf32>
          %mul3A_2061 = arith.mulf %gather3A_2044, %unpack3A_2053 : vector<16xf32>
          %add3A_2062 = arith.addf %mul3A_2060, %mul3A_2061 : vector<16xf32>
          %swap3A_2063 = arith.index_cast %add3A_2034 : i32 to index
          %swap3A_2064 = arith.constant 16 : index
          %swap3A_2065 = tpu.vector_load %arg12[%swap3A_2063, %swap3A_2064] {strides = array<i32>} : memref<40x128xf32, #tpu.memory_space<vmem>>, vector<16xf32>,
          tpu.vector_store %arg12[%swap3A_2063, %swap3A_2064], %add3A_2062 {strides = array<i32>} : memref<40x128xf32, #tpu.memory_space<vmem>>, vector<16xf32>,
          %get3A_2066 = arith.index_cast %add3A_2034 : i32 to index
          %get3A_2067 = arith.constant 16 : index
          %get3A_2068 = tpu.vector_load %arg10[%get3A_2066, %get3A_2067] {strides = array<i32>} : memref<40x128xf32, #tpu.memory_space<vmem>>, vector<16xf32>,
          %bitcast3A_2069 = vector.bitcast %get3A_2068 : vector<16xf32> to vector<32xbf16>
          %get3A_2070 = arith.index_cast %add3A_2034 : i32 to index
          %get3A_2071 = arith.constant 80 : index
          %get3A_2072 = tpu.vector_load %arg10[%get3A_2070, %get3A_2071] {strides = array<i32>} : memref<40x128xf32, #tpu.memory_space<vmem>>, vector<16xf32>,
          %bitcast3A_2073 = vector.bitcast %get3A_2072 : vector<16xf32> to vector<32xbf16>
          %unpack3A_2074 = tpu.unpack_subelements %bitcast3A_2069, 0 {pack_format = #tpu.pack_format<interleaved>} : vector<32xbf16> -> vector<16xf32>
          %unpack3A_2075 = tpu.unpack_subelements %bitcast3A_2069, 1 {pack_format = #tpu.pack_format<interleaved>} : vector<32xbf16> -> vector<16xf32>
          %unpack3A_2076 = tpu.unpack_subelements %bitcast3A_2073, 0 {pack_format = #tpu.pack_format<interleaved>} : vector<32xbf16> -> vector<16xf32>
          %unpack3A_2077 = tpu.unpack_subelements %bitcast3A_2073, 1 {pack_format = #tpu.pack_format<interleaved>} : vector<32xbf16> -> vector<16xf32>
          %mul3A_2078 = arith.mulf %gather3A, %unpack3A_2074 : vector<16xf32>
          %mul3A_2079 = arith.mulf %gather3A_2044, %unpack3A_2076 : vector<16xf32>
          %add3A_2080 = arith.addf %mul3A_2078, %mul3A_2079 : vector<16xf32>
          %swap3A_2081 = arith.index_cast %add3A_2034 : i32 to index
          %swap3A_2082 = arith.constant 32 : index
          %swap3A_2083 = tpu.vector_load %arg12[%swap3A_2081, %swap3A_2082] {strides = array<i32>} : memref<40x128xf32, #tpu.memory_space<vmem>>, vector<16xf32>,
          tpu.vector_store %arg12[%swap3A_2081, %swap3A_2082], %add3A_2080 {strides = array<i32>} : memref<40x128xf32, #tpu.memory_space<vmem>>, vector<16xf32>,
          %mul3A_2084 = arith.mulf %gather3A, %unpack3A_2075 : vector<16xf32>
          %mul3A_2085 = arith.mulf %gather3A_2044, %unpack3A_2077 : vector<16xf32>
          %add3A_2086 = arith.addf %mul3A_2084, %mul3A_2085 : vector<16xf32>
          %swap3A_2087 = arith.index_cast %add3A_2034 : i32 to index
          %swap3A_2088 = arith.constant 48 : index
          %swap3A_2089 = tpu.vector_load %arg12[%swap3A_2087, %swap3A_2088] {strides = array<i32>} : memref<40x128xf32, #tpu.memory_space<vmem>>, vector<16xf32>,
          tpu.vector_store %arg12[%swap3A_2087, %swap3A_2088], %add3A_2086 {strides = array<i32>} : memref<40x128xf32, #tpu.memory_space<vmem>>, vector<16xf32>,
          %get3A_2090 = arith.index_cast %add3A_2034 : i32 to index
          %get3A_2091 = arith.constant 32 : index
          %get3A_2092 = tpu.vector_load %arg10[%get3A_2090, %get3A_2091] {strides = array<i32>} : memref<40x128xf32, #tpu.memory_space<vmem>>, vector<16xf32>,
          %bitcast3A_2093 = vector.bitcast %get3A_2092 : vector<16xf32> to vector<32xbf16>
          %get3A_2094 = arith.index_cast %add3A_2034 : i32 to index
          %get3A_2095 = arith.constant 96 : index
          %get3A_2096 = tpu.vector_load %arg10[%get3A_2094, %get3A_2095] {strides = array<i32>} : memref<40x128xf32, #tpu.memory_space<vmem>>, vector<16xf32>,
          %bitcast3A_2097 = vector.bitcast %get3A_2096 : vector<16xf32> to vector<32xbf16>
          %unpack3A_2098 = tpu.unpack_subelements %bitcast3A_2093, 0 {pack_format = #tpu.pack_format<interleaved>} : vector<32xbf16> -> vector<16xf32>
          %unpack3A_2099 = tpu.unpack_subelements %bitcast3A_2093, 1 {pack_format = #tpu.pack_format<interleaved>} : vector<32xbf16> -> vector<16xf32>
          %unpack3A_2100 = tpu.unpack_subelements %bitcast3A_2097, 0 {pack_format = #tpu.pack_format<interleaved>} : vector<32xbf16> -> vector<16xf32>
          %unpack3A_2101 = tpu.unpack_subelements %bitcast3A_2097, 1 {pack_format = #tpu.pack_format<interleaved>} : vector<32xbf16> -> vector<16xf32>
          %mul3A_2102 = arith.mulf %gather3A, %unpack3A_2098 : vector<16xf32>
          %mul3A_2103 = arith.mulf %gather3A_2044, %unpack3A_2100 : vector<16xf32>
          %add3A_2104 = arith.addf %mul3A_2102, %mul3A_2103 : vector<16xf32>
          %swap3A_2105 = arith.index_cast %add3A_2034 : i32 to index
          %swap3A_2106 = arith.constant 64 : index
          %swap3A_2107 = tpu.vector_load %arg12[%swap3A_2105, %swap3A_2106] {strides = array<i32>} : memref<40x128xf32, #tpu.memory_space<vmem>>, vector<16xf32>,
          tpu.vector_store %arg12[%swap3A_2105, %swap3A_2106], %add3A_2104 {strides = array<i32>} : memref<40x128xf32, #tpu.memory_space<vmem>>, vector<16xf32>,
          %mul3A_2108 = arith.mulf %gather3A, %unpack3A_2099 : vector<16xf32>
          %mul3A_2109 = arith.mulf %gather3A_2044, %unpack3A_2101 : vector<16xf32>
          %add3A_2110 = arith.addf %mul3A_2108, %mul3A_2109 : vector<16xf32>
          %swap3A_2111 = arith.index_cast %add3A_2034 : i32 to index
          %swap3A_2112 = arith.constant 80 : index
          %swap3A_2113 = tpu.vector_load %arg12[%swap3A_2111, %swap3A_2112] {strides = array<i32>} : memref<40x128xf32, #tpu.memory_space<vmem>>, vector<16xf32>,
          tpu.vector_store %arg12[%swap3A_2111, %swap3A_2112], %add3A_2110 {strides = array<i32>} : memref<40x128xf32, #tpu.memory_space<vmem>>, vector<16xf32>,
          %get3A_2114 = arith.index_cast %add3A_2034 : i32 to index
          %get3A_2115 = arith.constant 48 : index
          %get3A_2116 = tpu.vector_load %arg10[%get3A_2114, %get3A_2115] {strides = array<i32>} : memref<40x128xf32, #tpu.memory_space<vmem>>, vector<16xf32>,
          %bitcast3A_2117 = vector.bitcast %get3A_2116 : vector<16xf32> to vector<32xbf16>
          %get3A_2118 = arith.index_cast %add3A_2034 : i32 to index
          %get3A_2119 = arith.constant 112 : index
          %get3A_2120 = tpu.vector_load %arg10[%get3A_2118, %get3A_2119] {strides = array<i32>} : memref<40x128xf32, #tpu.memory_space<vmem>>, vector<16xf32>,
          %bitcast3A_2121 = vector.bitcast %get3A_2120 : vector<16xf32> to vector<32xbf16>
          %unpack3A_2122 = tpu.unpack_subelements %bitcast3A_2117, 0 {pack_format = #tpu.pack_format<interleaved>} : vector<32xbf16> -> vector<16xf32>
          %unpack3A_2123 = tpu.unpack_subelements %bitcast3A_2117, 1 {pack_format = #tpu.pack_format<interleaved>} : vector<32xbf16> -> vector<16xf32>
          %unpack3A_2124 = tpu.unpack_subelements %bitcast3A_2121, 0 {pack_format = #tpu.pack_format<interleaved>} : vector<32xbf16> -> vector<16xf32>
          %unpack3A_2125 = tpu.unpack_subelements %bitcast3A_2121, 1 {pack_format = #tpu.pack_format<interleaved>} : vector<32xbf16> -> vector<16xf32>
          %mul3A_2126 = arith.mulf %gather3A, %unpack3A_2122 : vector<16xf32>
          %mul3A_2127 = arith.mulf %gather3A_2044, %unpack3A_2124 : vector<16xf32>
          %add3A_2128 = arith.addf %mul3A_2126, %mul3A_2127 : vector<16xf32>
          %swap3A_2129 = arith.index_cast %add3A_2034 : i32 to index
          %swap3A_2130 = arith.constant 96 : index
          %swap3A_2131 = tpu.vector_load %arg12[%swap3A_2129, %swap3A_2130] {strides = array<i32>} : memref<40x128xf32, #tpu.memory_space<vmem>>, vector<16xf32>,
          tpu.vector_store %arg12[%swap3A_2129, %swap3A_2130], %add3A_2128 {strides = array<i32>} : memref<40x128xf32, #tpu.memory_space<vmem>>, vector<16xf32>,
          %mul3A_2132 = arith.mulf %gather3A, %unpack3A_2123 : vector<16xf32>
          %mul3A_2133 = arith.mulf %gather3A_2044, %unpack3A_2125 : vector<16xf32>
          %add3A_2134 = arith.addf %mul3A_2132, %mul3A_2133 : vector<16xf32>
          %swap3A_2135 = arith.index_cast %add3A_2034 : i32 to index
          %swap3A_2136 = arith.constant 112 : index
          %swap3A_2137 = tpu.vector_load %arg12[%swap3A_2135, %swap3A_2136] {strides = array<i32>} : memref<40x128xf32, #tpu.memory_space<vmem>>, vector<16xf32>,
          tpu.vector_store %arg12[%swap3A_2135, %swap3A_2136], %add3A_2134 {strides = array<i32>} : memref<40x128xf32, #tpu.memory_space<vmem>>, vector<16xf32>,
          %mul3A_2138 = arith.constant 4 : i32
          %mul3A_2139 = arith.muli %scan3A_2030, %mul3A_2138 : i32
          %add3A_2140 = arith.constant 1 : i32
          %add3A_2141 = arith.addi %mul3A_2139, %add3A_2140 : i32
          %mul3A_2142 = arith.constant 40 : i32
          %mul3A_2143 = arith.muli %mul3A_1968, %mul3A_2142 : i32
          %add3A_2144 = arith.addi %mul3A_2143, %add3A_2141 : i32
          %mul3A_2145 = arith.constant 2 : i32
          %mul3A_2146 = arith.muli %add3A_2144, %mul3A_2145 : i32
          %broadcast_in_dim3A_2147 = vector.broadcast %mul3A_2146 : i32 to vector<16xi32>
          %gather3A_2148 = tpu.vector_load_idx %arg9[%broadcast_in_dim3A_2147] : memref<4000xf32, #tpu.memory_space<vmem>>[vector<16xi32>], vector<16xf32>,
          %add3A_2149 = arith.constant 1 : i32
          %add3A_2150 = arith.addi %mul3A_2146, %add3A_2149 : i32
          %broadcast_in_dim3A_2151 = vector.broadcast %add3A_2150 : i32 to vector<16xi32>
          %gather3A_2152 = tpu.vector_load_idx %arg9[%broadcast_in_dim3A_2151] : memref<4000xf32, #tpu.memory_space<vmem>>[vector<16xi32>], vector<16xf32>,
          %get3A_2153 = arith.index_cast %add3A_2141 : i32 to index
          %get3A_2154 = arith.constant 0 : index
          %get3A_2155 = tpu.vector_load %arg10[%get3A_2153, %get3A_2154] {strides = array<i32>} : memref<40x128xf32, #tpu.memory_space<vmem>>, vector<16xf32>,
          %bitcast3A_2156 = vector.bitcast %get3A_2155 : vector<16xf32> to vector<32xbf16>
          %get3A_2157 = arith.index_cast %add3A_2141 : i32 to index
          %get3A_2158 = arith.constant 64 : index
          %get3A_2159 = tpu.vector_load %arg10[%get3A_2157, %get3A_2158] {strides = array<i32>} : memref<40x128xf32, #tpu.memory_space<vmem>>, vector<16xf32>,
          %bitcast3A_2160 = vector.bitcast %get3A_2159 : vector<16xf32> to vector<32xbf16>
          %unpack3A_2161 = tpu.unpack_subelements %bitcast3A_2156, 0 {pack_format = #tpu.pack_format<interleaved>} : vector<32xbf16> -> vector<16xf32>
          %unpack3A_2162 = tpu.unpack_subelements %bitcast3A_2156, 1 {pack_format = #tpu.pack_format<interleaved>} : vector<32xbf16> -> vector<16xf32>
          %unpack3A_2163 = tpu.unpack_subelements %bitcast3A_2160, 0 {pack_format = #tpu.pack_format<interleaved>} : vector<32xbf16> -> vector<16xf32>
          %unpack3A_2164 = tpu.unpack_subelements %bitcast3A_2160, 1 {pack_format = #tpu.pack_format<interleaved>} : vector<32xbf16> -> vector<16xf32>
          %mul3A_2165 = arith.mulf %gather3A_2148, %unpack3A_2161 : vector<16xf32>
          %mul3A_2166 = arith.mulf %gather3A_2152, %unpack3A_2163 : vector<16xf32>
          %add3A_2167 = arith.addf %mul3A_2165, %mul3A_2166 : vector<16xf32>
          %swap3A_2168 = arith.index_cast %add3A_2141 : i32 to index
          %swap3A_2169 = arith.constant 0 : index
          %swap3A_2170 = tpu.vector_load %arg12[%swap3A_2168, %swap3A_2169] {strides = array<i32>} : memref<40x128xf32, #tpu.memory_space<vmem>>, vector<16xf32>,
          tpu.vector_store %arg12[%swap3A_2168, %swap3A_2169], %add3A_2167 {strides = array<i32>} : memref<40x128xf32, #tpu.memory_space<vmem>>, vector<16xf32>,
          %mul3A_2171 = arith.mulf %gather3A_2148, %unpack3A_2162 : vector<16xf32>
          %mul3A_2172 = arith.mulf %gather3A_2152, %unpack3A_2164 : vector<16xf32>
          %add3A_2173 = arith.addf %mul3A_2171, %mul3A_2172 : vector<16xf32>
          %swap3A_2174 = arith.index_cast %add3A_2141 : i32 to index
          %swap3A_2175 = arith.constant 16 : index
          %swap3A_2176 = tpu.vector_load %arg12[%swap3A_2174, %swap3A_2175] {strides = array<i32>} : memref<40x128xf32, #tpu.memory_space<vmem>>, vector<16xf32>,
          tpu.vector_store %arg12[%swap3A_2174, %swap3A_2175], %add3A_2173 {strides = array<i32>} : memref<40x128xf32, #tpu.memory_space<vmem>>, vector<16xf32>,
          %get3A_2177 = arith.index_cast %add3A_2141 : i32 to index
          %get3A_2178 = arith.constant 16 : index
          %get3A_2179 = tpu.vector_load %arg10[%get3A_2177, %get3A_2178] {strides = array<i32>} : memref<40x128xf32, #tpu.memory_space<vmem>>, vector<16xf32>,
          %bitcast3A_2180 = vector.bitcast %get3A_2179 : vector<16xf32> to vector<32xbf16>
          %get3A_2181 = arith.index_cast %add3A_2141 : i32 to index
          %get3A_2182 = arith.constant 80 : index
          %get3A_2183 = tpu.vector_load %arg10[%get3A_2181, %get3A_2182] {strides = array<i32>} : memref<40x128xf32, #tpu.memory_space<vmem>>, vector<16xf32>,
          %bitcast3A_2184 = vector.bitcast %get3A_2183 : vector<16xf32> to vector<32xbf16>
          %unpack3A_2185 = tpu.unpack_subelements %bitcast3A_2180, 0 {pack_format = #tpu.pack_format<interleaved>} : vector<32xbf16> -> vector<16xf32>
          %unpack3A_2186 = tpu.unpack_subelements %bitcast3A_2180, 1 {pack_format = #tpu.pack_format<interleaved>} : vector<32xbf16> -> vector<16xf32>
          %unpack3A_2187 = tpu.unpack_subelements %bitcast3A_2184, 0 {pack_format = #tpu.pack_format<interleaved>} : vector<32xbf16> -> vector<16xf32>
          %unpack3A_2188 = tpu.unpack_subelements %bitcast3A_2184, 1 {pack_format = #tpu.pack_format<interleaved>} : vector<32xbf16> -> vector<16xf32>
          %mul3A_2189 = arith.mulf %gather3A_2148, %unpack3A_2185 : vector<16xf32>
          %mul3A_2190 = arith.mulf %gather3A_2152, %unpack3A_2187 : vector<16xf32>
          %add3A_2191 = arith.addf %mul3A_2189, %mul3A_2190 : vector<16xf32>
          %swap3A_2192 = arith.index_cast %add3A_2141 : i32 to index
          %swap3A_2193 = arith.constant 32 : index
          %swap3A_2194 = tpu.vector_load %arg12[%swap3A_2192, %swap3A_2193] {strides = array<i32>} : memref<40x128xf32, #tpu.memory_space<vmem>>, vector<16xf32>,
          tpu.vector_store %arg12[%swap3A_2192, %swap3A_2193], %add3A_2191 {strides = array<i32>} : memref<40x128xf32, #tpu.memory_space<vmem>>, vector<16xf32>,
          %mul3A_2195 = arith.mulf %gather3A_2148, %unpack3A_2186 : vector<16xf32>
          %mul3A_2196 = arith.mulf %gather3A_2152, %unpack3A_2188 : vector<16xf32>
          %add3A_2197 = arith.addf %mul3A_2195, %mul3A_2196 : vector<16xf32>
          %swap3A_2198 = arith.index_cast %add3A_2141 : i32 to index
          %swap3A_2199 = arith.constant 48 : index
          %swap3A_2200 = tpu.vector_load %arg12[%swap3A_2198, %swap3A_2199] {strides = array<i32>} : memref<40x128xf32, #tpu.memory_space<vmem>>, vector<16xf32>,
          tpu.vector_store %arg12[%swap3A_2198, %swap3A_2199], %add3A_2197 {strides = array<i32>} : memref<40x128xf32, #tpu.memory_space<vmem>>, vector<16xf32>,
          %get3A_2201 = arith.index_cast %add3A_2141 : i32 to index
          %get3A_2202 = arith.constant 32 : index
          %get3A_2203 = tpu.vector_load %arg10[%get3A_2201, %get3A_2202] {strides = array<i32>} : memref<40x128xf32, #tpu.memory_space<vmem>>, vector<16xf32>,
          %bitcast3A_2204 = vector.bitcast %get3A_2203 : vector<16xf32> to vector<32xbf16>
          %get3A_2205 = arith.index_cast %add3A_2141 : i32 to index
          %get3A_2206 = arith.constant 96 : index
          %get3A_2207 = tpu.vector_load %arg10[%get3A_2205, %get3A_2206] {strides = array<i32>} : memref<40x128xf32, #tpu.memory_space<vmem>>, vector<16xf32>,
          %bitcast3A_2208 = vector.bitcast %get3A_2207 : vector<16xf32> to vector<32xbf16>
          %unpack3A_2209 = tpu.unpack_subelements %bitcast3A_2204, 0 {pack_format = #tpu.pack_format<interleaved>} : vector<32xbf16> -> vector<16xf32>
          %unpack3A_2210 = tpu.unpack_subelements %bitcast3A_2204, 1 {pack_format = #tpu.pack_format<interleaved>} : vector<32xbf16> -> vector<16xf32>
          %unpack3A_2211 = tpu.unpack_subelements %bitcast3A_2208, 0 {pack_format = #tpu.pack_format<interleaved>} : vector<32xbf16> -> vector<16xf32>
          %unpack3A_2212 = tpu.unpack_subelements %bitcast3A_2208, 1 {pack_format = #tpu.pack_format<interleaved>} : vector<32xbf16> -> vector<16xf32>
          %mul3A_2213 = arith.mulf %gather3A_2148, %unpack3A_2209 : vector<16xf32>
          %mul3A_2214 = arith.mulf %gather3A_2152, %unpack3A_2211 : vector<16xf32>
          %add3A_2215 = arith.addf %mul3A_2213, %mul3A_2214 : vector<16xf32>
          %swap3A_2216 = arith.index_cast %add3A_2141 : i32 to index
          %swap3A_2217 = arith.constant 64 : index
          %swap3A_2218 = tpu.vector_load %arg12[%swap3A_2216, %swap3A_2217] {strides = array<i32>} : memref<40x128xf32, #tpu.memory_space<vmem>>, vector<16xf32>,
          tpu.vector_store %arg12[%swap3A_2216, %swap3A_2217], %add3A_2215 {strides = array<i32>} : memref<40x128xf32, #tpu.memory_space<vmem>>, vector<16xf32>,
          %mul3A_2219 = arith.mulf %gather3A_2148, %unpack3A_2210 : vector<16xf32>
          %mul3A_2220 = arith.mulf %gather3A_2152, %unpack3A_2212 : vector<16xf32>
          %add3A_2221 = arith.addf %mul3A_2219, %mul3A_2220 : vector<16xf32>
          %swap3A_2222 = arith.index_cast %add3A_2141 : i32 to index
          %swap3A_2223 = arith.constant 80 : index
          %swap3A_2224 = tpu.vector_load %arg12[%swap3A_2222, %swap3A_2223] {strides = array<i32>} : memref<40x128xf32, #tpu.memory_space<vmem>>, vector<16xf32>,
          tpu.vector_store %arg12[%swap3A_2222, %swap3A_2223], %add3A_2221 {strides = array<i32>} : memref<40x128xf32, #tpu.memory_space<vmem>>, vector<16xf32>,
          %get3A_2225 = arith.index_cast %add3A_2141 : i32 to index
          %get3A_2226 = arith.constant 48 : index
          %get3A_2227 = tpu.vector_load %arg10[%get3A_2225, %get3A_2226] {strides = array<i32>} : memref<40x128xf32, #tpu.memory_space<vmem>>, vector<16xf32>,
          %bitcast3A_2228 = vector.bitcast %get3A_2227 : vector<16xf32> to vector<32xbf16>
          %get3A_2229 = arith.index_cast %add3A_2141 : i32 to index
          %get3A_2230 = arith.constant 112 : index
          %get3A_2231 = tpu.vector_load %arg10[%get3A_2229, %get3A_2230] {strides = array<i32>} : memref<40x128xf32, #tpu.memory_space<vmem>>, vector<16xf32>,
          %bitcast3A_2232 = vector.bitcast %get3A_2231 : vector<16xf32> to vector<32xbf16>
          %unpack3A_2233 = tpu.unpack_subelements %bitcast3A_2228, 0 {pack_format = #tpu.pack_format<interleaved>} : vector<32xbf16> -> vector<16xf32>
          %unpack3A_2234 = tpu.unpack_subelements %bitcast3A_2228, 1 {pack_format = #tpu.pack_format<interleaved>} : vector<32xbf16> -> vector<16xf32>
          %unpack3A_2235 = tpu.unpack_subelements %bitcast3A_2232, 0 {pack_format = #tpu.pack_format<interleaved>} : vector<32xbf16> -> vector<16xf32>
          %unpack3A_2236 = tpu.unpack_subelements %bitcast3A_2232, 1 {pack_format = #tpu.pack_format<interleaved>} : vector<32xbf16> -> vector<16xf32>
          %mul3A_2237 = arith.mulf %gather3A_2148, %unpack3A_2233 : vector<16xf32>
          %mul3A_2238 = arith.mulf %gather3A_2152, %unpack3A_2235 : vector<16xf32>
          %add3A_2239 = arith.addf %mul3A_2237, %mul3A_2238 : vector<16xf32>
          %swap3A_2240 = arith.index_cast %add3A_2141 : i32 to index
          %swap3A_2241 = arith.constant 96 : index
          %swap3A_2242 = tpu.vector_load %arg12[%swap3A_2240, %swap3A_2241] {strides = array<i32>} : memref<40x128xf32, #tpu.memory_space<vmem>>, vector<16xf32>,
          tpu.vector_store %arg12[%swap3A_2240, %swap3A_2241], %add3A_2239 {strides = array<i32>} : memref<40x128xf32, #tpu.memory_space<vmem>>, vector<16xf32>,
          %mul3A_2243 = arith.mulf %gather3A_2148, %unpack3A_2234 : vector<16xf32>
          %mul3A_2244 = arith.mulf %gather3A_2152, %unpack3A_2236 : vector<16xf32>
          %add3A_2245 = arith.addf %mul3A_2243, %mul3A_2244 : vector<16xf32>
          %swap3A_2246 = arith.index_cast %add3A_2141 : i32 to index
          %swap3A_2247 = arith.constant 112 : index
          %swap3A_2248 = tpu.vector_load %arg12[%swap3A_2246, %swap3A_2247] {strides = array<i32>} : memref<40x128xf32, #tpu.memory_space<vmem>>, vector<16xf32>,
          tpu.vector_store %arg12[%swap3A_2246, %swap3A_2247], %add3A_2245 {strides = array<i32>} : memref<40x128xf32, #tpu.memory_space<vmem>>, vector<16xf32>,
          %mul3A_2249 = arith.constant 4 : i32
          %mul3A_2250 = arith.muli %scan3A_2030, %mul3A_2249 : i32
          %add3A_2251 = arith.constant 2 : i32
          %add3A_2252 = arith.addi %mul3A_2250, %add3A_2251 : i32
          %mul3A_2253 = arith.constant 40 : i32
          %mul3A_2254 = arith.muli %mul3A_1968, %mul3A_2253 : i32
          %add3A_2255 = arith.addi %mul3A_2254, %add3A_2252 : i32
          %mul3A_2256 = arith.constant 2 : i32
          %mul3A_2257 = arith.muli %add3A_2255, %mul3A_2256 : i32
          %broadcast_in_dim3A_2258 = vector.broadcast %mul3A_2257 : i32 to vector<16xi32>
          %gather3A_2259 = tpu.vector_load_idx %arg9[%broadcast_in_dim3A_2258] : memref<4000xf32, #tpu.memory_space<vmem>>[vector<16xi32>], vector<16xf32>,
          %add3A_2260 = arith.constant 1 : i32
          %add3A_2261 = arith.addi %mul3A_2257, %add3A_2260 : i32
          %broadcast_in_dim3A_2262 = vector.broadcast %add3A_2261 : i32 to vector<16xi32>
          %gather3A_2263 = tpu.vector_load_idx %arg9[%broadcast_in_dim3A_2262] : memref<4000xf32, #tpu.memory_space<vmem>>[vector<16xi32>], vector<16xf32>,
          %get3A_2264 = arith.index_cast %add3A_2252 : i32 to index
          %get3A_2265 = arith.constant 0 : index
          %get3A_2266 = tpu.vector_load %arg10[%get3A_2264, %get3A_2265] {strides = array<i32>} : memref<40x128xf32, #tpu.memory_space<vmem>>, vector<16xf32>,
          %bitcast3A_2267 = vector.bitcast %get3A_2266 : vector<16xf32> to vector<32xbf16>
          %get3A_2268 = arith.index_cast %add3A_2252 : i32 to index
          %get3A_2269 = arith.constant 64 : index
          %get3A_2270 = tpu.vector_load %arg10[%get3A_2268, %get3A_2269] {strides = array<i32>} : memref<40x128xf32, #tpu.memory_space<vmem>>, vector<16xf32>,
          %bitcast3A_2271 = vector.bitcast %get3A_2270 : vector<16xf32> to vector<32xbf16>
          %unpack3A_2272 = tpu.unpack_subelements %bitcast3A_2267, 0 {pack_format = #tpu.pack_format<interleaved>} : vector<32xbf16> -> vector<16xf32>
          %unpack3A_2273 = tpu.unpack_subelements %bitcast3A_2267, 1 {pack_format = #tpu.pack_format<interleaved>} : vector<32xbf16> -> vector<16xf32>
          %unpack3A_2274 = tpu.unpack_subelements %bitcast3A_2271, 0 {pack_format = #tpu.pack_format<interleaved>} : vector<32xbf16> -> vector<16xf32>
          %unpack3A_2275 = tpu.unpack_subelements %bitcast3A_2271, 1 {pack_format = #tpu.pack_format<interleaved>} : vector<32xbf16> -> vector<16xf32>
          %mul3A_2276 = arith.mulf %gather3A_2259, %unpack3A_2272 : vector<16xf32>
          %mul3A_2277 = arith.mulf %gather3A_2263, %unpack3A_2274 : vector<16xf32>
          %add3A_2278 = arith.addf %mul3A_2276, %mul3A_2277 : vector<16xf32>
          %swap3A_2279 = arith.index_cast %add3A_2252 : i32 to index
          %swap3A_2280 = arith.constant 0 : index
          %swap3A_2281 = tpu.vector_load %arg12[%swap3A_2279, %swap3A_2280] {strides = array<i32>} : memref<40x128xf32, #tpu.memory_space<vmem>>, vector<16xf32>,
          tpu.vector_store %arg12[%swap3A_2279, %swap3A_2280], %add3A_2278 {strides = array<i32>} : memref<40x128xf32, #tpu.memory_space<vmem>>, vector<16xf32>,
          %mul3A_2282 = arith.mulf %gather3A_2259, %unpack3A_2273 : vector<16xf32>
          %mul3A_2283 = arith.mulf %gather3A_2263, %unpack3A_2275 : vector<16xf32>
          %add3A_2284 = arith.addf %mul3A_2282, %mul3A_2283 : vector<16xf32>
          %swap3A_2285 = arith.index_cast %add3A_2252 : i32 to index
          %swap3A_2286 = arith.constant 16 : index
          %swap3A_2287 = tpu.vector_load %arg12[%swap3A_2285, %swap3A_2286] {strides = array<i32>} : memref<40x128xf32, #tpu.memory_space<vmem>>, vector<16xf32>,
          tpu.vector_store %arg12[%swap3A_2285, %swap3A_2286], %add3A_2284 {strides = array<i32>} : memref<40x128xf32, #tpu.memory_space<vmem>>, vector<16xf32>,
          %get3A_2288 = arith.index_cast %add3A_2252 : i32 to index
          %get3A_2289 = arith.constant 16 : index
          %get3A_2290 = tpu.vector_load %arg10[%get3A_2288, %get3A_2289] {strides = array<i32>} : memref<40x128xf32, #tpu.memory_space<vmem>>, vector<16xf32>,
          %bitcast3A_2291 = vector.bitcast %get3A_2290 : vector<16xf32> to vector<32xbf16>
          %get3A_2292 = arith.index_cast %add3A_2252 : i32 to index
          %get3A_2293 = arith.constant 80 : index
          %get3A_2294 = tpu.vector_load %arg10[%get3A_2292, %get3A_2293] {strides = array<i32>} : memref<40x128xf32, #tpu.memory_space<vmem>>, vector<16xf32>,
          %bitcast3A_2295 = vector.bitcast %get3A_2294 : vector<16xf32> to vector<32xbf16>
          %unpack3A_2296 = tpu.unpack_subelements %bitcast3A_2291, 0 {pack_format = #tpu.pack_format<interleaved>} : vector<32xbf16> -> vector<16xf32>
          %unpack3A_2297 = tpu.unpack_subelements %bitcast3A_2291, 1 {pack_format = #tpu.pack_format<interleaved>} : vector<32xbf16> -> vector<16xf32>
          %unpack3A_2298 = tpu.unpack_subelements %bitcast3A_2295, 0 {pack_format = #tpu.pack_format<interleaved>} : vector<32xbf16> -> vector<16xf32>
          %unpack3A_2299 = tpu.unpack_subelements %bitcast3A_2295, 1 {pack_format = #tpu.pack_format<interleaved>} : vector<32xbf16> -> vector<16xf32>
          %mul3A_2300 = arith.mulf %gather3A_2259, %unpack3A_2296 : vector<16xf32>
          %mul3A_2301 = arith.mulf %gather3A_2263, %unpack3A_2298 : vector<16xf32>
          %add3A_2302 = arith.addf %mul3A_2300, %mul3A_2301 : vector<16xf32>
          %swap3A_2303 = arith.index_cast %add3A_2252 : i32 to index
          %swap3A_2304 = arith.constant 32 : index
          %swap3A_2305 = tpu.vector_load %arg12[%swap3A_2303, %swap3A_2304] {strides = array<i32>} : memref<40x128xf32, #tpu.memory_space<vmem>>, vector<16xf32>,
          tpu.vector_store %arg12[%swap3A_2303, %swap3A_2304], %add3A_2302 {strides = array<i32>} : memref<40x128xf32, #tpu.memory_space<vmem>>, vector<16xf32>,
          %mul3A_2306 = arith.mulf %gather3A_2259, %unpack3A_2297 : vector<16xf32>
          %mul3A_2307 = arith.mulf %gather3A_2263, %unpack3A_2299 : vector<16xf32>
          %add3A_2308 = arith.addf %mul3A_2306, %mul3A_2307 : vector<16xf32>
          %swap3A_2309 = arith.index_cast %add3A_2252 : i32 to index
          %swap3A_2310 = arith.constant 48 : index
          %swap3A_2311 = tpu.vector_load %arg12[%swap3A_2309, %swap3A_2310] {strides = array<i32>} : memref<40x128xf32, #tpu.memory_space<vmem>>, vector<16xf32>,
          tpu.vector_store %arg12[%swap3A_2309, %swap3A_2310], %add3A_2308 {strides = array<i32>} : memref<40x128xf32, #tpu.memory_space<vmem>>, vector<16xf32>,
          %get3A_2312 = arith.index_cast %add3A_2252 : i32 to index
          %get3A_2313 = arith.constant 32 : index
          %get3A_2314 = tpu.vector_load %arg10[%get3A_2312, %get3A_2313] {strides = array<i32>} : memref<40x128xf32, #tpu.memory_space<vmem>>, vector<16xf32>,
          %bitcast3A_2315 = vector.bitcast %get3A_2314 : vector<16xf32> to vector<32xbf16>
          %get3A_2316 = arith.index_cast %add3A_2252 : i32 to index
          %get3A_2317 = arith.constant 96 : index
          %get3A_2318 = tpu.vector_load %arg10[%get3A_2316, %get3A_2317] {strides = array<i32>} : memref<40x128xf32, #tpu.memory_space<vmem>>, vector<16xf32>,
          %bitcast3A_2319 = vector.bitcast %get3A_2318 : vector<16xf32> to vector<32xbf16>
          %unpack3A_2320 = tpu.unpack_subelements %bitcast3A_2315, 0 {pack_format = #tpu.pack_format<interleaved>} : vector<32xbf16> -> vector<16xf32>
          %unpack3A_2321 = tpu.unpack_subelements %bitcast3A_2315, 1 {pack_format = #tpu.pack_format<interleaved>} : vector<32xbf16> -> vector<16xf32>
          %unpack3A_2322 = tpu.unpack_subelements %bitcast3A_2319, 0 {pack_format = #tpu.pack_format<interleaved>} : vector<32xbf16> -> vector<16xf32>
          %unpack3A_2323 = tpu.unpack_subelements %bitcast3A_2319, 1 {pack_format = #tpu.pack_format<interleaved>} : vector<32xbf16> -> vector<16xf32>
          %mul3A_2324 = arith.mulf %gather3A_2259, %unpack3A_2320 : vector<16xf32>
          %mul3A_2325 = arith.mulf %gather3A_2263, %unpack3A_2322 : vector<16xf32>
          %add3A_2326 = arith.addf %mul3A_2324, %mul3A_2325 : vector<16xf32>
          %swap3A_2327 = arith.index_cast %add3A_2252 : i32 to index
          %swap3A_2328 = arith.constant 64 : index
          %swap3A_2329 = tpu.vector_load %arg12[%swap3A_2327, %swap3A_2328] {strides = array<i32>} : memref<40x128xf32, #tpu.memory_space<vmem>>, vector<16xf32>,
          tpu.vector_store %arg12[%swap3A_2327, %swap3A_2328], %add3A_2326 {strides = array<i32>} : memref<40x128xf32, #tpu.memory_space<vmem>>, vector<16xf32>,
          %mul3A_2330 = arith.mulf %gather3A_2259, %unpack3A_2321 : vector<16xf32>
          %mul3A_2331 = arith.mulf %gather3A_2263, %unpack3A_2323 : vector<16xf32>
          %add3A_2332 = arith.addf %mul3A_2330, %mul3A_2331 : vector<16xf32>
          %swap3A_2333 = arith.index_cast %add3A_2252 : i32 to index
          %swap3A_2334 = arith.constant 80 : index
          %swap3A_2335 = tpu.vector_load %arg12[%swap3A_2333, %swap3A_2334] {strides = array<i32>} : memref<40x128xf32, #tpu.memory_space<vmem>>, vector<16xf32>,
          tpu.vector_store %arg12[%swap3A_2333, %swap3A_2334], %add3A_2332 {strides = array<i32>} : memref<40x128xf32, #tpu.memory_space<vmem>>, vector<16xf32>,
          %get3A_2336 = arith.index_cast %add3A_2252 : i32 to index
          %get3A_2337 = arith.constant 48 : index
          %get3A_2338 = tpu.vector_load %arg10[%get3A_2336, %get3A_2337] {strides = array<i32>} : memref<40x128xf32, #tpu.memory_space<vmem>>, vector<16xf32>,
          %bitcast3A_2339 = vector.bitcast %get3A_2338 : vector<16xf32> to vector<32xbf16>
          %get3A_2340 = arith.index_cast %add3A_2252 : i32 to index
          %get3A_2341 = arith.constant 112 : index
          %get3A_2342 = tpu.vector_load %arg10[%get3A_2340, %get3A_2341] {strides = array<i32>} : memref<40x128xf32, #tpu.memory_space<vmem>>, vector<16xf32>,
          %bitcast3A_2343 = vector.bitcast %get3A_2342 : vector<16xf32> to vector<32xbf16>
          %unpack3A_2344 = tpu.unpack_subelements %bitcast3A_2339, 0 {pack_format = #tpu.pack_format<interleaved>} : vector<32xbf16> -> vector<16xf32>
          %unpack3A_2345 = tpu.unpack_subelements %bitcast3A_2339, 1 {pack_format = #tpu.pack_format<interleaved>} : vector<32xbf16> -> vector<16xf32>
          %unpack3A_2346 = tpu.unpack_subelements %bitcast3A_2343, 0 {pack_format = #tpu.pack_format<interleaved>} : vector<32xbf16> -> vector<16xf32>
          %unpack3A_2347 = tpu.unpack_subelements %bitcast3A_2343, 1 {pack_format = #tpu.pack_format<interleaved>} : vector<32xbf16> -> vector<16xf32>
          %mul3A_2348 = arith.mulf %gather3A_2259, %unpack3A_2344 : vector<16xf32>
          %mul3A_2349 = arith.mulf %gather3A_2263, %unpack3A_2346 : vector<16xf32>
          %add3A_2350 = arith.addf %mul3A_2348, %mul3A_2349 : vector<16xf32>
          %swap3A_2351 = arith.index_cast %add3A_2252 : i32 to index
          %swap3A_2352 = arith.constant 96 : index
          %swap3A_2353 = tpu.vector_load %arg12[%swap3A_2351, %swap3A_2352] {strides = array<i32>} : memref<40x128xf32, #tpu.memory_space<vmem>>, vector<16xf32>,
          tpu.vector_store %arg12[%swap3A_2351, %swap3A_2352], %add3A_2350 {strides = array<i32>} : memref<40x128xf32, #tpu.memory_space<vmem>>, vector<16xf32>,
          %mul3A_2354 = arith.mulf %gather3A_2259, %unpack3A_2345 : vector<16xf32>
          %mul3A_2355 = arith.mulf %gather3A_2263, %unpack3A_2347 : vector<16xf32>
          %add3A_2356 = arith.addf %mul3A_2354, %mul3A_2355 : vector<16xf32>
          %swap3A_2357 = arith.index_cast %add3A_2252 : i32 to index
          %swap3A_2358 = arith.constant 112 : index
          %swap3A_2359 = tpu.vector_load %arg12[%swap3A_2357, %swap3A_2358] {strides = array<i32>} : memref<40x128xf32, #tpu.memory_space<vmem>>, vector<16xf32>,
          tpu.vector_store %arg12[%swap3A_2357, %swap3A_2358], %add3A_2356 {strides = array<i32>} : memref<40x128xf32, #tpu.memory_space<vmem>>, vector<16xf32>,
          %mul3A_2360 = arith.constant 4 : i32
          %mul3A_2361 = arith.muli %scan3A_2030, %mul3A_2360 : i32
          %add3A_2362 = arith.constant 3 : i32
          %add3A_2363 = arith.addi %mul3A_2361, %add3A_2362 : i32
          %mul3A_2364 = arith.constant 40 : i32
          %mul3A_2365 = arith.muli %mul3A_1968, %mul3A_2364 : i32
          %add3A_2366 = arith.addi %mul3A_2365, %add3A_2363 : i32
          %mul3A_2367 = arith.constant 2 : i32
          %mul3A_2368 = arith.muli %add3A_2366, %mul3A_2367 : i32
          %broadcast_in_dim3A_2369 = vector.broadcast %mul3A_2368 : i32 to vector<16xi32>
          %gather3A_2370 = tpu.vector_load_idx %arg9[%broadcast_in_dim3A_2369] : memref<4000xf32, #tpu.memory_space<vmem>>[vector<16xi32>], vector<16xf32>,
          %add3A_2371 = arith.constant 1 : i32
          %add3A_2372 = arith.addi %mul3A_2368, %add3A_2371 : i32
          %broadcast_in_dim3A_2373 = vector.broadcast %add3A_2372 : i32 to vector<16xi32>
          %gather3A_2374 = tpu.vector_load_idx %arg9[%broadcast_in_dim3A_2373] : memref<4000xf32, #tpu.memory_space<vmem>>[vector<16xi32>], vector<16xf32>,
          %get3A_2375 = arith.index_cast %add3A_2363 : i32 to index
          %get3A_2376 = arith.constant 0 : index
          %get3A_2377 = tpu.vector_load %arg10[%get3A_2375, %get3A_2376] {strides = array<i32>} : memref<40x128xf32, #tpu.memory_space<vmem>>, vector<16xf32>,
          %bitcast3A_2378 = vector.bitcast %get3A_2377 : vector<16xf32> to vector<32xbf16>
          %get3A_2379 = arith.index_cast %add3A_2363 : i32 to index
          %get3A_2380 = arith.constant 64 : index
          %get3A_2381 = tpu.vector_load %arg10[%get3A_2379, %get3A_2380] {strides = array<i32>} : memref<40x128xf32, #tpu.memory_space<vmem>>, vector<16xf32>,
          %bitcast3A_2382 = vector.bitcast %get3A_2381 : vector<16xf32> to vector<32xbf16>
          %unpack3A_2383 = tpu.unpack_subelements %bitcast3A_2378, 0 {pack_format = #tpu.pack_format<interleaved>} : vector<32xbf16> -> vector<16xf32>
          %unpack3A_2384 = tpu.unpack_subelements %bitcast3A_2378, 1 {pack_format = #tpu.pack_format<interleaved>} : vector<32xbf16> -> vector<16xf32>
          %unpack3A_2385 = tpu.unpack_subelements %bitcast3A_2382, 0 {pack_format = #tpu.pack_format<interleaved>} : vector<32xbf16> -> vector<16xf32>
          %unpack3A_2386 = tpu.unpack_subelements %bitcast3A_2382, 1 {pack_format = #tpu.pack_format<interleaved>} : vector<32xbf16> -> vector<16xf32>
          %mul3A_2387 = arith.mulf %gather3A_2370, %unpack3A_2383 : vector<16xf32>
          %mul3A_2388 = arith.mulf %gather3A_2374, %unpack3A_2385 : vector<16xf32>
          %add3A_2389 = arith.addf %mul3A_2387, %mul3A_2388 : vector<16xf32>
          %swap3A_2390 = arith.index_cast %add3A_2363 : i32 to index
          %swap3A_2391 = arith.constant 0 : index
          %swap3A_2392 = tpu.vector_load %arg12[%swap3A_2390, %swap3A_2391] {strides = array<i32>} : memref<40x128xf32, #tpu.memory_space<vmem>>, vector<16xf32>,
          tpu.vector_store %arg12[%swap3A_2390, %swap3A_2391], %add3A_2389 {strides = array<i32>} : memref<40x128xf32, #tpu.memory_space<vmem>>, vector<16xf32>,
          %mul3A_2393 = arith.mulf %gather3A_2370, %unpack3A_2384 : vector<16xf32>
          %mul3A_2394 = arith.mulf %gather3A_2374, %unpack3A_2386 : vector<16xf32>
          %add3A_2395 = arith.addf %mul3A_2393, %mul3A_2394 : vector<16xf32>
          %swap3A_2396 = arith.index_cast %add3A_2363 : i32 to index
          %swap3A_2397 = arith.constant 16 : index
          %swap3A_2398 = tpu.vector_load %arg12[%swap3A_2396, %swap3A_2397] {strides = array<i32>} : memref<40x128xf32, #tpu.memory_space<vmem>>, vector<16xf32>,
          tpu.vector_store %arg12[%swap3A_2396, %swap3A_2397], %add3A_2395 {strides = array<i32>} : memref<40x128xf32, #tpu.memory_space<vmem>>, vector<16xf32>,
          %get3A_2399 = arith.index_cast %add3A_2363 : i32 to index
          %get3A_2400 = arith.constant 16 : index
          %get3A_2401 = tpu.vector_load %arg10[%get3A_2399, %get3A_2400] {strides = array<i32>} : memref<40x128xf32, #tpu.memory_space<vmem>>, vector<16xf32>,
          %bitcast3A_2402 = vector.bitcast %get3A_2401 : vector<16xf32> to vector<32xbf16>
          %get3A_2403 = arith.index_cast %add3A_2363 : i32 to index
          %get3A_2404 = arith.constant 80 : index
          %get3A_2405 = tpu.vector_load %arg10[%get3A_2403, %get3A_2404] {strides = array<i32>} : memref<40x128xf32, #tpu.memory_space<vmem>>, vector<16xf32>,
          %bitcast3A_2406 = vector.bitcast %get3A_2405 : vector<16xf32> to vector<32xbf16>
          %unpack3A_2407 = tpu.unpack_subelements %bitcast3A_2402, 0 {pack_format = #tpu.pack_format<interleaved>} : vector<32xbf16> -> vector<16xf32>
          %unpack3A_2408 = tpu.unpack_subelements %bitcast3A_2402, 1 {pack_format = #tpu.pack_format<interleaved>} : vector<32xbf16> -> vector<16xf32>
          %unpack3A_2409 = tpu.unpack_subelements %bitcast3A_2406, 0 {pack_format = #tpu.pack_format<interleaved>} : vector<32xbf16> -> vector<16xf32>
          %unpack3A_2410 = tpu.unpack_subelements %bitcast3A_2406, 1 {pack_format = #tpu.pack_format<interleaved>} : vector<32xbf16> -> vector<16xf32>
          %mul3A_2411 = arith.mulf %gather3A_2370, %unpack3A_2407 : vector<16xf32>
          %mul3A_2412 = arith.mulf %gather3A_2374, %unpack3A_2409 : vector<16xf32>
          %add3A_2413 = arith.addf %mul3A_2411, %mul3A_2412 : vector<16xf32>
          %swap3A_2414 = arith.index_cast %add3A_2363 : i32 to index
          %swap3A_2415 = arith.constant 32 : index
          %swap3A_2416 = tpu.vector_load %arg12[%swap3A_2414, %swap3A_2415] {strides = array<i32>} : memref<40x128xf32, #tpu.memory_space<vmem>>, vector<16xf32>,
          tpu.vector_store %arg12[%swap3A_2414, %swap3A_2415], %add3A_2413 {strides = array<i32>} : memref<40x128xf32, #tpu.memory_space<vmem>>, vector<16xf32>,
          %mul3A_2417 = arith.mulf %gather3A_2370, %unpack3A_2408 : vector<16xf32>
          %mul3A_2418 = arith.mulf %gather3A_2374, %unpack3A_2410 : vector<16xf32>
          %add3A_2419 = arith.addf %mul3A_2417, %mul3A_2418 : vector<16xf32>
          %swap3A_2420 = arith.index_cast %add3A_2363 : i32 to index
          %swap3A_2421 = arith.constant 48 : index
          %swap3A_2422 = tpu.vector_load %arg12[%swap3A_2420, %swap3A_2421] {strides = array<i32>} : memref<40x128xf32, #tpu.memory_space<vmem>>, vector<16xf32>,
          tpu.vector_store %arg12[%swap3A_2420, %swap3A_2421], %add3A_2419 {strides = array<i32>} : memref<40x128xf32, #tpu.memory_space<vmem>>, vector<16xf32>,
          %get3A_2423 = arith.index_cast %add3A_2363 : i32 to index
          %get3A_2424 = arith.constant 32 : index
          %get3A_2425 = tpu.vector_load %arg10[%get3A_2423, %get3A_2424] {strides = array<i32>} : memref<40x128xf32, #tpu.memory_space<vmem>>, vector<16xf32>,
          %bitcast3A_2426 = vector.bitcast %get3A_2425 : vector<16xf32> to vector<32xbf16>
          %get3A_2427 = arith.index_cast %add3A_2363 : i32 to index
          %get3A_2428 = arith.constant 96 : index
          %get3A_2429 = tpu.vector_load %arg10[%get3A_2427, %get3A_2428] {strides = array<i32>} : memref<40x128xf32, #tpu.memory_space<vmem>>, vector<16xf32>,
          %bitcast3A_2430 = vector.bitcast %get3A_2429 : vector<16xf32> to vector<32xbf16>
          %unpack3A_2431 = tpu.unpack_subelements %bitcast3A_2426, 0 {pack_format = #tpu.pack_format<interleaved>} : vector<32xbf16> -> vector<16xf32>
          %unpack3A_2432 = tpu.unpack_subelements %bitcast3A_2426, 1 {pack_format = #tpu.pack_format<interleaved>} : vector<32xbf16> -> vector<16xf32>
          %unpack3A_2433 = tpu.unpack_subelements %bitcast3A_2430, 0 {pack_format = #tpu.pack_format<interleaved>} : vector<32xbf16> -> vector<16xf32>
          %unpack3A_2434 = tpu.unpack_subelements %bitcast3A_2430, 1 {pack_format = #tpu.pack_format<interleaved>} : vector<32xbf16> -> vector<16xf32>
          %mul3A_2435 = arith.mulf %gather3A_2370, %unpack3A_2431 : vector<16xf32>
          %mul3A_2436 = arith.mulf %gather3A_2374, %unpack3A_2433 : vector<16xf32>
          %add3A_2437 = arith.addf %mul3A_2435, %mul3A_2436 : vector<16xf32>
          %swap3A_2438 = arith.index_cast %add3A_2363 : i32 to index
          %swap3A_2439 = arith.constant 64 : index
          %swap3A_2440 = tpu.vector_load %arg12[%swap3A_2438, %swap3A_2439] {strides = array<i32>} : memref<40x128xf32, #tpu.memory_space<vmem>>, vector<16xf32>,
          tpu.vector_store %arg12[%swap3A_2438, %swap3A_2439], %add3A_2437 {strides = array<i32>} : memref<40x128xf32, #tpu.memory_space<vmem>>, vector<16xf32>,
          %mul3A_2441 = arith.mulf %gather3A_2370, %unpack3A_2432 : vector<16xf32>
          %mul3A_2442 = arith.mulf %gather3A_2374, %unpack3A_2434 : vector<16xf32>
          %add3A_2443 = arith.addf %mul3A_2441, %mul3A_2442 : vector<16xf32>
          %swap3A_2444 = arith.index_cast %add3A_2363 : i32 to index
          %swap3A_2445 = arith.constant 80 : index
          %swap3A_2446 = tpu.vector_load %arg12[%swap3A_2444, %swap3A_2445] {strides = array<i32>} : memref<40x128xf32, #tpu.memory_space<vmem>>, vector<16xf32>,
          tpu.vector_store %arg12[%swap3A_2444, %swap3A_2445], %add3A_2443 {strides = array<i32>} : memref<40x128xf32, #tpu.memory_space<vmem>>, vector<16xf32>,
          %get3A_2447 = arith.index_cast %add3A_2363 : i32 to index
          %get3A_2448 = arith.constant 48 : index
          %get3A_2449 = tpu.vector_load %arg10[%get3A_2447, %get3A_2448] {strides = array<i32>} : memref<40x128xf32, #tpu.memory_space<vmem>>, vector<16xf32>,
          %bitcast3A_2450 = vector.bitcast %get3A_2449 : vector<16xf32> to vector<32xbf16>
          %get3A_2451 = arith.index_cast %add3A_2363 : i32 to index
          %get3A_2452 = arith.constant 112 : index
          %get3A_2453 = tpu.vector_load %arg10[%get3A_2451, %get3A_2452] {strides = array<i32>} : memref<40x128xf32, #tpu.memory_space<vmem>>, vector<16xf32>,
          %bitcast3A_2454 = vector.bitcast %get3A_2453 : vector<16xf32> to vector<32xbf16>
          %unpack3A_2455 = tpu.unpack_subelements %bitcast3A_2450, 0 {pack_format = #tpu.pack_format<interleaved>} : vector<32xbf16> -> vector<16xf32>
          %unpack3A_2456 = tpu.unpack_subelements %bitcast3A_2450, 1 {pack_format = #tpu.pack_format<interleaved>} : vector<32xbf16> -> vector<16xf32>
          %unpack3A_2457 = tpu.unpack_subelements %bitcast3A_2454, 0 {pack_format = #tpu.pack_format<interleaved>} : vector<32xbf16> -> vector<16xf32>
          %unpack3A_2458 = tpu.unpack_subelements %bitcast3A_2454, 1 {pack_format = #tpu.pack_format<interleaved>} : vector<32xbf16> -> vector<16xf32>
          %mul3A_2459 = arith.mulf %gather3A_2370, %unpack3A_2455 : vector<16xf32>
          %mul3A_2460 = arith.mulf %gather3A_2374, %unpack3A_2457 : vector<16xf32>
          %add3A_2461 = arith.addf %mul3A_2459, %mul3A_2460 : vector<16xf32>
          %swap3A_2462 = arith.index_cast %add3A_2363 : i32 to index
          %swap3A_2463 = arith.constant 96 : index
          %swap3A_2464 = tpu.vector_load %arg12[%swap3A_2462, %swap3A_2463] {strides = array<i32>} : memref<40x128xf32, #tpu.memory_space<vmem>>, vector<16xf32>,
          tpu.vector_store %arg12[%swap3A_2462, %swap3A_2463], %add3A_2461 {strides = array<i32>} : memref<40x128xf32, #tpu.memory_space<vmem>>, vector<16xf32>,
          %mul3A_2465 = arith.mulf %gather3A_2370, %unpack3A_2456 : vector<16xf32>
          %mul3A_2466 = arith.mulf %gather3A_2374, %unpack3A_2458 : vector<16xf32>
          %add3A_2467 = arith.addf %mul3A_2465, %mul3A_2466 : vector<16xf32>
          %swap3A_2468 = arith.index_cast %add3A_2363 : i32 to index
          %swap3A_2469 = arith.constant 112 : index
          %swap3A_2470 = tpu.vector_load %arg12[%swap3A_2468, %swap3A_2469] {strides = array<i32>} : memref<40x128xf32, #tpu.memory_space<vmem>>, vector<16xf32>,
          tpu.vector_store %arg12[%swap3A_2468, %swap3A_2469], %add3A_2467 {strides = array<i32>} : memref<40x128xf32, #tpu.memory_space<vmem>>, vector<16xf32>,
        }
        %scan3A_1991 = arith.constant 10 : i32
        %dma_start3A_1992 = arith.constant 0 : i32
        %dma_start3A_1993 = tpu.memref_slice %arg8[%mul3A_1968, %dma_start3A_1992] : memref<50x40xi32, #tpu.memory_space<vmem>> -> memref<1x40xi32, #tpu.memory_space<vmem>>
        %dma_start3A_1994 = tpu.memref_squeeze %dma_start3A_1993 : memref<1x40xi32, #tpu.memory_space<vmem>> -> memref<40xi32, #tpu.memory_space<vmem>>
        %dma_start3A_1995 = arith.constant 0 : i32
        %dma_start3A_1996 = arith.constant 0 : i32
        %dma_start3A_1997 = tpu.memref_slice %arg14[%dma_start3A_1995, %dma_start3A_1996] : memref<10240x128xf32, #tpu.memory_space<vmem_shared>> -> memref<10240x128xf32, #tpu.memory_space<vmem_shared>>
        tpu.enqueue_indirect_dma source(%arg12 : memref<40x128xf32, #tpu.memory_space<vmem>>) target(%dma_start3A_1997 : memref<10240x128xf32, #tpu.memory_space<vmem_shared>>) offsets(%dma_start3A_1994 : memref<40xi32, #tpu.memory_space<vmem>>) semaphore(%arg17 : memref<!tpu.dma_semaphore, #tpu.memory_space<semaphore_mem>>) {add = true}
        %dma_wait3A_1998 = arith.constant 0 : i32
        %dma_wait3A_1999 = arith.constant 0 : i32
        %dma_wait3A_2000 = tpu.memref_slice %arg7[%dma_wait3A_1998, %dma_wait3A_1999] : memref<50x40xi32, #tpu.memory_space<vmem>> -> memref<1x40xi32, #tpu.memory_space<vmem>>
        %dma_wait3A_2001 = tpu.memref_squeeze %dma_wait3A_2000 : memref<1x40xi32, #tpu.memory_space<vmem>> -> memref<40xi32, #tpu.memory_space<vmem>>
        %dma_wait3A_2002 = arith.constant 0 : i32
        %dma_wait3A_2003 = arith.constant 0 : i32
        %dma_wait3A_2004 = tpu.memref_slice %arg5[%dma_wait3A_2002, %dma_wait3A_2003] : memref<20000x128xf32, #tpu.memory_space<hbm>> -> memref<20000x128xf32, #tpu.memory_space<hbm>>
        tpu.wait_indirect_dma semaphore(%arg16 : memref<!tpu.dma_semaphore, #tpu.memory_space<semaphore_mem>>) src(%dma_wait3A_2004 : memref<20000x128xf32, #tpu.memory_space<hbm>>) dst(%arg11 : memref<40x128xf32, #tpu.memory_space<vmem>>)
        %lt3A = arith.constant 24 : i32
        %lt3A_2005 = arith.cmpi slt, %scan3A_1966, %lt3A : i32
        %convert_element_type3A_2006 = arith.extui %lt3A_2005 : i1 to i32
        %cond3A_2007 = arith.constant 0 : i32
        %cond3A_2008 = arith.cmpi ne, %convert_element_type3A_2006, %cond3A_2007 : i32
        scf.if %cond3A_2008 {
          %add3A_2030 = arith.constant 2 : i32
          %add3A_2031 = arith.addi %mul3A_1968, %add3A_2030 : i32
          %dma_start3A_2032 = arith.constant 0 : i32
          %dma_start3A_2033 = tpu.memref_slice %arg7[%add3A_2031, %dma_start3A_2032] : memref<50x40xi32, #tpu.memory_space<vmem>> -> memref<1x40xi32, #tpu.memory_space<vmem>>
          %dma_start3A_2034 = tpu.memref_squeeze %dma_start3A_2033 : memref<1x40xi32, #tpu.memory_space<vmem>> -> memref<40xi32, #tpu.memory_space<vmem>>
          %dma_start3A_2035 = arith.constant 0 : i32
          %dma_start3A_2036 = arith.constant 0 : i32
          %dma_start3A_2037 = tpu.memref_slice %arg5[%dma_start3A_2035, %dma_start3A_2036] : memref<20000x128xf32, #tpu.memory_space<hbm>> -> memref<20000x128xf32, #tpu.memory_space<hbm>>
          tpu.enqueue_indirect_dma source(%dma_start3A_2037 : memref<20000x128xf32, #tpu.memory_space<hbm>>) target(%arg10 : memref<40x128xf32, #tpu.memory_space<vmem>>) offsets(%dma_start3A_2034 : memref<40xi32, #tpu.memory_space<vmem>>) semaphore(%arg15 : memref<!tpu.dma_semaphore, #tpu.memory_space<semaphore_mem>>)
        } else {
        }
        %gt3A_2009 = arith.constant 0 : i32
        %gt3A_2010 = arith.cmpi sgt, %scan3A_1966, %gt3A_2009 : i32
        %convert_element_type3A_2011 = arith.extui %gt3A_2010 : i1 to i32
        %cond3A_2012 = arith.constant 0 : i32
        %cond3A_2013 = arith.cmpi ne, %convert_element_type3A_2011, %cond3A_2012 : i32
        scf.if %cond3A_2013 {
          %dma_wait3A_2030 = arith.constant 0 : i32
          %dma_wait3A_2031 = arith.constant 0 : i32
          %dma_wait3A_2032 = tpu.memref_slice %arg8[%dma_wait3A_2030, %dma_wait3A_2031] : memref<50x40xi32, #tpu.memory_space<vmem>> -> memref<1x40xi32, #tpu.memory_space<vmem>>
          %dma_wait3A_2033 = tpu.memref_squeeze %dma_wait3A_2032 : memref<1x40xi32, #tpu.memory_space<vmem>> -> memref<40xi32, #tpu.memory_space<vmem>>
          %dma_wait3A_2034 = arith.constant 0 : i32
          %dma_wait3A_2035 = arith.constant 0 : i32
          %dma_wait3A_2036 = tpu.memref_slice %arg14[%dma_wait3A_2034, %dma_wait3A_2035] : memref<10240x128xf32, #tpu.memory_space<vmem_shared>> -> memref<10240x128xf32, #tpu.memory_space<vmem_shared>>
          tpu.wait_indirect_dma semaphore(%arg18 : memref<!tpu.dma_semaphore, #tpu.memory_space<semaphore_mem>>) src(%arg13 : memref<40x128xf32, #tpu.memory_space<vmem>>) dst(%dma_wait3A_2036 : memref<10240x128xf32, #tpu.memory_space<vmem_shared>>)
        } else {
        }
        %add3A_2014 = arith.constant 1 : i32
        %add3A_2015 = arith.addi %mul3A_1968, %add3A_2014 : i32
        %scan3A_2016 = arith.constant 0 : i32
        %scan3A_2017 = arith.constant 0 : i32
        %scan3A_2018 = arith.constant 10 : i32
        %scan3A_2019 = arith.addi %scan3A_2017, %scan3A_2018 : i32
        %scan3A_2020 = arith.constant 1 : i32
        scf.for %scan3A_2030 = %scan3A_2017 to %scan3A_2019 step %scan3A_2020  : i32 {
          %mul3A_2031 = arith.constant 4 : i32
          %mul3A_2032 = arith.muli %scan3A_2030, %mul3A_2031 : i32
          %add3A_2033 = arith.constant 0 : i32
          %add3A_2034 = arith.addi %mul3A_2032, %add3A_2033 : i32
          %mul3A_2035 = arith.constant 40 : i32
          %mul3A_2036 = arith.muli %add3A_2015, %mul3A_2035 : i32
          %add3A_2037 = arith.addi %mul3A_2036, %add3A_2034 : i32
          %mul3A_2038 = arith.constant 2 : i32
          %mul3A_2039 = arith.muli %add3A_2037, %mul3A_2038 : i32
          %broadcast_in_dim3A_2040 = vector.broadcast %mul3A_2039 : i32 to vector<16xi32>
          %gather3A = tpu.vector_load_idx %arg9[%broadcast_in_dim3A_2040] : memref<4000xf32, #tpu.memory_space<vmem>>[vector<16xi32>], vector<16xf32>,
          %add3A_2041 = arith.constant 1 : i32
          %add3A_2042 = arith.addi %mul3A_2039, %add3A_2041 : i32
          %broadcast_in_dim3A_2043 = vector.broadcast %add3A_2042 : i32 to vector<16xi32>
          %gather3A_2044 = tpu.vector_load_idx %arg9[%broadcast_in_dim3A_2043] : memref<4000xf32, #tpu.memory_space<vmem>>[vector<16xi32>], vector<16xf32>,
          %get3A = arith.index_cast %add3A_2034 : i32 to index
          %get3A_2045 = arith.constant 0 : index
          %get3A_2046 = tpu.vector_load %arg11[%get3A, %get3A_2045] {strides = array<i32>} : memref<40x128xf32, #tpu.memory_space<vmem>>, vector<16xf32>,
          %bitcast3A = vector.bitcast %get3A_2046 : vector<16xf32> to vector<32xbf16>
          %get3A_2047 = arith.index_cast %add3A_2034 : i32 to index
          %get3A_2048 = arith.constant 64 : index
          %get3A_2049 = tpu.vector_load %arg11[%get3A_2047, %get3A_2048] {strides = array<i32>} : memref<40x128xf32, #tpu.memory_space<vmem>>, vector<16xf32>,
          %bitcast3A_2050 = vector.bitcast %get3A_2049 : vector<16xf32> to vector<32xbf16>
          %unpack3A = tpu.unpack_subelements %bitcast3A, 0 {pack_format = #tpu.pack_format<interleaved>} : vector<32xbf16> -> vector<16xf32>
          %unpack3A_2051 = tpu.unpack_subelements %bitcast3A, 1 {pack_format = #tpu.pack_format<interleaved>} : vector<32xbf16> -> vector<16xf32>
          %unpack3A_2052 = tpu.unpack_subelements %bitcast3A_2050, 0 {pack_format = #tpu.pack_format<interleaved>} : vector<32xbf16> -> vector<16xf32>
          %unpack3A_2053 = tpu.unpack_subelements %bitcast3A_2050, 1 {pack_format = #tpu.pack_format<interleaved>} : vector<32xbf16> -> vector<16xf32>
          %mul3A_2054 = arith.mulf %gather3A, %unpack3A : vector<16xf32>
          %mul3A_2055 = arith.mulf %gather3A_2044, %unpack3A_2052 : vector<16xf32>
          %add3A_2056 = arith.addf %mul3A_2054, %mul3A_2055 : vector<16xf32>
          %swap3A_2057 = arith.index_cast %add3A_2034 : i32 to index
          %swap3A_2058 = arith.constant 0 : index
          %swap3A_2059 = tpu.vector_load %arg13[%swap3A_2057, %swap3A_2058] {strides = array<i32>} : memref<40x128xf32, #tpu.memory_space<vmem>>, vector<16xf32>,
          tpu.vector_store %arg13[%swap3A_2057, %swap3A_2058], %add3A_2056 {strides = array<i32>} : memref<40x128xf32, #tpu.memory_space<vmem>>, vector<16xf32>,
          %mul3A_2060 = arith.mulf %gather3A, %unpack3A_2051 : vector<16xf32>
          %mul3A_2061 = arith.mulf %gather3A_2044, %unpack3A_2053 : vector<16xf32>
          %add3A_2062 = arith.addf %mul3A_2060, %mul3A_2061 : vector<16xf32>
          %swap3A_2063 = arith.index_cast %add3A_2034 : i32 to index
          %swap3A_2064 = arith.constant 16 : index
          %swap3A_2065 = tpu.vector_load %arg13[%swap3A_2063, %swap3A_2064] {strides = array<i32>} : memref<40x128xf32, #tpu.memory_space<vmem>>, vector<16xf32>,
          tpu.vector_store %arg13[%swap3A_2063, %swap3A_2064], %add3A_2062 {strides = array<i32>} : memref<40x128xf32, #tpu.memory_space<vmem>>, vector<16xf32>,
          %get3A_2066 = arith.index_cast %add3A_2034 : i32 to index
          %get3A_2067 = arith.constant 16 : index
          %get3A_2068 = tpu.vector_load %arg11[%get3A_2066, %get3A_2067] {strides = array<i32>} : memref<40x128xf32, #tpu.memory_space<vmem>>, vector<16xf32>,
          %bitcast3A_2069 = vector.bitcast %get3A_2068 : vector<16xf32> to vector<32xbf16>
          %get3A_2070 = arith.index_cast %add3A_2034 : i32 to index
          %get3A_2071 = arith.constant 80 : index
          %get3A_2072 = tpu.vector_load %arg11[%get3A_2070, %get3A_2071] {strides = array<i32>} : memref<40x128xf32, #tpu.memory_space<vmem>>, vector<16xf32>,
          %bitcast3A_2073 = vector.bitcast %get3A_2072 : vector<16xf32> to vector<32xbf16>
          %unpack3A_2074 = tpu.unpack_subelements %bitcast3A_2069, 0 {pack_format = #tpu.pack_format<interleaved>} : vector<32xbf16> -> vector<16xf32>
          %unpack3A_2075 = tpu.unpack_subelements %bitcast3A_2069, 1 {pack_format = #tpu.pack_format<interleaved>} : vector<32xbf16> -> vector<16xf32>
          %unpack3A_2076 = tpu.unpack_subelements %bitcast3A_2073, 0 {pack_format = #tpu.pack_format<interleaved>} : vector<32xbf16> -> vector<16xf32>
          %unpack3A_2077 = tpu.unpack_subelements %bitcast3A_2073, 1 {pack_format = #tpu.pack_format<interleaved>} : vector<32xbf16> -> vector<16xf32>
          %mul3A_2078 = arith.mulf %gather3A, %unpack3A_2074 : vector<16xf32>
          %mul3A_2079 = arith.mulf %gather3A_2044, %unpack3A_2076 : vector<16xf32>
          %add3A_2080 = arith.addf %mul3A_2078, %mul3A_2079 : vector<16xf32>
          %swap3A_2081 = arith.index_cast %add3A_2034 : i32 to index
          %swap3A_2082 = arith.constant 32 : index
          %swap3A_2083 = tpu.vector_load %arg13[%swap3A_2081, %swap3A_2082] {strides = array<i32>} : memref<40x128xf32, #tpu.memory_space<vmem>>, vector<16xf32>,
          tpu.vector_store %arg13[%swap3A_2081, %swap3A_2082], %add3A_2080 {strides = array<i32>} : memref<40x128xf32, #tpu.memory_space<vmem>>, vector<16xf32>,
          %mul3A_2084 = arith.mulf %gather3A, %unpack3A_2075 : vector<16xf32>
          %mul3A_2085 = arith.mulf %gather3A_2044, %unpack3A_2077 : vector<16xf32>
          %add3A_2086 = arith.addf %mul3A_2084, %mul3A_2085 : vector<16xf32>
          %swap3A_2087 = arith.index_cast %add3A_2034 : i32 to index
          %swap3A_2088 = arith.constant 48 : index
          %swap3A_2089 = tpu.vector_load %arg13[%swap3A_2087, %swap3A_2088] {strides = array<i32>} : memref<40x128xf32, #tpu.memory_space<vmem>>, vector<16xf32>,
          tpu.vector_store %arg13[%swap3A_2087, %swap3A_2088], %add3A_2086 {strides = array<i32>} : memref<40x128xf32, #tpu.memory_space<vmem>>, vector<16xf32>,
          %get3A_2090 = arith.index_cast %add3A_2034 : i32 to index
          %get3A_2091 = arith.constant 32 : index
          %get3A_2092 = tpu.vector_load %arg11[%get3A_2090, %get3A_2091] {strides = array<i32>} : memref<40x128xf32, #tpu.memory_space<vmem>>, vector<16xf32>,
          %bitcast3A_2093 = vector.bitcast %get3A_2092 : vector<16xf32> to vector<32xbf16>
          %get3A_2094 = arith.index_cast %add3A_2034 : i32 to index
          %get3A_2095 = arith.constant 96 : index
          %get3A_2096 = tpu.vector_load %arg11[%get3A_2094, %get3A_2095] {strides = array<i32>} : memref<40x128xf32, #tpu.memory_space<vmem>>, vector<16xf32>,
          %bitcast3A_2097 = vector.bitcast %get3A_2096 : vector<16xf32> to vector<32xbf16>
          %unpack3A_2098 = tpu.unpack_subelements %bitcast3A_2093, 0 {pack_format = #tpu.pack_format<interleaved>} : vector<32xbf16> -> vector<16xf32>
          %unpack3A_2099 = tpu.unpack_subelements %bitcast3A_2093, 1 {pack_format = #tpu.pack_format<interleaved>} : vector<32xbf16> -> vector<16xf32>
          %unpack3A_2100 = tpu.unpack_subelements %bitcast3A_2097, 0 {pack_format = #tpu.pack_format<interleaved>} : vector<32xbf16> -> vector<16xf32>
          %unpack3A_2101 = tpu.unpack_subelements %bitcast3A_2097, 1 {pack_format = #tpu.pack_format<interleaved>} : vector<32xbf16> -> vector<16xf32>
          %mul3A_2102 = arith.mulf %gather3A, %unpack3A_2098 : vector<16xf32>
          %mul3A_2103 = arith.mulf %gather3A_2044, %unpack3A_2100 : vector<16xf32>
          %add3A_2104 = arith.addf %mul3A_2102, %mul3A_2103 : vector<16xf32>
          %swap3A_2105 = arith.index_cast %add3A_2034 : i32 to index
          %swap3A_2106 = arith.constant 64 : index
          %swap3A_2107 = tpu.vector_load %arg13[%swap3A_2105, %swap3A_2106] {strides = array<i32>} : memref<40x128xf32, #tpu.memory_space<vmem>>, vector<16xf32>,
          tpu.vector_store %arg13[%swap3A_2105, %swap3A_2106], %add3A_2104 {strides = array<i32>} : memref<40x128xf32, #tpu.memory_space<vmem>>, vector<16xf32>,
          %mul3A_2108 = arith.mulf %gather3A, %unpack3A_2099 : vector<16xf32>
          %mul3A_2109 = arith.mulf %gather3A_2044, %unpack3A_2101 : vector<16xf32>
          %add3A_2110 = arith.addf %mul3A_2108, %mul3A_2109 : vector<16xf32>
          %swap3A_2111 = arith.index_cast %add3A_2034 : i32 to index
          %swap3A_2112 = arith.constant 80 : index
          %swap3A_2113 = tpu.vector_load %arg13[%swap3A_2111, %swap3A_2112] {strides = array<i32>} : memref<40x128xf32, #tpu.memory_space<vmem>>, vector<16xf32>,
          tpu.vector_store %arg13[%swap3A_2111, %swap3A_2112], %add3A_2110 {strides = array<i32>} : memref<40x128xf32, #tpu.memory_space<vmem>>, vector<16xf32>,
          %get3A_2114 = arith.index_cast %add3A_2034 : i32 to index
          %get3A_2115 = arith.constant 48 : index
          %get3A_2116 = tpu.vector_load %arg11[%get3A_2114, %get3A_2115] {strides = array<i32>} : memref<40x128xf32, #tpu.memory_space<vmem>>, vector<16xf32>,
          %bitcast3A_2117 = vector.bitcast %get3A_2116 : vector<16xf32> to vector<32xbf16>
          %get3A_2118 = arith.index_cast %add3A_2034 : i32 to index
          %get3A_2119 = arith.constant 112 : index
          %get3A_2120 = tpu.vector_load %arg11[%get3A_2118, %get3A_2119] {strides = array<i32>} : memref<40x128xf32, #tpu.memory_space<vmem>>, vector<16xf32>,
          %bitcast3A_2121 = vector.bitcast %get3A_2120 : vector<16xf32> to vector<32xbf16>
          %unpack3A_2122 = tpu.unpack_subelements %bitcast3A_2117, 0 {pack_format = #tpu.pack_format<interleaved>} : vector<32xbf16> -> vector<16xf32>
          %unpack3A_2123 = tpu.unpack_subelements %bitcast3A_2117, 1 {pack_format = #tpu.pack_format<interleaved>} : vector<32xbf16> -> vector<16xf32>
          %unpack3A_2124 = tpu.unpack_subelements %bitcast3A_2121, 0 {pack_format = #tpu.pack_format<interleaved>} : vector<32xbf16> -> vector<16xf32>
          %unpack3A_2125 = tpu.unpack_subelements %bitcast3A_2121, 1 {pack_format = #tpu.pack_format<interleaved>} : vector<32xbf16> -> vector<16xf32>
          %mul3A_2126 = arith.mulf %gather3A, %unpack3A_2122 : vector<16xf32>
          %mul3A_2127 = arith.mulf %gather3A_2044, %unpack3A_2124 : vector<16xf32>
          %add3A_2128 = arith.addf %mul3A_2126, %mul3A_2127 : vector<16xf32>
          %swap3A_2129 = arith.index_cast %add3A_2034 : i32 to index
          %swap3A_2130 = arith.constant 96 : index
          %swap3A_2131 = tpu.vector_load %arg13[%swap3A_2129, %swap3A_2130] {strides = array<i32>} : memref<40x128xf32, #tpu.memory_space<vmem>>, vector<16xf32>,
          tpu.vector_store %arg13[%swap3A_2129, %swap3A_2130], %add3A_2128 {strides = array<i32>} : memref<40x128xf32, #tpu.memory_space<vmem>>, vector<16xf32>,
          %mul3A_2132 = arith.mulf %gather3A, %unpack3A_2123 : vector<16xf32>
          %mul3A_2133 = arith.mulf %gather3A_2044, %unpack3A_2125 : vector<16xf32>
          %add3A_2134 = arith.addf %mul3A_2132, %mul3A_2133 : vector<16xf32>
          %swap3A_2135 = arith.index_cast %add3A_2034 : i32 to index
          %swap3A_2136 = arith.constant 112 : index
          %swap3A_2137 = tpu.vector_load %arg13[%swap3A_2135, %swap3A_2136] {strides = array<i32>} : memref<40x128xf32, #tpu.memory_space<vmem>>, vector<16xf32>,
          tpu.vector_store %arg13[%swap3A_2135, %swap3A_2136], %add3A_2134 {strides = array<i32>} : memref<40x128xf32, #tpu.memory_space<vmem>>, vector<16xf32>,
          %mul3A_2138 = arith.constant 4 : i32
          %mul3A_2139 = arith.muli %scan3A_2030, %mul3A_2138 : i32
          %add3A_2140 = arith.constant 1 : i32
          %add3A_2141 = arith.addi %mul3A_2139, %add3A_2140 : i32
          %mul3A_2142 = arith.constant 40 : i32
          %mul3A_2143 = arith.muli %add3A_2015, %mul3A_2142 : i32
          %add3A_2144 = arith.addi %mul3A_2143, %add3A_2141 : i32
          %mul3A_2145 = arith.constant 2 : i32
          %mul3A_2146 = arith.muli %add3A_2144, %mul3A_2145 : i32
          %broadcast_in_dim3A_2147 = vector.broadcast %mul3A_2146 : i32 to vector<16xi32>
          %gather3A_2148 = tpu.vector_load_idx %arg9[%broadcast_in_dim3A_2147] : memref<4000xf32, #tpu.memory_space<vmem>>[vector<16xi32>], vector<16xf32>,
          %add3A_2149 = arith.constant 1 : i32
          %add3A_2150 = arith.addi %mul3A_2146, %add3A_2149 : i32
          %broadcast_in_dim3A_2151 = vector.broadcast %add3A_2150 : i32 to vector<16xi32>
          %gather3A_2152 = tpu.vector_load_idx %arg9[%broadcast_in_dim3A_2151] : memref<4000xf32, #tpu.memory_space<vmem>>[vector<16xi32>], vector<16xf32>,
          %get3A_2153 = arith.index_cast %add3A_2141 : i32 to index
          %get3A_2154 = arith.constant 0 : index
          %get3A_2155 = tpu.vector_load %arg11[%get3A_2153, %get3A_2154] {strides = array<i32>} : memref<40x128xf32, #tpu.memory_space<vmem>>, vector<16xf32>,
          %bitcast3A_2156 = vector.bitcast %get3A_2155 : vector<16xf32> to vector<32xbf16>
          %get3A_2157 = arith.index_cast %add3A_2141 : i32 to index
          %get3A_2158 = arith.constant 64 : index
          %get3A_2159 = tpu.vector_load %arg11[%get3A_2157, %get3A_2158] {strides = array<i32>} : memref<40x128xf32, #tpu.memory_space<vmem>>, vector<16xf32>,
          %bitcast3A_2160 = vector.bitcast %get3A_2159 : vector<16xf32> to vector<32xbf16>
          %unpack3A_2161 = tpu.unpack_subelements %bitcast3A_2156, 0 {pack_format = #tpu.pack_format<interleaved>} : vector<32xbf16> -> vector<16xf32>
          %unpack3A_2162 = tpu.unpack_subelements %bitcast3A_2156, 1 {pack_format = #tpu.pack_format<interleaved>} : vector<32xbf16> -> vector<16xf32>
          %unpack3A_2163 = tpu.unpack_subelements %bitcast3A_2160, 0 {pack_format = #tpu.pack_format<interleaved>} : vector<32xbf16> -> vector<16xf32>
          %unpack3A_2164 = tpu.unpack_subelements %bitcast3A_2160, 1 {pack_format = #tpu.pack_format<interleaved>} : vector<32xbf16> -> vector<16xf32>
          %mul3A_2165 = arith.mulf %gather3A_2148, %unpack3A_2161 : vector<16xf32>
          %mul3A_2166 = arith.mulf %gather3A_2152, %unpack3A_2163 : vector<16xf32>
          %add3A_2167 = arith.addf %mul3A_2165, %mul3A_2166 : vector<16xf32>
          %swap3A_2168 = arith.index_cast %add3A_2141 : i32 to index
          %swap3A_2169 = arith.constant 0 : index
          %swap3A_2170 = tpu.vector_load %arg13[%swap3A_2168, %swap3A_2169] {strides = array<i32>} : memref<40x128xf32, #tpu.memory_space<vmem>>, vector<16xf32>,
          tpu.vector_store %arg13[%swap3A_2168, %swap3A_2169], %add3A_2167 {strides = array<i32>} : memref<40x128xf32, #tpu.memory_space<vmem>>, vector<16xf32>,
          %mul3A_2171 = arith.mulf %gather3A_2148, %unpack3A_2162 : vector<16xf32>
          %mul3A_2172 = arith.mulf %gather3A_2152, %unpack3A_2164 : vector<16xf32>
          %add3A_2173 = arith.addf %mul3A_2171, %mul3A_2172 : vector<16xf32>
          %swap3A_2174 = arith.index_cast %add3A_2141 : i32 to index
          %swap3A_2175 = arith.constant 16 : index
          %swap3A_2176 = tpu.vector_load %arg13[%swap3A_2174, %swap3A_2175] {strides = array<i32>} : memref<40x128xf32, #tpu.memory_space<vmem>>, vector<16xf32>,
          tpu.vector_store %arg13[%swap3A_2174, %swap3A_2175], %add3A_2173 {strides = array<i32>} : memref<40x128xf32, #tpu.memory_space<vmem>>, vector<16xf32>,
          %get3A_2177 = arith.index_cast %add3A_2141 : i32 to index
          %get3A_2178 = arith.constant 16 : index
          %get3A_2179 = tpu.vector_load %arg11[%get3A_2177, %get3A_2178] {strides = array<i32>} : memref<40x128xf32, #tpu.memory_space<vmem>>, vector<16xf32>,
          %bitcast3A_2180 = vector.bitcast %get3A_2179 : vector<16xf32> to vector<32xbf16>
          %get3A_2181 = arith.index_cast %add3A_2141 : i32 to index
          %get3A_2182 = arith.constant 80 : index
          %get3A_2183 = tpu.vector_load %arg11[%get3A_2181, %get3A_2182] {strides = array<i32>} : memref<40x128xf32, #tpu.memory_space<vmem>>, vector<16xf32>,
          %bitcast3A_2184 = vector.bitcast %get3A_2183 : vector<16xf32> to vector<32xbf16>
          %unpack3A_2185 = tpu.unpack_subelements %bitcast3A_2180, 0 {pack_format = #tpu.pack_format<interleaved>} : vector<32xbf16> -> vector<16xf32>
          %unpack3A_2186 = tpu.unpack_subelements %bitcast3A_2180, 1 {pack_format = #tpu.pack_format<interleaved>} : vector<32xbf16> -> vector<16xf32>
          %unpack3A_2187 = tpu.unpack_subelements %bitcast3A_2184, 0 {pack_format = #tpu.pack_format<interleaved>} : vector<32xbf16> -> vector<16xf32>
          %unpack3A_2188 = tpu.unpack_subelements %bitcast3A_2184, 1 {pack_format = #tpu.pack_format<interleaved>} : vector<32xbf16> -> vector<16xf32>
          %mul3A_2189 = arith.mulf %gather3A_2148, %unpack3A_2185 : vector<16xf32>
          %mul3A_2190 = arith.mulf %gather3A_2152, %unpack3A_2187 : vector<16xf32>
          %add3A_2191 = arith.addf %mul3A_2189, %mul3A_2190 : vector<16xf32>
          %swap3A_2192 = arith.index_cast %add3A_2141 : i32 to index
          %swap3A_2193 = arith.constant 32 : index
          %swap3A_2194 = tpu.vector_load %arg13[%swap3A_2192, %swap3A_2193] {strides = array<i32>} : memref<40x128xf32, #tpu.memory_space<vmem>>, vector<16xf32>,
          tpu.vector_store %arg13[%swap3A_2192, %swap3A_2193], %add3A_2191 {strides = array<i32>} : memref<40x128xf32, #tpu.memory_space<vmem>>, vector<16xf32>,
          %mul3A_2195 = arith.mulf %gather3A_2148, %unpack3A_2186 : vector<16xf32>
          %mul3A_2196 = arith.mulf %gather3A_2152, %unpack3A_2188 : vector<16xf32>
          %add3A_2197 = arith.addf %mul3A_2195, %mul3A_2196 : vector<16xf32>
          %swap3A_2198 = arith.index_cast %add3A_2141 : i32 to index
          %swap3A_2199 = arith.constant 48 : index
          %swap3A_2200 = tpu.vector_load %arg13[%swap3A_2198, %swap3A_2199] {strides = array<i32>} : memref<40x128xf32, #tpu.memory_space<vmem>>, vector<16xf32>,
          tpu.vector_store %arg13[%swap3A_2198, %swap3A_2199], %add3A_2197 {strides = array<i32>} : memref<40x128xf32, #tpu.memory_space<vmem>>, vector<16xf32>,
          %get3A_2201 = arith.index_cast %add3A_2141 : i32 to index
          %get3A_2202 = arith.constant 32 : index
          %get3A_2203 = tpu.vector_load %arg11[%get3A_2201, %get3A_2202] {strides = array<i32>} : memref<40x128xf32, #tpu.memory_space<vmem>>, vector<16xf32>,
          %bitcast3A_2204 = vector.bitcast %get3A_2203 : vector<16xf32> to vector<32xbf16>
          %get3A_2205 = arith.index_cast %add3A_2141 : i32 to index
          %get3A_2206 = arith.constant 96 : index
          %get3A_2207 = tpu.vector_load %arg11[%get3A_2205, %get3A_2206] {strides = array<i32>} : memref<40x128xf32, #tpu.memory_space<vmem>>, vector<16xf32>,
          %bitcast3A_2208 = vector.bitcast %get3A_2207 : vector<16xf32> to vector<32xbf16>
          %unpack3A_2209 = tpu.unpack_subelements %bitcast3A_2204, 0 {pack_format = #tpu.pack_format<interleaved>} : vector<32xbf16> -> vector<16xf32>
          %unpack3A_2210 = tpu.unpack_subelements %bitcast3A_2204, 1 {pack_format = #tpu.pack_format<interleaved>} : vector<32xbf16> -> vector<16xf32>
          %unpack3A_2211 = tpu.unpack_subelements %bitcast3A_2208, 0 {pack_format = #tpu.pack_format<interleaved>} : vector<32xbf16> -> vector<16xf32>
          %unpack3A_2212 = tpu.unpack_subelements %bitcast3A_2208, 1 {pack_format = #tpu.pack_format<interleaved>} : vector<32xbf16> -> vector<16xf32>
          %mul3A_2213 = arith.mulf %gather3A_2148, %unpack3A_2209 : vector<16xf32>
          %mul3A_2214 = arith.mulf %gather3A_2152, %unpack3A_2211 : vector<16xf32>
          %add3A_2215 = arith.addf %mul3A_2213, %mul3A_2214 : vector<16xf32>
          %swap3A_2216 = arith.index_cast %add3A_2141 : i32 to index
          %swap3A_2217 = arith.constant 64 : index
          %swap3A_2218 = tpu.vector_load %arg13[%swap3A_2216, %swap3A_2217] {strides = array<i32>} : memref<40x128xf32, #tpu.memory_space<vmem>>, vector<16xf32>,
          tpu.vector_store %arg13[%swap3A_2216, %swap3A_2217], %add3A_2215 {strides = array<i32>} : memref<40x128xf32, #tpu.memory_space<vmem>>, vector<16xf32>,
          %mul3A_2219 = arith.mulf %gather3A_2148, %unpack3A_2210 : vector<16xf32>
          %mul3A_2220 = arith.mulf %gather3A_2152, %unpack3A_2212 : vector<16xf32>
          %add3A_2221 = arith.addf %mul3A_2219, %mul3A_2220 : vector<16xf32>
          %swap3A_2222 = arith.index_cast %add3A_2141 : i32 to index
          %swap3A_2223 = arith.constant 80 : index
          %swap3A_2224 = tpu.vector_load %arg13[%swap3A_2222, %swap3A_2223] {strides = array<i32>} : memref<40x128xf32, #tpu.memory_space<vmem>>, vector<16xf32>,
          tpu.vector_store %arg13[%swap3A_2222, %swap3A_2223], %add3A_2221 {strides = array<i32>} : memref<40x128xf32, #tpu.memory_space<vmem>>, vector<16xf32>,
          %get3A_2225 = arith.index_cast %add3A_2141 : i32 to index
          %get3A_2226 = arith.constant 48 : index
          %get3A_2227 = tpu.vector_load %arg11[%get3A_2225, %get3A_2226] {strides = array<i32>} : memref<40x128xf32, #tpu.memory_space<vmem>>, vector<16xf32>,
          %bitcast3A_2228 = vector.bitcast %get3A_2227 : vector<16xf32> to vector<32xbf16>
          %get3A_2229 = arith.index_cast %add3A_2141 : i32 to index
          %get3A_2230 = arith.constant 112 : index
          %get3A_2231 = tpu.vector_load %arg11[%get3A_2229, %get3A_2230] {strides = array<i32>} : memref<40x128xf32, #tpu.memory_space<vmem>>, vector<16xf32>,
          %bitcast3A_2232 = vector.bitcast %get3A_2231 : vector<16xf32> to vector<32xbf16>
          %unpack3A_2233 = tpu.unpack_subelements %bitcast3A_2228, 0 {pack_format = #tpu.pack_format<interleaved>} : vector<32xbf16> -> vector<16xf32>
          %unpack3A_2234 = tpu.unpack_subelements %bitcast3A_2228, 1 {pack_format = #tpu.pack_format<interleaved>} : vector<32xbf16> -> vector<16xf32>
          %unpack3A_2235 = tpu.unpack_subelements %bitcast3A_2232, 0 {pack_format = #tpu.pack_format<interleaved>} : vector<32xbf16> -> vector<16xf32>
          %unpack3A_2236 = tpu.unpack_subelements %bitcast3A_2232, 1 {pack_format = #tpu.pack_format<interleaved>} : vector<32xbf16> -> vector<16xf32>
          %mul3A_2237 = arith.mulf %gather3A_2148, %unpack3A_2233 : vector<16xf32>
          %mul3A_2238 = arith.mulf %gather3A_2152, %unpack3A_2235 : vector<16xf32>
          %add3A_2239 = arith.addf %mul3A_2237, %mul3A_2238 : vector<16xf32>
          %swap3A_2240 = arith.index_cast %add3A_2141 : i32 to index
          %swap3A_2241 = arith.constant 96 : index
          %swap3A_2242 = tpu.vector_load %arg13[%swap3A_2240, %swap3A_2241] {strides = array<i32>} : memref<40x128xf32, #tpu.memory_space<vmem>>, vector<16xf32>,
          tpu.vector_store %arg13[%swap3A_2240, %swap3A_2241], %add3A_2239 {strides = array<i32>} : memref<40x128xf32, #tpu.memory_space<vmem>>, vector<16xf32>,
          %mul3A_2243 = arith.mulf %gather3A_2148, %unpack3A_2234 : vector<16xf32>
          %mul3A_2244 = arith.mulf %gather3A_2152, %unpack3A_2236 : vector<16xf32>
          %add3A_2245 = arith.addf %mul3A_2243, %mul3A_2244 : vector<16xf32>
          %swap3A_2246 = arith.index_cast %add3A_2141 : i32 to index
          %swap3A_2247 = arith.constant 112 : index
          %swap3A_2248 = tpu.vector_load %arg13[%swap3A_2246, %swap3A_2247] {strides = array<i32>} : memref<40x128xf32, #tpu.memory_space<vmem>>, vector<16xf32>,
          tpu.vector_store %arg13[%swap3A_2246, %swap3A_2247], %add3A_2245 {strides = array<i32>} : memref<40x128xf32, #tpu.memory_space<vmem>>, vector<16xf32>,
          %mul3A_2249 = arith.constant 4 : i32
          %mul3A_2250 = arith.muli %scan3A_2030, %mul3A_2249 : i32
          %add3A_2251 = arith.constant 2 : i32
          %add3A_2252 = arith.addi %mul3A_2250, %add3A_2251 : i32
          %mul3A_2253 = arith.constant 40 : i32
          %mul3A_2254 = arith.muli %add3A_2015, %mul3A_2253 : i32
          %add3A_2255 = arith.addi %mul3A_2254, %add3A_2252 : i32
          %mul3A_2256 = arith.constant 2 : i32
          %mul3A_2257 = arith.muli %add3A_2255, %mul3A_2256 : i32
          %broadcast_in_dim3A_2258 = vector.broadcast %mul3A_2257 : i32 to vector<16xi32>
          %gather3A_2259 = tpu.vector_load_idx %arg9[%broadcast_in_dim3A_2258] : memref<4000xf32, #tpu.memory_space<vmem>>[vector<16xi32>], vector<16xf32>,
          %add3A_2260 = arith.constant 1 : i32
          %add3A_2261 = arith.addi %mul3A_2257, %add3A_2260 : i32
          %broadcast_in_dim3A_2262 = vector.broadcast %add3A_2261 : i32 to vector<16xi32>
          %gather3A_2263 = tpu.vector_load_idx %arg9[%broadcast_in_dim3A_2262] : memref<4000xf32, #tpu.memory_space<vmem>>[vector<16xi32>], vector<16xf32>,
          %get3A_2264 = arith.index_cast %add3A_2252 : i32 to index
          %get3A_2265 = arith.constant 0 : index
          %get3A_2266 = tpu.vector_load %arg11[%get3A_2264, %get3A_2265] {strides = array<i32>} : memref<40x128xf32, #tpu.memory_space<vmem>>, vector<16xf32>,
          %bitcast3A_2267 = vector.bitcast %get3A_2266 : vector<16xf32> to vector<32xbf16>
          %get3A_2268 = arith.index_cast %add3A_2252 : i32 to index
          %get3A_2269 = arith.constant 64 : index
          %get3A_2270 = tpu.vector_load %arg11[%get3A_2268, %get3A_2269] {strides = array<i32>} : memref<40x128xf32, #tpu.memory_space<vmem>>, vector<16xf32>,
          %bitcast3A_2271 = vector.bitcast %get3A_2270 : vector<16xf32> to vector<32xbf16>
          %unpack3A_2272 = tpu.unpack_subelements %bitcast3A_2267, 0 {pack_format = #tpu.pack_format<interleaved>} : vector<32xbf16> -> vector<16xf32>
          %unpack3A_2273 = tpu.unpack_subelements %bitcast3A_2267, 1 {pack_format = #tpu.pack_format<interleaved>} : vector<32xbf16> -> vector<16xf32>
          %unpack3A_2274 = tpu.unpack_subelements %bitcast3A_2271, 0 {pack_format = #tpu.pack_format<interleaved>} : vector<32xbf16> -> vector<16xf32>
          %unpack3A_2275 = tpu.unpack_subelements %bitcast3A_2271, 1 {pack_format = #tpu.pack_format<interleaved>} : vector<32xbf16> -> vector<16xf32>
          %mul3A_2276 = arith.mulf %gather3A_2259, %unpack3A_2272 : vector<16xf32>
          %mul3A_2277 = arith.mulf %gather3A_2263, %unpack3A_2274 : vector<16xf32>
          %add3A_2278 = arith.addf %mul3A_2276, %mul3A_2277 : vector<16xf32>
          %swap3A_2279 = arith.index_cast %add3A_2252 : i32 to index
          %swap3A_2280 = arith.constant 0 : index
          %swap3A_2281 = tpu.vector_load %arg13[%swap3A_2279, %swap3A_2280] {strides = array<i32>} : memref<40x128xf32, #tpu.memory_space<vmem>>, vector<16xf32>,
          tpu.vector_store %arg13[%swap3A_2279, %swap3A_2280], %add3A_2278 {strides = array<i32>} : memref<40x128xf32, #tpu.memory_space<vmem>>, vector<16xf32>,
          %mul3A_2282 = arith.mulf %gather3A_2259, %unpack3A_2273 : vector<16xf32>
          %mul3A_2283 = arith.mulf %gather3A_2263, %unpack3A_2275 : vector<16xf32>
          %add3A_2284 = arith.addf %mul3A_2282, %mul3A_2283 : vector<16xf32>
          %swap3A_2285 = arith.index_cast %add3A_2252 : i32 to index
          %swap3A_2286 = arith.constant 16 : index
          %swap3A_2287 = tpu.vector_load %arg13[%swap3A_2285, %swap3A_2286] {strides = array<i32>} : memref<40x128xf32, #tpu.memory_space<vmem>>, vector<16xf32>,
          tpu.vector_store %arg13[%swap3A_2285, %swap3A_2286], %add3A_2284 {strides = array<i32>} : memref<40x128xf32, #tpu.memory_space<vmem>>, vector<16xf32>,
          %get3A_2288 = arith.index_cast %add3A_2252 : i32 to index
          %get3A_2289 = arith.constant 16 : index
          %get3A_2290 = tpu.vector_load %arg11[%get3A_2288, %get3A_2289] {strides = array<i32>} : memref<40x128xf32, #tpu.memory_space<vmem>>, vector<16xf32>,
          %bitcast3A_2291 = vector.bitcast %get3A_2290 : vector<16xf32> to vector<32xbf16>
          %get3A_2292 = arith.index_cast %add3A_2252 : i32 to index
          %get3A_2293 = arith.constant 80 : index
          %get3A_2294 = tpu.vector_load %arg11[%get3A_2292, %get3A_2293] {strides = array<i32>} : memref<40x128xf32, #tpu.memory_space<vmem>>, vector<16xf32>,
          %bitcast3A_2295 = vector.bitcast %get3A_2294 : vector<16xf32> to vector<32xbf16>
          %unpack3A_2296 = tpu.unpack_subelements %bitcast3A_2291, 0 {pack_format = #tpu.pack_format<interleaved>} : vector<32xbf16> -> vector<16xf32>
          %unpack3A_2297 = tpu.unpack_subelements %bitcast3A_2291, 1 {pack_format = #tpu.pack_format<interleaved>} : vector<32xbf16> -> vector<16xf32>
          %unpack3A_2298 = tpu.unpack_subelements %bitcast3A_2295, 0 {pack_format = #tpu.pack_format<interleaved>} : vector<32xbf16> -> vector<16xf32>
          %unpack3A_2299 = tpu.unpack_subelements %bitcast3A_2295, 1 {pack_format = #tpu.pack_format<interleaved>} : vector<32xbf16> -> vector<16xf32>
          %mul3A_2300 = arith.mulf %gather3A_2259, %unpack3A_2296 : vector<16xf32>
          %mul3A_2301 = arith.mulf %gather3A_2263, %unpack3A_2298 : vector<16xf32>
          %add3A_2302 = arith.addf %mul3A_2300, %mul3A_2301 : vector<16xf32>
          %swap3A_2303 = arith.index_cast %add3A_2252 : i32 to index
          %swap3A_2304 = arith.constant 32 : index
          %swap3A_2305 = tpu.vector_load %arg13[%swap3A_2303, %swap3A_2304] {strides = array<i32>} : memref<40x128xf32, #tpu.memory_space<vmem>>, vector<16xf32>,
          tpu.vector_store %arg13[%swap3A_2303, %swap3A_2304], %add3A_2302 {strides = array<i32>} : memref<40x128xf32, #tpu.memory_space<vmem>>, vector<16xf32>,
          %mul3A_2306 = arith.mulf %gather3A_2259, %unpack3A_2297 : vector<16xf32>
          %mul3A_2307 = arith.mulf %gather3A_2263, %unpack3A_2299 : vector<16xf32>
          %add3A_2308 = arith.addf %mul3A_2306, %mul3A_2307 : vector<16xf32>
          %swap3A_2309 = arith.index_cast %add3A_2252 : i32 to index
          %swap3A_2310 = arith.constant 48 : index
          %swap3A_2311 = tpu.vector_load %arg13[%swap3A_2309, %swap3A_2310] {strides = array<i32>} : memref<40x128xf32, #tpu.memory_space<vmem>>, vector<16xf32>,
          tpu.vector_store %arg13[%swap3A_2309, %swap3A_2310], %add3A_2308 {strides = array<i32>} : memref<40x128xf32, #tpu.memory_space<vmem>>, vector<16xf32>,
          %get3A_2312 = arith.index_cast %add3A_2252 : i32 to index
          %get3A_2313 = arith.constant 32 : index
          %get3A_2314 = tpu.vector_load %arg11[%get3A_2312, %get3A_2313] {strides = array<i32>} : memref<40x128xf32, #tpu.memory_space<vmem>>, vector<16xf32>,
          %bitcast3A_2315 = vector.bitcast %get3A_2314 : vector<16xf32> to vector<32xbf16>
          %get3A_2316 = arith.index_cast %add3A_2252 : i32 to index
          %get3A_2317 = arith.constant 96 : index
          %get3A_2318 = tpu.vector_load %arg11[%get3A_2316, %get3A_2317] {strides = array<i32>} : memref<40x128xf32, #tpu.memory_space<vmem>>, vector<16xf32>,
          %bitcast3A_2319 = vector.bitcast %get3A_2318 : vector<16xf32> to vector<32xbf16>
          %unpack3A_2320 = tpu.unpack_subelements %bitcast3A_2315, 0 {pack_format = #tpu.pack_format<interleaved>} : vector<32xbf16> -> vector<16xf32>
          %unpack3A_2321 = tpu.unpack_subelements %bitcast3A_2315, 1 {pack_format = #tpu.pack_format<interleaved>} : vector<32xbf16> -> vector<16xf32>
          %unpack3A_2322 = tpu.unpack_subelements %bitcast3A_2319, 0 {pack_format = #tpu.pack_format<interleaved>} : vector<32xbf16> -> vector<16xf32>
          %unpack3A_2323 = tpu.unpack_subelements %bitcast3A_2319, 1 {pack_format = #tpu.pack_format<interleaved>} : vector<32xbf16> -> vector<16xf32>
          %mul3A_2324 = arith.mulf %gather3A_2259, %unpack3A_2320 : vector<16xf32>
          %mul3A_2325 = arith.mulf %gather3A_2263, %unpack3A_2322 : vector<16xf32>
          %add3A_2326 = arith.addf %mul3A_2324, %mul3A_2325 : vector<16xf32>
          %swap3A_2327 = arith.index_cast %add3A_2252 : i32 to index
          %swap3A_2328 = arith.constant 64 : index
          %swap3A_2329 = tpu.vector_load %arg13[%swap3A_2327, %swap3A_2328] {strides = array<i32>} : memref<40x128xf32, #tpu.memory_space<vmem>>, vector<16xf32>,
          tpu.vector_store %arg13[%swap3A_2327, %swap3A_2328], %add3A_2326 {strides = array<i32>} : memref<40x128xf32, #tpu.memory_space<vmem>>, vector<16xf32>,
          %mul3A_2330 = arith.mulf %gather3A_2259, %unpack3A_2321 : vector<16xf32>
          %mul3A_2331 = arith.mulf %gather3A_2263, %unpack3A_2323 : vector<16xf32>
          %add3A_2332 = arith.addf %mul3A_2330, %mul3A_2331 : vector<16xf32>
          %swap3A_2333 = arith.index_cast %add3A_2252 : i32 to index
          %swap3A_2334 = arith.constant 80 : index
          %swap3A_2335 = tpu.vector_load %arg13[%swap3A_2333, %swap3A_2334] {strides = array<i32>} : memref<40x128xf32, #tpu.memory_space<vmem>>, vector<16xf32>,
          tpu.vector_store %arg13[%swap3A_2333, %swap3A_2334], %add3A_2332 {strides = array<i32>} : memref<40x128xf32, #tpu.memory_space<vmem>>, vector<16xf32>,
          %get3A_2336 = arith.index_cast %add3A_2252 : i32 to index
          %get3A_2337 = arith.constant 48 : index
          %get3A_2338 = tpu.vector_load %arg11[%get3A_2336, %get3A_2337] {strides = array<i32>} : memref<40x128xf32, #tpu.memory_space<vmem>>, vector<16xf32>,
          %bitcast3A_2339 = vector.bitcast %get3A_2338 : vector<16xf32> to vector<32xbf16>
          %get3A_2340 = arith.index_cast %add3A_2252 : i32 to index
          %get3A_2341 = arith.constant 112 : index
          %get3A_2342 = tpu.vector_load %arg11[%get3A_2340, %get3A_2341] {strides = array<i32>} : memref<40x128xf32, #tpu.memory_space<vmem>>, vector<16xf32>,
          %bitcast3A_2343 = vector.bitcast %get3A_2342 : vector<16xf32> to vector<32xbf16>
          %unpack3A_2344 = tpu.unpack_subelements %bitcast3A_2339, 0 {pack_format = #tpu.pack_format<interleaved>} : vector<32xbf16> -> vector<16xf32>
          %unpack3A_2345 = tpu.unpack_subelements %bitcast3A_2339, 1 {pack_format = #tpu.pack_format<interleaved>} : vector<32xbf16> -> vector<16xf32>
          %unpack3A_2346 = tpu.unpack_subelements %bitcast3A_2343, 0 {pack_format = #tpu.pack_format<interleaved>} : vector<32xbf16> -> vector<16xf32>
          %unpack3A_2347 = tpu.unpack_subelements %bitcast3A_2343, 1 {pack_format = #tpu.pack_format<interleaved>} : vector<32xbf16> -> vector<16xf32>
          %mul3A_2348 = arith.mulf %gather3A_2259, %unpack3A_2344 : vector<16xf32>
          %mul3A_2349 = arith.mulf %gather3A_2263, %unpack3A_2346 : vector<16xf32>
          %add3A_2350 = arith.addf %mul3A_2348, %mul3A_2349 : vector<16xf32>
          %swap3A_2351 = arith.index_cast %add3A_2252 : i32 to index
          %swap3A_2352 = arith.constant 96 : index
          %swap3A_2353 = tpu.vector_load %arg13[%swap3A_2351, %swap3A_2352] {strides = array<i32>} : memref<40x128xf32, #tpu.memory_space<vmem>>, vector<16xf32>,
          tpu.vector_store %arg13[%swap3A_2351, %swap3A_2352], %add3A_2350 {strides = array<i32>} : memref<40x128xf32, #tpu.memory_space<vmem>>, vector<16xf32>,
          %mul3A_2354 = arith.mulf %gather3A_2259, %unpack3A_2345 : vector<16xf32>
          %mul3A_2355 = arith.mulf %gather3A_2263, %unpack3A_2347 : vector<16xf32>
          %add3A_2356 = arith.addf %mul3A_2354, %mul3A_2355 : vector<16xf32>
          %swap3A_2357 = arith.index_cast %add3A_2252 : i32 to index
          %swap3A_2358 = arith.constant 112 : index
          %swap3A_2359 = tpu.vector_load %arg13[%swap3A_2357, %swap3A_2358] {strides = array<i32>} : memref<40x128xf32, #tpu.memory_space<vmem>>, vector<16xf32>,
          tpu.vector_store %arg13[%swap3A_2357, %swap3A_2358], %add3A_2356 {strides = array<i32>} : memref<40x128xf32, #tpu.memory_space<vmem>>, vector<16xf32>,
          %mul3A_2360 = arith.constant 4 : i32
          %mul3A_2361 = arith.muli %scan3A_2030, %mul3A_2360 : i32
          %add3A_2362 = arith.constant 3 : i32
          %add3A_2363 = arith.addi %mul3A_2361, %add3A_2362 : i32
          %mul3A_2364 = arith.constant 40 : i32
          %mul3A_2365 = arith.muli %add3A_2015, %mul3A_2364 : i32
          %add3A_2366 = arith.addi %mul3A_2365, %add3A_2363 : i32
          %mul3A_2367 = arith.constant 2 : i32
          %mul3A_2368 = arith.muli %add3A_2366, %mul3A_2367 : i32
          %broadcast_in_dim3A_2369 = vector.broadcast %mul3A_2368 : i32 to vector<16xi32>
          %gather3A_2370 = tpu.vector_load_idx %arg9[%broadcast_in_dim3A_2369] : memref<4000xf32, #tpu.memory_space<vmem>>[vector<16xi32>], vector<16xf32>,
          %add3A_2371 = arith.constant 1 : i32
          %add3A_2372 = arith.addi %mul3A_2368, %add3A_2371 : i32
          %broadcast_in_dim3A_2373 = vector.broadcast %add3A_2372 : i32 to vector<16xi32>
          %gather3A_2374 = tpu.vector_load_idx %arg9[%broadcast_in_dim3A_2373] : memref<4000xf32, #tpu.memory_space<vmem>>[vector<16xi32>], vector<16xf32>,
          %get3A_2375 = arith.index_cast %add3A_2363 : i32 to index
          %get3A_2376 = arith.constant 0 : index
          %get3A_2377 = tpu.vector_load %arg11[%get3A_2375, %get3A_2376] {strides = array<i32>} : memref<40x128xf32, #tpu.memory_space<vmem>>, vector<16xf32>,
          %bitcast3A_2378 = vector.bitcast %get3A_2377 : vector<16xf32> to vector<32xbf16>
          %get3A_2379 = arith.index_cast %add3A_2363 : i32 to index
          %get3A_2380 = arith.constant 64 : index
          %get3A_2381 = tpu.vector_load %arg11[%get3A_2379, %get3A_2380] {strides = array<i32>} : memref<40x128xf32, #tpu.memory_space<vmem>>, vector<16xf32>,
          %bitcast3A_2382 = vector.bitcast %get3A_2381 : vector<16xf32> to vector<32xbf16>
          %unpack3A_2383 = tpu.unpack_subelements %bitcast3A_2378, 0 {pack_format = #tpu.pack_format<interleaved>} : vector<32xbf16> -> vector<16xf32>
          %unpack3A_2384 = tpu.unpack_subelements %bitcast3A_2378, 1 {pack_format = #tpu.pack_format<interleaved>} : vector<32xbf16> -> vector<16xf32>
          %unpack3A_2385 = tpu.unpack_subelements %bitcast3A_2382, 0 {pack_format = #tpu.pack_format<interleaved>} : vector<32xbf16> -> vector<16xf32>
          %unpack3A_2386 = tpu.unpack_subelements %bitcast3A_2382, 1 {pack_format = #tpu.pack_format<interleaved>} : vector<32xbf16> -> vector<16xf32>
          %mul3A_2387 = arith.mulf %gather3A_2370, %unpack3A_2383 : vector<16xf32>
          %mul3A_2388 = arith.mulf %gather3A_2374, %unpack3A_2385 : vector<16xf32>
          %add3A_2389 = arith.addf %mul3A_2387, %mul3A_2388 : vector<16xf32>
          %swap3A_2390 = arith.index_cast %add3A_2363 : i32 to index
          %swap3A_2391 = arith.constant 0 : index
          %swap3A_2392 = tpu.vector_load %arg13[%swap3A_2390, %swap3A_2391] {strides = array<i32>} : memref<40x128xf32, #tpu.memory_space<vmem>>, vector<16xf32>,
          tpu.vector_store %arg13[%swap3A_2390, %swap3A_2391], %add3A_2389 {strides = array<i32>} : memref<40x128xf32, #tpu.memory_space<vmem>>, vector<16xf32>,
          %mul3A_2393 = arith.mulf %gather3A_2370, %unpack3A_2384 : vector<16xf32>
          %mul3A_2394 = arith.mulf %gather3A_2374, %unpack3A_2386 : vector<16xf32>
          %add3A_2395 = arith.addf %mul3A_2393, %mul3A_2394 : vector<16xf32>
          %swap3A_2396 = arith.index_cast %add3A_2363 : i32 to index
          %swap3A_2397 = arith.constant 16 : index
          %swap3A_2398 = tpu.vector_load %arg13[%swap3A_2396, %swap3A_2397] {strides = array<i32>} : memref<40x128xf32, #tpu.memory_space<vmem>>, vector<16xf32>,
          tpu.vector_store %arg13[%swap3A_2396, %swap3A_2397], %add3A_2395 {strides = array<i32>} : memref<40x128xf32, #tpu.memory_space<vmem>>, vector<16xf32>,
          %get3A_2399 = arith.index_cast %add3A_2363 : i32 to index
          %get3A_2400 = arith.constant 16 : index
          %get3A_2401 = tpu.vector_load %arg11[%get3A_2399, %get3A_2400] {strides = array<i32>} : memref<40x128xf32, #tpu.memory_space<vmem>>, vector<16xf32>,
          %bitcast3A_2402 = vector.bitcast %get3A_2401 : vector<16xf32> to vector<32xbf16>
          %get3A_2403 = arith.index_cast %add3A_2363 : i32 to index
          %get3A_2404 = arith.constant 80 : index
          %get3A_2405 = tpu.vector_load %arg11[%get3A_2403, %get3A_2404] {strides = array<i32>} : memref<40x128xf32, #tpu.memory_space<vmem>>, vector<16xf32>,
          %bitcast3A_2406 = vector.bitcast %get3A_2405 : vector<16xf32> to vector<32xbf16>
          %unpack3A_2407 = tpu.unpack_subelements %bitcast3A_2402, 0 {pack_format = #tpu.pack_format<interleaved>} : vector<32xbf16> -> vector<16xf32>
          %unpack3A_2408 = tpu.unpack_subelements %bitcast3A_2402, 1 {pack_format = #tpu.pack_format<interleaved>} : vector<32xbf16> -> vector<16xf32>
          %unpack3A_2409 = tpu.unpack_subelements %bitcast3A_2406, 0 {pack_format = #tpu.pack_format<interleaved>} : vector<32xbf16> -> vector<16xf32>
          %unpack3A_2410 = tpu.unpack_subelements %bitcast3A_2406, 1 {pack_format = #tpu.pack_format<interleaved>} : vector<32xbf16> -> vector<16xf32>
          %mul3A_2411 = arith.mulf %gather3A_2370, %unpack3A_2407 : vector<16xf32>
          %mul3A_2412 = arith.mulf %gather3A_2374, %unpack3A_2409 : vector<16xf32>
          %add3A_2413 = arith.addf %mul3A_2411, %mul3A_2412 : vector<16xf32>
          %swap3A_2414 = arith.index_cast %add3A_2363 : i32 to index
          %swap3A_2415 = arith.constant 32 : index
          %swap3A_2416 = tpu.vector_load %arg13[%swap3A_2414, %swap3A_2415] {strides = array<i32>} : memref<40x128xf32, #tpu.memory_space<vmem>>, vector<16xf32>,
          tpu.vector_store %arg13[%swap3A_2414, %swap3A_2415], %add3A_2413 {strides = array<i32>} : memref<40x128xf32, #tpu.memory_space<vmem>>, vector<16xf32>,
          %mul3A_2417 = arith.mulf %gather3A_2370, %unpack3A_2408 : vector<16xf32>
          %mul3A_2418 = arith.mulf %gather3A_2374, %unpack3A_2410 : vector<16xf32>
          %add3A_2419 = arith.addf %mul3A_2417, %mul3A_2418 : vector<16xf32>
          %swap3A_2420 = arith.index_cast %add3A_2363 : i32 to index
          %swap3A_2421 = arith.constant 48 : index
          %swap3A_2422 = tpu.vector_load %arg13[%swap3A_2420, %swap3A_2421] {strides = array<i32>} : memref<40x128xf32, #tpu.memory_space<vmem>>, vector<16xf32>,
          tpu.vector_store %arg13[%swap3A_2420, %swap3A_2421], %add3A_2419 {strides = array<i32>} : memref<40x128xf32, #tpu.memory_space<vmem>>, vector<16xf32>,
          %get3A_2423 = arith.index_cast %add3A_2363 : i32 to index
          %get3A_2424 = arith.constant 32 : index
          %get3A_2425 = tpu.vector_load %arg11[%get3A_2423, %get3A_2424] {strides = array<i32>} : memref<40x128xf32, #tpu.memory_space<vmem>>, vector<16xf32>,
          %bitcast3A_2426 = vector.bitcast %get3A_2425 : vector<16xf32> to vector<32xbf16>
          %get3A_2427 = arith.index_cast %add3A_2363 : i32 to index
          %get3A_2428 = arith.constant 96 : index
          %get3A_2429 = tpu.vector_load %arg11[%get3A_2427, %get3A_2428] {strides = array<i32>} : memref<40x128xf32, #tpu.memory_space<vmem>>, vector<16xf32>,
          %bitcast3A_2430 = vector.bitcast %get3A_2429 : vector<16xf32> to vector<32xbf16>
          %unpack3A_2431 = tpu.unpack_subelements %bitcast3A_2426, 0 {pack_format = #tpu.pack_format<interleaved>} : vector<32xbf16> -> vector<16xf32>
          %unpack3A_2432 = tpu.unpack_subelements %bitcast3A_2426, 1 {pack_format = #tpu.pack_format<interleaved>} : vector<32xbf16> -> vector<16xf32>
          %unpack3A_2433 = tpu.unpack_subelements %bitcast3A_2430, 0 {pack_format = #tpu.pack_format<interleaved>} : vector<32xbf16> -> vector<16xf32>
          %unpack3A_2434 = tpu.unpack_subelements %bitcast3A_2430, 1 {pack_format = #tpu.pack_format<interleaved>} : vector<32xbf16> -> vector<16xf32>
          %mul3A_2435 = arith.mulf %gather3A_2370, %unpack3A_2431 : vector<16xf32>
          %mul3A_2436 = arith.mulf %gather3A_2374, %unpack3A_2433 : vector<16xf32>
          %add3A_2437 = arith.addf %mul3A_2435, %mul3A_2436 : vector<16xf32>
          %swap3A_2438 = arith.index_cast %add3A_2363 : i32 to index
          %swap3A_2439 = arith.constant 64 : index
          %swap3A_2440 = tpu.vector_load %arg13[%swap3A_2438, %swap3A_2439] {strides = array<i32>} : memref<40x128xf32, #tpu.memory_space<vmem>>, vector<16xf32>,
          tpu.vector_store %arg13[%swap3A_2438, %swap3A_2439], %add3A_2437 {strides = array<i32>} : memref<40x128xf32, #tpu.memory_space<vmem>>, vector<16xf32>,
          %mul3A_2441 = arith.mulf %gather3A_2370, %unpack3A_2432 : vector<16xf32>
          %mul3A_2442 = arith.mulf %gather3A_2374, %unpack3A_2434 : vector<16xf32>
          %add3A_2443 = arith.addf %mul3A_2441, %mul3A_2442 : vector<16xf32>
          %swap3A_2444 = arith.index_cast %add3A_2363 : i32 to index
          %swap3A_2445 = arith.constant 80 : index
          %swap3A_2446 = tpu.vector_load %arg13[%swap3A_2444, %swap3A_2445] {strides = array<i32>} : memref<40x128xf32, #tpu.memory_space<vmem>>, vector<16xf32>,
          tpu.vector_store %arg13[%swap3A_2444, %swap3A_2445], %add3A_2443 {strides = array<i32>} : memref<40x128xf32, #tpu.memory_space<vmem>>, vector<16xf32>,
          %get3A_2447 = arith.index_cast %add3A_2363 : i32 to index
          %get3A_2448 = arith.constant 48 : index
          %get3A_2449 = tpu.vector_load %arg11[%get3A_2447, %get3A_2448] {strides = array<i32>} : memref<40x128xf32, #tpu.memory_space<vmem>>, vector<16xf32>,
          %bitcast3A_2450 = vector.bitcast %get3A_2449 : vector<16xf32> to vector<32xbf16>
          %get3A_2451 = arith.index_cast %add3A_2363 : i32 to index
          %get3A_2452 = arith.constant 112 : index
          %get3A_2453 = tpu.vector_load %arg11[%get3A_2451, %get3A_2452] {strides = array<i32>} : memref<40x128xf32, #tpu.memory_space<vmem>>, vector<16xf32>,
          %bitcast3A_2454 = vector.bitcast %get3A_2453 : vector<16xf32> to vector<32xbf16>
          %unpack3A_2455 = tpu.unpack_subelements %bitcast3A_2450, 0 {pack_format = #tpu.pack_format<interleaved>} : vector<32xbf16> -> vector<16xf32>
          %unpack3A_2456 = tpu.unpack_subelements %bitcast3A_2450, 1 {pack_format = #tpu.pack_format<interleaved>} : vector<32xbf16> -> vector<16xf32>
          %unpack3A_2457 = tpu.unpack_subelements %bitcast3A_2454, 0 {pack_format = #tpu.pack_format<interleaved>} : vector<32xbf16> -> vector<16xf32>
          %unpack3A_2458 = tpu.unpack_subelements %bitcast3A_2454, 1 {pack_format = #tpu.pack_format<interleaved>} : vector<32xbf16> -> vector<16xf32>
          %mul3A_2459 = arith.mulf %gather3A_2370, %unpack3A_2455 : vector<16xf32>
          %mul3A_2460 = arith.mulf %gather3A_2374, %unpack3A_2457 : vector<16xf32>
          %add3A_2461 = arith.addf %mul3A_2459, %mul3A_2460 : vector<16xf32>
          %swap3A_2462 = arith.index_cast %add3A_2363 : i32 to index
          %swap3A_2463 = arith.constant 96 : index
          %swap3A_2464 = tpu.vector_load %arg13[%swap3A_2462, %swap3A_2463] {strides = array<i32>} : memref<40x128xf32, #tpu.memory_space<vmem>>, vector<16xf32>,
          tpu.vector_store %arg13[%swap3A_2462, %swap3A_2463], %add3A_2461 {strides = array<i32>} : memref<40x128xf32, #tpu.memory_space<vmem>>, vector<16xf32>,
          %mul3A_2465 = arith.mulf %gather3A_2370, %unpack3A_2456 : vector<16xf32>
          %mul3A_2466 = arith.mulf %gather3A_2374, %unpack3A_2458 : vector<16xf32>
          %add3A_2467 = arith.addf %mul3A_2465, %mul3A_2466 : vector<16xf32>
          %swap3A_2468 = arith.index_cast %add3A_2363 : i32 to index
          %swap3A_2469 = arith.constant 112 : index
          %swap3A_2470 = tpu.vector_load %arg13[%swap3A_2468, %swap3A_2469] {strides = array<i32>} : memref<40x128xf32, #tpu.memory_space<vmem>>, vector<16xf32>,
          tpu.vector_store %arg13[%swap3A_2468, %swap3A_2469], %add3A_2467 {strides = array<i32>} : memref<40x128xf32, #tpu.memory_space<vmem>>, vector<16xf32>,
        }
        %scan3A_2021 = arith.constant 10 : i32
        %add3A_2022 = arith.constant 1 : i32
        %add3A_2023 = arith.addi %mul3A_1968, %add3A_2022 : i32
        %dma_start3A_2024 = arith.constant 0 : i32
        %dma_start3A_2025 = tpu.memref_slice %arg8[%add3A_2023, %dma_start3A_2024] : memref<50x40xi32, #tpu.memory_space<vmem>> -> memref<1x40xi32, #tpu.memory_space<vmem>>
        %dma_start3A_2026 = tpu.memref_squeeze %dma_start3A_2025 : memref<1x40xi32, #tpu.memory_space<vmem>> -> memref<40xi32, #tpu.memory_space<vmem>>
        %dma_start3A_2027 = arith.constant 0 : i32
        %dma_start3A_2028 = arith.constant 0 : i32
        %dma_start3A_2029 = tpu.memref_slice %arg14[%dma_start3A_2027, %dma_start3A_2028] : memref<10240x128xf32, #tpu.memory_space<vmem_shared>> -> memref<10240x128xf32, #tpu.memory_space<vmem_shared>>
        tpu.enqueue_indirect_dma source(%arg13 : memref<40x128xf32, #tpu.memory_space<vmem>>) target(%dma_start3A_2029 : memref<10240x128xf32, #tpu.memory_space<vmem_shared>>) offsets(%dma_start3A_2026 : memref<40xi32, #tpu.memory_space<vmem>>) semaphore(%arg18 : memref<!tpu.dma_semaphore, #tpu.memory_space<semaphore_mem>>) {add = true}
      }
      %scan3A_1952 = arith.constant 25 : i32
      %dma_wait3A = arith.constant 0 : i32
      %dma_wait3A_1953 = arith.constant 0 : i32
      %dma_wait3A_1954 = tpu.memref_slice %arg8[%dma_wait3A, %dma_wait3A_1953] : memref<50x40xi32, #tpu.memory_space<vmem>> -> memref<1x40xi32, #tpu.memory_space<vmem>>
      %dma_wait3A_1955 = tpu.memref_squeeze %dma_wait3A_1954 : memref<1x40xi32, #tpu.memory_space<vmem>> -> memref<40xi32, #tpu.memory_space<vmem>>
      %dma_wait3A_1956 = arith.constant 0 : i32
      %dma_wait3A_1957 = arith.constant 0 : i32
      %dma_wait3A_1958 = tpu.memref_slice %arg14[%dma_wait3A_1956, %dma_wait3A_1957] : memref<10240x128xf32, #tpu.memory_space<vmem_shared>> -> memref<10240x128xf32, #tpu.memory_space<vmem_shared>>
      tpu.wait_indirect_dma semaphore(%arg17 : memref<!tpu.dma_semaphore, #tpu.memory_space<semaphore_mem>>) src(%arg12 : memref<40x128xf32, #tpu.memory_space<vmem>>) dst(%dma_wait3A_1958 : memref<10240x128xf32, #tpu.memory_space<vmem_shared>>)
      %dma_wait3A_1959 = arith.constant 0 : i32
      %dma_wait3A_1960 = arith.constant 0 : i32
      %dma_wait3A_1961 = tpu.memref_slice %arg8[%dma_wait3A_1959, %dma_wait3A_1960] : memref<50x40xi32, #tpu.memory_space<vmem>> -> memref<1x40xi32, #tpu.memory_space<vmem>>
      %dma_wait3A_1962 = tpu.memref_squeeze %dma_wait3A_1961 : memref<1x40xi32, #tpu.memory_space<vmem>> -> memref<40xi32, #tpu.memory_space<vmem>>
      %dma_wait3A_1963 = arith.constant 0 : i32
      %dma_wait3A_1964 = arith.constant 0 : i32
      %dma_wait3A_1965 = tpu.memref_slice %arg14[%dma_wait3A_1963, %dma_wait3A_1964] : memref<10240x128xf32, #tpu.memory_space<vmem_shared>> -> memref<10240x128xf32, #tpu.memory_space<vmem_shared>>
      tpu.wait_indirect_dma semaphore(%arg18 : memref<!tpu.dma_semaphore, #tpu.memory_space<semaphore_mem>>) src(%arg13 : memref<40x128xf32, #tpu.memory_space<vmem>>) dst(%dma_wait3A_1965 : memref<10240x128xf32, #tpu.memory_space<vmem_shared>>)
    }
    %scan3A_1931 = arith.constant 10 : i32
    %barrier3A_1932 = arith.constant 0 : index
    tpu.barrier barrier_id(%barrier3A_1932)
    "tpu.region"() ({
      %run_scoped3A = tpu.sem_alloc : memref<!tpu.dma_semaphore, #tpu.memory_space<semaphore_mem>>
      %dma_start3A = arith.constant 0 : i32
      %dma_start3A_1933 = tpu.memref_slice %arg6[%arg0, %mul3A_1920, %dma_start3A] : memref<2x10240x128xf32, #tpu.memory_space<hbm>> -> memref<1x640x128xf32, #tpu.memory_space<hbm>>
      %dma_start3A_1934 = tpu.memref_squeeze %dma_start3A_1933 : memref<1x640x128xf32, #tpu.memory_space<hbm>> -> memref<640x128xf32, #tpu.memory_space<hbm>>
      %dma_start3A_1935 = arith.constant 0 : i32
      %dma_start3A_1936 = tpu.memref_slice %arg14[%mul3A_1920, %dma_start3A_1935] : memref<10240x128xf32, #tpu.memory_space<vmem_shared>> -> memref<640x128xf32, #tpu.memory_space<vmem_shared>>
      tpu.enqueue_dma source(%dma_start3A_1936 : memref<640x128xf32, #tpu.memory_space<vmem_shared>>) target(%dma_start3A_1934 : memref<640x128xf32, #tpu.memory_space<hbm>>) target_semaphore(%run_scoped3A : memref<!tpu.dma_semaphore, #tpu.memory_space<semaphore_mem>>)
      %dma_wait3A = arith.constant 0 : i32
      %dma_wait3A_1937 = tpu.memref_slice %arg6[%arg0, %mul3A_1920, %dma_wait3A] : memref<2x10240x128xf32, #tpu.memory_space<hbm>> -> memref<1x640x128xf32, #tpu.memory_space<hbm>>
      %dma_wait3A_1938 = tpu.memref_squeeze %dma_wait3A_1937 : memref<1x640x128xf32, #tpu.memory_space<hbm>> -> memref<640x128xf32, #tpu.memory_space<hbm>>
      %dma_wait3A_1939 = arith.constant 0 : i32
      %dma_wait3A_1940 = tpu.memref_slice %arg14[%mul3A_1920, %dma_wait3A_1939] : memref<10240x128xf32, #tpu.memory_space<vmem_shared>> -> memref<640x128xf32, #tpu.memory_space<vmem_shared>>
      tpu.wait_dma2 semaphore(%run_scoped3A : memref<!tpu.dma_semaphore, #tpu.memory_space<semaphore_mem>>) src(%dma_wait3A_1940 : memref<640x128xf32, #tpu.memory_space<vmem_shared>>) dst(%dma_wait3A_1938 : memref<640x128xf32, #tpu.memory_space<hbm>>)
      tpu.yield
    }) : () -> ()
    return
  }
}

#map = affine_map<(d0, d1) -> (0)>
module attributes {stable_mosaic.version = 14 : i64} {
  func.func @_sc_pass1(%arg0: i32, %arg1: i32, %arg2: memref<320000xi32, #tpu.memory_space<hbm>>, %arg3: memref<320000xi32, #tpu.memory_space<hbm>>, %arg4: memref<40000xf32, #tpu.memory_space<hbm>>, %arg5: memref<40000xf32, #tpu.memory_space<hbm>>, %arg6: memref<1280000xf32, #tpu.memory_space<hbm>>, %arg7: memref<1280000xf32, #tpu.memory_space<hbm>>, %arg8: memref<640000xf32, #tpu.memory_space<hbm>>, %arg9: memref<20000xf32, #tpu.memory_space<vmem>>, %arg10: memref<20000xf32, #tpu.memory_space<vmem>>, %arg11: memref<1000xi32, #tpu.memory_space<vmem>>, %arg12: memref<1000xi32, #tpu.memory_space<vmem>>, %arg13: memref<2000xf32, #tpu.memory_space<vmem>>, %arg14: memref<2000xf32, #tpu.memory_space<vmem>>, %arg15: memref<20000xf32, #tpu.memory_space<vmem>>) attributes {dimension_semantics = [#tpu.dimension_semantics<core_parallel>, #tpu.dimension_semantics<subcore_parallel>], iteration_bounds = array<i64: 2, 16>, scalar_prefetch = 0 : i64, scratch_operands = 7 : i64, tpu.core_type = #tpu.core_type<sc_vector_subcore>, window_params = [{transform_indices = #map}, {transform_indices = #map}, {transform_indices = #map}, {transform_indices = #map}, {transform_indices = #map}, {transform_indices = #map}, {transform_indices = #map}]} {
    %mul3A = arith.constant 16 : i32
    %mul3A_0 = arith.muli %arg0, %mul3A : i32
    %add3A = arith.addi %mul3A_0, %arg1 : i32
    %mul3A_1 = arith.constant 20000 : i32
    %mul3A_2 = arith.muli %arg1, %mul3A_1 : i32
    %iota3A = tpu.iota {dimensions = array<i32: 0>} : vector<16xi32>
    %and3A = arith.constant 1 : i32
    %and3A_3 = vector.broadcast %and3A : i32 to vector<16xi32>
    %and3A_4 = arith.andi %iota3A, %and3A_3 : vector<16xi32>
    %shift_right_logical3A = arith.constant 1 : i32
    %shift_right_logical3A_5 = vector.broadcast %shift_right_logical3A : i32 to vector<16xi32>
    %shift_right_logical3A_6 = arith.shrui %iota3A, %shift_right_logical3A_5 : vector<16xi32>
    %mul3A_7 = arith.constant 20000 : i32
    %mul3A_8 = arith.muli %arg0, %mul3A_7 : i32
    %mul3A_9 = arith.constant 640000 : i32
    %mul3A_10 = arith.muli %arg0, %mul3A_9 : i32
    "tpu.region"() ({
      %run_scoped3A = tpu.sem_alloc : memref<!tpu.dma_semaphore, #tpu.memory_space<semaphore_mem>>
      %dma_start3A = tpu.memref_slice %arg4[%mul3A_8] : memref<40000xf32, #tpu.memory_space<hbm>> -> memref<20000xf32, #tpu.memory_space<hbm>>
      %dma_start3A_24 = tpu.memref_slice %arg4[%mul3A_8] : memref<40000xf32, #tpu.memory_space<hbm>> -> memref<20000xf32, #tpu.memory_space<hbm>>
      tpu.enqueue_dma source(%dma_start3A_24 : memref<20000xf32, #tpu.memory_space<hbm>>) target(%arg9 : memref<20000xf32, #tpu.memory_space<vmem>>) target_semaphore(%run_scoped3A : memref<!tpu.dma_semaphore, #tpu.memory_space<semaphore_mem>>)
      %dma_wait3A = tpu.memref_slice %arg4[%mul3A_8] : memref<40000xf32, #tpu.memory_space<hbm>> -> memref<20000xf32, #tpu.memory_space<hbm>>
      %dma_wait3A_25 = tpu.memref_slice %arg4[%mul3A_8] : memref<40000xf32, #tpu.memory_space<hbm>> -> memref<20000xf32, #tpu.memory_space<hbm>>
      tpu.wait_dma2 semaphore(%run_scoped3A : memref<!tpu.dma_semaphore, #tpu.memory_space<semaphore_mem>>) src(%dma_wait3A_25 : memref<20000xf32, #tpu.memory_space<hbm>>) dst(%arg9 : memref<20000xf32, #tpu.memory_space<vmem>>)
      tpu.yield
    }) : () -> ()
    "tpu.region"() ({
      %run_scoped3A = tpu.sem_alloc : memref<!tpu.dma_semaphore, #tpu.memory_space<semaphore_mem>>
      %dma_start3A = tpu.memref_slice %arg5[%mul3A_8] : memref<40000xf32, #tpu.memory_space<hbm>> -> memref<20000xf32, #tpu.memory_space<hbm>>
      %dma_start3A_24 = tpu.memref_slice %arg5[%mul3A_8] : memref<40000xf32, #tpu.memory_space<hbm>> -> memref<20000xf32, #tpu.memory_space<hbm>>
      tpu.enqueue_dma source(%dma_start3A_24 : memref<20000xf32, #tpu.memory_space<hbm>>) target(%arg10 : memref<20000xf32, #tpu.memory_space<vmem>>) target_semaphore(%run_scoped3A : memref<!tpu.dma_semaphore, #tpu.memory_space<semaphore_mem>>)
      %dma_wait3A = tpu.memref_slice %arg5[%mul3A_8] : memref<40000xf32, #tpu.memory_space<hbm>> -> memref<20000xf32, #tpu.memory_space<hbm>>
      %dma_wait3A_25 = tpu.memref_slice %arg5[%mul3A_8] : memref<40000xf32, #tpu.memory_space<hbm>> -> memref<20000xf32, #tpu.memory_space<hbm>>
      tpu.wait_dma2 semaphore(%run_scoped3A : memref<!tpu.dma_semaphore, #tpu.memory_space<semaphore_mem>>) src(%dma_wait3A_25 : memref<20000xf32, #tpu.memory_space<hbm>>) dst(%arg10 : memref<20000xf32, #tpu.memory_space<vmem>>)
      tpu.yield
    }) : () -> ()
    %scan3A = arith.constant 0 : i32
    %scan3A_11 = arith.constant 0 : i32
    %scan3A_12 = arith.constant 1250 : i32
    %scan3A_13 = arith.addi %scan3A_11, %scan3A_12 : i32
    %scan3A_14 = arith.constant 1 : i32
    scf.for %scan3A_24 = %scan3A_11 to %scan3A_13 step %scan3A_14  : i32 {
      %broadcast_in_dim3A = arith.constant 0.000000e+00 : f32
      %broadcast_in_dim3A_25 = vector.broadcast %broadcast_in_dim3A : f32 to vector<16xf32>
      %mul3A_26 = arith.constant 16 : i32
      %mul3A_27 = arith.muli %scan3A_24, %mul3A_26 : i32
      %swap3A = arith.index_cast %mul3A_27 : i32 to index
      %swap3A_28 = tpu.vector_load %arg15[%swap3A] {strides = array<i32>} : memref<20000xf32, #tpu.memory_space<vmem>>, vector<16xf32>,
      tpu.vector_store %arg15[%swap3A], %broadcast_in_dim3A_25 {strides = array<i32>} : memref<20000xf32, #tpu.memory_space<vmem>>, vector<16xf32>,
    }
    %scan3A_15 = arith.constant 1250 : i32
    %scan3A_16 = arith.constant 0 : i32
    %scan3A_17 = arith.constant 0 : i32
    %scan3A_18 = arith.constant 20 : i32
    %scan3A_19 = arith.addi %scan3A_17, %scan3A_18 : i32
    %scan3A_20 = arith.constant 1 : i32
    scf.for %scan3A_24 = %scan3A_17 to %scan3A_19 step %scan3A_20  : i32 {
      %mul3A_25 = arith.constant 1000 : i32
      %mul3A_26 = arith.muli %scan3A_24, %mul3A_25 : i32
      %add3A_27 = arith.addi %mul3A_2, %mul3A_26 : i32
      "tpu.region"() ({
        %run_scoped3A = tpu.sem_alloc : memref<!tpu.dma_semaphore, #tpu.memory_space<semaphore_mem>>
        %dma_start3A = tpu.memref_slice %arg2[%add3A_27] : memref<320000xi32, #tpu.memory_space<hbm>> -> memref<1000xi32, #tpu.memory_space<hbm>>
        %dma_start3A_40 = tpu.memref_slice %arg2[%add3A_27] : memref<320000xi32, #tpu.memory_space<hbm>> -> memref<1000xi32, #tpu.memory_space<hbm>>
        tpu.enqueue_dma source(%dma_start3A_40 : memref<1000xi32, #tpu.memory_space<hbm>>) target(%arg11 : memref<1000xi32, #tpu.memory_space<vmem>>) target_semaphore(%run_scoped3A : memref<!tpu.dma_semaphore, #tpu.memory_space<semaphore_mem>>)
        %dma_wait3A = tpu.memref_slice %arg2[%add3A_27] : memref<320000xi32, #tpu.memory_space<hbm>> -> memref<1000xi32, #tpu.memory_space<hbm>>
        %dma_wait3A_41 = tpu.memref_slice %arg2[%add3A_27] : memref<320000xi32, #tpu.memory_space<hbm>> -> memref<1000xi32, #tpu.memory_space<hbm>>
        tpu.wait_dma2 semaphore(%run_scoped3A : memref<!tpu.dma_semaphore, #tpu.memory_space<semaphore_mem>>) src(%dma_wait3A_41 : memref<1000xi32, #tpu.memory_space<hbm>>) dst(%arg11 : memref<1000xi32, #tpu.memory_space<vmem>>)
        tpu.yield
      }) : () -> ()
      "tpu.region"() ({
        %run_scoped3A = tpu.sem_alloc : memref<!tpu.dma_semaphore, #tpu.memory_space<semaphore_mem>>
        %dma_start3A = tpu.memref_slice %arg3[%add3A_27] : memref<320000xi32, #tpu.memory_space<hbm>> -> memref<1000xi32, #tpu.memory_space<hbm>>
        %dma_start3A_40 = tpu.memref_slice %arg3[%add3A_27] : memref<320000xi32, #tpu.memory_space<hbm>> -> memref<1000xi32, #tpu.memory_space<hbm>>
        tpu.enqueue_dma source(%dma_start3A_40 : memref<1000xi32, #tpu.memory_space<hbm>>) target(%arg12 : memref<1000xi32, #tpu.memory_space<vmem>>) target_semaphore(%run_scoped3A : memref<!tpu.dma_semaphore, #tpu.memory_space<semaphore_mem>>)
        %dma_wait3A = tpu.memref_slice %arg3[%add3A_27] : memref<320000xi32, #tpu.memory_space<hbm>> -> memref<1000xi32, #tpu.memory_space<hbm>>
        %dma_wait3A_41 = tpu.memref_slice %arg3[%add3A_27] : memref<320000xi32, #tpu.memory_space<hbm>> -> memref<1000xi32, #tpu.memory_space<hbm>>
        tpu.wait_dma2 semaphore(%run_scoped3A : memref<!tpu.dma_semaphore, #tpu.memory_space<semaphore_mem>>) src(%dma_wait3A_41 : memref<1000xi32, #tpu.memory_space<hbm>>) dst(%arg12 : memref<1000xi32, #tpu.memory_space<vmem>>)
        tpu.yield
      }) : () -> ()
      %mul3A_28 = arith.constant 2 : i32
      %mul3A_29 = arith.muli %add3A_27, %mul3A_28 : i32
      %add3A_30 = arith.addi %mul3A_10, %mul3A_29 : i32
      "tpu.region"() ({
        %run_scoped3A = tpu.sem_alloc : memref<!tpu.dma_semaphore, #tpu.memory_space<semaphore_mem>>
        %dma_start3A = tpu.memref_slice %arg6[%add3A_30] : memref<1280000xf32, #tpu.memory_space<hbm>> -> memref<2000xf32, #tpu.memory_space<hbm>>
        %dma_start3A_40 = tpu.memref_slice %arg6[%add3A_30] : memref<1280000xf32, #tpu.memory_space<hbm>> -> memref<2000xf32, #tpu.memory_space<hbm>>
        tpu.enqueue_dma source(%dma_start3A_40 : memref<2000xf32, #tpu.memory_space<hbm>>) target(%arg13 : memref<2000xf32, #tpu.memory_space<vmem>>) target_semaphore(%run_scoped3A : memref<!tpu.dma_semaphore, #tpu.memory_space<semaphore_mem>>)
        %dma_wait3A = tpu.memref_slice %arg6[%add3A_30] : memref<1280000xf32, #tpu.memory_space<hbm>> -> memref<2000xf32, #tpu.memory_space<hbm>>
        %dma_wait3A_41 = tpu.memref_slice %arg6[%add3A_30] : memref<1280000xf32, #tpu.memory_space<hbm>> -> memref<2000xf32, #tpu.memory_space<hbm>>
        tpu.wait_dma2 semaphore(%run_scoped3A : memref<!tpu.dma_semaphore, #tpu.memory_space<semaphore_mem>>) src(%dma_wait3A_41 : memref<2000xf32, #tpu.memory_space<hbm>>) dst(%arg13 : memref<2000xf32, #tpu.memory_space<vmem>>)
        tpu.yield
      }) : () -> ()
      %scan3A_31 = arith.constant 0 : i32
      %scan3A_32 = arith.constant 0 : i32
      %scan3A_33 = arith.constant 125 : i32
      %scan3A_34 = arith.addi %scan3A_32, %scan3A_33 : i32
      %scan3A_35 = arith.constant 1 : i32
      scf.for %scan3A_40 = %scan3A_32 to %scan3A_34 step %scan3A_35  : i32 {
        %mul3A_41 = arith.constant 8 : i32
        %mul3A_42 = arith.muli %scan3A_40, %mul3A_41 : i32
        %add3A_43 = vector.broadcast %mul3A_42 : i32 to vector<16xi32>
        %add3A_44 = arith.addi %add3A_43, %shift_right_logical3A_6 : vector<16xi32>
        %gather3A = tpu.vector_load_idx %arg12[%add3A_44] : memref<1000xi32, #tpu.memory_space<vmem>>[vector<16xi32>], vector<16xi32>,
        %gather3A_45 = tpu.vector_load_idx %arg11[%add3A_44] : memref<1000xi32, #tpu.memory_space<vmem>>[vector<16xi32>], vector<16xi32>,
        %mul3A_46 = arith.constant 2 : i32
        %mul3A_47 = vector.broadcast %mul3A_46 : i32 to vector<16xi32>
        %mul3A_48 = arith.muli %gather3A, %mul3A_47 : vector<16xi32>
        %add3A_49 = arith.addi %mul3A_48, %and3A_4 : vector<16xi32>
        %gather3A_50 = tpu.vector_load_idx %arg9[%add3A_49] : memref<20000xf32, #tpu.memory_space<vmem>>[vector<16xi32>], vector<16xf32>,
        %mul3A_51 = arith.constant 2 : i32
        %mul3A_52 = vector.broadcast %mul3A_51 : i32 to vector<16xi32>
        %mul3A_53 = arith.muli %gather3A_45, %mul3A_52 : vector<16xi32>
        %add3A_54 = arith.addi %mul3A_53, %and3A_4 : vector<16xi32>
        %gather3A_55 = tpu.vector_load_idx %arg10[%add3A_54] : memref<20000xf32, #tpu.memory_space<vmem>>[vector<16xi32>], vector<16xf32>,
        %add3A_56 = arith.addf %gather3A_50, %gather3A_55 : vector<16xf32>
        %mul3A_57 = arith.constant 16 : i32
        %mul3A_58 = arith.muli %scan3A_40, %mul3A_57 : i32
        %get3A = arith.index_cast %mul3A_58 : i32 to index
        %get3A_59 = tpu.vector_load %arg13[%get3A] {strides = array<i32>} : memref<2000xf32, #tpu.memory_space<vmem>>, vector<16xf32>,
        %add3A_60 = arith.addf %add3A_56, %get3A_59 : vector<16xf32>
        %ge3A = arith.constant 0.000000e+00 : f32
        %ge3A_61 = vector.broadcast %ge3A : f32 to vector<16xf32>
        %ge3A_62 = arith.cmpf oge, %add3A_60, %ge3A_61 : vector<16xf32>
        %mul3A_63 = arith.constant 2.000000e-01 : f32
        %mul3A_64 = vector.broadcast %mul3A_63 : f32 to vector<16xf32>
        %mul3A_65 = arith.mulf %add3A_60, %mul3A_64 : vector<16xf32>
        %select_n3A = arith.select %ge3A_62, %add3A_60, %mul3A_65 : vector<16xi1>, vector<16xf32>
        %exp3A = math.exp %select_n3A : vector<16xf32>
        %mul3A_66 = arith.constant 16 : i32
        %mul3A_67 = arith.muli %scan3A_40, %mul3A_66 : i32
        %swap3A = arith.index_cast %mul3A_67 : i32 to index
        %swap3A_68 = tpu.vector_load %arg14[%swap3A] {strides = array<i32>} : memref<2000xf32, #tpu.memory_space<vmem>>, vector<16xf32>,
        tpu.vector_store %arg14[%swap3A], %exp3A {strides = array<i32>} : memref<2000xf32, #tpu.memory_space<vmem>>, vector<16xf32>,
        tpu.vector_store_idx %arg15[%add3A_49], %exp3A {add = true} : memref<20000xf32, #tpu.memory_space<vmem>>[vector<16xi32>], vector<16xf32>,
      }
      %scan3A_36 = arith.constant 125 : i32
      %mul3A_37 = arith.constant 2 : i32
      %mul3A_38 = arith.muli %add3A_27, %mul3A_37 : i32
      %add3A_39 = arith.addi %mul3A_10, %mul3A_38 : i32
      "tpu.region"() ({
        %run_scoped3A = tpu.sem_alloc : memref<!tpu.dma_semaphore, #tpu.memory_space<semaphore_mem>>
        %dma_start3A = tpu.memref_slice %arg7[%add3A_39] : memref<1280000xf32, #tpu.memory_space<hbm>> -> memref<2000xf32, #tpu.memory_space<hbm>>
        %dma_start3A_40 = tpu.memref_slice %arg7[%add3A_39] : memref<1280000xf32, #tpu.memory_space<hbm>> -> memref<2000xf32, #tpu.memory_space<hbm>>
        tpu.enqueue_dma source(%arg14 : memref<2000xf32, #tpu.memory_space<vmem>>) target(%dma_start3A_40 : memref<2000xf32, #tpu.memory_space<hbm>>) target_semaphore(%run_scoped3A : memref<!tpu.dma_semaphore, #tpu.memory_space<semaphore_mem>>)
        %dma_wait3A = tpu.memref_slice %arg7[%add3A_39] : memref<1280000xf32, #tpu.memory_space<hbm>> -> memref<2000xf32, #tpu.memory_space<hbm>>
        %dma_wait3A_41 = tpu.memref_slice %arg7[%add3A_39] : memref<1280000xf32, #tpu.memory_space<hbm>> -> memref<2000xf32, #tpu.memory_space<hbm>>
        tpu.wait_dma2 semaphore(%run_scoped3A : memref<!tpu.dma_semaphore, #tpu.memory_space<semaphore_mem>>) src(%arg14 : memref<2000xf32, #tpu.memory_space<vmem>>) dst(%dma_wait3A_41 : memref<2000xf32, #tpu.memory_space<hbm>>)
        tpu.yield
      }) : () -> ()
    }
    %scan3A_21 = arith.constant 20 : i32
    %mul3A_22 = arith.constant 20000 : i32
    %mul3A_23 = arith.muli %add3A, %mul3A_22 : i32
    "tpu.region"() ({
      %run_scoped3A = tpu.sem_alloc : memref<!tpu.dma_semaphore, #tpu.memory_space<semaphore_mem>>
      %dma_start3A = tpu.memref_slice %arg8[%mul3A_23] : memref<640000xf32, #tpu.memory_space<hbm>> -> memref<20000xf32, #tpu.memory_space<hbm>>
      %dma_start3A_24 = tpu.memref_slice %arg8[%mul3A_23] : memref<640000xf32, #tpu.memory_space<hbm>> -> memref<20000xf32, #tpu.memory_space<hbm>>
      tpu.enqueue_dma source(%arg15 : memref<20000xf32, #tpu.memory_space<vmem>>) target(%dma_start3A_24 : memref<20000xf32, #tpu.memory_space<hbm>>) target_semaphore(%run_scoped3A : memref<!tpu.dma_semaphore, #tpu.memory_space<semaphore_mem>>)
      %dma_wait3A = tpu.memref_slice %arg8[%mul3A_23] : memref<640000xf32, #tpu.memory_space<hbm>> -> memref<20000xf32, #tpu.memory_space<hbm>>
      %dma_wait3A_25 = tpu.memref_slice %arg8[%mul3A_23] : memref<640000xf32, #tpu.memory_space<hbm>> -> memref<20000xf32, #tpu.memory_space<hbm>>
      tpu.wait_dma2 semaphore(%run_scoped3A : memref<!tpu.dma_semaphore, #tpu.memory_space<semaphore_mem>>) src(%arg15 : memref<20000xf32, #tpu.memory_space<vmem>>) dst(%dma_wait3A_25 : memref<20000xf32, #tpu.memory_space<hbm>>)
      tpu.yield
    }) : () -> ()
    return
  }
}

#map = affine_map<(d0, d1) -> (0)>
module attributes {stable_mosaic.version = 14 : i64} {
  func.func @_sc_alpha(%arg0: i32, %arg1: i32, %arg2: memref<320000xi32, #tpu.memory_space<hbm>>, %arg3: memref<1280000xf32, #tpu.memory_space<hbm>>, %arg4: memref<40000xf32, #tpu.memory_space<hbm>>, %arg5: memref<1280000xf32, #tpu.memory_space<hbm>>, %arg6: memref<20000xf32, #tpu.memory_space<vmem>>, %arg7: memref<1000xi32, #tpu.memory_space<vmem>>, %arg8: memref<2000xf32, #tpu.memory_space<vmem>>, %arg9: memref<2000xf32, #tpu.memory_space<vmem>>) attributes {dimension_semantics = [#tpu.dimension_semantics<core_parallel>, #tpu.dimension_semantics<subcore_parallel>], iteration_bounds = array<i64: 2, 16>, scalar_prefetch = 0 : i64, scratch_operands = 4 : i64, tpu.core_type = #tpu.core_type<sc_vector_subcore>, window_params = [{transform_indices = #map}, {transform_indices = #map}, {transform_indices = #map}, {transform_indices = #map}]} {
    %mul3A = arith.constant 20000 : i32
    %mul3A_0 = arith.muli %arg1, %mul3A : i32
    %iota3A = tpu.iota {dimensions = array<i32: 0>} : vector<16xi32>
    %and3A = arith.constant 1 : i32
    %and3A_1 = vector.broadcast %and3A : i32 to vector<16xi32>
    %and3A_2 = arith.andi %iota3A, %and3A_1 : vector<16xi32>
    %shift_right_logical3A = arith.constant 1 : i32
    %shift_right_logical3A_3 = vector.broadcast %shift_right_logical3A : i32 to vector<16xi32>
    %shift_right_logical3A_4 = arith.shrui %iota3A, %shift_right_logical3A_3 : vector<16xi32>
    %mul3A_5 = arith.constant 20000 : i32
    %mul3A_6 = arith.muli %arg0, %mul3A_5 : i32
    %mul3A_7 = arith.constant 640000 : i32
    %mul3A_8 = arith.muli %arg0, %mul3A_7 : i32
    "tpu.region"() ({
      %run_scoped3A = tpu.sem_alloc : memref<!tpu.dma_semaphore, #tpu.memory_space<semaphore_mem>>
      %dma_start3A = tpu.memref_slice %arg4[%mul3A_6] : memref<40000xf32, #tpu.memory_space<hbm>> -> memref<20000xf32, #tpu.memory_space<hbm>>
      %dma_start3A_14 = tpu.memref_slice %arg4[%mul3A_6] : memref<40000xf32, #tpu.memory_space<hbm>> -> memref<20000xf32, #tpu.memory_space<hbm>>
      tpu.enqueue_dma source(%dma_start3A_14 : memref<20000xf32, #tpu.memory_space<hbm>>) target(%arg6 : memref<20000xf32, #tpu.memory_space<vmem>>) target_semaphore(%run_scoped3A : memref<!tpu.dma_semaphore, #tpu.memory_space<semaphore_mem>>)
      %dma_wait3A = tpu.memref_slice %arg4[%mul3A_6] : memref<40000xf32, #tpu.memory_space<hbm>> -> memref<20000xf32, #tpu.memory_space<hbm>>
      %dma_wait3A_15 = tpu.memref_slice %arg4[%mul3A_6] : memref<40000xf32, #tpu.memory_space<hbm>> -> memref<20000xf32, #tpu.memory_space<hbm>>
      tpu.wait_dma2 semaphore(%run_scoped3A : memref<!tpu.dma_semaphore, #tpu.memory_space<semaphore_mem>>) src(%dma_wait3A_15 : memref<20000xf32, #tpu.memory_space<hbm>>) dst(%arg6 : memref<20000xf32, #tpu.memory_space<vmem>>)
      tpu.yield
    }) : () -> ()
    %scan3A = arith.constant 0 : i32
    %scan3A_9 = arith.constant 0 : i32
    %scan3A_10 = arith.constant 20 : i32
    %scan3A_11 = arith.addi %scan3A_9, %scan3A_10 : i32
    %scan3A_12 = arith.constant 1 : i32
    scf.for %scan3A_14 = %scan3A_9 to %scan3A_11 step %scan3A_12  : i32 {
      %mul3A_15 = arith.constant 1000 : i32
      %mul3A_16 = arith.muli %scan3A_14, %mul3A_15 : i32
      %add3A = arith.addi %mul3A_0, %mul3A_16 : i32
      "tpu.region"() ({
        %run_scoped3A = tpu.sem_alloc : memref<!tpu.dma_semaphore, #tpu.memory_space<semaphore_mem>>
        %dma_start3A = tpu.memref_slice %arg2[%add3A] : memref<320000xi32, #tpu.memory_space<hbm>> -> memref<1000xi32, #tpu.memory_space<hbm>>
        %dma_start3A_29 = tpu.memref_slice %arg2[%add3A] : memref<320000xi32, #tpu.memory_space<hbm>> -> memref<1000xi32, #tpu.memory_space<hbm>>
        tpu.enqueue_dma source(%dma_start3A_29 : memref<1000xi32, #tpu.memory_space<hbm>>) target(%arg7 : memref<1000xi32, #tpu.memory_space<vmem>>) target_semaphore(%run_scoped3A : memref<!tpu.dma_semaphore, #tpu.memory_space<semaphore_mem>>)
        %dma_wait3A = tpu.memref_slice %arg2[%add3A] : memref<320000xi32, #tpu.memory_space<hbm>> -> memref<1000xi32, #tpu.memory_space<hbm>>
        %dma_wait3A_30 = tpu.memref_slice %arg2[%add3A] : memref<320000xi32, #tpu.memory_space<hbm>> -> memref<1000xi32, #tpu.memory_space<hbm>>
        tpu.wait_dma2 semaphore(%run_scoped3A : memref<!tpu.dma_semaphore, #tpu.memory_space<semaphore_mem>>) src(%dma_wait3A_30 : memref<1000xi32, #tpu.memory_space<hbm>>) dst(%arg7 : memref<1000xi32, #tpu.memory_space<vmem>>)
        tpu.yield
      }) : () -> ()
      %mul3A_17 = arith.constant 2 : i32
      %mul3A_18 = arith.muli %add3A, %mul3A_17 : i32
      %add3A_19 = arith.addi %mul3A_8, %mul3A_18 : i32
      "tpu.region"() ({
        %run_scoped3A = tpu.sem_alloc : memref<!tpu.dma_semaphore, #tpu.memory_space<semaphore_mem>>
        %dma_start3A = tpu.memref_slice %arg3[%add3A_19] : memref<1280000xf32, #tpu.memory_space<hbm>> -> memref<2000xf32, #tpu.memory_space<hbm>>
        %dma_start3A_29 = tpu.memref_slice %arg3[%add3A_19] : memref<1280000xf32, #tpu.memory_space<hbm>> -> memref<2000xf32, #tpu.memory_space<hbm>>
        tpu.enqueue_dma source(%dma_start3A_29 : memref<2000xf32, #tpu.memory_space<hbm>>) target(%arg8 : memref<2000xf32, #tpu.memory_space<vmem>>) target_semaphore(%run_scoped3A : memref<!tpu.dma_semaphore, #tpu.memory_space<semaphore_mem>>)
        %dma_wait3A = tpu.memref_slice %arg3[%add3A_19] : memref<1280000xf32, #tpu.memory_space<hbm>> -> memref<2000xf32, #tpu.memory_space<hbm>>
        %dma_wait3A_30 = tpu.memref_slice %arg3[%add3A_19] : memref<1280000xf32, #tpu.memory_space<hbm>> -> memref<2000xf32, #tpu.memory_space<hbm>>
        tpu.wait_dma2 semaphore(%run_scoped3A : memref<!tpu.dma_semaphore, #tpu.memory_space<semaphore_mem>>) src(%dma_wait3A_30 : memref<2000xf32, #tpu.memory_space<hbm>>) dst(%arg8 : memref<2000xf32, #tpu.memory_space<vmem>>)
        tpu.yield
      }) : () -> ()
      %scan3A_20 = arith.constant 0 : i32
      %scan3A_21 = arith.constant 0 : i32
      %scan3A_22 = arith.constant 125 : i32
      %scan3A_23 = arith.addi %scan3A_21, %scan3A_22 : i32
      %scan3A_24 = arith.constant 1 : i32
      scf.for %scan3A_29 = %scan3A_21 to %scan3A_23 step %scan3A_24  : i32 {
        %mul3A_30 = arith.constant 8 : i32
        %mul3A_31 = arith.muli %scan3A_29, %mul3A_30 : i32
        %add3A_32 = vector.broadcast %mul3A_31 : i32 to vector<16xi32>
        %add3A_33 = arith.addi %add3A_32, %shift_right_logical3A_4 : vector<16xi32>
        %gather3A = tpu.vector_load_idx %arg7[%add3A_33] : memref<1000xi32, #tpu.memory_space<vmem>>[vector<16xi32>], vector<16xi32>,
        %mul3A_34 = arith.constant 2 : i32
        %mul3A_35 = vector.broadcast %mul3A_34 : i32 to vector<16xi32>
        %mul3A_36 = arith.muli %gather3A, %mul3A_35 : vector<16xi32>
        %add3A_37 = arith.addi %mul3A_36, %and3A_2 : vector<16xi32>
        %gather3A_38 = tpu.vector_load_idx %arg6[%add3A_37] : memref<20000xf32, #tpu.memory_space<vmem>>[vector<16xi32>], vector<16xf32>,
        %mul3A_39 = arith.constant 16 : i32
        %mul3A_40 = arith.muli %scan3A_29, %mul3A_39 : i32
        %get3A = arith.index_cast %mul3A_40 : i32 to index
        %get3A_41 = tpu.vector_load %arg8[%get3A] {strides = array<i32>} : memref<2000xf32, #tpu.memory_space<vmem>>, vector<16xf32>,
        %mul3A_42 = arith.mulf %get3A_41, %gather3A_38 : vector<16xf32>
        %mul3A_43 = arith.constant 16 : i32
        %mul3A_44 = arith.muli %scan3A_29, %mul3A_43 : i32
        %swap3A = arith.index_cast %mul3A_44 : i32 to index
        %swap3A_45 = tpu.vector_load %arg9[%swap3A] {strides = array<i32>} : memref<2000xf32, #tpu.memory_space<vmem>>, vector<16xf32>,
        tpu.vector_store %arg9[%swap3A], %mul3A_42 {strides = array<i32>} : memref<2000xf32, #tpu.memory_space<vmem>>, vector<16xf32>,
      }
      %scan3A_25 = arith.constant 125 : i32
      %mul3A_26 = arith.constant 2 : i32
      %mul3A_27 = arith.muli %add3A, %mul3A_26 : i32
      %add3A_28 = arith.addi %mul3A_8, %mul3A_27 : i32
      "tpu.region"() ({
        %run_scoped3A = tpu.sem_alloc : memref<!tpu.dma_semaphore, #tpu.memory_space<semaphore_mem>>
        %dma_start3A = tpu.memref_slice %arg5[%add3A_28] : memref<1280000xf32, #tpu.memory_space<hbm>> -> memref<2000xf32, #tpu.memory_space<hbm>>
        %dma_start3A_29 = tpu.memref_slice %arg5[%add3A_28] : memref<1280000xf32, #tpu.memory_space<hbm>> -> memref<2000xf32, #tpu.memory_space<hbm>>
        tpu.enqueue_dma source(%arg9 : memref<2000xf32, #tpu.memory_space<vmem>>) target(%dma_start3A_29 : memref<2000xf32, #tpu.memory_space<hbm>>) target_semaphore(%run_scoped3A : memref<!tpu.dma_semaphore, #tpu.memory_space<semaphore_mem>>)
        %dma_wait3A = tpu.memref_slice %arg5[%add3A_28] : memref<1280000xf32, #tpu.memory_space<hbm>> -> memref<2000xf32, #tpu.memory_space<hbm>>
        %dma_wait3A_30 = tpu.memref_slice %arg5[%add3A_28] : memref<1280000xf32, #tpu.memory_space<hbm>> -> memref<2000xf32, #tpu.memory_space<hbm>>
        tpu.wait_dma2 semaphore(%run_scoped3A : memref<!tpu.dma_semaphore, #tpu.memory_space<semaphore_mem>>) src(%arg9 : memref<2000xf32, #tpu.memory_space<vmem>>) dst(%dma_wait3A_30 : memref<2000xf32, #tpu.memory_space<hbm>>)
        tpu.yield
      }) : () -> ()
    }
    %scan3A_13 = arith.constant 20 : i32
    return
  }
}

module attributes {stable_mosaic.version = 14 : i64} {
  func.func @_node_dense_body(%arg0: i32, %arg1: memref<2000x128xf32, #tpu.memory_space<vmem>>, %arg2: memref<128x2xf32, #tpu.memory_space<vmem>>, %arg3: memref<128x2xf32, #tpu.memory_space<vmem>>, %arg4: memref<128x2xf32, #tpu.memory_space<vmem>>, %arg5: memref<128x2xf32, #tpu.memory_space<vmem>>, %arg6: memref<128x256xf32, #tpu.memory_space<vmem>>, %arg7: memref<128x256xf32, #tpu.memory_space<vmem>>, %arg8: memref<1x256xf32, #tpu.memory_space<vmem>>, %arg9: memref<1x256xf32, #tpu.memory_space<vmem>>, %arg10: memref<2x2000x256xbf16, #tpu.memory_space<vmem>>, %arg11: memref<2x2000x2xf32, #tpu.memory_space<vmem>>, %arg12: memref<2x2000x2xf32, #tpu.memory_space<vmem>>) attributes {dimension_semantics = [#tpu.dimension_semantics<arbitrary>], iteration_bounds = array<i64: 5>, scalar_prefetch = 0 : i64, scratch_operands = 0 : i64, tpu.core_type = #tpu.core_type<tc>, window_params = [{transform_indices = @transform_0, window_bounds = array<i64: 2000, 128>}, {pipeline_mode = #tpu.pipeline_mode<synchronous>, transform_indices = @transform_1, window_bounds = array<i64: 128, 2>}, {pipeline_mode = #tpu.pipeline_mode<synchronous>, transform_indices = @transform_2, window_bounds = array<i64: 128, 2>}, {pipeline_mode = #tpu.pipeline_mode<synchronous>, transform_indices = @transform_3, window_bounds = array<i64: 128, 2>}, {pipeline_mode = #tpu.pipeline_mode<synchronous>, transform_indices = @transform_4, window_bounds = array<i64: 128, 2>}, {pipeline_mode = #tpu.pipeline_mode<synchronous>, transform_indices = @transform_5, window_bounds = array<i64: 128, 256>}, {pipeline_mode = #tpu.pipeline_mode<synchronous>, transform_indices = @transform_6, window_bounds = array<i64: 128, 256>}, {pipeline_mode = #tpu.pipeline_mode<synchronous>, transform_indices = @transform_7, window_bounds = array<i64: 1, 256>}, {pipeline_mode = #tpu.pipeline_mode<synchronous>, transform_indices = @transform_8, window_bounds = array<i64: 1, 256>}, {transform_indices = @transform_9, window_bounds = array<i64: 2, 2000, 256>}, {transform_indices = @transform_10, window_bounds = array<i64: 2, 2000, 2>}, {transform_indices = @transform_11, window_bounds = array<i64: 2, 2000, 2>}]} {
    %get3A = arith.constant 0 : index
    %get3A_0 = arith.constant 0 : index
    %get3A_1 = vector.load %arg1[%get3A, %get3A_0] : memref<2000x128xf32, #tpu.memory_space<vmem>>, vector<2000x128xf32>
    %get3A_2 = arith.constant 0 : index
    %get3A_3 = arith.constant 0 : index
    %get3A_4 = vector.load %arg6[%get3A_2, %get3A_3] : memref<128x256xf32, #tpu.memory_space<vmem>>, vector<128x256xf32>
    %dot_general3A = arith.constant dense<0.000000e+00> : vector<2000x256xf32>
    %dot_general3A_5 = tpu.matmul %get3A_1, %get3A_4, %dot_general3A {dimension_numbers = #tpu.dot_dimension_numbers<[1], [0], [0], [1], [0, 0, 1, 1], [], []>, transpose_lhs_hint = false} : vector<2000x128xf32>, vector<128x256xf32>, vector<2000x256xf32> -> vector<2000x256xf32>
    %get3A_6 = arith.constant 0 : index
    %get3A_7 = arith.constant 0 : index
    %get3A_8 = vector.load %arg8[%get3A_6, %get3A_7] : memref<1x256xf32, #tpu.memory_space<vmem>>, vector<1x256xf32>
    %add3A = vector.broadcast %get3A_8 : vector<1x256xf32> to vector<2000x256xf32>
    %add3A_9 = arith.addf %dot_general3A_5, %add3A : vector<2000x256xf32>
    %convert_element_type3A = arith.truncf %add3A_9 : vector<2000x256xf32> to vector<2000x256xbf16>
    %swap3A = arith.constant 0 : index
    %swap3A_10 = arith.constant 0 : index
    %swap3A_11 = arith.constant 0 : index
    %swap3A_12 = vector.load %arg10[%swap3A, %swap3A_10, %swap3A_11] : memref<2x2000x256xbf16, #tpu.memory_space<vmem>>, vector<1x2000x256xbf16>
    %swap3A_13 = vector.shape_cast %swap3A_12 : vector<1x2000x256xbf16> to vector<2000x256xbf16>
    %swap3A_14 = vector.shape_cast %convert_element_type3A : vector<2000x256xbf16> to vector<1x2000x256xbf16>
    tpu.vector_store %arg10[%swap3A, %swap3A_10, %swap3A_11], %swap3A_14 {strides = array<i32>} : memref<2x2000x256xbf16, #tpu.memory_space<vmem>>, vector<1x2000x256xbf16>,
    %get3A_15 = arith.constant 0 : index
    %get3A_16 = arith.constant 0 : index
    %get3A_17 = vector.load %arg7[%get3A_15, %get3A_16] : memref<128x256xf32, #tpu.memory_space<vmem>>, vector<128x256xf32>
    %dot_general3A_18 = arith.constant dense<0.000000e+00> : vector<2000x256xf32>
    %dot_general3A_19 = tpu.matmul %get3A_1, %get3A_17, %dot_general3A_18 {dimension_numbers = #tpu.dot_dimension_numbers<[1], [0], [0], [1], [0, 0, 1, 1], [], []>, transpose_lhs_hint = false} : vector<2000x128xf32>, vector<128x256xf32>, vector<2000x256xf32> -> vector<2000x256xf32>
    %get3A_20 = arith.constant 0 : index
    %get3A_21 = arith.constant 0 : index
    %get3A_22 = vector.load %arg9[%get3A_20, %get3A_21] : memref<1x256xf32, #tpu.memory_space<vmem>>, vector<1x256xf32>
    %add3A_23 = vector.broadcast %get3A_22 : vector<1x256xf32> to vector<2000x256xf32>
    %add3A_24 = arith.addf %dot_general3A_19, %add3A_23 : vector<2000x256xf32>
    %convert_element_type3A_25 = arith.truncf %add3A_24 : vector<2000x256xf32> to vector<2000x256xbf16>
    %swap3A_26 = arith.constant 1 : index
    %swap3A_27 = arith.constant 0 : index
    %swap3A_28 = arith.constant 0 : index
    %swap3A_29 = vector.load %arg10[%swap3A_26, %swap3A_27, %swap3A_28] : memref<2x2000x256xbf16, #tpu.memory_space<vmem>>, vector<1x2000x256xbf16>
    %swap3A_30 = vector.shape_cast %swap3A_29 : vector<1x2000x256xbf16> to vector<2000x256xbf16>
    %swap3A_31 = vector.shape_cast %convert_element_type3A_25 : vector<2000x256xbf16> to vector<1x2000x256xbf16>
    tpu.vector_store %arg10[%swap3A_26, %swap3A_27, %swap3A_28], %swap3A_31 {strides = array<i32>} : memref<2x2000x256xbf16, #tpu.memory_space<vmem>>, vector<1x2000x256xbf16>,
    %get3A_32 = arith.constant 0 : index
    %get3A_33 = arith.constant 0 : index
    %get3A_34 = vector.load %arg2[%get3A_32, %get3A_33] : memref<128x2xf32, #tpu.memory_space<vmem>>, vector<128x2xf32>
    %dot_general3A_35 = arith.constant dense<0.000000e+00> : vector<2000x2xf32>
    %dot_general3A_36 = tpu.matmul %get3A_1, %get3A_34, %dot_general3A_35 {dimension_numbers = #tpu.dot_dimension_numbers<[1], [0], [0], [1], [0, 0, 1, 1], [], []>, transpose_lhs_hint = false} : vector<2000x128xf32>, vector<128x2xf32>, vector<2000x2xf32> -> vector<2000x2xf32>
    %swap3A_37 = arith.constant 0 : index
    %swap3A_38 = arith.constant 0 : index
    %swap3A_39 = arith.constant 0 : index
    %swap3A_40 = vector.load %arg11[%swap3A_37, %swap3A_38, %swap3A_39] : memref<2x2000x2xf32, #tpu.memory_space<vmem>>, vector<1x2000x2xf32>
    %swap3A_41 = vector.shape_cast %swap3A_40 : vector<1x2000x2xf32> to vector<2000x2xf32>
    %swap3A_42 = vector.shape_cast %dot_general3A_36 : vector<2000x2xf32> to vector<1x2000x2xf32>
    tpu.vector_store %arg11[%swap3A_37, %swap3A_38, %swap3A_39], %swap3A_42 {strides = array<i32>} : memref<2x2000x2xf32, #tpu.memory_space<vmem>>, vector<1x2000x2xf32>,
    %get3A_43 = arith.constant 0 : index
    %get3A_44 = arith.constant 0 : index
    %get3A_45 = vector.load %arg3[%get3A_43, %get3A_44] : memref<128x2xf32, #tpu.memory_space<vmem>>, vector<128x2xf32>
    %dot_general3A_46 = arith.constant dense<0.000000e+00> : vector<2000x2xf32>
    %dot_general3A_47 = tpu.matmul %get3A_1, %get3A_45, %dot_general3A_46 {dimension_numbers = #tpu.dot_dimension_numbers<[1], [0], [0], [1], [0, 0, 1, 1], [], []>, transpose_lhs_hint = false} : vector<2000x128xf32>, vector<128x2xf32>, vector<2000x2xf32> -> vector<2000x2xf32>
    %swap3A_48 = arith.constant 1 : index
    %swap3A_49 = arith.constant 0 : index
    %swap3A_50 = arith.constant 0 : index
    %swap3A_51 = vector.load %arg11[%swap3A_48, %swap3A_49, %swap3A_50] : memref<2x2000x2xf32, #tpu.memory_space<vmem>>, vector<1x2000x2xf32>
    %swap3A_52 = vector.shape_cast %swap3A_51 : vector<1x2000x2xf32> to vector<2000x2xf32>
    %swap3A_53 = vector.shape_cast %dot_general3A_47 : vector<2000x2xf32> to vector<1x2000x2xf32>
    tpu.vector_store %arg11[%swap3A_48, %swap3A_49, %swap3A_50], %swap3A_53 {strides = array<i32>} : memref<2x2000x2xf32, #tpu.memory_space<vmem>>, vector<1x2000x2xf32>,
    %get3A_54 = arith.constant 0 : index
    %get3A_55 = arith.constant 0 : index
    %get3A_56 = vector.load %arg4[%get3A_54, %get3A_55] : memref<128x2xf32, #tpu.memory_space<vmem>>, vector<128x2xf32>
    %dot_general3A_57 = arith.constant dense<0.000000e+00> : vector<2000x2xf32>
    %dot_general3A_58 = tpu.matmul %get3A_1, %get3A_56, %dot_general3A_57 {dimension_numbers = #tpu.dot_dimension_numbers<[1], [0], [0], [1], [0, 0, 1, 1], [], []>, transpose_lhs_hint = false} : vector<2000x128xf32>, vector<128x2xf32>, vector<2000x2xf32> -> vector<2000x2xf32>
    %swap3A_59 = arith.constant 0 : index
    %swap3A_60 = arith.constant 0 : index
    %swap3A_61 = arith.constant 0 : index
    %swap3A_62 = vector.load %arg12[%swap3A_59, %swap3A_60, %swap3A_61] : memref<2x2000x2xf32, #tpu.memory_space<vmem>>, vector<1x2000x2xf32>
    %swap3A_63 = vector.shape_cast %swap3A_62 : vector<1x2000x2xf32> to vector<2000x2xf32>
    %swap3A_64 = vector.shape_cast %dot_general3A_58 : vector<2000x2xf32> to vector<1x2000x2xf32>
    tpu.vector_store %arg12[%swap3A_59, %swap3A_60, %swap3A_61], %swap3A_64 {strides = array<i32>} : memref<2x2000x2xf32, #tpu.memory_space<vmem>>, vector<1x2000x2xf32>,
    %get3A_65 = arith.constant 0 : index
    %get3A_66 = arith.constant 0 : index
    %get3A_67 = vector.load %arg5[%get3A_65, %get3A_66] : memref<128x2xf32, #tpu.memory_space<vmem>>, vector<128x2xf32>
    %dot_general3A_68 = arith.constant dense<0.000000e+00> : vector<2000x2xf32>
    %dot_general3A_69 = tpu.matmul %get3A_1, %get3A_67, %dot_general3A_68 {dimension_numbers = #tpu.dot_dimension_numbers<[1], [0], [0], [1], [0, 0, 1, 1], [], []>, transpose_lhs_hint = false} : vector<2000x128xf32>, vector<128x2xf32>, vector<2000x2xf32> -> vector<2000x2xf32>
    %swap3A_70 = arith.constant 1 : index
    %swap3A_71 = arith.constant 0 : index
    %swap3A_72 = arith.constant 0 : index
    %swap3A_73 = vector.load %arg12[%swap3A_70, %swap3A_71, %swap3A_72] : memref<2x2000x2xf32, #tpu.memory_space<vmem>>, vector<1x2000x2xf32>
    %swap3A_74 = vector.shape_cast %swap3A_73 : vector<1x2000x2xf32> to vector<2000x2xf32>
    %swap3A_75 = vector.shape_cast %dot_general3A_69 : vector<2000x2xf32> to vector<1x2000x2xf32>
    tpu.vector_store %arg12[%swap3A_70, %swap3A_71, %swap3A_72], %swap3A_75 {strides = array<i32>} : memref<2x2000x2xf32, #tpu.memory_space<vmem>>, vector<1x2000x2xf32>,
    return
  }
  func.func @transform_0(%arg0: i32) -> (i32, i32) {
    %c0_i32 = arith.constant 0 : i32
    %c0_i32_0 = arith.constant 0 : i32
    return %arg0, %c0_i32 : i32, i32
  }
  func.func @transform_1(%arg0: i32) -> (i32, i32) {
    %c0_i32 = arith.constant 0 : i32
    %c0_i32_0 = arith.constant 0 : i32
    %c0_i32_1 = arith.constant 0 : i32
    return %c0_i32, %c0_i32_0 : i32, i32
  }
  func.func @transform_2(%arg0: i32) -> (i32, i32) {
    %c0_i32 = arith.constant 0 : i32
    %c0_i32_0 = arith.constant 0 : i32
    %c0_i32_1 = arith.constant 0 : i32
    return %c0_i32, %c0_i32_0 : i32, i32
  }
  func.func @transform_3(%arg0: i32) -> (i32, i32) {
    %c0_i32 = arith.constant 0 : i32
    %c0_i32_0 = arith.constant 0 : i32
    %c0_i32_1 = arith.constant 0 : i32
    return %c0_i32, %c0_i32_0 : i32, i32
  }
  func.func @transform_4(%arg0: i32) -> (i32, i32) {
    %c0_i32 = arith.constant 0 : i32
    %c0_i32_0 = arith.constant 0 : i32
    %c0_i32_1 = arith.constant 0 : i32
    return %c0_i32, %c0_i32_0 : i32, i32
  }
  func.func @transform_5(%arg0: i32) -> (i32, i32) {
    %c0_i32 = arith.constant 0 : i32
    %c0_i32_0 = arith.constant 0 : i32
    %c0_i32_1 = arith.constant 0 : i32
    return %c0_i32, %c0_i32_0 : i32, i32
  }
  func.func @transform_6(%arg0: i32) -> (i32, i32) {
    %c0_i32 = arith.constant 0 : i32
    %c0_i32_0 = arith.constant 0 : i32
    %c0_i32_1 = arith.constant 0 : i32
    return %c0_i32, %c0_i32_0 : i32, i32
  }
  func.func @transform_7(%arg0: i32) -> (i32, i32) {
    %c0_i32 = arith.constant 0 : i32
    %c0_i32_0 = arith.constant 0 : i32
    %c0_i32_1 = arith.constant 0 : i32
    return %c0_i32, %c0_i32_0 : i32, i32
  }
  func.func @transform_8(%arg0: i32) -> (i32, i32) {
    %c0_i32 = arith.constant 0 : i32
    %c0_i32_0 = arith.constant 0 : i32
    %c0_i32_1 = arith.constant 0 : i32
    return %c0_i32, %c0_i32_0 : i32, i32
  }
  func.func @transform_9(%arg0: i32) -> (i32, i32, i32) {
    %c0_i32 = arith.constant 0 : i32
    %c0_i32_0 = arith.constant 0 : i32
    %c0_i32_1 = arith.constant 0 : i32
    return %c0_i32, %arg0, %c0_i32_0 : i32, i32, i32
  }
  func.func @transform_10(%arg0: i32) -> (i32, i32, i32) {
    %c0_i32 = arith.constant 0 : i32
    %c0_i32_0 = arith.constant 0 : i32
    %c0_i32_1 = arith.constant 0 : i32
    return %c0_i32, %arg0, %c0_i32_0 : i32, i32, i32
  }
  func.func @transform_11(%arg0: i32) -> (i32, i32, i32) {
    %c0_i32 = arith.constant 0 : i32
    %c0_i32_0 = arith.constant 0 : i32
    %c0_i32_1 = arith.constant 0 : i32
    return %c0_i32, %arg0, %c0_i32_0 : i32, i32, i32
  }
}

module attributes {stable_mosaic.version = 14 : i64} {
  func.func @_edge_dense_body(%arg0: i32, %arg1: memref<8000x16xf32, #tpu.memory_space<vmem>>, %arg2: memref<16x128xf32, #tpu.memory_space<vmem>>, %arg3: memref<1x128xf32, #tpu.memory_space<vmem>>, %arg4: memref<1x128xf32, #tpu.memory_space<vmem>>, %arg5: memref<1x128xf32, #tpu.memory_space<vmem>>, %arg6: memref<128x2xf32, #tpu.memory_space<vmem>>, %arg7: memref<128x2xf32, #tpu.memory_space<vmem>>, %arg8: memref<1x4xf32, #tpu.memory_space<vmem>>, %arg9: memref<2x8000x2xf32, #tpu.memory_space<vmem>>) attributes {dimension_semantics = [#tpu.dimension_semantics<arbitrary>], iteration_bounds = array<i64: 40>, scalar_prefetch = 0 : i64, scratch_operands = 0 : i64, tpu.core_type = #tpu.core_type<tc>, window_params = [{transform_indices = @transform_0, window_bounds = array<i64: 8000, 16>}, {pipeline_mode = #tpu.pipeline_mode<synchronous>, transform_indices = @transform_1, window_bounds = array<i64: 16, 128>}, {pipeline_mode = #tpu.pipeline_mode<synchronous>, transform_indices = @transform_2, window_bounds = array<i64: 1, 128>}, {pipeline_mode = #tpu.pipeline_mode<synchronous>, transform_indices = @transform_3, window_bounds = array<i64: 1, 128>}, {pipeline_mode = #tpu.pipeline_mode<synchronous>, transform_indices = @transform_4, window_bounds = array<i64: 1, 128>}, {pipeline_mode = #tpu.pipeline_mode<synchronous>, transform_indices = @transform_5, window_bounds = array<i64: 128, 2>}, {pipeline_mode = #tpu.pipeline_mode<synchronous>, transform_indices = @transform_6, window_bounds = array<i64: 128, 2>}, {pipeline_mode = #tpu.pipeline_mode<synchronous>, transform_indices = @transform_7, window_bounds = array<i64: 1, 4>}, {transform_indices = @transform_8, window_bounds = array<i64: 2, 8000, 2>}]} {
    %get3A = arith.constant 0 : index
    %get3A_0 = arith.constant 0 : index
    %get3A_1 = vector.load %arg1[%get3A, %get3A_0] : memref<8000x16xf32, #tpu.memory_space<vmem>>, vector<8000x16xf32>
    %get3A_2 = arith.constant 0 : index
    %get3A_3 = arith.constant 0 : index
    %get3A_4 = vector.load %arg2[%get3A_2, %get3A_3] : memref<16x128xf32, #tpu.memory_space<vmem>>, vector<16x128xf32>
    %dot_general3A = arith.constant dense<0.000000e+00> : vector<8000x128xf32>
    %dot_general3A_5 = tpu.matmul %get3A_1, %get3A_4, %dot_general3A {dimension_numbers = #tpu.dot_dimension_numbers<[1], [0], [0], [1], [0, 0, 1, 1], [], []>, transpose_lhs_hint = false} : vector<8000x16xf32>, vector<16x128xf32>, vector<8000x128xf32> -> vector<8000x128xf32>
    %get3A_6 = arith.constant 0 : index
    %get3A_7 = arith.constant 0 : index
    %get3A_8 = vector.load %arg3[%get3A_6, %get3A_7] : memref<1x128xf32, #tpu.memory_space<vmem>>, vector<1x128xf32>
    %add3A = vector.broadcast %get3A_8 : vector<1x128xf32> to vector<8000x128xf32>
    %add3A_9 = arith.addf %dot_general3A_5, %add3A : vector<8000x128xf32>
    %reduce_sum3A = arith.constant dense<0.000000e+00> : vector<8000xf32>
    %reduce_sum3A_10 = vector.multi_reduction <add>, %add3A_9, %reduce_sum3A [1] : vector<8000x128xf32> to vector<8000xf32>
    %broadcast_in_dim3A = vector.shape_cast %reduce_sum3A_10 : vector<8000xf32> to vector<8000x1xf32>
    %div3A = arith.constant 1.280000e+02 : f32
    %div3A_11 = vector.broadcast %div3A : f32 to vector<8000x1xf32>
    %div3A_12 = arith.divf %broadcast_in_dim3A, %div3A_11 : vector<8000x1xf32>
    %sub3A = vector.broadcast %div3A_12 : vector<8000x1xf32> to vector<8000x128xf32>
    %sub3A_13 = arith.subf %add3A_9, %sub3A : vector<8000x128xf32>
    %integer_pow3A = arith.mulf %sub3A_13, %sub3A_13 : vector<8000x128xf32>
    %reduce_sum3A_14 = arith.constant dense<0.000000e+00> : vector<8000xf32>
    %reduce_sum3A_15 = vector.multi_reduction <add>, %integer_pow3A, %reduce_sum3A_14 [1] : vector<8000x128xf32> to vector<8000xf32>
    %broadcast_in_dim3A_16 = vector.shape_cast %reduce_sum3A_15 : vector<8000xf32> to vector<8000x1xf32>
    %div3A_17 = arith.constant 1.280000e+02 : f32
    %div3A_18 = vector.broadcast %div3A_17 : f32 to vector<8000x1xf32>
    %div3A_19 = arith.divf %broadcast_in_dim3A_16, %div3A_18 : vector<8000x1xf32>
    %sub3A_20 = vector.broadcast %div3A_12 : vector<8000x1xf32> to vector<8000x128xf32>
    %sub3A_21 = arith.subf %add3A_9, %sub3A_20 : vector<8000x128xf32>
    %add3A_22 = arith.constant 9.99999974E-6 : f32
    %add3A_23 = vector.broadcast %add3A_22 : f32 to vector<8000x1xf32>
    %add3A_24 = arith.addf %div3A_19, %add3A_23 : vector<8000x1xf32>
    %rsqrt3A = math.rsqrt %add3A_24 : vector<8000x1xf32>
    %mul3A = vector.broadcast %rsqrt3A : vector<8000x1xf32> to vector<8000x128xf32>
    %mul3A_25 = arith.mulf %sub3A_21, %mul3A : vector<8000x128xf32>
    %get3A_26 = arith.constant 0 : index
    %get3A_27 = arith.constant 0 : index
    %get3A_28 = vector.load %arg4[%get3A_26, %get3A_27] : memref<1x128xf32, #tpu.memory_space<vmem>>, vector<1x128xf32>
    %mul3A_29 = vector.broadcast %get3A_28 : vector<1x128xf32> to vector<8000x128xf32>
    %mul3A_30 = arith.mulf %mul3A_25, %mul3A_29 : vector<8000x128xf32>
    %get3A_31 = arith.constant 0 : index
    %get3A_32 = arith.constant 0 : index
    %get3A_33 = vector.load %arg5[%get3A_31, %get3A_32] : memref<1x128xf32, #tpu.memory_space<vmem>>, vector<1x128xf32>
    %add3A_34 = vector.broadcast %get3A_33 : vector<1x128xf32> to vector<8000x128xf32>
    %add3A_35 = arith.addf %mul3A_30, %add3A_34 : vector<8000x128xf32>
    %max3A = arith.constant 0.000000e+00 : f32
    %max3A_36 = vector.broadcast %max3A : f32 to vector<8000x128xf32>
    %max3A_37 = arith.maximumf %add3A_35, %max3A_36 : vector<8000x128xf32>
    %get3A_38 = arith.constant 0 : index
    %get3A_39 = arith.constant 0 : index
    %get3A_40 = vector.load %arg6[%get3A_38, %get3A_39] : memref<128x2xf32, #tpu.memory_space<vmem>>, vector<128x2xf32>
    %dot_general3A_41 = arith.constant dense<0.000000e+00> : vector<8000x2xf32>
    %dot_general3A_42 = tpu.matmul %max3A_37, %get3A_40, %dot_general3A_41 {dimension_numbers = #tpu.dot_dimension_numbers<[1], [0], [0], [1], [0, 0, 1, 1], [], []>, transpose_lhs_hint = false} : vector<8000x128xf32>, vector<128x2xf32>, vector<8000x2xf32> -> vector<8000x2xf32>
    %get3A_43 = arith.constant 0 : index
    %get3A_44 = arith.constant 0 : index
    %get3A_45 = vector.load %arg8[%get3A_43, %get3A_44] : memref<1x4xf32, #tpu.memory_space<vmem>>, vector<1x2xf32>
    %add3A_46 = vector.broadcast %get3A_45 : vector<1x2xf32> to vector<8000x2xf32>
    %add3A_47 = arith.addf %dot_general3A_42, %add3A_46 : vector<8000x2xf32>
    %swap3A = arith.constant 0 : index
    %swap3A_48 = arith.constant 0 : index
    %swap3A_49 = arith.constant 0 : index
    %swap3A_50 = vector.load %arg9[%swap3A, %swap3A_48, %swap3A_49] : memref<2x8000x2xf32, #tpu.memory_space<vmem>>, vector<1x8000x2xf32>
    %swap3A_51 = vector.shape_cast %swap3A_50 : vector<1x8000x2xf32> to vector<8000x2xf32>
    %swap3A_52 = vector.shape_cast %add3A_47 : vector<8000x2xf32> to vector<1x8000x2xf32>
    tpu.vector_store %arg9[%swap3A, %swap3A_48, %swap3A_49], %swap3A_52 {strides = array<i32>} : memref<2x8000x2xf32, #tpu.memory_space<vmem>>, vector<1x8000x2xf32>,
    %get3A_53 = arith.constant 0 : index
    %get3A_54 = arith.constant 0 : index
    %get3A_55 = vector.load %arg7[%get3A_53, %get3A_54] : memref<128x2xf32, #tpu.memory_space<vmem>>, vector<128x2xf32>
    %dot_general3A_56 = arith.constant dense<0.000000e+00> : vector<8000x2xf32>
    %dot_general3A_57 = tpu.matmul %max3A_37, %get3A_55, %dot_general3A_56 {dimension_numbers = #tpu.dot_dimension_numbers<[1], [0], [0], [1], [0, 0, 1, 1], [], []>, transpose_lhs_hint = false} : vector<8000x128xf32>, vector<128x2xf32>, vector<8000x2xf32> -> vector<8000x2xf32>
    %get3A_58 = arith.constant 0 : index
    %get3A_59 = arith.constant 2 : index
    %get3A_60 = vector.load %arg8[%get3A_58, %get3A_59] : memref<1x4xf32, #tpu.memory_space<vmem>>, vector<1x2xf32>
    %add3A_61 = vector.broadcast %get3A_60 : vector<1x2xf32> to vector<8000x2xf32>
    %add3A_62 = arith.addf %dot_general3A_57, %add3A_61 : vector<8000x2xf32>
    %swap3A_63 = arith.constant 1 : index
    %swap3A_64 = arith.constant 0 : index
    %swap3A_65 = arith.constant 0 : index
    %swap3A_66 = vector.load %arg9[%swap3A_63, %swap3A_64, %swap3A_65] : memref<2x8000x2xf32, #tpu.memory_space<vmem>>, vector<1x8000x2xf32>
    %swap3A_67 = vector.shape_cast %swap3A_66 : vector<1x8000x2xf32> to vector<8000x2xf32>
    %swap3A_68 = vector.shape_cast %add3A_62 : vector<8000x2xf32> to vector<1x8000x2xf32>
    tpu.vector_store %arg9[%swap3A_63, %swap3A_64, %swap3A_65], %swap3A_68 {strides = array<i32>} : memref<2x8000x2xf32, #tpu.memory_space<vmem>>, vector<1x8000x2xf32>,
    return
  }
  func.func @transform_0(%arg0: i32) -> (i32, i32) {
    %c0_i32 = arith.constant 0 : i32
    %c0_i32_0 = arith.constant 0 : i32
    return %arg0, %c0_i32 : i32, i32
  }
  func.func @transform_1(%arg0: i32) -> (i32, i32) {
    %c0_i32 = arith.constant 0 : i32
    %c0_i32_0 = arith.constant 0 : i32
    %c0_i32_1 = arith.constant 0 : i32
    return %c0_i32, %c0_i32_0 : i32, i32
  }
  func.func @transform_2(%arg0: i32) -> (i32, i32) {
    %c0_i32 = arith.constant 0 : i32
    %c0_i32_0 = arith.constant 0 : i32
    %c0_i32_1 = arith.constant 0 : i32
    return %c0_i32, %c0_i32_0 : i32, i32
  }
  func.func @transform_3(%arg0: i32) -> (i32, i32) {
    %c0_i32 = arith.constant 0 : i32
    %c0_i32_0 = arith.constant 0 : i32
    %c0_i32_1 = arith.constant 0 : i32
    return %c0_i32, %c0_i32_0 : i32, i32
  }
  func.func @transform_4(%arg0: i32) -> (i32, i32) {
    %c0_i32 = arith.constant 0 : i32
    %c0_i32_0 = arith.constant 0 : i32
    %c0_i32_1 = arith.constant 0 : i32
    return %c0_i32, %c0_i32_0 : i32, i32
  }
  func.func @transform_5(%arg0: i32) -> (i32, i32) {
    %c0_i32 = arith.constant 0 : i32
    %c0_i32_0 = arith.constant 0 : i32
    %c0_i32_1 = arith.constant 0 : i32
    return %c0_i32, %c0_i32_0 : i32, i32
  }
  func.func @transform_6(%arg0: i32) -> (i32, i32) {
    %c0_i32 = arith.constant 0 : i32
    %c0_i32_0 = arith.constant 0 : i32
    %c0_i32_1 = arith.constant 0 : i32
    return %c0_i32, %c0_i32_0 : i32, i32
  }
  func.func @transform_7(%arg0: i32) -> (i32, i32) {
    %c0_i32 = arith.constant 0 : i32
    %c0_i32_0 = arith.constant 0 : i32
    %c0_i32_1 = arith.constant 0 : i32
    return %c0_i32, %c0_i32_0 : i32, i32
  }
  func.func @transform_8(%arg0: i32) -> (i32, i32, i32) {
    %c0_i32 = arith.constant 0 : i32
    %c0_i32_0 = arith.constant 0 : i32
    %c0_i32_1 = arith.constant 0 : i32
    return %c0_i32, %arg0, %c0_i32_0 : i32, i32, i32
  }
}

module attributes {stable_mosaic.version = 14 : i64} {
  func.func @_s_reduce_body(%arg0: i32, %arg1: memref<32x20000xf32, #tpu.memory_space<vmem>>, %arg2: memref<2x20000xf32, #tpu.memory_space<vmem>>) attributes {dimension_semantics = [#tpu.dimension_semantics<arbitrary>], iteration_bounds = array<i64: 1>, scalar_prefetch = 0 : i64, scratch_operands = 0 : i64, tpu.core_type = #tpu.core_type<tc>, window_params = [{pipeline_mode = #tpu.pipeline_mode<synchronous>, transform_indices = @transform_0, window_bounds = array<i64: 32, 20000>}, {pipeline_mode = #tpu.pipeline_mode<synchronous>, transform_indices = @transform_1, window_bounds = array<i64: 2, 20000>}]} {
    %get3A = arith.constant 0 : index
    %get3A_0 = arith.constant 0 : index
    %get3A_1 = vector.load %arg1[%get3A, %get3A_0] : memref<32x20000xf32, #tpu.memory_space<vmem>>, vector<16x20000xf32>
    %reduce_sum3A = arith.constant dense<0.000000e+00> : vector<20000xf32>
    %reduce_sum3A_2 = vector.multi_reduction <add>, %get3A_1, %reduce_sum3A [0] : vector<16x20000xf32> to vector<20000xf32>
    %get3A_3 = arith.constant 16 : index
    %get3A_4 = arith.constant 0 : index
    %get3A_5 = vector.load %arg1[%get3A_3, %get3A_4] : memref<32x20000xf32, #tpu.memory_space<vmem>>, vector<16x20000xf32>
    %reduce_sum3A_6 = arith.constant dense<0.000000e+00> : vector<20000xf32>
    %reduce_sum3A_7 = vector.multi_reduction <add>, %get3A_5, %reduce_sum3A_6 [0] : vector<16x20000xf32> to vector<20000xf32>
    %stack3A = vector.shape_cast %reduce_sum3A_2 : vector<20000xf32> to vector<1x20000xf32>
    %stack3A_8 = vector.shape_cast %reduce_sum3A_7 : vector<20000xf32> to vector<1x20000xf32>
    %stack3A_9 = tpu.concatenate %stack3A, %stack3A_8 in 0 : vector<1x20000xf32>, vector<1x20000xf32> -> vector<2x20000xf32>
    %gt3A = arith.constant 0.000000e+00 : f32
    %gt3A_10 = vector.broadcast %gt3A : f32 to vector<2x20000xf32>
    %gt3A_11 = arith.cmpf ogt, %stack3A_9, %gt3A_10 : vector<2x20000xf32>
    %div3A = arith.constant 1.000000e+00 : f32
    %div3A_12 = vector.broadcast %div3A : f32 to vector<2x20000xf32>
    %div3A_13 = arith.divf %div3A_12, %stack3A_9 : vector<2x20000xf32>
    %jit3A = arith.constant 0.000000e+00 : f32
    %broadcast_in_dim3A = vector.broadcast %jit3A : f32 to vector<2x20000xf32>
    %select_n3A = arith.select %gt3A_11, %div3A_13, %broadcast_in_dim3A : vector<2x20000xi1>, vector<2x20000xf32>
    %swap3A = arith.constant 0 : index
    %swap3A_14 = arith.constant 0 : index
    %swap3A_15 = vector.load %arg2[%swap3A, %swap3A_14] : memref<2x20000xf32, #tpu.memory_space<vmem>>, vector<2x20000xf32>
    tpu.vector_store %arg2[%swap3A, %swap3A_14], %select_n3A {strides = array<i32>} : memref<2x20000xf32, #tpu.memory_space<vmem>>, vector<2x20000xf32>,
    return
  }
  func.func @transform_0(%arg0: i32) -> (i32, i32) {
    %c0_i32 = arith.constant 0 : i32
    %c0_i32_0 = arith.constant 0 : i32
    %c0_i32_1 = arith.constant 0 : i32
    return %c0_i32, %c0_i32_0 : i32, i32
  }
  func.func @transform_1(%arg0: i32) -> (i32, i32) {
    %c0_i32 = arith.constant 0 : i32
    %c0_i32_0 = arith.constant 0 : i32
    %c0_i32_1 = arith.constant 0 : i32
    return %c0_i32, %c0_i32_0 : i32, i32
  }
}

module attributes {stable_mosaic.version = 14 : i64} {
  func.func @_final_body(%arg0: i32, %arg1: memref<2x1000x128xf32, #tpu.memory_space<vmem>>, %arg2: memref<1000x128xf32, #tpu.memory_space<vmem>>, %arg3: memref<1000x2xf32, #tpu.memory_space<vmem>>, %arg4: memref<1x1xf32, #tpu.memory_space<vmem>>, %arg5: memref<1000x128xf32, #tpu.memory_space<vmem>>) attributes {dimension_semantics = [#tpu.dimension_semantics<arbitrary>], iteration_bounds = array<i64: 10>, scalar_prefetch = 0 : i64, scratch_operands = 0 : i64, tpu.core_type = #tpu.core_type<tc>, window_params = [{transform_indices = @transform_0, window_bounds = array<i64: 2, 1000, 128>}, {transform_indices = @transform_1, window_bounds = array<i64: 1000, 128>}, {transform_indices = @transform_2, window_bounds = array<i64: 1000, 2>}, {pipeline_mode = #tpu.pipeline_mode<synchronous>, transform_indices = @transform_3, window_bounds = array<i64: 1, 1>}, {transform_indices = @transform_4, window_bounds = array<i64: 1000, 128>}]} {
    %get3A = arith.constant 0 : index
    %get3A_0 = arith.constant 0 : index
    %get3A_1 = arith.constant 0 : index
    %get3A_2 = vector.load %arg1[%get3A, %get3A_0, %get3A_1] : memref<2x1000x128xf32, #tpu.memory_space<vmem>>, vector<1x1000x128xf32>
    %get3A_3 = vector.shape_cast %get3A_2 : vector<1x1000x128xf32> to vector<1000x128xf32>
    %get3A_4 = arith.constant 1 : index
    %get3A_5 = arith.constant 0 : index
    %get3A_6 = arith.constant 0 : index
    %get3A_7 = vector.load %arg1[%get3A_4, %get3A_5, %get3A_6] : memref<2x1000x128xf32, #tpu.memory_space<vmem>>, vector<1x1000x128xf32>
    %get3A_8 = vector.shape_cast %get3A_7 : vector<1x1000x128xf32> to vector<1000x128xf32>
    %add3A = arith.addf %get3A_3, %get3A_8 : vector<1000x128xf32>
    %mul3A = arith.constant 2.500000e-01 : f32
    %mul3A_9 = vector.broadcast %mul3A : f32 to vector<1000x128xf32>
    %mul3A_10 = arith.mulf %add3A, %mul3A_9 : vector<1000x128xf32>
    %ge3A = arith.constant 0.000000e+00 : f32
    %ge3A_11 = vector.broadcast %ge3A : f32 to vector<1000x128xf32>
    %ge3A_12 = arith.cmpf oge, %mul3A_10, %ge3A_11 : vector<1000x128xf32>
    %get3A_13 = arith.constant 0 : index
    %get3A_14 = arith.constant 0 : index
    %get3A_15 = vector.load %arg4[%get3A_13, %get3A_14] : memref<1x1xf32, #tpu.memory_space<vmem>>, vector<1x1xf32>
    %get3A_16 = vector.extract %get3A_15[0, 0] : f32 from vector<1x1xf32>
    %mul3A_17 = vector.broadcast %get3A_16 : f32 to vector<1000x128xf32>
    %mul3A_18 = arith.mulf %mul3A_10, %mul3A_17 : vector<1000x128xf32>
    %select_n3A = arith.select %ge3A_12, %mul3A_10, %mul3A_18 : vector<1000x128xi1>, vector<1000x128xf32>
    %get3A_19 = arith.constant 0 : index
    %get3A_20 = arith.constant 0 : index
    %get3A_21 = vector.load %arg3[%get3A_19, %get3A_20] : memref<1000x2xf32, #tpu.memory_space<vmem>>, vector<1000x1xf32>
    %gt3A = arith.constant 0.000000e+00 : f32
    %gt3A_22 = vector.broadcast %gt3A : f32 to vector<1000x1xf32>
    %gt3A_23 = arith.cmpf ogt, %get3A_21, %gt3A_22 : vector<1000x1xf32>
    %get3A_24 = arith.constant 0 : index
    %get3A_25 = arith.constant 0 : index
    %get3A_26 = vector.load %arg2[%get3A_24, %get3A_25] : memref<1000x128xf32, #tpu.memory_space<vmem>>, vector<1000x128xf32>
    %broadcast_in_dim3A = vector.shape_cast %gt3A_23 : vector<1000x1xi1> to vector<1000x1xi1>
    %broadcast_in_dim3A_27 = vector.broadcast %broadcast_in_dim3A : vector<1000x1xi1> to vector<1000x128xi1>
    %select_n3A_28 = arith.select %broadcast_in_dim3A_27, %select_n3A, %get3A_26 : vector<1000x128xi1>, vector<1000x128xf32>
    %swap3A = arith.constant 0 : index
    %swap3A_29 = arith.constant 0 : index
    %swap3A_30 = vector.load %arg5[%swap3A, %swap3A_29] : memref<1000x128xf32, #tpu.memory_space<vmem>>, vector<1000x128xf32>
    tpu.vector_store %arg5[%swap3A, %swap3A_29], %select_n3A_28 {strides = array<i32>} : memref<1000x128xf32, #tpu.memory_space<vmem>>, vector<1000x128xf32>,
    return
  }
  func.func @transform_0(%arg0: i32) -> (i32, i32, i32) {
    %c0_i32 = arith.constant 0 : i32
    %c0_i32_0 = arith.constant 0 : i32
    %c0_i32_1 = arith.constant 0 : i32
    return %c0_i32, %arg0, %c0_i32_0 : i32, i32, i32
  }
  func.func @transform_1(%arg0: i32) -> (i32, i32) {
    %c0_i32 = arith.constant 0 : i32
    %c0_i32_0 = arith.constant 0 : i32
    return %arg0, %c0_i32 : i32, i32
  }
  func.func @transform_2(%arg0: i32) -> (i32, i32) {
    %c0_i32 = arith.constant 0 : i32
    %c0_i32_0 = arith.constant 0 : i32
    return %arg0, %c0_i32 : i32, i32
  }
  func.func @transform_3(%arg0: i32) -> (i32, i32) {
    %c0_i32 = arith.constant 0 : i32
    %c0_i32_0 = arith.constant 0 : i32
    %c0_i32_1 = arith.constant 0 : i32
    return %c0_i32, %c0_i32_0 : i32, i32
  }
  func.func @transform_4(%arg0: i32) -> (i32, i32) {
    %c0_i32 = arith.constant 0 : i32
    %c0_i32_0 = arith.constant 0 : i32
    return %arg0, %c0_i32 : i32, i32
  }
}

</mosaic_0001>

<sc_bundles>
// kernel: _run.12.cloned.1.call-start
scs
__scs_entry_jumppad:
0x0: {  	(pc) =	sbr.rel $0x88, $3  }
0x1: {  	(tag) =	ssettag $0x0;
	lr =	simm.s32 $0x1  }
0x2: {  	[smem:$0x3F95] =	sst lr;
	_ =	strace $0xD0000000  }
0x3: {  	_ = 	snop  }
0x4: {  	_ = 	snop  }
0x5: {  	_ = 	snop  }
0x6: {  	_ = 	snop  }
0x7: {  	_ = 	snop  }
__scs_overlays_trampoline_lowered:
0x8: {  	[smem:$0x3FA4] =	sst s0  }
0x9: {  	[smem:$0x3FA5] =	sst s1  }
0xa: {  	[smem:$0x3FA6] =	sst s2  }
0xb: {  	[smem:$0x3FA7] =	sst s3  }
0xc: {  	[smem:$0x3FA8] =	sst s4  }
0xd: {  	[smem:$0x3FA9] =	sst s5  }
0xe: {  	[smem:$0x3FAA] =	sst s6  }
0xf: {  	[smem:$0x3FAB] =	sst s7  }
0x10: {  	[smem:$0x3FAC] =	sst s8  }
0x11: {  	[smem:$0x3FAD] =	sst s9;
	s0 =	simm.s32 @!p0 $0x0  }
0x12: {  	s1 =	sld [smem:$0x3F93];
	s0 =	simm.s32 @p0 $0x1  }
0x13: {  	[smem:$0x3FAE] =	sst s0;
	s0 =	simm.s32 @!p1 $0x0  }
0x14: {  	s2 =	sld [smem:$0x3F92];
	s0 =	simm.s32 @p1 $0x1  }
0x15: {  	[smem:$0x3FAF] =	sst s0;
	s0 =	simm.s32 @!p2 $0x0  }
0x16: {  	s3 =	sld [smem:$0x3FDB];
	s0 =	simm.s32 @p2 $0x1  }
0x17: {  	s4 =	simm.s32 $0x1BF5;
	[smem:$0x3FB1] =	sst s0  }
0x18: {  	s0 =	sld [smem:$0x3F94];
	_ =	swait.ge [sflag:s4], $0x0  }
0x19: {  	s7 =	sld [smem:$0x3F95]  }
0x1a: {  	s8 =	sadd.s32 $0xFFFFE003, lr  }
0x1b: {  	s9 =	sadd.s32 $0xFFFFFEF7, lr;
	s5 =	simm.s32 $0xFFFFFFFF;
	p2 =	slt.u32 s8, $0xFFFFF086  }
0x1c: {  	p1 =	slt.u32 s9, $0xF7A;
	s5 =	simm.s32 @!p2 $0x0  }
0x1d: {  	s5 =	simm.s32 @p1 $0x1;
	p0 =	seq.s32 s7, s2  }
0x1e: {  	s7 =	smul.u32 @!p0 $0xF7A, s2;
	p2 =	seq.s32 @!p0 s5, $0x0  }
0x1f: {  	s9 =	smul.u32 $0xF7A, s1;
	s8 =	simm.s32 @!p0 $0x1BF5;
	p2 =	por !p2, p0  }
0x20: {  	[sflag:s8] =	ssyncset.s32 @!p0 $0xFFFFF086;
	s6 =	sadd.s32 @!p0 s3, s7;
	s7 =	simm.s32 @!p0 $0x108  }
0x21: {  	s3 =	sadd.s32 s3, s9;
	s6 =	sadd.s32 @!p0 $0x88, s6;
	s7 =	simm.s32 @p2 $0x1082  }
0x22: {  	[simem:s7], [sflag:s8] =	dma.local @!p0 [hbm:s6], $0xF7A  }
0x23: {  	s9 =	sor.u32 $0xD0000000, s2;
	s6 =	simm.s32 $0x108;
	_ =	swait.ge @!p0 [sflag:s8], $0x0  }
0x24: {  	s3 =	sadd.s32 $0x88, s3;
	s6 =	simm.s32 @!p1 $0x1082;
	[sflag:s4] =	ssyncset.s32 $0xFFFFF086  }
0x25: {  	[simem:s6], [sflag:s4] =	dma.local [hbm:s3], $0xF7A  }
0x26: {  	[smem:$0x3F95] =	sst s1;
	(tag) =	ssettag s2;
	_ =	strace s9  }
0x27: {  	s1 =	sld [smem:$0x3FA5]  }
0x28: {  	s2 =	sld [smem:$0x3FA6]  }
0x29: {  	s4 =	sld [smem:$0x3FA8]  }
0x2a: {  	p0 =	seq.s32 s5, $0x0;
	s5 =	sld [smem:$0x3FA9]  }
0x2b: {  	s6 =	sld [smem:$0x3FAA]  }
0x2c: {  	s7 =	sld [smem:$0x3FAB]  }
0x2d: {  	s3 =	simm.s32 $0x108;
	s8 =	sld [smem:$0x3FAC]  }
0x2e: {  	s3 =	simm.s32 @!p0 $0x1082;
	s9 =	sld [smem:$0x3FAD]  }
0x2f: {  	lr =	sadd.s32 s0, s3;
	s0 =	sld [smem:$0x3FA4]  }
0x30: {  	s3 =	sld [smem:$0x3FA7]  }
0x31: {  	[smem:$0x3FB0] =	sst s10  }
0x32: {  	s10 =	sld [smem:$0x3FAE];
	_ =	sdelay $0x3  }
0x33: {  	p0 =	seq.s32 s10, $0x1;
	s10 =	sld [smem:$0x3FB0];
	_ =	sdelay $0x3  }
0x34: {  	[smem:$0x3FB0] =	sst s10  }
0x35: {  	s10 =	sld [smem:$0x3FAF];
	_ =	sdelay $0x3  }
0x36: {  	p1 =	seq.s32 s10, $0x1;
	s10 =	sld [smem:$0x3FB0];
	_ =	sdelay $0x3  }
0x37: {  	[smem:$0x3FB0] =	sst s10  }
0x38: {  	s10 =	sld [smem:$0x3FB1]  }
0x39: {  	_ = 	snop;
	(pc) =	sbr.ind lr, $3  }
0x3a: {  	_ = 	snop  }
0x3b: {  	_ = 	snop  }
0x3c: {  	p2 =	seq.s32 s10, $0x1;
	s10 =	sld [smem:$0x3FB0]  }
0x3d: {  	_ =	shalt  }
0x3e: {  	_ =	shalt  }
0x3f: {  	_ =	shalt  }
0x40: {  	_ =	shalt  }
0x41: {  	_ =	shalt  }
0x42: {  	_ =	shalt  }
0x43: {  	_ =	shalt  }
0x44: {  	_ =	shalt  }
0x45: {  	_ =	shalt  }
0x46: {  	_ =	shalt  }
0x47: {  	_ =	shalt  }
0x48: {  	_ =	shalt  }
0x49: {  	_ =	shalt  }
0x4a: {  	_ =	shalt  }
0x4b: {  	_ =	shalt  }
0x4c: {  	_ =	shalt  }
0x4d: {  	_ =	shalt  }
0x4e: {  	_ =	shalt  }
0x4f: {  	_ =	shalt  }
0x50: {  	_ =	shalt  }
0x51: {  	_ =	shalt  }
0x52: {  	_ =	shalt  }
0x53: {  	_ =	shalt  }
0x54: {  	_ =	shalt  }
0x55: {  	_ =	shalt  }
0x56: {  	_ =	shalt  }
0x57: {  	_ =	shalt  }
0x58: {  	_ =	shalt  }
0x59: {  	_ =	shalt  }
0x5a: {  	_ =	shalt  }
0x5b: {  	_ =	shalt  }
0x5c: {  	_ =	shalt  }
0x5d: {  	_ =	shalt  }
0x5e: {  	_ =	shalt  }
0x5f: {  	_ =	shalt  }
0x60: {  	_ =	shalt  }
0x61: {  	_ =	shalt  }
0x62: {  	_ =	shalt  }
0x63: {  	_ =	shalt  }
0x64: {  	_ =	shalt  }
0x65: {  	_ =	shalt  }
0x66: {  	_ =	shalt  }
0x67: {  	_ =	shalt  }
0x68: {  	_ =	shalt  }
0x69: {  	_ =	shalt  }
0x6a: {  	_ =	shalt  }
0x6b: {  	_ =	shalt  }
0x6c: {  	_ =	shalt  }
0x6d: {  	_ =	shalt  }
0x6e: {  	_ =	shalt  }
0x6f: {  	_ =	shalt  }
0x70: {  	_ =	shalt  }
0x71: {  	_ =	shalt  }
0x72: {  	_ =	shalt  }
0x73: {  	_ =	shalt  }
0x74: {  	_ =	shalt  }
0x75: {  	_ =	shalt  }
0x76: {  	_ =	shalt  }
0x77: {  	_ =	shalt  }
0x78: {  	_ =	shalt  }
0x79: {  	_ =	shalt  }
0x7a: {  	_ =	shalt  }
0x7b: {  	_ =	shalt  }
0x7c: {  	_ =	shalt  }
0x7d: {  	_ =	shalt  }
0x7e: {  	_ =	shalt  }
0x7f: {  	_ =	shalt  }
0x80: {  	_ =	shalt  }
0x81: {  	_ =	shalt  }
0x82: {  	_ =	shalt  }
0x83: {  	_ =	shalt  }
0x84: {  	_ =	shalt  }
0x85: {  	_ =	shalt  }
0x86: {  	_ =	shalt  }
0x87: {  	_ =	shalt  }
.Lfunc_end0:
.L_simem_size_0:
called_computation.1_lowered:
.L_overlay_start_0:
0x88: {  	s2 =	sld [smem:$0x3FD9]  }
0x89: {  	s3 =	sld [smem:$0x3FFE];
	_ =	sdelay $0x1  }
0x8a: {  	s1 =	srdreg.scid  }
0x8b: {  	s0 =	sand.u32 $0x1, s1  }
0x8c: {  	s17 =	sshll.u32 s0, $0xA;
	s2 =	sadd.s32 s3, s2  }
0x8d: {  	s2 =	sadd.s32 s2, s17  }
0x8e: {  	[smem:$0x3FBC] =	sst s2  }
0x8f: {  	_ = 	snop  }
0x90: {  	s2 =	sld [smem:$0x3FD0];
	(tm) =	ssettm $0x1  }
0x91: {  	s18 =	sld [smem:$0x3FFB];
	_ =	sdelay $0x3  }
0x92: {  	_ =	strace s18  }
0x93: {  	s3 =	sld [smem:$0x3FFC];
	_ =	sdelay $0x3  }
0x94: {  	_ =	strace s3  }
0x95: {  	s3 =	sld [smem:$0x3FFD];
	_ =	sdelay $0x3  }
0x96: {  	_ =	strace s3  }
0x97: {  	_ =	strace $0x8FFFFFFF  }
0x98: {  	s19 =	sld [smem:$0x3FDB];
	_ =	sdelay $0x1  }
0x99: {  	s4 =	simm.s32 $_scs_section_size  }
0x9a: {  	s5 =	simm.s32 $_size__tile_overlayer_lowered;
	s6 =	simm.s32 $_tile_overlayer_lowered  }
0x9b: {  	s22 =	simm.s32 $0x1BFF;
	s21 =	sshll.u32 s6, $0x1;
	s3 =	sadd.s32 s4, s19  }
0x9c: {  	s7 =	simm.s32 $0x0;
	s20 =	sshll.u32 s5, $0x1;
	s5 =	sadd.s32 s21, s3  }
0x9d: {  	[timem:s7], [sflag:s22] =	dma.local [hbm:s5], s20  }
0x9e: {  	_ =	swait.ge [sflag:s22], s20  }
0x9f: {  	s4 =	ssub.s32 $0x0, s20;
	[sflag:s22] =	ssyncset.done $0x0  }
0xa0: {  	[sflag:s22] =	ssyncadd.s32 s4;
	_ =	sdelay $0x1  }
0xa1: {  	s23 =	simm.s32 $0x1B8B  }
0xa2: {  	_ =	swait.ge [sflag:s23], $0x1  }
0xa3: {  	[sflag:s23] =	ssyncset.done $0x0  }
0xa4: {  	s25 =	simm.s32 $0x1B8E;
	s24 =	sld [smem:$0x3FFE];
	[sflag:s23] =	ssyncadd.s32 $0xFFFFFFFF  }
0xa5: {  	s26 =	simm.s32 $execute0_lowered;
	[smem:$0x3FD2] =	sst s25  }
0xa6: {  	s5 =	sshll.u32 s26, $0x1;
	_ =	strace $0x80000049;
	[dreg:$0x1] =	wrdreg $0xFFFFFFFF  }
0xa7: {  	s28 =	simm.s32 $_size_execute0_lowered;
	s3 =	sadd.s32 s3, s5;
	[dreg:$0x0] =	wrdreg $0x0  }
0xa8: {  	s5 =	sshll.u32 s28, $0x1;
	[dreg:$0x2] =	wrdreg s3  }
0xa9: {  	[dreg:$0x3] =	wrdreg s5  }
0xaa: {  	[dreg:$0x4] =	wrdreg $0xC0  }
0xab: {  	_ =	task [dreg:s7], $0x5FFFF  }
0xac: {  	[dreg:$0x1] =	wrdreg $0xFFFFFFFF  }
0xad: {  	[dreg:$0x0] =	wrdreg $0x60  }
0xae: {  	[dreg:$0x2] =	wrdreg s24  }
0xaf: {  	[dreg:$0x3] =	wrdreg s2  }
0xb0: {  	[dreg:$0x4] =	wrdreg $0x9  }
0xb1: {  	_ =	task.clear_ibuf [dreg:s7], $0x5FFFF;
	_ =	strace $0x90000049  }
0xb2: {  	s29 =	simm.s32 $0x9;
	_ =	strace $0x8000004B  }
0xb3: {  	_ =	swait.ge [sflag:s29], $0x1  }
0xb4: {  	[sflag:s29] =	ssyncadd.s32 $0xFFFFFFFF  }
0xb5: {  	_ =	strace $0x9000004B  }
0xb6: {  	_ =	sfence  }
0xb7: {  	s30 =	sld [smem:$0x0];
	_ =	sdelay $0x2  }
0xb8: {  	s31 =	sshll.u32 s1, $0xD;
	s1 =	sshrl.u32 s1, $0x2  }
0xb9: {  	s3 =	sand.u32 $0x4000, s31;
	s1 =	sadd.s32 s1, s30  }
0xba: {  	s0 =	sor.u32 s3, s0;
	s1 =	sshll.u32 s1, $0x11  }
0xbb: {  	s0 =	sor.u32 s1, s0  }
0xbc: {  	s0 =	sadd.s32 $0x8F2B, s0  }
0xbd: {  	[sflag:s0] =	ssyncadd.remote.s32 $0x1  }
0xbe: {  	_ =	sfence.sel $0xFFFF  }
0xbf: {  	[dreg:$0x0] =	wrdreg $0xFFFFFFFF;
	(pc) =	sbr.abs _section_cstart, $3  }
0xc0: {  	[dreg:$0x1] =	wrdreg $0xFFFFFFFF  }
0xc1: {  	_ =	task.clear_ibuf [dreg:s7], $0x2FFFF;
	_ =	strace $0x9FFFFFFF  }
0xc2: {  	(tm) =	ssettm $0x7FFFFFFF  }
0xc3: {  	_ =	shalt  }
tec
execute0_lowered:
.L_overlay_start_1:
0x0: {  	(tag) =	ssettag $0x1  }
0x1: {  	s7 =	rddreg [dreg:$0x0]  }
0x2: {  	s1 =	rddreg [dreg:$0x1]  }
0x3: {  	s0 =	rddreg [dreg:$0x2]  }
0x4: {  	s2 =	simm.s32 $0x0;
	s3 =	srdreg.scid;
	s12 =	simm.s32 $0x5A80  }
0x5: {  	s13 =	simm.s32 $0x0;
	[smem:$0x7FF] =	sst s2;
	s8 =	sand.u32 $0x1, s3  }
0x6: {  	s4 =	sadd.s32 $0xE000, s7;
	s3 =	stileid.u32;
	s9 =	smul.u32 $0x9C4, s8  }
0x7: {  	s5 =	sadd.s32 $0x2B800, s7;
	_ =	strace $0x8000004A;
	s10 =	ssub.s32 $0x2, s8  }
0x8: {  	s6 =	smul.u32 $0x4E20, s3;
	s11 =	sshrl.u32 s10, $0x1;
	s9 =	sadd.s32 s9, s7  }
0x9: {  	v1 =	vlaneseq.u32;
	s10 =	ssub.s32 s10, s11;
	s7 =	smul.u32 $0x9C400, s8;
	s11 =	simm.s32 $0x4E80  }
0xa: {  	v0 =	vshrl.u32 v1, $0x1;
	v1 =	vand.u32 $0x1, v1;
	s8 =	sadd.s32 $0x2E00, s9;
	s9 =	smax.u32 s10, $0x1;
	s10 =	simm.s32 $0x1  }
.LBB2_1:
0xb: {  	[tilespmem:s2], [sflag:$0x1] =	stream.linear.gather [hbm4b:s8+s2], $0x4E20, $0x38;
	[tilespmem:$0x6280] =	vst v63  }
0xc: {  	_ =	swait.ge [sflag:s10], $0x4E20  }
0xd: {  	[sflag:s10] =	ssyncset.done $0x0  }
0xe: {  	s14 =	simm.s32 $0x0;
	[sflag:s10] =	ssyncadd.s32 $0xFFFFB1E0  }
.LBB2_2:
0xf: {  	s15 =	smul.u32 $0x3E8, s14;
	_ =	sdelay $0x1  }
0x10: {  	s15 =	sadd.s32 s6, s15  }
0x11: {  	s16 =	sshrl.u32 s15, $0x3  }
0x12: {  	s17 =	simm.s32 $0x0;
	s15 =	sshll.u32 s15, $0x1;
	s16 =	sadd.s32 s4, s16  }
0x13: {  	[tilespmem:s11], [sflag:$0x1] =	stream.linear.gather [hbm4b:s16+s17], $0x3E8, $0x38;
	[tilespmem:$0x6280] =	vst v63  }
0x14: {  	s15 =	sadd.s32 s7, s15;
	_ =	swait.ge [sflag:s10], $0x3E8  }
0x15: {  	s15 =	sshrl.u32 s15, $0x3;
	[sflag:s10] =	ssyncset.done $0x0  }
0x16: {  	s18 =	simm.s32 $0x5280;
	v2 =	vor.u32 s17, v0;
	s29 =	sadd.s32 s5, s15;
	[sflag:s10] =	ssyncadd.s32 $0xFFFFFC18  }
0x17: {  	[tilespmem:s18], [sflag:$0x1] =	stream.linear.gather [hbm4b:s29+s17], $0x7D0, $0x38;
	[tilespmem:$0x6280] =	vst v63  }
0x18: {  	_ =	swait.ge [sflag:s10], $0x7D0  }
0x19: {  	[sflag:s10] =	ssyncset.done $0x0  }
0x1a: {  	[sflag:s10] =	ssyncadd.s32 $0xFFFFF830  }
0x1b: {  	v2 =	vld.idx.msk [tilespmem:v2+s11+$0x0], $0xffff;
	_ =	sdelay $0x4  }
0x1c: {  	v2 =	vshll.u32 v2, $0x1  }
0x1d: {  	v2 =	vor.u32 v1, v2;
	_ =	sdelay $0x3  }
0x1e: {  	v3 =	vld [tilespmem:s18+$0x0]  }
0x1f: {  	v2 =	vld.idx.msk [tilespmem:v2+s2+$0x0], $0xffff;
	_ =	sdelay $0x1  }
0x20: {  	s30 =	simm.s32 $0x8  }
0x21: {  	v4 =	vor.u32 s30, v0;
	_ =	sdelay $0x1  }
0x22: {  	v2 =	vmul.f32 v3, v2  }
0x23: {  	s16 =	simm.s32 $0x5A80  }
0x24: {  	[tilespmem:s16+$0x0] =	vst v2  }
0x25: {  	v2 =	vld.idx.msk [tilespmem:v4+s11+$0x0], $0xffff;
	_ =	sdelay $0x4  }
0x26: {  	v2 =	vshll.u32 v2, $0x1  }
0x27: {  	v2 =	vor.u32 v1, v2;
	_ =	sdelay $0x2  }
0x28: {  	s17 =	simm.s32 $0x5290  }
0x29: {  	v4 =	vld [tilespmem:s17+$0x0]  }
0x2a: {  	v2 =	vld.idx.msk [tilespmem:v2+s2+$0x0], $0xffff;
	_ =	sdelay $0x1  }
0x2b: {  	s31 =	simm.s32 $0x10  }
0x2c: {  	s18 =	simm.s32 $0x18;
	v3 =	vor.u32 s31, v0  }
.LBB2_3:
0x2d: {  	p0 =	sne.s32 s18, $0x3E0  }
0x2e: {  	v2 =	vmul.f32 v4, v2  }
0x2f: {  	s16 =	sadd.s32 $0x10, s16  }
0x30: {  	[tilespmem:s16+$0x0] =	vst v2  }
0x31: {  	v2 =	vld.idx.msk [tilespmem:v3+s11+$0x0], $0xffff;
	_ =	sdelay $0x5  }
0x32: {  	v2 =	vshll.u32 v2, $0x1  }
0x33: {  	v2 =	vor.u32 v1, v2;
	_ =	sdelay $0x4  }
.Ltmp0:
0x34: {  	s17 =	sadd.s32 $0x10, s17;
	v2 =	vld.idx.msk [tilespmem:v2+s2+$0x0], $0xffff;
	(pc) =	sbr.rel @p0 .LBB2_3-.Ltmp0, $2  }
0x35: {  	v4 =	vld [tilespmem:s17+$0x0];
	_ =	sdelay $0x2  }
0x36: {  	v3 =	vor.u32 s18, v0;
	s18 =	sadd.s32 $0x8, s18  }
0x37: {  	_ = 	snop  }
0x38: {  	v2 =	vmul.f32 v4, v2  }
0x39: {  	s16 =	sadd.s32 $0x10, s16  }
0x3a: {  	[tilespmem:s16+$0x0] =	vst v2  }
0x3b: {  	v2 =	vld.idx.msk [tilespmem:v3+s11+$0x0], $0xffff;
	_ =	sdelay $0x4  }
0x3c: {  	v2 =	vshll.u32 v2, $0x1  }
0x3d: {  	v2 =	vor.u32 v1, v2;
	_ =	sdelay $0x2  }
0x3e: {  	s17 =	sadd.s32 $0x10, s17  }
0x3f: {  	v3 =	vld [tilespmem:s17+$0x0]  }
0x40: {  	v2 =	vld.idx.msk [tilespmem:v2+s2+$0x0], $0xffff;
	_ =	sdelay $0x4  }
0x41: {  	s14 =	sadd.s32 $0x1, s14;
	v2 =	vmul.f32 v3, v2  }
0x42: {  	p0 =	sne.s32 s14, $0x14;
	s16 =	sadd.s32 $0x10, s16  }
.Ltmp1:
0x43: {  	s15 =	sadd.s32 s1, s15;
	[tilespmem:s16+$0x0] =	vst v2;
	(pc) =	sbr.rel @p0 .LBB2_2-.Ltmp1, $4  }
0x44: {  	[hbm4b:s15+s2] =	stream.linear.scatter [tilespmem:s12], [sflag:$0x1], $0x7D0, $0x38;
	[tilespmem:$0x6280] =	vst v63  }
0x45: {  	_ =	swait.ge [sflag:s10], $0x7D0  }
0x46: {  	[sflag:s10] =	ssyncset.done $0x0  }
0x47: {  	[sflag:s10] =	ssyncadd.s32 $0xFFFFF830  }
0x48: {  	s13 =	sadd.s32 $0x1, s13  }
0x49: {  	p0 =	sne.s32 s13, s9  }
.Ltmp2:
0x4a: {  	_ = 	snop;
	(pc) =	sbr.rel @p0 .LBB2_1-.Ltmp2, $1  }
0x4b: {  	_ =	sdelay $0x3  }
0x4c: {  	_ =	sfence.sel $0x180000  }
0x4d: {  	[bflag:$0x0] =	sbarrier.arrive $0xFFFF  }
0x4e: {  	p0 =	sne.s32 s3, $0x0;
	_ =	strace $0x9000004A  }
0x4f: {  	s0 =	sadd.s32 @!p0 $0x100000, s0;
	[bflag:$0x2] =	sbarrier.arrive $0xFFFF  }
0x50: {  	[sflag:s0] =	ssyncadd.tile.s32 @!p0 $0x1;
	_ =	shalt  }
.Lfunc_end2:
_tile_overlayer_lowered:
.L_overlay_start_2:
0x51: {  	(tag) =	ssettag $0x2  }
0x52: {  	s0 =	rddreg [dreg:$0x0];
	s2 =	stileid.u32  }
0x53: {  	s1 =	rddreg [dreg:$0x1];
	p0 =	sne.s32 s2, $0x0  }
0x54: {  	s3 =	rddreg [dreg:$0x2];
	[bflag:$0x3] =	sbarrier.arrive $0xFFFF;
	s2 =	simm.s32 @!p0 $0x1C01  }
0x55: {  	[timem:s3], [sflag:s2] =	dma.local @!p0 [hbm:s0], s1  }
0x56: {  	s0 =	simm.s32 @!p0 $0x1  }
0x57: {  	_ =	swait.ge @!p0 [sflag:s0], s1  }
0x58: {  	s1 =	ssub.s32 @!p0 $0x0, s1;
	[sflag:s0] =	ssyncset.done @!p0 $0x0  }
0x59: {  	[sflag:s0] =	ssyncadd.s32 @!p0 s1  }
0x5a: {  	[bflag:$0x3] =	sbarrier.arrive $0xFFFF  }
0x5b: {  	_ =	shalt  }

// kernel: _run.15.cloned.1.call-start
scs
__scs_entry_jumppad:
0x0: {  	(pc) =	sbr.rel $0x88, $3  }
0x1: {  	(tag) =	ssettag $0x0;
	lr =	simm.s32 $0x1  }
0x2: {  	[smem:$0x3F95] =	sst lr;
	_ =	strace $0xD0000000  }
0x3: {  	_ = 	snop  }
0x4: {  	_ = 	snop  }
0x5: {  	_ = 	snop  }
0x6: {  	_ = 	snop  }
0x7: {  	_ = 	snop  }
__scs_overlays_trampoline_lowered:
0x8: {  	[smem:$0x3FA4] =	sst s0  }
0x9: {  	[smem:$0x3FA5] =	sst s1  }
0xa: {  	[smem:$0x3FA6] =	sst s2  }
0xb: {  	[smem:$0x3FA7] =	sst s3  }
0xc: {  	[smem:$0x3FA8] =	sst s4  }
0xd: {  	[smem:$0x3FA9] =	sst s5  }
0xe: {  	[smem:$0x3FAA] =	sst s6  }
0xf: {  	[smem:$0x3FAB] =	sst s7  }
0x10: {  	[smem:$0x3FAC] =	sst s8  }
0x11: {  	[smem:$0x3FAD] =	sst s9;
	s0 =	simm.s32 @!p0 $0x0  }
0x12: {  	s1 =	sld [smem:$0x3F93];
	s0 =	simm.s32 @p0 $0x1  }
0x13: {  	[smem:$0x3FAE] =	sst s0;
	s0 =	simm.s32 @!p1 $0x0  }
0x14: {  	s2 =	sld [smem:$0x3F92];
	s0 =	simm.s32 @p1 $0x1  }
0x15: {  	[smem:$0x3FAF] =	sst s0;
	s0 =	simm.s32 @!p2 $0x0  }
0x16: {  	s3 =	sld [smem:$0x3FDB];
	s0 =	simm.s32 @p2 $0x1  }
0x17: {  	s4 =	simm.s32 $0x1BF5;
	[smem:$0x3FB1] =	sst s0  }
0x18: {  	s0 =	sld [smem:$0x3F94];
	_ =	swait.ge [sflag:s4], $0x0  }
0x19: {  	s7 =	sld [smem:$0x3F95]  }
0x1a: {  	s8 =	sadd.s32 $0xFFFFE003, lr  }
0x1b: {  	s9 =	sadd.s32 $0xFFFFFEF7, lr;
	s5 =	simm.s32 $0xFFFFFFFF;
	p2 =	slt.u32 s8, $0xFFFFF086  }
0x1c: {  	p1 =	slt.u32 s9, $0xF7A;
	s5 =	simm.s32 @!p2 $0x0  }
0x1d: {  	s5 =	simm.s32 @p1 $0x1;
	p0 =	seq.s32 s7, s2  }
0x1e: {  	s7 =	smul.u32 @!p0 $0xF7A, s2;
	p2 =	seq.s32 @!p0 s5, $0x0  }
0x1f: {  	s9 =	smul.u32 $0xF7A, s1;
	s8 =	simm.s32 @!p0 $0x1BF5;
	p2 =	por !p2, p0  }
0x20: {  	[sflag:s8] =	ssyncset.s32 @!p0 $0xFFFFF086;
	s6 =	sadd.s32 @!p0 s3, s7;
	s7 =	simm.s32 @!p0 $0x108  }
0x21: {  	s3 =	sadd.s32 s3, s9;
	s6 =	sadd.s32 @!p0 $0x88, s6;
	s7 =	simm.s32 @p2 $0x1082  }
0x22: {  	[simem:s7], [sflag:s8] =	dma.local @!p0 [hbm:s6], $0xF7A  }
0x23: {  	s9 =	sor.u32 $0xD0000000, s2;
	s6 =	simm.s32 $0x108;
	_ =	swait.ge @!p0 [sflag:s8], $0x0  }
0x24: {  	s3 =	sadd.s32 $0x88, s3;
	s6 =	simm.s32 @!p1 $0x1082;
	[sflag:s4] =	ssyncset.s32 $0xFFFFF086  }
0x25: {  	[simem:s6], [sflag:s4] =	dma.local [hbm:s3], $0xF7A  }
0x26: {  	[smem:$0x3F95] =	sst s1;
	(tag) =	ssettag s2;
	_ =	strace s9  }
0x27: {  	s1 =	sld [smem:$0x3FA5]  }
0x28: {  	s2 =	sld [smem:$0x3FA6]  }
0x29: {  	s4 =	sld [smem:$0x3FA8]  }
0x2a: {  	p0 =	seq.s32 s5, $0x0;
	s5 =	sld [smem:$0x3FA9]  }
0x2b: {  	s6 =	sld [smem:$0x3FAA]  }
0x2c: {  	s7 =	sld [smem:$0x3FAB]  }
0x2d: {  	s3 =	simm.s32 $0x108;
	s8 =	sld [smem:$0x3FAC]  }
0x2e: {  	s3 =	simm.s32 @!p0 $0x1082;
	s9 =	sld [smem:$0x3FAD]  }
0x2f: {  	lr =	sadd.s32 s0, s3;
	s0 =	sld [smem:$0x3FA4]  }
0x30: {  	s3 =	sld [smem:$0x3FA7]  }
0x31: {  	[smem:$0x3FB0] =	sst s10  }
0x32: {  	s10 =	sld [smem:$0x3FAE];
	_ =	sdelay $0x3  }
0x33: {  	p0 =	seq.s32 s10, $0x1;
	s10 =	sld [smem:$0x3FB0];
	_ =	sdelay $0x3  }
0x34: {  	[smem:$0x3FB0] =	sst s10  }
0x35: {  	s10 =	sld [smem:$0x3FAF];
	_ =	sdelay $0x3  }
0x36: {  	p1 =	seq.s32 s10, $0x1;
	s10 =	sld [smem:$0x3FB0];
	_ =	sdelay $0x3  }
0x37: {  	[smem:$0x3FB0] =	sst s10  }
0x38: {  	s10 =	sld [smem:$0x3FB1]  }
0x39: {  	_ = 	snop;
	(pc) =	sbr.ind lr, $3  }
0x3a: {  	_ = 	snop  }
0x3b: {  	_ = 	snop  }
0x3c: {  	p2 =	seq.s32 s10, $0x1;
	s10 =	sld [smem:$0x3FB0]  }
0x3d: {  	_ =	shalt  }
0x3e: {  	_ =	shalt  }
0x3f: {  	_ =	shalt  }
0x40: {  	_ =	shalt  }
0x41: {  	_ =	shalt  }
0x42: {  	_ =	shalt  }
0x43: {  	_ =	shalt  }
0x44: {  	_ =	shalt  }
0x45: {  	_ =	shalt  }
0x46: {  	_ =	shalt  }
0x47: {  	_ =	shalt  }
0x48: {  	_ =	shalt  }
0x49: {  	_ =	shalt  }
0x4a: {  	_ =	shalt  }
0x4b: {  	_ =	shalt  }
0x4c: {  	_ =	shalt  }
0x4d: {  	_ =	shalt  }
0x4e: {  	_ =	shalt  }
0x4f: {  	_ =	shalt  }
0x50: {  	_ =	shalt  }
0x51: {  	_ =	shalt  }
0x52: {  	_ =	shalt  }
0x53: {  	_ =	shalt  }
0x54: {  	_ =	shalt  }
0x55: {  	_ =	shalt  }
0x56: {  	_ =	shalt  }
0x57: {  	_ =	shalt  }
0x58: {  	_ =	shalt  }
0x59: {  	_ =	shalt  }
0x5a: {  	_ =	shalt  }
0x5b: {  	_ =	shalt  }
0x5c: {  	_ =	shalt  }
0x5d: {  	_ =	shalt  }
0x5e: {  	_ =	shalt  }
0x5f: {  	_ =	shalt  }
0x60: {  	_ =	shalt  }
0x61: {  	_ =	shalt  }
0x62: {  	_ =	shalt  }
0x63: {  	_ =	shalt  }
0x64: {  	_ =	shalt  }
0x65: {  	_ =	shalt  }
0x66: {  	_ =	shalt  }
0x67: {  	_ =	shalt  }
0x68: {  	_ =	shalt  }
0x69: {  	_ =	shalt  }
0x6a: {  	_ =	shalt  }
0x6b: {  	_ =	shalt  }
0x6c: {  	_ =	shalt  }
0x6d: {  	_ =	shalt  }
0x6e: {  	_ =	shalt  }
0x6f: {  	_ =	shalt  }
0x70: {  	_ =	shalt  }
0x71: {  	_ =	shalt  }
0x72: {  	_ =	shalt  }
0x73: {  	_ =	shalt  }
0x74: {  	_ =	shalt  }
0x75: {  	_ =	shalt  }
0x76: {  	_ =	shalt  }
0x77: {  	_ =	shalt  }
0x78: {  	_ =	shalt  }
0x79: {  	_ =	shalt  }
0x7a: {  	_ =	shalt  }
0x7b: {  	_ =	shalt  }
0x7c: {  	_ =	shalt  }
0x7d: {  	_ =	shalt  }
0x7e: {  	_ =	shalt  }
0x7f: {  	_ =	shalt  }
0x80: {  	_ =	shalt  }
0x81: {  	_ =	shalt  }
0x82: {  	_ =	shalt  }
0x83: {  	_ =	shalt  }
0x84: {  	_ =	shalt  }
0x85: {  	_ =	shalt  }
0x86: {  	_ =	shalt  }
0x87: {  	_ =	shalt  }
.Lfunc_end0:
.L_simem_size_0:
called_computation.2_lowered:
.L_overlay_start_0:
0x88: {  	s2 =	sld [smem:$0x3FD9]  }
0x89: {  	s3 =	sld [smem:$0x3FFE];
	_ =	sdelay $0x1  }
0x8a: {  	s1 =	srdreg.scid  }
0x8b: {  	s0 =	sand.u32 $0x1, s1  }
0x8c: {  	s17 =	sshll.u32 s0, $0xA;
	s2 =	sadd.s32 s3, s2  }
0x8d: {  	s2 =	sadd.s32 s2, s17  }
0x8e: {  	[smem:$0x3FBC] =	sst s2  }
0x8f: {  	_ = 	snop  }
0x90: {  	s2 =	sld [smem:$0x3FD0];
	(tm) =	ssettm $0x1  }
0x91: {  	s18 =	sld [smem:$0x3FFB];
	_ =	sdelay $0x3  }
0x92: {  	_ =	strace s18  }
0x93: {  	s3 =	sld [smem:$0x3FFC];
	_ =	sdelay $0x3  }
0x94: {  	_ =	strace s3  }
0x95: {  	s3 =	sld [smem:$0x3FFD];
	_ =	sdelay $0x3  }
0x96: {  	_ =	strace s3  }
0x97: {  	_ =	strace $0x8FFFFFFF  }
0x98: {  	s19 =	sld [smem:$0x3FDB];
	_ =	sdelay $0x1  }
0x99: {  	s4 =	simm.s32 $_scs_section_size  }
0x9a: {  	s5 =	simm.s32 $_size__tile_overlayer_lowered;
	s6 =	simm.s32 $_tile_overlayer_lowered  }
0x9b: {  	s22 =	simm.s32 $0x1BFF;
	s21 =	sshll.u32 s6, $0x1;
	s3 =	sadd.s32 s4, s19  }
0x9c: {  	s7 =	simm.s32 $0x0;
	s20 =	sshll.u32 s5, $0x1;
	s5 =	sadd.s32 s21, s3  }
0x9d: {  	[timem:s7], [sflag:s22] =	dma.local [hbm:s5], s20  }
0x9e: {  	_ =	swait.ge [sflag:s22], s20  }
0x9f: {  	s4 =	ssub.s32 $0x0, s20;
	[sflag:s22] =	ssyncset.done $0x0  }
0xa0: {  	[sflag:s22] =	ssyncadd.s32 s4;
	_ =	sdelay $0x1  }
0xa1: {  	s23 =	simm.s32 $0x1B8B  }
0xa2: {  	_ =	swait.ge [sflag:s23], $0x1  }
0xa3: {  	[sflag:s23] =	ssyncset.done $0x0  }
0xa4: {  	s25 =	simm.s32 $0x1B8E;
	s24 =	sld [smem:$0x3FFE];
	[sflag:s23] =	ssyncadd.s32 $0xFFFFFFFF  }
0xa5: {  	s26 =	simm.s32 $execute0_lowered;
	[smem:$0x3FD2] =	sst s25  }
0xa6: {  	s5 =	sshll.u32 s26, $0x1;
	_ =	strace $0x8000004C;
	[dreg:$0x1] =	wrdreg $0xFFFFFFFF  }
0xa7: {  	s28 =	simm.s32 $_size_execute0_lowered;
	s3 =	sadd.s32 s3, s5;
	[dreg:$0x0] =	wrdreg $0x0  }
0xa8: {  	s5 =	sshll.u32 s28, $0x1;
	[dreg:$0x2] =	wrdreg s3  }
0xa9: {  	[dreg:$0x3] =	wrdreg s5  }
0xaa: {  	[dreg:$0x4] =	wrdreg $0xC0  }
0xab: {  	_ =	task [dreg:s7], $0x5FFFF  }
0xac: {  	[dreg:$0x1] =	wrdreg $0xFFFFFFFF  }
0xad: {  	[dreg:$0x0] =	wrdreg $0x60  }
0xae: {  	[dreg:$0x2] =	wrdreg s24  }
0xaf: {  	[dreg:$0x3] =	wrdreg s2  }
0xb0: {  	[dreg:$0x4] =	wrdreg $0x98000  }
0xb1: {  	[dreg:$0x5] =	wrdreg $0x9  }
0xb2: {  	_ =	task.clear_ibuf [dreg:s7], $0x6FFFF;
	_ =	strace $0x9000004C  }
0xb3: {  	s29 =	simm.s32 $0x9;
	_ =	strace $0x8000004E  }
0xb4: {  	_ =	swait.ge [sflag:s29], $0x1  }
0xb5: {  	[sflag:s29] =	ssyncadd.s32 $0xFFFFFFFF  }
0xb6: {  	_ =	strace $0x9000004E  }
0xb7: {  	_ =	sfence  }
0xb8: {  	s30 =	sld [smem:$0x0];
	_ =	sdelay $0x2  }
0xb9: {  	s31 =	sshll.u32 s1, $0xD;
	s1 =	sshrl.u32 s1, $0x2  }
0xba: {  	s3 =	sand.u32 $0x4000, s31;
	s1 =	sadd.s32 s1, s30  }
0xbb: {  	s0 =	sor.u32 s3, s0;
	s1 =	sshll.u32 s1, $0x11  }
0xbc: {  	s0 =	sor.u32 s1, s0  }
0xbd: {  	s0 =	sadd.s32 $0x8F2B, s0  }
0xbe: {  	[sflag:s0] =	ssyncadd.remote.s32 $0x1  }
0xbf: {  	_ =	sfence.sel $0xFFFF  }
0xc0: {  	[dreg:$0x0] =	wrdreg $0xFFFFFFFF;
	(pc) =	sbr.abs _section_cstart, $3  }
0xc1: {  	[dreg:$0x1] =	wrdreg $0xFFFFFFFF  }
0xc2: {  	_ =	task.clear_ibuf [dreg:s7], $0x2FFFF;
	_ =	strace $0x9FFFFFFF  }
0xc3: {  	(tm) =	ssettm $0x7FFFFFFF  }
tec
execute0_lowered:
.L_overlay_start_1:
0x0: {  	(tag) =	ssettag $0x1  }
0x1: {  	s0 =	rddreg [dreg:$0x0]  }
0x2: {  	s3 =	srdreg.scid;
	s14 =	stileid.u32  }
0x3: {  	s1 =	rddreg [dreg:$0x1];
	s3 =	sand.u32 $0x1, s3;
	s13 =	smul.u32 $0x50000, s14  }
0x4: {  	s2 =	rddreg [dreg:$0x2];
	s4 =	simm.s32 $0x0;
	s10 =	ssub.s32 $0x2, s3  }
0x5: {  	s31 =	simm.s32 $0x7000;
	s12 =	sshrl.u32 s10, $0x1;
	s30 =	sshrl.u32 s13, $0x2  }
0x6: {  	[smem:$0x7FF] =	sst s4;
	s12 =	ssub.s32 s10, s12;
	s24 =	sadd.s32 s30, s2  }
0x7: {  	_ =	strace $0x8000004D;
	s13 =	smax.u32 s12, $0x1;
	[dreg:$0x5] =	wrdreg s24  }
0x8: {  	s5 =	sadd.s32 $0xC3C00, s0;
	s15 =	sadd.s32 $0x2800, s24;
	[dreg:$0x6] =	wrdreg s13  }
0x9: {  	s9 =	smul.u32 $0x14000, s14;
	s16 =	sadd.s32 $0x3C00, s24;
	[dreg:$0x8] =	wrdreg s15  }
0xa: {  	s6 =	sadd.s32 $0x52A00, s0;
	s17 =	sadd.s32 $0x5000, s24;
	[dreg:$0x9] =	wrdreg s16  }
0xb: {  	s7 =	sadd.s32 $0x75A00, s0;
	s18 =	sadd.s32 $0x6400, s24;
	[dreg:$0xa] =	wrdreg s17  }
0xc: {  	s8 =	smul.u32 $0x140000, s3;
	s19 =	sadd.s32 $0x7800, s24;
	[dreg:$0xb] =	wrdreg s18  }
0xd: {  	s11 =	smul.u32 $0x118000, s3;
	s20 =	sadd.s32 $0x8C00, s24;
	[dreg:$0xc] =	wrdreg s19  }
0xe: {  	s9 =	sadd.s32 s9, s8;
	s21 =	sadd.s32 $0xA000, s24;
	[dreg:$0xd] =	wrdreg s20  }
0xf: {  	s8 =	smul.u32 $0x11800, s14;
	s22 =	sadd.s32 $0xB400, s24;
	[dreg:$0xe] =	wrdreg s21  }
0x10: {  	s10 =	smul.u32 $0x9C400, s3;
	s23 =	sadd.s32 $0xC800, s24;
	[dreg:$0xf] =	wrdreg s22  }
0x11: {  	s3 =	simm.s32 $0x3800;
	s25 =	sadd.s32 $0xDC00, s24;
	[dreg:$0x10] =	wrdreg s23  }
0x12: {  	s9 =	sshrl.u32 s9, $0x3;
	s26 =	sadd.s32 $0xF000, s24;
	[dreg:$0x11] =	wrdreg s25  }
0x13: {  	s28 =	sadd.s32 $0x10400, s24;
	s29 =	sadd.s32 $0x11800, s24;
	[dreg:$0x12] =	wrdreg s26  }
0x14: {  	s30 =	sadd.s32 $0x12C00, s24;
	s12 =	simm.s32 $0x1C00;
	[dreg:$0x13] =	wrdreg s28  }
0x15: {  	s0 =	sadd.s32 s9, s0;
	s9 =	smul.u32 $0x4E20, s14;
	[dreg:$0x14] =	wrdreg s29  }
0x16: {  	s11 =	sadd.s32 s11, s8;
	s14 =	sadd.s32 $0x1400, s24;
	[dreg:$0x15] =	wrdreg s30  }
0x17: {  	s15 =	simm.s32 $0x4800;
	s16 =	simm.s32 $0x1;
	s17 =	simm.s32 $0x5C00  }
0x18: {  	s18 =	simm.s32 $0x2;
	s19 =	simm.s32 $0x8400;
	s20 =	simm.s32 $0x3  }
0x19: {  	s21 =	simm.s32 $0x4;
	s0 =	sadd.s32 $0x109C00, s0;
	[dreg:$0x7] =	wrdreg s14  }
0x1a: {  	v0 =	vimm.f32 $0.0e+00;
	s14 =	simm.s32 $0x28;
	[dreg:$0x4] =	wrdreg s0;
	s0 =	simm.s32 $0x5  }
.LBB2_1:
0x1b: {  	[tilespmem:$0x7000] =	vst v0  }
0x1c: {  	[tilespmem:$0x7010] =	vst v0  }
0x1d: {  	[tilespmem:$0x7020] =	vst v0  }
0x1e: {  	[tilespmem:$0x7030] =	vst v0  }
0x1f: {  	[tilespmem:$0x7040] =	vst v0  }
0x20: {  	[tilespmem:$0x7050] =	vst v0  }
0x21: {  	[tilespmem:$0x7060] =	vst v0  }
0x22: {  	[tilespmem:$0x7070] =	vst v0  }
0x23: {  	[tilespmem:$0x7080] =	vst v0  }
0x24: {  	[tilespmem:$0x7090] =	vst v0  }
0x25: {  	[tilespmem:$0x70A0] =	vst v0  }
0x26: {  	[tilespmem:$0x70B0] =	vst v0  }
0x27: {  	[tilespmem:$0x70C0] =	vst v0  }
0x28: {  	[tilespmem:$0x70D0] =	vst v0  }
0x29: {  	[tilespmem:$0x70E0] =	vst v0  }
0x2a: {  	[tilespmem:$0x70F0] =	vst v0  }
0x2b: {  	[tilespmem:$0x7100] =	vst v0  }
0x2c: {  	[tilespmem:$0x7110] =	vst v0  }
0x2d: {  	[tilespmem:$0x7120] =	vst v0  }
0x2e: {  	[tilespmem:$0x7130] =	vst v0  }
0x2f: {  	[tilespmem:$0x7140] =	vst v0  }
0x30: {  	[tilespmem:$0x7150] =	vst v0  }
0x31: {  	[tilespmem:$0x7160] =	vst v0  }
0x32: {  	[tilespmem:$0x7170] =	vst v0  }
0x33: {  	[tilespmem:$0x7180] =	vst v0  }
0x34: {  	[tilespmem:$0x7190] =	vst v0  }
0x35: {  	[tilespmem:$0x71A0] =	vst v0  }
0x36: {  	[tilespmem:$0x71B0] =	vst v0  }
0x37: {  	[tilespmem:$0x71C0] =	vst v0  }
0x38: {  	[tilespmem:$0x71D0] =	vst v0  }
0x39: {  	[tilespmem:$0x71E0] =	vst v0  }
0x3a: {  	[tilespmem:$0x71F0] =	vst v0  }
0x3b: {  	[tilespmem:$0x7200] =	vst v0  }
0x3c: {  	[tilespmem:$0x7210] =	vst v0  }
0x3d: {  	[tilespmem:$0x7220] =	vst v0  }
0x3e: {  	[tilespmem:$0x7230] =	vst v0  }
0x3f: {  	[tilespmem:$0x7240] =	vst v0  }
0x40: {  	[tilespmem:$0x7250] =	vst v0  }
0x41: {  	[tilespmem:$0x7260] =	vst v0  }
0x42: {  	[tilespmem:$0x7270] =	vst v0  }
0x43: {  	[tilespmem:$0x7280] =	vst v0  }
0x44: {  	[tilespmem:$0x7290] =	vst v0  }
0x45: {  	[tilespmem:$0x72A0] =	vst v0  }
0x46: {  	[tilespmem:$0x72B0] =	vst v0  }
0x47: {  	[tilespmem:$0x72C0] =	vst v0  }
0x48: {  	[tilespmem:$0x72D0] =	vst v0  }
0x49: {  	[tilespmem:$0x72E0] =	vst v0  }
0x4a: {  	[tilespmem:$0x72F0] =	vst v0  }
0x4b: {  	[tilespmem:$0x7300] =	vst v0  }
0x4c: {  	[tilespmem:$0x7310] =	vst v0  }
0x4d: {  	[tilespmem:$0x7320] =	vst v0  }
0x4e: {  	[tilespmem:$0x7330] =	vst v0  }
0x4f: {  	[tilespmem:$0x7340] =	vst v0  }
0x50: {  	[tilespmem:$0x7350] =	vst v0  }
0x51: {  	[tilespmem:$0x7360] =	vst v0  }
0x52: {  	[tilespmem:$0x7370] =	vst v0  }
0x53: {  	[tilespmem:$0x7380] =	vst v0  }
0x54: {  	[tilespmem:$0x7390] =	vst v0  }
0x55: {  	[tilespmem:$0x73A0] =	vst v0  }
0x56: {  	[tilespmem:$0x73B0] =	vst v0  }
0x57: {  	[tilespmem:$0x73C0] =	vst v0  }
0x58: {  	[tilespmem:$0x73D0] =	vst v0  }
0x59: {  	[tilespmem:$0x73E0] =	vst v0  }
0x5a: {  	[tilespmem:$0x73F0] =	vst v0  }
0x5b: {  	[tilespmem:$0x7400] =	vst v0  }
0x5c: {  	[tilespmem:$0x7410] =	vst v0  }
0x5d: {  	[tilespmem:$0x7420] =	vst v0  }
0x5e: {  	[tilespmem:$0x7430] =	vst v0  }
0x5f: {  	[tilespmem:$0x7440] =	vst v0  }
0x60: {  	[tilespmem:$0x7450] =	vst v0  }
0x61: {  	[tilespmem:$0x7460] =	vst v0  }
0x62: {  	[tilespmem:$0x7470] =	vst v0  }
0x63: {  	[tilespmem:$0x7480] =	vst v0  }
0x64: {  	[tilespmem:$0x7490] =	vst v0  }
0x65: {  	[tilespmem:$0x74A0] =	vst v0  }
0x66: {  	[tilespmem:$0x74B0] =	vst v0  }
0x67: {  	[tilespmem:$0x74C0] =	vst v0  }
0x68: {  	[tilespmem:$0x74D0] =	vst v0  }
0x69: {  	[tilespmem:$0x74E0] =	vst v0  }
0x6a: {  	[tilespmem:$0x74F0] =	vst v0  }
0x6b: {  	[tilespmem:$0x7500] =	vst v0  }
0x6c: {  	[tilespmem:$0x7510] =	vst v0  }
0x6d: {  	[tilespmem:$0x7520] =	vst v0  }
0x6e: {  	[tilespmem:$0x7530] =	vst v0  }
0x6f: {  	[tilespmem:$0x7540] =	vst v0  }
0x70: {  	[tilespmem:$0x7550] =	vst v0  }
0x71: {  	[tilespmem:$0x7560] =	vst v0  }
0x72: {  	[tilespmem:$0x7570] =	vst v0  }
0x73: {  	[tilespmem:$0x7580] =	vst v0  }
0x74: {  	[tilespmem:$0x7590] =	vst v0  }
0x75: {  	[tilespmem:$0x75A0] =	vst v0  }
0x76: {  	[tilespmem:$0x75B0] =	vst v0  }
0x77: {  	[tilespmem:$0x75C0] =	vst v0  }
0x78: {  	[tilespmem:$0x75D0] =	vst v0  }
0x79: {  	[tilespmem:$0x75E0] =	vst v0  }
0x7a: {  	[tilespmem:$0x75F0] =	vst v0  }
0x7b: {  	[tilespmem:$0x7600] =	vst v0  }
0x7c: {  	[tilespmem:$0x7610] =	vst v0  }
0x7d: {  	[tilespmem:$0x7620] =	vst v0  }
0x7e: {  	[tilespmem:$0x7630] =	vst v0  }
0x7f: {  	[tilespmem:$0x7640] =	vst v0  }
0x80: {  	[tilespmem:$0x7650] =	vst v0  }
0x81: {  	[tilespmem:$0x7660] =	vst v0  }
0x82: {  	[tilespmem:$0x7670] =	vst v0  }
0x83: {  	[tilespmem:$0x7680] =	vst v0  }
0x84: {  	[tilespmem:$0x7690] =	vst v0  }
0x85: {  	[tilespmem:$0x76A0] =	vst v0  }
0x86: {  	[tilespmem:$0x76B0] =	vst v0  }
0x87: {  	[tilespmem:$0x76C0] =	vst v0  }
0x88: {  	[tilespmem:$0x76D0] =	vst v0  }
0x89: {  	[tilespmem:$0x76E0] =	vst v0  }
0x8a: {  	[tilespmem:$0x76F0] =	vst v0  }
0x8b: {  	[tilespmem:$0x7700] =	vst v0  }
0x8c: {  	[tilespmem:$0x7710] =	vst v0  }
0x8d: {  	[tilespmem:$0x7720] =	vst v0  }
0x8e: {  	[tilespmem:$0x7730] =	vst v0  }
0x8f: {  	[tilespmem:$0x7740] =	vst v0  }
0x90: {  	[tilespmem:$0x7750] =	vst v0  }
0x91: {  	[tilespmem:$0x7760] =	vst v0  }
0x92: {  	[tilespmem:$0x7770] =	vst v0  }
0x93: {  	[tilespmem:$0x7780] =	vst v0  }
0x94: {  	[tilespmem:$0x7790] =	vst v0  }
0x95: {  	[tilespmem:$0x77A0] =	vst v0  }
0x96: {  	[tilespmem:$0x77B0] =	vst v0  }
0x97: {  	[tilespmem:$0x77C0] =	vst v0  }
0x98: {  	[tilespmem:$0x77D0] =	vst v0  }
0x99: {  	[tilespmem:$0x77E0] =	vst v0  }
0x9a: {  	[tilespmem:$0x77F0] =	vst v0  }
0x9b: {  	[tilespmem:$0x7800] =	vst v0  }
0x9c: {  	[tilespmem:$0x7810] =	vst v0  }
0x9d: {  	[tilespmem:$0x7820] =	vst v0  }
0x9e: {  	[tilespmem:$0x7830] =	vst v0  }
0x9f: {  	[tilespmem:$0x7840] =	vst v0  }
0xa0: {  	[tilespmem:$0x7850] =	vst v0  }
0xa1: {  	[tilespmem:$0x7860] =	vst v0  }
0xa2: {  	[tilespmem:$0x7870] =	vst v0  }
0xa3: {  	[tilespmem:$0x7880] =	vst v0  }
0xa4: {  	[tilespmem:$0x7890] =	vst v0  }
0xa5: {  	[tilespmem:$0x78A0] =	vst v0  }
0xa6: {  	[tilespmem:$0x78B0] =	vst v0  }
0xa7: {  	[tilespmem:$0x78C0] =	vst v0  }
0xa8: {  	[tilespmem:$0x78D0] =	vst v0  }
0xa9: {  	[tilespmem:$0x78E0] =	vst v0  }
0xaa: {  	[tilespmem:$0x78F0] =	vst v0  }
0xab: {  	[tilespmem:$0x7900] =	vst v0  }
0xac: {  	[tilespmem:$0x7910] =	vst v0  }
0xad: {  	[tilespmem:$0x7920] =	vst v0  }
0xae: {  	[tilespmem:$0x7930] =	vst v0  }
0xaf: {  	[tilespmem:$0x7940] =	vst v0  }
0xb0: {  	[tilespmem:$0x7950] =	vst v0  }
0xb1: {  	[tilespmem:$0x7960] =	vst v0  }
0xb2: {  	[tilespmem:$0x7970] =	vst v0  }
0xb3: {  	[tilespmem:$0x7980] =	vst v0  }
0xb4: {  	[tilespmem:$0x7990] =	vst v0  }
0xb5: {  	[tilespmem:$0x79A0] =	vst v0  }
0xb6: {  	[tilespmem:$0x79B0] =	vst v0  }
0xb7: {  	[tilespmem:$0x79C0] =	vst v0  }
0xb8: {  	[tilespmem:$0x79D0] =	vst v0  }
0xb9: {  	[tilespmem:$0x79E0] =	vst v0  }
0xba: {  	[tilespmem:$0x79F0] =	vst v0  }
0xbb: {  	[tilespmem:$0x7A00] =	vst v0  }
0xbc: {  	[tilespmem:$0x7A10] =	vst v0  }
0xbd: {  	[tilespmem:$0x7A20] =	vst v0  }
0xbe: {  	[tilespmem:$0x7A30] =	vst v0  }
0xbf: {  	[tilespmem:$0x7A40] =	vst v0  }
0xc0: {  	[tilespmem:$0x7A50] =	vst v0  }
0xc1: {  	[tilespmem:$0x7A60] =	vst v0  }
0xc2: {  	[tilespmem:$0x7A70] =	vst v0  }
0xc3: {  	[tilespmem:$0x7A80] =	vst v0  }
0xc4: {  	[tilespmem:$0x7A90] =	vst v0  }
0xc5: {  	[tilespmem:$0x7AA0] =	vst v0  }
0xc6: {  	[tilespmem:$0x7AB0] =	vst v0  }
0xc7: {  	[tilespmem:$0x7AC0] =	vst v0  }
0xc8: {  	[tilespmem:$0x7AD0] =	vst v0  }
0xc9: {  	[tilespmem:$0x7AE0] =	vst v0  }
0xca: {  	[tilespmem:$0x7AF0] =	vst v0  }
0xcb: {  	[tilespmem:$0x7B00] =	vst v0  }
0xcc: {  	[tilespmem:$0x7B10] =	vst v0  }
0xcd: {  	[tilespmem:$0x7B20] =	vst v0  }
0xce: {  	[tilespmem:$0x7B30] =	vst v0  }
0xcf: {  	[tilespmem:$0x7B40] =	vst v0  }
0xd0: {  	[tilespmem:$0x7B50] =	vst v0  }
0xd1: {  	[tilespmem:$0x7B60] =	vst v0  }
0xd2: {  	[tilespmem:$0x7B70] =	vst v0  }
0xd3: {  	[tilespmem:$0x7B80] =	vst v0  }
0xd4: {  	[tilespmem:$0x7B90] =	vst v0  }
0xd5: {  	[tilespmem:$0x7BA0] =	vst v0  }
0xd6: {  	[tilespmem:$0x7BB0] =	vst v0  }
0xd7: {  	[tilespmem:$0x7BC0] =	vst v0  }
0xd8: {  	[tilespmem:$0x7BD0] =	vst v0  }
0xd9: {  	[tilespmem:$0x7BE0] =	vst v0  }
0xda: {  	[tilespmem:$0x7BF0] =	vst v0  }
0xdb: {  	[tilespmem:$0x7C00] =	vst v0  }
0xdc: {  	[tilespmem:$0x7C10] =	vst v0  }
0xdd: {  	[tilespmem:$0x7C20] =	vst v0  }
0xde: {  	[tilespmem:$0x7C30] =	vst v0  }
0xdf: {  	[tilespmem:$0x7C40] =	vst v0  }
0xe0: {  	[tilespmem:$0x7C50] =	vst v0  }
0xe1: {  	[tilespmem:$0x7C60] =	vst v0  }
0xe2: {  	[tilespmem:$0x7C70] =	vst v0  }
0xe3: {  	[tilespmem:$0x7C80] =	vst v0  }
0xe4: {  	[tilespmem:$0x7C90] =	vst v0  }
0xe5: {  	[tilespmem:$0x7CA0] =	vst v0  }
0xe6: {  	[tilespmem:$0x7CB0] =	vst v0  }
0xe7: {  	[tilespmem:$0x7CC0] =	vst v0  }
0xe8: {  	[tilespmem:$0x7CD0] =	vst v0  }
0xe9: {  	[tilespmem:$0x7CE0] =	vst v0  }
0xea: {  	[tilespmem:$0x7CF0] =	vst v0  }
0xeb: {  	[tilespmem:$0x7D00] =	vst v0  }
0xec: {  	[tilespmem:$0x7D10] =	vst v0  }
0xed: {  	[tilespmem:$0x7D20] =	vst v0  }
0xee: {  	[tilespmem:$0x7D30] =	vst v0  }
0xef: {  	[tilespmem:$0x7D40] =	vst v0  }
0xf0: {  	[tilespmem:$0x7D50] =	vst v0  }
0xf1: {  	[tilespmem:$0x7D60] =	vst v0  }
0xf2: {  	[tilespmem:$0x7D70] =	vst v0  }
0xf3: {  	[tilespmem:$0x7D80] =	vst v0  }
0xf4: {  	[tilespmem:$0x7D90] =	vst v0  }
0xf5: {  	[tilespmem:$0x7DA0] =	vst v0  }
0xf6: {  	[tilespmem:$0x7DB0] =	vst v0  }
0xf7: {  	[tilespmem:$0x7DC0] =	vst v0  }
0xf8: {  	[tilespmem:$0x7DD0] =	vst v0  }
0xf9: {  	[tilespmem:$0x7DE0] =	vst v0  }
0xfa: {  	[tilespmem:$0x7DF0] =	vst v0  }
0xfb: {  	[tilespmem:$0x7E00] =	vst v0  }
0xfc: {  	[tilespmem:$0x7E10] =	vst v0  }
0xfd: {  	[tilespmem:$0x7E20] =	vst v0  }
0xfe: {  	[tilespmem:$0x7E30] =	vst v0  }
0xff: {  	[tilespmem:$0x7E40] =	vst v0  }
0x100: {  	[tilespmem:$0x7E50] =	vst v0  }
0x101: {  	[tilespmem:$0x7E60] =	vst v0  }
0x102: {  	[tilespmem:$0x7E70] =	vst v0  }
0x103: {  	[tilespmem:$0x7E80] =	vst v0  }
0x104: {  	[tilespmem:$0x7E90] =	vst v0  }
0x105: {  	[tilespmem:$0x7EA0] =	vst v0  }
0x106: {  	[tilespmem:$0x7EB0] =	vst v0  }
0x107: {  	[tilespmem:$0x7EC0] =	vst v0  }
0x108: {  	[tilespmem:$0x7ED0] =	vst v0  }
0x109: {  	[tilespmem:$0x7EE0] =	vst v0  }
0x10a: {  	[tilespmem:$0x7EF0] =	vst v0  }
0x10b: {  	[tilespmem:$0x7F00] =	vst v0  }
0x10c: {  	[tilespmem:$0x7F10] =	vst v0  }
0x10d: {  	[tilespmem:$0x7F20] =	vst v0  }
0x10e: {  	[tilespmem:$0x7F30] =	vst v0  }
0x10f: {  	[tilespmem:$0x7F40] =	vst v0  }
0x110: {  	[tilespmem:$0x7F50] =	vst v0  }
0x111: {  	[tilespmem:$0x7F60] =	vst v0  }
0x112: {  	[tilespmem:$0x7F70] =	vst v0  }
0x113: {  	[tilespmem:$0x7F80] =	vst v0  }
0x114: {  	[tilespmem:$0x7F90] =	vst v0  }
0x115: {  	[tilespmem:$0x7FA0] =	vst v0  }
0x116: {  	[tilespmem:$0x7FB0] =	vst v0  }
0x117: {  	[tilespmem:$0x7FC0] =	vst v0  }
0x118: {  	[tilespmem:$0x7FD0] =	vst v0  }
0x119: {  	[tilespmem:$0x7FE0] =	vst v0  }
0x11a: {  	[tilespmem:$0x7FF0] =	vst v0  }
0x11b: {  	[tilespmem:$0x8000] =	vst v0  }
0x11c: {  	[tilespmem:$0x8010] =	vst v0  }
0x11d: {  	[tilespmem:$0x8020] =	vst v0  }
0x11e: {  	[tilespmem:$0x8030] =	vst v0  }
0x11f: {  	[tilespmem:$0x8040] =	vst v0  }
0x120: {  	[tilespmem:$0x8050] =	vst v0  }
0x121: {  	[tilespmem:$0x8060] =	vst v0  }
0x122: {  	[tilespmem:$0x8070] =	vst v0  }
0x123: {  	[tilespmem:$0x8080] =	vst v0  }
0x124: {  	[tilespmem:$0x8090] =	vst v0  }
0x125: {  	[tilespmem:$0x80A0] =	vst v0  }
0x126: {  	[tilespmem:$0x80B0] =	vst v0  }
0x127: {  	[tilespmem:$0x80C0] =	vst v0  }
0x128: {  	[tilespmem:$0x80D0] =	vst v0  }
0x129: {  	[tilespmem:$0x80E0] =	vst v0  }
0x12a: {  	[tilespmem:$0x80F0] =	vst v0  }
0x12b: {  	[tilespmem:$0x8100] =	vst v0  }
0x12c: {  	[tilespmem:$0x8110] =	vst v0  }
0x12d: {  	[tilespmem:$0x8120] =	vst v0  }
0x12e: {  	[tilespmem:$0x8130] =	vst v0  }
0x12f: {  	[tilespmem:$0x8140] =	vst v0  }
0x130: {  	[tilespmem:$0x8150] =	vst v0  }
0x131: {  	[tilespmem:$0x8160] =	vst v0  }
0x132: {  	[tilespmem:$0x8170] =	vst v0  }
0x133: {  	[tilespmem:$0x8180] =	vst v0  }
0x134: {  	[tilespmem:$0x8190] =	vst v0  }
0x135: {  	[tilespmem:$0x81A0] =	vst v0  }
0x136: {  	[tilespmem:$0x81B0] =	vst v0  }
0x137: {  	[tilespmem:$0x81C0] =	vst v0  }
0x138: {  	[tilespmem:$0x81D0] =	vst v0  }
0x139: {  	[tilespmem:$0x81E0] =	vst v0  }
0x13a: {  	[tilespmem:$0x81F0] =	vst v0  }
0x13b: {  	[tilespmem:$0x8200] =	vst v0  }
0x13c: {  	[tilespmem:$0x8210] =	vst v0  }
0x13d: {  	[tilespmem:$0x8220] =	vst v0  }
0x13e: {  	[tilespmem:$0x8230] =	vst v0  }
0x13f: {  	[tilespmem:$0x8240] =	vst v0  }
0x140: {  	[tilespmem:$0x8250] =	vst v0  }
0x141: {  	[tilespmem:$0x8260] =	vst v0  }
0x142: {  	[tilespmem:$0x8270] =	vst v0  }
0x143: {  	[tilespmem:$0x8280] =	vst v0  }
0x144: {  	[tilespmem:$0x8290] =	vst v0  }
0x145: {  	[tilespmem:$0x82A0] =	vst v0  }
0x146: {  	[tilespmem:$0x82B0] =	vst v0  }
0x147: {  	[tilespmem:$0x82C0] =	vst v0  }
0x148: {  	[tilespmem:$0x82D0] =	vst v0  }
0x149: {  	[tilespmem:$0x82E0] =	vst v0  }
0x14a: {  	[tilespmem:$0x82F0] =	vst v0  }
0x14b: {  	[tilespmem:$0x8300] =	vst v0  }
0x14c: {  	[tilespmem:$0x8310] =	vst v0  }
0x14d: {  	[tilespmem:$0x8320] =	vst v0  }
0x14e: {  	[tilespmem:$0x8330] =	vst v0  }
0x14f: {  	[tilespmem:$0x8340] =	vst v0  }
0x150: {  	[tilespmem:$0x8350] =	vst v0  }
0x151: {  	[tilespmem:$0x8360] =	vst v0  }
0x152: {  	[tilespmem:$0x8370] =	vst v0  }
0x153: {  	[tilespmem:$0x8380] =	vst v0  }
0x154: {  	[tilespmem:$0x8390] =	vst v0  }
0x155: {  	[tilespmem:$0x83A0] =	vst v0  }
0x156: {  	[tilespmem:$0x83B0] =	vst v0  }
0x157: {  	[tilespmem:$0x83C0] =	vst v0  }
0x158: {  	[tilespmem:$0x83D0] =	vst v0  }
0x159: {  	[tilespmem:$0x83E0] =	vst v0  }
0x15a: {  	[tilespmem:$0x83F0] =	vst v0  }
0x15b: {  	[spmem:s24] =	stream.linear.scatter [tilespmem:s31], [sflag:$0x5], $0x1400, $0x38;
	[tilespmem:$0x1D800] =	vst v63  }
0x15c: {  	_ =	swait.ge [sflag:s0], $0x1400  }
0x15d: {  	[sflag:s0] =	ssyncset.done $0x0  }
0x15e: {  	s13 =	rddreg [dreg:$0x7];
	[sflag:s0] =	ssyncadd.s32 $0xFFFFEC00  }
0x15f: {  	[spmem:s13] =	stream.linear.scatter [tilespmem:s31], [sflag:$0x5], $0x1400, $0x38;
	[tilespmem:$0x1D800] =	vst v63  }
0x160: {  	_ =	swait.ge [sflag:s0], $0x1400  }
0x161: {  	[sflag:s0] =	ssyncset.done $0x0  }
0x162: {  	s24 =	rddreg [dreg:$0x8];
	[sflag:s0] =	ssyncadd.s32 $0xFFFFEC00  }
0x163: {  	[spmem:s24] =	stream.linear.scatter [tilespmem:s31], [sflag:$0x5], $0x1400, $0x38;
	[tilespmem:$0x1D800] =	vst v63  }
0x164: {  	_ =	swait.ge [sflag:s0], $0x1400  }
0x165: {  	[sflag:s0] =	ssyncset.done $0x0  }
0x166: {  	s25 =	rddreg [dreg:$0x9];
	[sflag:s0] =	ssyncadd.s32 $0xFFFFEC00  }
0x167: {  	[spmem:s25] =	stream.linear.scatter [tilespmem:s31], [sflag:$0x5], $0x1400, $0x38;
	[tilespmem:$0x1D800] =	vst v63  }
0x168: {  	_ =	swait.ge [sflag:s0], $0x1400  }
0x169: {  	[sflag:s0] =	ssyncset.done $0x0  }
0x16a: {  	s26 =	rddreg [dreg:$0xa];
	[sflag:s0] =	ssyncadd.s32 $0xFFFFEC00  }
0x16b: {  	[spmem:s26] =	stream.linear.scatter [tilespmem:s31], [sflag:$0x5], $0x1400, $0x38;
	[tilespmem:$0x1D800] =	vst v63  }
0x16c: {  	_ =	swait.ge [sflag:s0], $0x1400  }
0x16d: {  	[sflag:s0] =	ssyncset.done $0x0  }
0x16e: {  	s28 =	rddreg [dreg:$0xb];
	[sflag:s0] =	ssyncadd.s32 $0xFFFFEC00  }
0x16f: {  	[spmem:s28] =	stream.linear.scatter [tilespmem:s31], [sflag:$0x5], $0x1400, $0x38;
	[tilespmem:$0x1D800] =	vst v63  }
0x170: {  	_ =	swait.ge [sflag:s0], $0x1400  }
0x171: {  	[sflag:s0] =	ssyncset.done $0x0  }
0x172: {  	s29 =	rddreg [dreg:$0xc];
	[sflag:s0] =	ssyncadd.s32 $0xFFFFEC00  }
0x173: {  	[spmem:s29] =	stream.linear.scatter [tilespmem:s31], [sflag:$0x5], $0x1400, $0x38;
	[tilespmem:$0x1D800] =	vst v63  }
0x174: {  	_ =	swait.ge [sflag:s0], $0x1400  }
0x175: {  	[sflag:s0] =	ssyncset.done $0x0  }
0x176: {  	s30 =	rddreg [dreg:$0xd];
	[sflag:s0] =	ssyncadd.s32 $0xFFFFEC00  }
0x177: {  	[spmem:s30] =	stream.linear.scatter [tilespmem:s31], [sflag:$0x5], $0x1400, $0x38;
	[tilespmem:$0x1D800] =	vst v63  }
0x178: {  	_ =	swait.ge [sflag:s0], $0x1400  }
0x179: {  	[sflag:s0] =	ssyncset.done $0x0  }
0x17a: {  	s22 =	rddreg [dreg:$0xe];
	[sflag:s0] =	ssyncadd.s32 $0xFFFFEC00  }
0x17b: {  	[spmem:s22] =	stream.linear.scatter [tilespmem:s31], [sflag:$0x5], $0x1400, $0x38;
	[tilespmem:$0x1D800] =	vst v63  }
0x17c: {  	_ =	swait.ge [sflag:s0], $0x1400  }
0x17d: {  	[sflag:s0] =	ssyncset.done $0x0  }
0x17e: {  	s23 =	rddreg [dreg:$0xf];
	[sflag:s0] =	ssyncadd.s32 $0xFFFFEC00  }
0x17f: {  	[spmem:s23] =	stream.linear.scatter [tilespmem:s31], [sflag:$0x5], $0x1400, $0x38;
	[tilespmem:$0x1D800] =	vst v63  }
0x180: {  	_ =	swait.ge [sflag:s0], $0x1400  }
0x181: {  	[sflag:s0] =	ssyncset.done $0x0  }
0x182: {  	s24 =	rddreg [dreg:$0x10];
	[sflag:s0] =	ssyncadd.s32 $0xFFFFEC00  }
0x183: {  	[spmem:s24] =	stream.linear.scatter [tilespmem:s31], [sflag:$0x5], $0x1400, $0x38;
	[tilespmem:$0x1D800] =	vst v63  }
0x184: {  	_ =	swait.ge [sflag:s0], $0x1400  }
0x185: {  	[sflag:s0] =	ssyncset.done $0x0  }
0x186: {  	s25 =	rddreg [dreg:$0x11];
	[sflag:s0] =	ssyncadd.s32 $0xFFFFEC00  }
0x187: {  	[spmem:s25] =	stream.linear.scatter [tilespmem:s31], [sflag:$0x5], $0x1400, $0x38;
	[tilespmem:$0x1D800] =	vst v63  }
0x188: {  	_ =	swait.ge [sflag:s0], $0x1400  }
0x189: {  	[sflag:s0] =	ssyncset.done $0x0  }
0x18a: {  	s26 =	rddreg [dreg:$0x12];
	[sflag:s0] =	ssyncadd.s32 $0xFFFFEC00  }
0x18b: {  	[spmem:s26] =	stream.linear.scatter [tilespmem:s31], [sflag:$0x5], $0x1400, $0x38;
	[tilespmem:$0x1D800] =	vst v63  }
0x18c: {  	_ =	swait.ge [sflag:s0], $0x1400  }
0x18d: {  	[sflag:s0] =	ssyncset.done $0x0  }
0x18e: {  	s28 =	rddreg [dreg:$0x13];
	[sflag:s0] =	ssyncadd.s32 $0xFFFFEC00  }
0x18f: {  	[spmem:s28] =	stream.linear.scatter [tilespmem:s31], [sflag:$0x5], $0x1400, $0x38;
	[tilespmem:$0x1D800] =	vst v63  }
0x190: {  	_ =	swait.ge [sflag:s0], $0x1400  }
0x191: {  	[sflag:s0] =	ssyncset.done $0x0  }
0x192: {  	s29 =	rddreg [dreg:$0x14];
	[sflag:s0] =	ssyncadd.s32 $0xFFFFEC00  }
0x193: {  	[spmem:s29] =	stream.linear.scatter [tilespmem:s31], [sflag:$0x5], $0x1400, $0x38;
	[tilespmem:$0x1D800] =	vst v63  }
0x194: {  	_ =	swait.ge [sflag:s0], $0x1400  }
0x195: {  	[sflag:s0] =	ssyncset.done $0x0  }
0x196: {  	s30 =	rddreg [dreg:$0x15];
	[sflag:s0] =	ssyncadd.s32 $0xFFFFEC00  }
0x197: {  	[spmem:s30] =	stream.linear.scatter [tilespmem:s31], [sflag:$0x5], $0x1400, $0x38;
	[tilespmem:$0x1D800] =	vst v63  }
0x198: {  	_ =	swait.ge [sflag:s0], $0x1400  }
0x199: {  	[sflag:s0] =	ssyncset.done $0x0  }
0x19a: {  	[sflag:s0] =	ssyncadd.s32 $0xFFFFEC00  }
0x19b: {  	s22 =	simm.s32 $0x0;
	[bflag:$0x0] =	sbarrier.arrive $0xFFFF  }
.LBB2_2:
0x19c: {  	s23 =	smul.u32 $0x7D0, s22;
	_ =	sdelay $0x1  }
0x19d: {  	s23 =	sadd.s32 s9, s23  }
0x19e: {  	s23 =	sshll.u32 s23, $0x1  }
0x19f: {  	s23 =	sadd.s32 s10, s23  }
0x1a0: {  	s23 =	sshrl.u32 s23, $0x3  }
0x1a1: {  	s25 =	smul.u32 $0x1C00, s22;
	s24 =	sadd.s32 s1, s23;
	s23 =	simm.s32 $0x0  }
0x1a2: {  	[tilespmem:s3], [sflag:$0x5] =	stream.linear.gather [hbm4b:s24+s23], $0xFA0, $0x38;
	[tilespmem:$0x1D800] =	vst v63  }
0x1a3: {  	s29 =	sadd.s32 s11, s25;
	_ =	swait.ge [sflag:s0], $0xFA0  }
0x1a4: {  	s24 =	sshrl.u32 s29, $0x3;
	[sflag:s0] =	ssyncset.done $0x0  }
0x1a5: {  	s24 =	sadd.s32 s5, s24;
	[sflag:s0] =	ssyncadd.s32 $0xFFFFF060  }
0x1a6: {  	[tilespmem:s23], [sflag:$0x5] =	stream.linear.gather [hbm4b:s24+s23], $0x1900, $0x38;
	[tilespmem:$0x1D800] =	vst v63  }
0x1a7: {  	s30 =	sadd.s32 s8, s25;
	_ =	swait.ge [sflag:s0], $0x1900  }
0x1a8: {  	s24 =	sshrl.u32 s30, $0x3;
	[sflag:s0] =	ssyncset.done $0x0  }
0x1a9: {  	s24 =	sadd.s32 s6, s24;
	[sflag:s0] =	ssyncadd.s32 $0xFFFFE700  }
0x1aa: {  	[tilespmem:s12], [sflag:$0x5] =	stream.linear.gather [hbm4b:s24+s23], $0x1900, $0x38;
	[tilespmem:$0x1D800] =	vst v63  }
0x1ab: {  	_ =	swait.ge [sflag:s0], $0x1900  }
0x1ac: {  	[sflag:s0] =	ssyncset.done $0x0  }
0x1ad: {  	s24 =	simm.s32 $0x0;
	[sflag:s0] =	ssyncadd.s32 $0xFFFFE700  }
0x1ae: {  	[tilespmem:s15], [sflag:$0x1] =	stream.indirect.gather [hbm4b:s7+s14], $0x80, s23, s14, $0xb8;
	[tilespmem:$0x1D800] =	vst v63  }
.LBB2_3:
0x1af: {  	_ =	swait.ge [sflag:s16], $0x1400  }
0x1b0: {  	s25 =	sshll.u32 s24, $0x8;
	p0 =	seq.s32 s24, $0x0;
	[sflag:s16] =	ssyncset.done $0x0  }
0x1b1: {  	s25 =	sor.u32 $0x80, s25;
	s26 =	simm.s32 @!p0 $0x3;
	[sflag:s16] =	ssyncadd.s32 $0xFFFFEC00  }
0x1b2: {  	[tilespmem:s17], [sflag:$0x2] =	stream.indirect.gather [hbm4b:s7+s14], $0x80, s25, s14, $0xb8;
	[tilespmem:$0x1D800] =	vst v63  }
0x1b3: {  	_ =	swait.ge @!p0 [sflag:s26], $0x1400  }
0x1b4: {  	s28 =	simm.s32 $0x7100;
	[sflag:s26] =	ssyncset.done @!p0 $0x0  }
0x1b5: {  	s29 =	simm.s32 $0x0;
	[sflag:s26] =	ssyncadd.s32 @!p0 $0xFFFFEC00;
	s26 =	simm.s32 $0x4900  }
.LBB2_4:
0x1b6: {  	s30 =	sadd.s32 s29, s23  }
0x1b7: {  	v1 =	vmov s30;
	s13 =	sadd.s32 $0x1, s30  }
0x1b8: {  	v1 =	vand.u32 $0xFFFFFFF8, v1;
	v2 =	vmov s13  }
0x1b9: {  	v1 =	vbroadcast v1, $0x0;
	v2 =	vand.u32 $0xFFFFFFF9, v2  }
0x1ba: {  	v2 =	vbroadcast v2, $0x0;
	_ =	sdelay $0x2  }
0x1bb: {  	v3 =	vld [tilespmem:s26+$0xFFFFFF00]  }
0x1bc: {  	v4 =	vld [tilespmem:s26+$0xFFFFFF40]  }
0x1bd: {  	v1 =	vld.idx.msk [tilespmem:v1+s3+$0x0], $0xffff  }
0x1be: {  	v2 =	vld.idx.msk [tilespmem:v2+s3+$0x0], $0xffff;
	_ =	sdelay $0x3  }
0x1bf: {  	v5 =	vunpack.i.u.bf16.f32 v3;
	v3 =	vunpack.i.l.bf16.f32 v3;
	v6 =	vunpack.i.l.bf16.f32 v4  }
0x1c0: {  	v4 =	vunpack.i.u.bf16.f32 v4;
	v3 =	vmul.f32 v3, v1;
	v6 =	vmul.f32 v6, v2  }
0x1c1: {  	v5 =	vmul.f32 v5, v1;
	v4 =	vmul.f32 v4, v2  }
0x1c2: {  	v3 =	vadd.f32 v6, v3  }
0x1c3: {  	v4 =	vadd.f32 v4, v5  }
0x1c4: {  	[tilespmem:s28+$0xFFFFFF00] =	vst v3  }
0x1c5: {  	[tilespmem:s28+$0xFFFFFF10] =	vst v4  }
0x1c6: {  	v3 =	vld [tilespmem:s26+$0xFFFFFF10]  }
0x1c7: {  	v4 =	vld [tilespmem:s26+$0xFFFFFF50];
	_ =	sdelay $0x4  }
0x1c8: {  	v29 =	vunpack.i.u.bf16.f32 v3;
	v3 =	vunpack.i.l.bf16.f32 v3;
	v30 =	vunpack.i.l.bf16.f32 v4  }
0x1c9: {  	v4 =	vunpack.i.u.bf16.f32 v4;
	v3 =	vmul.f32 v3, v1;
	v6 =	vmul.f32 v30, v2  }
0x1ca: {  	v5 =	vmul.f32 v29, v1;
	v4 =	vmul.f32 v4, v2  }
0x1cb: {  	v3 =	vadd.f32 v6, v3  }
0x1cc: {  	v4 =	vadd.f32 v4, v5  }
0x1cd: {  	[tilespmem:s28+$0xFFFFFF20] =	vst v3  }
0x1ce: {  	[tilespmem:s28+$0xFFFFFF30] =	vst v4  }
0x1cf: {  	v3 =	vld [tilespmem:s26+$0xFFFFFF20]  }
0x1d0: {  	v4 =	vld [tilespmem:s26+$0xFFFFFF60];
	_ =	sdelay $0x4  }
0x1d1: {  	v31 =	vunpack.i.u.bf16.f32 v3;
	v3 =	vunpack.i.l.bf16.f32 v3;
	v32 =	vunpack.i.l.bf16.f32 v4  }
0x1d2: {  	v4 =	vunpack.i.u.bf16.f32 v4;
	v3 =	vmul.f32 v3, v1;
	v6 =	vmul.f32 v32, v2  }
0x1d3: {  	v5 =	vmul.f32 v31, v1;
	v4 =	vmul.f32 v4, v2  }
0x1d4: {  	v3 =	vadd.f32 v6, v3  }
0x1d5: {  	v4 =	vadd.f32 v4, v5  }
0x1d6: {  	[tilespmem:s28+$0xFFFFFF40] =	vst v3  }
0x1d7: {  	[tilespmem:s28+$0xFFFFFF50] =	vst v4  }
0x1d8: {  	v3 =	vld [tilespmem:s26+$0xFFFFFF30]  }
0x1d9: {  	v4 =	vld [tilespmem:s26+$0xFFFFFF70]  }
0x1da: {  	s13 =	sadd.s32 $0x2, s30  }
0x1db: {  	v34 =	vmov s13  }
0x1dc: {  	v6 =	vand.u32 $0xFFFFFFFA, v34  }
0x1dd: {  	v6 =	vbroadcast v6, $0x0  }
0x1de: {  	v33 =	vunpack.i.u.bf16.f32 v3;
	v3 =	vunpack.i.l.bf16.f32 v3;
	v7 =	vunpack.i.l.bf16.f32 v4  }
0x1df: {  	v4 =	vunpack.i.u.bf16.f32 v4;
	v3 =	vmul.f32 v3, v1;
	v7 =	vmul.f32 v7, v2  }
0x1e0: {  	v1 =	vmul.f32 v33, v1;
	v2 =	vmul.f32 v4, v2  }
0x1e1: {  	v3 =	vadd.f32 v7, v3  }
0x1e2: {  	s13 =	sadd.s32 $0x3, s30;
	v1 =	vadd.f32 v2, v1  }
0x1e3: {  	v2 =	vmov s13;
	[tilespmem:s28+$0xFFFFFF60] =	vst v3  }
0x1e4: {  	[tilespmem:s28+$0xFFFFFF70] =	vst v1  }
0x1e5: {  	v1 =	vld.idx.msk [tilespmem:v6+s3+$0x0], $0xffff  }
0x1e6: {  	v3 =	vld [tilespmem:s26+$0xFFFFFF80]  }
0x1e7: {  	v35 =	vld [tilespmem:s26+$0xFFFFFFC0]  }
0x1e8: {  	v2 =	vld.idx.msk [tilespmem:v2+s3+$0x0], $0xffff;
	_ =	sdelay $0x3  }
0x1e9: {  	v36 =	vunpack.i.u.bf16.f32 v3;
	v3 =	vunpack.i.l.bf16.f32 v3;
	v37 =	vunpack.i.l.bf16.f32 v35  }
0x1ea: {  	v4 =	vunpack.i.u.bf16.f32 v35;
	v3 =	vmul.f32 v3, v1;
	v6 =	vmul.f32 v37, v2  }
0x1eb: {  	v5 =	vmul.f32 v36, v1;
	v4 =	vmul.f32 v4, v2  }
0x1ec: {  	v3 =	vadd.f32 v6, v3  }
0x1ed: {  	v4 =	vadd.f32 v4, v5  }
0x1ee: {  	[tilespmem:s28+$0xFFFFFF80] =	vst v3  }
0x1ef: {  	[tilespmem:s28+$0xFFFFFF90] =	vst v4  }
0x1f0: {  	v3 =	vld [tilespmem:s26+$0xFFFFFF90]  }
0x1f1: {  	v4 =	vld [tilespmem:s26+$0xFFFFFFD0];
	_ =	sdelay $0x4  }
0x1f2: {  	v38 =	vunpack.i.u.bf16.f32 v3;
	v3 =	vunpack.i.l.bf16.f32 v3;
	v39 =	vunpack.i.l.bf16.f32 v4  }
0x1f3: {  	v4 =	vunpack.i.u.bf16.f32 v4;
	v3 =	vmul.f32 v3, v1;
	v6 =	vmul.f32 v39, v2  }
0x1f4: {  	v5 =	vmul.f32 v38, v1;
	v4 =	vmul.f32 v4, v2  }
0x1f5: {  	v3 =	vadd.f32 v6, v3  }
0x1f6: {  	v4 =	vadd.f32 v4, v5  }
0x1f7: {  	[tilespmem:s28+$0xFFFFFFA0] =	vst v3  }
0x1f8: {  	[tilespmem:s28+$0xFFFFFFB0] =	vst v4  }
0x1f9: {  	v3 =	vld [tilespmem:s26+$0xFFFFFFA0]  }
0x1fa: {  	v4 =	vld [tilespmem:s26+$0xFFFFFFE0];
	_ =	sdelay $0x4  }
0x1fb: {  	v40 =	vunpack.i.u.bf16.f32 v3;
	v3 =	vunpack.i.l.bf16.f32 v3;
	v41 =	vunpack.i.l.bf16.f32 v4  }
0x1fc: {  	v4 =	vunpack.i.u.bf16.f32 v4;
	v3 =	vmul.f32 v3, v1;
	v6 =	vmul.f32 v41, v2  }
0x1fd: {  	v5 =	vmul.f32 v40, v1;
	v4 =	vmul.f32 v4, v2  }
0x1fe: {  	v3 =	vadd.f32 v6, v3  }
0x1ff: {  	v4 =	vadd.f32 v4, v5  }
0x200: {  	[tilespmem:s28+$0xFFFFFFC0] =	vst v3  }
0x201: {  	[tilespmem:s28+$0xFFFFFFD0] =	vst v4  }
0x202: {  	v3 =	vld [tilespmem:s26+$0xFFFFFFB0]  }
0x203: {  	v4 =	vld [tilespmem:s26+$0xFFFFFFF0]  }
0x204: {  	s13 =	sadd.s32 $0x4, s30  }
0x205: {  	v43 =	vmov s13  }
0x206: {  	v6 =	vand.u32 $0xFFFFFFFC, v43  }
0x207: {  	v6 =	vbroadcast v6, $0x0  }
0x208: {  	v42 =	vunpack.i.u.bf16.f32 v3;
	v3 =	vunpack.i.l.bf16.f32 v3;
	v44 =	vunpack.i.l.bf16.f32 v4  }
0x209: {  	v4 =	vunpack.i.u.bf16.f32 v4;
	v3 =	vmul.f32 v3, v1;
	v7 =	vmul.f32 v44, v2  }
0x20a: {  	v1 =	vmul.f32 v42, v1;
	v2 =	vmul.f32 v4, v2  }
0x20b: {  	v3 =	vadd.f32 v7, v3  }
0x20c: {  	s13 =	sadd.s32 $0x5, s30;
	v1 =	vadd.f32 v2, v1  }
0x20d: {  	v2 =	vmov s13;
	[tilespmem:s28+$0xFFFFFFE0] =	vst v3  }
0x20e: {  	[tilespmem:s28+$0xFFFFFFF0] =	vst v1  }
0x20f: {  	v1 =	vld.idx.msk [tilespmem:v6+s3+$0x0], $0xffff  }
0x210: {  	v3 =	vld [tilespmem:s26+$0x0]  }
0x211: {  	v45 =	vld [tilespmem:s26+$0x40]  }
0x212: {  	v2 =	vld.idx.msk [tilespmem:v2+s3+$0x0], $0xffff;
	_ =	sdelay $0x3  }
0x213: {  	v46 =	vunpack.i.u.bf16.f32 v3;
	v3 =	vunpack.i.l.bf16.f32 v3;
	v47 =	vunpack.i.l.bf16.f32 v45  }
0x214: {  	v4 =	vunpack.i.u.bf16.f32 v45;
	v3 =	vmul.f32 v3, v1;
	v6 =	vmul.f32 v47, v2  }
0x215: {  	v5 =	vmul.f32 v46, v1;
	v4 =	vmul.f32 v4, v2  }
0x216: {  	v3 =	vadd.f32 v6, v3  }
0x217: {  	v4 =	vadd.f32 v4, v5  }
0x218: {  	[tilespmem:s28+$0x0] =	vst v3  }
0x219: {  	[tilespmem:s28+$0x10] =	vst v4  }
0x21a: {  	v3 =	vld [tilespmem:s26+$0x10]  }
0x21b: {  	v4 =	vld [tilespmem:s26+$0x50];
	_ =	sdelay $0x4  }
0x21c: {  	v48 =	vunpack.i.u.bf16.f32 v3;
	v3 =	vunpack.i.l.bf16.f32 v3;
	v49 =	vunpack.i.l.bf16.f32 v4  }
0x21d: {  	v4 =	vunpack.i.u.bf16.f32 v4;
	v3 =	vmul.f32 v3, v1;
	v6 =	vmul.f32 v49, v2  }
0x21e: {  	v5 =	vmul.f32 v48, v1;
	v4 =	vmul.f32 v4, v2  }
0x21f: {  	v3 =	vadd.f32 v6, v3  }
0x220: {  	v4 =	vadd.f32 v4, v5  }
0x221: {  	[tilespmem:s28+$0x20] =	vst v3  }
0x222: {  	[tilespmem:s28+$0x30] =	vst v4  }
0x223: {  	v3 =	vld [tilespmem:s26+$0x20]  }
0x224: {  	v4 =	vld [tilespmem:s26+$0x60];
	_ =	sdelay $0x4  }
0x225: {  	v50 =	vunpack.i.u.bf16.f32 v3;
	v3 =	vunpack.i.l.bf16.f32 v3;
	v51 =	vunpack.i.l.bf16.f32 v4  }
0x226: {  	v4 =	vunpack.i.u.bf16.f32 v4;
	v3 =	vmul.f32 v3, v1;
	v6 =	vmul.f32 v51, v2  }
0x227: {  	v5 =	vmul.f32 v50, v1;
	v4 =	vmul.f32 v4, v2  }
0x228: {  	v3 =	vadd.f32 v6, v3  }
0x229: {  	v4 =	vadd.f32 v4, v5  }
0x22a: {  	[tilespmem:s28+$0x40] =	vst v3  }
0x22b: {  	[tilespmem:s28+$0x50] =	vst v4  }
0x22c: {  	v3 =	vld [tilespmem:s26+$0x30]  }
0x22d: {  	v4 =	vld [tilespmem:s26+$0x70]  }
0x22e: {  	s13 =	sadd.s32 $0x6, s30  }
0x22f: {  	v53 =	vmov s13  }
0x230: {  	v6 =	vand.u32 $0xFFFFFFFE, v53  }
0x231: {  	v6 =	vbroadcast v6, $0x0  }
0x232: {  	v52 =	vunpack.i.u.bf16.f32 v3;
	v3 =	vunpack.i.l.bf16.f32 v3;
	v54 =	vunpack.i.l.bf16.f32 v4  }
0x233: {  	v4 =	vunpack.i.u.bf16.f32 v4;
	v3 =	vmul.f32 v3, v1;
	v7 =	vmul.f32 v54, v2  }
0x234: {  	v1 =	vmul.f32 v52, v1;
	v2 =	vmul.f32 v4, v2  }
0x235: {  	v3 =	vadd.f32 v7, v3  }
0x236: {  	s30 =	sadd.s32 $0x7, s30;
	v1 =	vadd.f32 v2, v1  }
0x237: {  	v2 =	vmov s30;
	[tilespmem:s28+$0x60] =	vst v3  }
0x238: {  	[tilespmem:s28+$0x70] =	vst v1  }
0x239: {  	v1 =	vld.idx.msk [tilespmem:v6+s3+$0x0], $0xffff  }
0x23a: {  	v3 =	vld [tilespmem:s26+$0x80]  }
0x23b: {  	v55 =	vld [tilespmem:s26+$0xC0]  }
0x23c: {  	v2 =	vld.idx.msk [tilespmem:v2+s3+$0x0], $0xffff;
	_ =	sdelay $0x3  }
0x23d: {  	v56 =	vunpack.i.u.bf16.f32 v3;
	v3 =	vunpack.i.l.bf16.f32 v3;
	v57 =	vunpack.i.l.bf16.f32 v55  }
0x23e: {  	v4 =	vunpack.i.u.bf16.f32 v55;
	v3 =	vmul.f32 v3, v1;
	v6 =	vmul.f32 v57, v2  }
0x23f: {  	v5 =	vmul.f32 v56, v1;
	v4 =	vmul.f32 v4, v2  }
0x240: {  	v3 =	vadd.f32 v6, v3  }
0x241: {  	v4 =	vadd.f32 v4, v5  }
0x242: {  	[tilespmem:s28+$0x80] =	vst v3  }
0x243: {  	[tilespmem:s28+$0x90] =	vst v4  }
0x244: {  	v3 =	vld [tilespmem:s26+$0x90]  }
0x245: {  	v4 =	vld [tilespmem:s26+$0xD0];
	_ =	sdelay $0x4  }
0x246: {  	v58 =	vunpack.i.u.bf16.f32 v3;
	v3 =	vunpack.i.l.bf16.f32 v3;
	v59 =	vunpack.i.l.bf16.f32 v4  }
0x247: {  	v4 =	vunpack.i.u.bf16.f32 v4;
	v3 =	vmul.f32 v3, v1;
	v6 =	vmul.f32 v59, v2  }
0x248: {  	v5 =	vmul.f32 v58, v1;
	v4 =	vmul.f32 v4, v2  }
0x249: {  	v3 =	vadd.f32 v6, v3  }
0x24a: {  	v4 =	vadd.f32 v4, v5  }
0x24b: {  	[tilespmem:s28+$0xA0] =	vst v3  }
0x24c: {  	[tilespmem:s28+$0xB0] =	vst v4  }
0x24d: {  	v3 =	vld [tilespmem:s26+$0xA0]  }
0x24e: {  	v4 =	vld [tilespmem:s26+$0xE0];
	_ =	sdelay $0x4  }
0x24f: {  	v60 =	vunpack.i.u.bf16.f32 v3;
	v3 =	vunpack.i.l.bf16.f32 v3;
	v61 =	vunpack.i.l.bf16.f32 v4  }
0x250: {  	v4 =	vunpack.i.u.bf16.f32 v4;
	v3 =	vmul.f32 v3, v1;
	v6 =	vmul.f32 v61, v2  }
0x251: {  	v5 =	vmul.f32 v60, v1;
	v4 =	vmul.f32 v4, v2  }
0x252: {  	v3 =	vadd.f32 v6, v3  }
0x253: {  	v4 =	vadd.f32 v4, v5  }
0x254: {  	[tilespmem:s28+$0xC0] =	vst v3  }
0x255: {  	[tilespmem:s28+$0xD0] =	vst v4  }
0x256: {  	v3 =	vld [tilespmem:s26+$0xB0]  }
0x257: {  	v4 =	vld [tilespmem:s26+$0xF0];
	_ =	sdelay $0x4  }
0x258: {  	v62 =	vunpack.i.u.bf16.f32 v3;
	v3 =	vunpack.i.l.bf16.f32 v3;
	v63 =	vunpack.i.l.bf16.f32 v4  }
0x259: {  	p0 =	sne.s32 s29, $0x48;
	v4 =	vunpack.i.u.bf16.f32 v4;
	v3 =	vmul.f32 v3, v1;
	v6 =	vmul.f32 v63, v2  }
.Ltmp0:
0x25a: {  	v1 =	vmul.f32 v62, v1;
	v2 =	vmul.f32 v4, v2;
	(pc) =	sbr.rel @p0 .LBB2_4-.Ltmp0, $4  }
0x25b: {  	v3 =	vadd.f32 v6, v3  }
0x25c: {  	v1 =	vadd.f32 v2, v1  }
0x25d: {  	[tilespmem:s28+$0xE0] =	vst v3  }
0x25e: {  	s29 =	sadd.s32 $0x8, s29;
	s26 =	sadd.s32 $0x200, s26;
	[tilespmem:s28+$0xF0] =	vst v1;
	s28 =	sadd.s32 $0x200, s28  }
0x25f: {  	s13 =	sshll.u32 s24, $0xA  }
0x260: {  	s26 =	sshrl.u32 s13, $0x2  }
0x261: {  	p0 =	seq.s32 s24, $0x18;
	s26 =	sadd.s32 $0x1C00, s26  }
0x262: {  	[spmem:s2] =	stream.indirect.scatter.add.f32 [tilespmem:s31], [sflag:$0x3], $0x80, s26, s14, $0xb8;
	[tilespmem:$0x1D800] =	vst v63  }
0x263: {  	p1 =	seq.s32 @!p0 s24, $0x0;
	_ =	swait.ge [sflag:s18], $0x1400  }
0x264: {  	s13 =	sshrl.u32 @!p0 s13, $0x2;
	s28 =	simm.s32 @!p0 $0x4800;
	[sflag:s18] =	ssyncset.done $0x0  }
0x265: {  	s13 =	sadd.s32 @!p0 $0x100, s13;
	s26 =	simm.s32 @!p0 $0x28;
	[sflag:s18] =	ssyncadd.s32 $0xFFFFEC00  }
0x266: {  	[tilespmem:s28], [sflag:$0x1] =	stream.indirect.gather @!p0 [hbm4b:s7+s26], $0x80, s13, s26, $0xb8;
	[tilespmem:$0x1D800] =	vst v63  }
0x267: {  	p0 =	por p0, !p1  }
0x268: {  	_ =	swait.ge @p0 [sflag:s21], $0x1400  }
0x269: {  	s29 =	simm.s32 $0x8500;
	[sflag:s21] =	ssyncset.done @p0 $0x0  }
0x26a: {  	s26 =	simm.s32 $0x0;
	s28 =	simm.s32 $0x5D00;
	[sflag:s21] =	ssyncadd.s32 @p0 $0xFFFFEC00  }
.LBB2_6:
0x26b: {  	s30 =	sadd.s32 s26, s23  }
0x26c: {  	s13 =	sadd.s32 $0x50, s30  }
0x26d: {  	v1 =	vmov s13;
	s13 =	sadd.s32 $0x51, s30  }
0x26e: {  	v1 =	vand.u32 $0xFFFFFFF8, v1;
	v2 =	vmov s13  }
0x26f: {  	v1 =	vbroadcast v1, $0x0;
	v2 =	vand.u32 $0xFFFFFFF9, v2  }
0x270: {  	v2 =	vbroadcast v2, $0x0;
	_ =	sdelay $0x2  }
0x271: {  	v3 =	vld [tilespmem:s28+$0xFFFFFF00]  }
0x272: {  	v4 =	vld [tilespmem:s28+$0xFFFFFF40]  }
0x273: {  	v1 =	vld.idx.msk [tilespmem:v1+s3+$0x0], $0xffff  }
0x274: {  	v2 =	vld.idx.msk [tilespmem:v2+s3+$0x0], $0xffff;
	_ =	sdelay $0x3  }
0x275: {  	v5 =	vunpack.i.u.bf16.f32 v3;
	v3 =	vunpack.i.l.bf16.f32 v3;
	v6 =	vunpack.i.l.bf16.f32 v4  }
0x276: {  	v4 =	vunpack.i.u.bf16.f32 v4;
	v3 =	vmul.f32 v3, v1;
	v6 =	vmul.f32 v6, v2  }
0x277: {  	v5 =	vmul.f32 v5, v1;
	v4 =	vmul.f32 v4, v2  }
0x278: {  	v3 =	vadd.f32 v6, v3  }
0x279: {  	v4 =	vadd.f32 v4, v5  }
0x27a: {  	[tilespmem:s29+$0xFFFFFF00] =	vst v3  }
0x27b: {  	[tilespmem:s29+$0xFFFFFF10] =	vst v4  }
0x27c: {  	v3 =	vld [tilespmem:s28+$0xFFFFFF10]  }
0x27d: {  	v4 =	vld [tilespmem:s28+$0xFFFFFF50];
	_ =	sdelay $0x4  }
0x27e: {  	v29 =	vunpack.i.u.bf16.f32 v3;
	v3 =	vunpack.i.l.bf16.f32 v3;
	v30 =	vunpack.i.l.bf16.f32 v4  }
0x27f: {  	v4 =	vunpack.i.u.bf16.f32 v4;
	v3 =	vmul.f32 v3, v1;
	v6 =	vmul.f32 v30, v2  }
0x280: {  	v5 =	vmul.f32 v29, v1;
	v4 =	vmul.f32 v4, v2  }
0x281: {  	v3 =	vadd.f32 v6, v3  }
0x282: {  	v4 =	vadd.f32 v4, v5  }
0x283: {  	[tilespmem:s29+$0xFFFFFF20] =	vst v3  }
0x284: {  	[tilespmem:s29+$0xFFFFFF30] =	vst v4  }
0x285: {  	v3 =	vld [tilespmem:s28+$0xFFFFFF20]  }
0x286: {  	v4 =	vld [tilespmem:s28+$0xFFFFFF60];
	_ =	sdelay $0x4  }
0x287: {  	v31 =	vunpack.i.u.bf16.f32 v3;
	v3 =	vunpack.i.l.bf16.f32 v3;
	v32 =	vunpack.i.l.bf16.f32 v4  }
0x288: {  	v4 =	vunpack.i.u.bf16.f32 v4;
	v3 =	vmul.f32 v3, v1;
	v6 =	vmul.f32 v32, v2  }
0x289: {  	v5 =	vmul.f32 v31, v1;
	v4 =	vmul.f32 v4, v2  }
0x28a: {  	v3 =	vadd.f32 v6, v3  }
0x28b: {  	v4 =	vadd.f32 v4, v5  }
0x28c: {  	[tilespmem:s29+$0xFFFFFF40] =	vst v3  }
0x28d: {  	[tilespmem:s29+$0xFFFFFF50] =	vst v4  }
0x28e: {  	v3 =	vld [tilespmem:s28+$0xFFFFFF30]  }
0x28f: {  	v4 =	vld [tilespmem:s28+$0xFFFFFF70]  }
0x290: {  	s13 =	sadd.s32 $0x52, s30  }
0x291: {  	v34 =	vmov s13  }
0x292: {  	v6 =	vand.u32 $0xFFFFFFFA, v34  }
0x293: {  	v6 =	vbroadcast v6, $0x0  }
0x294: {  	v33 =	vunpack.i.u.bf16.f32 v3;
	v3 =	vunpack.i.l.bf16.f32 v3;
	v7 =	vunpack.i.l.bf16.f32 v4  }
0x295: {  	v4 =	vunpack.i.u.bf16.f32 v4;
	v3 =	vmul.f32 v3, v1;
	v7 =	vmul.f32 v7, v2  }
0x296: {  	v1 =	vmul.f32 v33, v1;
	v2 =	vmul.f32 v4, v2  }
0x297: {  	v3 =	vadd.f32 v7, v3  }
0x298: {  	s13 =	sadd.s32 $0x53, s30;
	v1 =	vadd.f32 v2, v1  }
0x299: {  	v2 =	vmov s13;
	[tilespmem:s29+$0xFFFFFF60] =	vst v3  }
0x29a: {  	[tilespmem:s29+$0xFFFFFF70] =	vst v1  }
0x29b: {  	v1 =	vld.idx.msk [tilespmem:v6+s3+$0x0], $0xffff  }
0x29c: {  	v3 =	vld [tilespmem:s28+$0xFFFFFF80]  }
0x29d: {  	v35 =	vld [tilespmem:s28+$0xFFFFFFC0]  }
0x29e: {  	v2 =	vld.idx.msk [tilespmem:v2+s3+$0x0], $0xffff;
	_ =	sdelay $0x3  }
0x29f: {  	v36 =	vunpack.i.u.bf16.f32 v3;
	v3 =	vunpack.i.l.bf16.f32 v3;
	v37 =	vunpack.i.l.bf16.f32 v35  }
0x2a0: {  	v4 =	vunpack.i.u.bf16.f32 v35;
	v3 =	vmul.f32 v3, v1;
	v6 =	vmul.f32 v37, v2  }
0x2a1: {  	v5 =	vmul.f32 v36, v1;
	v4 =	vmul.f32 v4, v2  }
0x2a2: {  	v3 =	vadd.f32 v6, v3  }
0x2a3: {  	v4 =	vadd.f32 v4, v5  }
0x2a4: {  	[tilespmem:s29+$0xFFFFFF80] =	vst v3  }
0x2a5: {  	[tilespmem:s29+$0xFFFFFF90] =	vst v4  }
0x2a6: {  	v3 =	vld [tilespmem:s28+$0xFFFFFF90]  }
0x2a7: {  	v4 =	vld [tilespmem:s28+$0xFFFFFFD0];
	_ =	sdelay $0x4  }
0x2a8: {  	v38 =	vunpack.i.u.bf16.f32 v3;
	v3 =	vunpack.i.l.bf16.f32 v3;
	v39 =	vunpack.i.l.bf16.f32 v4  }
0x2a9: {  	v4 =	vunpack.i.u.bf16.f32 v4;
	v3 =	vmul.f32 v3, v1;
	v6 =	vmul.f32 v39, v2  }
0x2aa: {  	v5 =	vmul.f32 v38, v1;
	v4 =	vmul.f32 v4, v2  }
0x2ab: {  	v3 =	vadd.f32 v6, v3  }
0x2ac: {  	v4 =	vadd.f32 v4, v5  }
0x2ad: {  	[tilespmem:s29+$0xFFFFFFA0] =	vst v3  }
0x2ae: {  	[tilespmem:s29+$0xFFFFFFB0] =	vst v4  }
0x2af: {  	v3 =	vld [tilespmem:s28+$0xFFFFFFA0]  }
0x2b0: {  	v4 =	vld [tilespmem:s28+$0xFFFFFFE0];
	_ =	sdelay $0x4  }
0x2b1: {  	v40 =	vunpack.i.u.bf16.f32 v3;
	v3 =	vunpack.i.l.bf16.f32 v3;
	v41 =	vunpack.i.l.bf16.f32 v4  }
0x2b2: {  	v4 =	vunpack.i.u.bf16.f32 v4;
	v3 =	vmul.f32 v3, v1;
	v6 =	vmul.f32 v41, v2  }
0x2b3: {  	v5 =	vmul.f32 v40, v1;
	v4 =	vmul.f32 v4, v2  }
0x2b4: {  	v3 =	vadd.f32 v6, v3  }
0x2b5: {  	v4 =	vadd.f32 v4, v5  }
0x2b6: {  	[tilespmem:s29+$0xFFFFFFC0] =	vst v3  }
0x2b7: {  	[tilespmem:s29+$0xFFFFFFD0] =	vst v4  }
0x2b8: {  	v3 =	vld [tilespmem:s28+$0xFFFFFFB0]  }
0x2b9: {  	v4 =	vld [tilespmem:s28+$0xFFFFFFF0]  }
0x2ba: {  	s13 =	sadd.s32 $0x54, s30  }
0x2bb: {  	v43 =	vmov s13  }
0x2bc: {  	v6 =	vand.u32 $0xFFFFFFFC, v43  }
0x2bd: {  	v6 =	vbroadcast v6, $0x0  }
0x2be: {  	v42 =	vunpack.i.u.bf16.f32 v3;
	v3 =	vunpack.i.l.bf16.f32 v3;
	v44 =	vunpack.i.l.bf16.f32 v4  }
0x2bf: {  	v4 =	vunpack.i.u.bf16.f32 v4;
	v3 =	vmul.f32 v3, v1;
	v7 =	vmul.f32 v44, v2  }
0x2c0: {  	v1 =	vmul.f32 v42, v1;
	v2 =	vmul.f32 v4, v2  }
0x2c1: {  	v3 =	vadd.f32 v7, v3  }
0x2c2: {  	s13 =	sadd.s32 $0x55, s30;
	v1 =	vadd.f32 v2, v1  }
0x2c3: {  	v2 =	vmov s13;
	[tilespmem:s29+$0xFFFFFFE0] =	vst v3  }
0x2c4: {  	[tilespmem:s29+$0xFFFFFFF0] =	vst v1  }
0x2c5: {  	v1 =	vld.idx.msk [tilespmem:v6+s3+$0x0], $0xffff  }
0x2c6: {  	v3 =	vld [tilespmem:s28+$0x0]  }
0x2c7: {  	v45 =	vld [tilespmem:s28+$0x40]  }
0x2c8: {  	v2 =	vld.idx.msk [tilespmem:v2+s3+$0x0], $0xffff;
	_ =	sdelay $0x3  }
0x2c9: {  	v46 =	vunpack.i.u.bf16.f32 v3;
	v3 =	vunpack.i.l.bf16.f32 v3;
	v47 =	vunpack.i.l.bf16.f32 v45  }
0x2ca: {  	v4 =	vunpack.i.u.bf16.f32 v45;
	v3 =	vmul.f32 v3, v1;
	v6 =	vmul.f32 v47, v2  }
0x2cb: {  	v5 =	vmul.f32 v46, v1;
	v4 =	vmul.f32 v4, v2  }
0x2cc: {  	v3 =	vadd.f32 v6, v3  }
0x2cd: {  	v4 =	vadd.f32 v4, v5  }
0x2ce: {  	[tilespmem:s29+$0x0] =	vst v3  }
0x2cf: {  	[tilespmem:s29+$0x10] =	vst v4  }
0x2d0: {  	v3 =	vld [tilespmem:s28+$0x10]  }
0x2d1: {  	v4 =	vld [tilespmem:s28+$0x50];
	_ =	sdelay $0x4  }
0x2d2: {  	v48 =	vunpack.i.u.bf16.f32 v3;
	v3 =	vunpack.i.l.bf16.f32 v3;
	v49 =	vunpack.i.l.bf16.f32 v4  }
0x2d3: {  	v4 =	vunpack.i.u.bf16.f32 v4;
	v3 =	vmul.f32 v3, v1;
	v6 =	vmul.f32 v49, v2  }
0x2d4: {  	v5 =	vmul.f32 v48, v1;
	v4 =	vmul.f32 v4, v2  }
0x2d5: {  	v3 =	vadd.f32 v6, v3  }
0x2d6: {  	v4 =	vadd.f32 v4, v5  }
0x2d7: {  	[tilespmem:s29+$0x20] =	vst v3  }
0x2d8: {  	[tilespmem:s29+$0x30] =	vst v4  }
0x2d9: {  	v3 =	vld [tilespmem:s28+$0x20]  }
0x2da: {  	v4 =	vld [tilespmem:s28+$0x60];
	_ =	sdelay $0x4  }
0x2db: {  	v50 =	vunpack.i.u.bf16.f32 v3;
	v3 =	vunpack.i.l.bf16.f32 v3;
	v51 =	vunpack.i.l.bf16.f32 v4  }
0x2dc: {  	v4 =	vunpack.i.u.bf16.f32 v4;
	v3 =	vmul.f32 v3, v1;
	v6 =	vmul.f32 v51, v2  }
0x2dd: {  	v5 =	vmul.f32 v50, v1;
	v4 =	vmul.f32 v4, v2  }
0x2de: {  	v3 =	vadd.f32 v6, v3  }
0x2df: {  	v4 =	vadd.f32 v4, v5  }
0x2e0: {  	[tilespmem:s29+$0x40] =	vst v3  }
0x2e1: {  	[tilespmem:s29+$0x50] =	vst v4  }
0x2e2: {  	v3 =	vld [tilespmem:s28+$0x30]  }
0x2e3: {  	v4 =	vld [tilespmem:s28+$0x70]  }
0x2e4: {  	s13 =	sadd.s32 $0x56, s30  }
0x2e5: {  	v53 =	vmov s13  }
0x2e6: {  	v6 =	vand.u32 $0xFFFFFFFE, v53  }
0x2e7: {  	v6 =	vbroadcast v6, $0x0  }
0x2e8: {  	v52 =	vunpack.i.u.bf16.f32 v3;
	v3 =	vunpack.i.l.bf16.f32 v3;
	v54 =	vunpack.i.l.bf16.f32 v4  }
0x2e9: {  	v4 =	vunpack.i.u.bf16.f32 v4;
	v3 =	vmul.f32 v3, v1;
	v7 =	vmul.f32 v54, v2  }
0x2ea: {  	v1 =	vmul.f32 v52, v1;
	v2 =	vmul.f32 v4, v2  }
0x2eb: {  	v3 =	vadd.f32 v7, v3  }
0x2ec: {  	s30 =	sadd.s32 $0x57, s30;
	v1 =	vadd.f32 v2, v1  }
0x2ed: {  	v2 =	vmov s30;
	[tilespmem:s29+$0x60] =	vst v3  }
0x2ee: {  	[tilespmem:s29+$0x70] =	vst v1  }
0x2ef: {  	v1 =	vld.idx.msk [tilespmem:v6+s3+$0x0], $0xffff  }
0x2f0: {  	v3 =	vld [tilespmem:s28+$0x80]  }
0x2f1: {  	v55 =	vld [tilespmem:s28+$0xC0]  }
0x2f2: {  	v2 =	vld.idx.msk [tilespmem:v2+s3+$0x0], $0xffff;
	_ =	sdelay $0x3  }
0x2f3: {  	v56 =	vunpack.i.u.bf16.f32 v3;
	v3 =	vunpack.i.l.bf16.f32 v3;
	v57 =	vunpack.i.l.bf16.f32 v55  }
0x2f4: {  	v4 =	vunpack.i.u.bf16.f32 v55;
	v3 =	vmul.f32 v3, v1;
	v6 =	vmul.f32 v57, v2  }
0x2f5: {  	v5 =	vmul.f32 v56, v1;
	v4 =	vmul.f32 v4, v2  }
0x2f6: {  	v3 =	vadd.f32 v6, v3  }
0x2f7: {  	v4 =	vadd.f32 v4, v5  }
0x2f8: {  	[tilespmem:s29+$0x80] =	vst v3  }
0x2f9: {  	[tilespmem:s29+$0x90] =	vst v4  }
0x2fa: {  	v3 =	vld [tilespmem:s28+$0x90]  }
0x2fb: {  	v4 =	vld [tilespmem:s28+$0xD0];
	_ =	sdelay $0x4  }
0x2fc: {  	v58 =	vunpack.i.u.bf16.f32 v3;
	v3 =	vunpack.i.l.bf16.f32 v3;
	v59 =	vunpack.i.l.bf16.f32 v4  }
0x2fd: {  	v4 =	vunpack.i.u.bf16.f32 v4;
	v3 =	vmul.f32 v3, v1;
	v6 =	vmul.f32 v59, v2  }
0x2fe: {  	v5 =	vmul.f32 v58, v1;
	v4 =	vmul.f32 v4, v2  }
0x2ff: {  	v3 =	vadd.f32 v6, v3  }
0x300: {  	v4 =	vadd.f32 v4, v5  }
0x301: {  	[tilespmem:s29+$0xA0] =	vst v3  }
0x302: {  	[tilespmem:s29+$0xB0] =	vst v4  }
0x303: {  	v3 =	vld [tilespmem:s28+$0xA0]  }
0x304: {  	v4 =	vld [tilespmem:s28+$0xE0];
	_ =	sdelay $0x4  }
0x305: {  	v60 =	vunpack.i.u.bf16.f32 v3;
	v3 =	vunpack.i.l.bf16.f32 v3;
	v61 =	vunpack.i.l.bf16.f32 v4  }
0x306: {  	v4 =	vunpack.i.u.bf16.f32 v4;
	v3 =	vmul.f32 v3, v1;
	v6 =	vmul.f32 v61, v2  }
0x307: {  	v5 =	vmul.f32 v60, v1;
	v4 =	vmul.f32 v4, v2  }
0x308: {  	v3 =	vadd.f32 v6, v3  }
0x309: {  	v4 =	vadd.f32 v4, v5  }
0x30a: {  	[tilespmem:s29+$0xC0] =	vst v3  }
0x30b: {  	[tilespmem:s29+$0xD0] =	vst v4  }
0x30c: {  	v3 =	vld [tilespmem:s28+$0xB0]  }
0x30d: {  	v4 =	vld [tilespmem:s28+$0xF0];
	_ =	sdelay $0x4  }
0x30e: {  	v62 =	vunpack.i.u.bf16.f32 v3;
	v3 =	vunpack.i.l.bf16.f32 v3;
	v63 =	vunpack.i.l.bf16.f32 v4  }
0x30f: {  	p0 =	sne.s32 s26, $0x48;
	v4 =	vunpack.i.u.bf16.f32 v4;
	v3 =	vmul.f32 v3, v1;
	v6 =	vmul.f32 v63, v2  }
.Ltmp1:
0x310: {  	v1 =	vmul.f32 v62, v1;
	v2 =	vmul.f32 v4, v2;
	(pc) =	sbr.rel @p0 .LBB2_6-.Ltmp1, $4  }
0x311: {  	v3 =	vadd.f32 v6, v3  }
0x312: {  	v1 =	vadd.f32 v2, v1  }
0x313: {  	[tilespmem:s29+$0xE0] =	vst v3  }
0x314: {  	s26 =	sadd.s32 $0x8, s26;
	s28 =	sadd.s32 $0x200, s28;
	[tilespmem:s29+$0xF0] =	vst v1;
	s29 =	sadd.s32 $0x200, s29  }
0x315: {  	s24 =	sadd.s32 $0x1, s24  }
0x316: {  	p0 =	sne.s32 s24, $0x19  }
.Ltmp2:
0x317: {  	_ = 	snop;
	(pc) =	sbr.rel @p0 .LBB2_3-.Ltmp2, $3  }
0x318: {  	_ =	sdelay $0x1  }
0x319: {  	s13 =	sadd.s32 $0x1C00, s25;
	s23 =	sadd.s32 $0xA0, s23  }
0x31a: {  	[spmem:s2] =	stream.indirect.scatter.add.f32 [tilespmem:s19], [sflag:$0x4], $0x80, s13, s14, $0xb8;
	[tilespmem:$0x1D800] =	vst v63  }
0x31b: {  	s22 =	sadd.s32 $0x1, s22  }
0x31c: {  	_ =	swait.ge [sflag:s20], $0x1400;
	p0 =	sne.s32 s22, $0xA  }
.Ltmp3:
0x31d: {  	[sflag:s20] =	ssyncset.done $0x0;
	(pc) =	sbr.rel @p0 .LBB2_2-.Ltmp3, $4  }
0x31e: {  	[sflag:s20] =	ssyncadd.s32 $0xFFFFEC00  }
0x31f: {  	_ =	swait.ge [sflag:s21], $0x1400  }
0x320: {  	[sflag:s21] =	ssyncset.done $0x0  }
0x321: {  	[sflag:s21] =	ssyncadd.s32 $0xFFFFEC00  }
0x322: {  	s13 =	stileid.u32;
	[bflag:$0x0] =	sbarrier.arrive $0xFFFF  }
0x323: {  	s13 =	sshll.u32 s13, $0x6;
	s24 =	rddreg [dreg:$0x5]  }
0x324: {  	s23 =	rddreg [dreg:$0x4];
	s13 =	sor.u32 $0x1C05, s13;
	s22 =	sshrl.u32 s24, $0x3  }
0x325: {  	[hbm:s23], [sflag:s13] =	dma.local [spmem:s22], $0x2800  }
0x326: {  	_ =	swait.ge [sflag:s0], $0x2800  }
0x327: {  	s4 =	sadd.s32 $0x1, s4;
	s30 =	rddreg [dreg:$0x6]  }
0x328: {  	p0 =	sne.s32 s4, s30  }
.Ltmp4:
0x329: {  	_ = 	snop;
	(pc) =	sbr.rel @p0 .LBB2_1-.Ltmp4, $3  }
0x32a: {  	_ =	sdelay $0x1  }
0x32b: {  	[sflag:s0] =	ssyncset.done $0x0  }
0x32c: {  	[sflag:s0] =	ssyncadd.s32 $0xFFFFD800  }
0x32d: {  	_ =	sfence.sel $0x180000  }
0x32e: {  	[bflag:$0x0] =	sbarrier.arrive $0xFFFF  }
0x32f: {  	_ =	strace $0x9000004D  }
0x330: {  	s0 =	stileid.u32;
	[bflag:$0x2] =	sbarrier.arrive $0xFFFF  }
0x331: {  	p0 =	sne.s32 s0, $0x0;
	s0 =	rddreg [dreg:$0x3]  }
0x332: {  	s0 =	sadd.s32 @!p0 $0x100000, s0  }
0x333: {  	[sflag:s0] =	ssyncadd.tile.s32 @!p0 $0x1;
	_ =	shalt  }
.Lfunc_end2:
_tile_overlayer_lowered:
.L_overlay_start_2:
0x334: {  	(tag) =	ssettag $0x2  }
0x335: {  	s0 =	rddreg [dreg:$0x0];
	s2 =	stileid.u32  }
0x336: {  	s1 =	rddreg [dreg:$0x1];
	p0 =	sne.s32 s2, $0x0  }
0x337: {  	s3 =	rddreg [dreg:$0x2];
	[bflag:$0x3] =	sbarrier.arrive $0xFFFF;
	s2 =	simm.s32 @!p0 $0x1C05  }
0x338: {  	[timem:s3], [sflag:s2] =	dma.local @!p0 [hbm:s0], s1  }
0x339: {  	s0 =	simm.s32 @!p0 $0x5  }
0x33a: {  	_ =	swait.ge @!p0 [sflag:s0], s1  }
0x33b: {  	s1 =	ssub.s32 @!p0 $0x0, s1;
	[sflag:s0] =	ssyncset.done @!p0 $0x0  }
0x33c: {  	[sflag:s0] =	ssyncadd.s32 @!p0 s1  }
0x33d: {  	[bflag:$0x3] =	sbarrier.arrive $0xFFFF  }
0x33e: {  	_ =	shalt  }

// kernel: _run.9.cloned.1.call-start
scs
__scs_entry_jumppad:
0x0: {  	(pc) =	sbr.rel $0x88, $3  }
0x1: {  	(tag) =	ssettag $0x0;
	lr =	simm.s32 $0x1  }
0x2: {  	[smem:$0x3F95] =	sst lr;
	_ =	strace $0xD0000000  }
0x3: {  	_ = 	snop  }
0x4: {  	_ = 	snop  }
0x5: {  	_ = 	snop  }
0x6: {  	_ = 	snop  }
0x7: {  	_ = 	snop  }
__scs_overlays_trampoline_lowered:
0x8: {  	[smem:$0x3FA4] =	sst s0  }
0x9: {  	[smem:$0x3FA5] =	sst s1  }
0xa: {  	[smem:$0x3FA6] =	sst s2  }
0xb: {  	[smem:$0x3FA7] =	sst s3  }
0xc: {  	[smem:$0x3FA8] =	sst s4  }
0xd: {  	[smem:$0x3FA9] =	sst s5  }
0xe: {  	[smem:$0x3FAA] =	sst s6  }
0xf: {  	[smem:$0x3FAB] =	sst s7  }
0x10: {  	[smem:$0x3FAC] =	sst s8  }
0x11: {  	[smem:$0x3FAD] =	sst s9;
	s0 =	simm.s32 @!p0 $0x0  }
0x12: {  	s1 =	sld [smem:$0x3F93];
	s0 =	simm.s32 @p0 $0x1  }
0x13: {  	[smem:$0x3FAE] =	sst s0;
	s0 =	simm.s32 @!p1 $0x0  }
0x14: {  	s2 =	sld [smem:$0x3F92];
	s0 =	simm.s32 @p1 $0x1  }
0x15: {  	[smem:$0x3FAF] =	sst s0;
	s0 =	simm.s32 @!p2 $0x0  }
0x16: {  	s3 =	sld [smem:$0x3FDB];
	s0 =	simm.s32 @p2 $0x1  }
0x17: {  	s4 =	simm.s32 $0x1BF5;
	[smem:$0x3FB1] =	sst s0  }
0x18: {  	s0 =	sld [smem:$0x3F94];
	_ =	swait.ge [sflag:s4], $0x0  }
0x19: {  	s7 =	sld [smem:$0x3F95]  }
0x1a: {  	s8 =	sadd.s32 $0xFFFFE003, lr  }
0x1b: {  	s9 =	sadd.s32 $0xFFFFFEF7, lr;
	s5 =	simm.s32 $0xFFFFFFFF;
	p2 =	slt.u32 s8, $0xFFFFF086  }
0x1c: {  	p1 =	slt.u32 s9, $0xF7A;
	s5 =	simm.s32 @!p2 $0x0  }
0x1d: {  	s5 =	simm.s32 @p1 $0x1;
	p0 =	seq.s32 s7, s2  }
0x1e: {  	s7 =	smul.u32 @!p0 $0xF7A, s2;
	p2 =	seq.s32 @!p0 s5, $0x0  }
0x1f: {  	s9 =	smul.u32 $0xF7A, s1;
	s8 =	simm.s32 @!p0 $0x1BF5;
	p2 =	por !p2, p0  }
0x20: {  	[sflag:s8] =	ssyncset.s32 @!p0 $0xFFFFF086;
	s6 =	sadd.s32 @!p0 s3, s7;
	s7 =	simm.s32 @!p0 $0x108  }
0x21: {  	s3 =	sadd.s32 s3, s9;
	s6 =	sadd.s32 @!p0 $0x88, s6;
	s7 =	simm.s32 @p2 $0x1082  }
0x22: {  	[simem:s7], [sflag:s8] =	dma.local @!p0 [hbm:s6], $0xF7A  }
0x23: {  	s9 =	sor.u32 $0xD0000000, s2;
	s6 =	simm.s32 $0x108;
	_ =	swait.ge @!p0 [sflag:s8], $0x0  }
0x24: {  	s3 =	sadd.s32 $0x88, s3;
	s6 =	simm.s32 @!p1 $0x1082;
	[sflag:s4] =	ssyncset.s32 $0xFFFFF086  }
0x25: {  	[simem:s6], [sflag:s4] =	dma.local [hbm:s3], $0xF7A  }
0x26: {  	[smem:$0x3F95] =	sst s1;
	(tag) =	ssettag s2;
	_ =	strace s9  }
0x27: {  	s1 =	sld [smem:$0x3FA5]  }
0x28: {  	s2 =	sld [smem:$0x3FA6]  }
0x29: {  	s4 =	sld [smem:$0x3FA8]  }
0x2a: {  	p0 =	seq.s32 s5, $0x0;
	s5 =	sld [smem:$0x3FA9]  }
0x2b: {  	s6 =	sld [smem:$0x3FAA]  }
0x2c: {  	s7 =	sld [smem:$0x3FAB]  }
0x2d: {  	s3 =	simm.s32 $0x108;
	s8 =	sld [smem:$0x3FAC]  }
0x2e: {  	s3 =	simm.s32 @!p0 $0x1082;
	s9 =	sld [smem:$0x3FAD]  }
0x2f: {  	lr =	sadd.s32 s0, s3;
	s0 =	sld [smem:$0x3FA4]  }
0x30: {  	s3 =	sld [smem:$0x3FA7]  }
0x31: {  	[smem:$0x3FB0] =	sst s10  }
0x32: {  	s10 =	sld [smem:$0x3FAE];
	_ =	sdelay $0x3  }
0x33: {  	p0 =	seq.s32 s10, $0x1;
	s10 =	sld [smem:$0x3FB0];
	_ =	sdelay $0x3  }
0x34: {  	[smem:$0x3FB0] =	sst s10  }
0x35: {  	s10 =	sld [smem:$0x3FAF];
	_ =	sdelay $0x3  }
0x36: {  	p1 =	seq.s32 s10, $0x1;
	s10 =	sld [smem:$0x3FB0];
	_ =	sdelay $0x3  }
0x37: {  	[smem:$0x3FB0] =	sst s10  }
0x38: {  	s10 =	sld [smem:$0x3FB1]  }
0x39: {  	_ = 	snop;
	(pc) =	sbr.ind lr, $3  }
0x3a: {  	_ = 	snop  }
0x3b: {  	_ = 	snop  }
0x3c: {  	p2 =	seq.s32 s10, $0x1;
	s10 =	sld [smem:$0x3FB0]  }
0x3d: {  	_ =	shalt  }
0x3e: {  	_ =	shalt  }
0x3f: {  	_ =	shalt  }
0x40: {  	_ =	shalt  }
0x41: {  	_ =	shalt  }
0x42: {  	_ =	shalt  }
0x43: {  	_ =	shalt  }
0x44: {  	_ =	shalt  }
0x45: {  	_ =	shalt  }
0x46: {  	_ =	shalt  }
0x47: {  	_ =	shalt  }
0x48: {  	_ =	shalt  }
0x49: {  	_ =	shalt  }
0x4a: {  	_ =	shalt  }
0x4b: {  	_ =	shalt  }
0x4c: {  	_ =	shalt  }
0x4d: {  	_ =	shalt  }
0x4e: {  	_ =	shalt  }
0x4f: {  	_ =	shalt  }
0x50: {  	_ =	shalt  }
0x51: {  	_ =	shalt  }
0x52: {  	_ =	shalt  }
0x53: {  	_ =	shalt  }
0x54: {  	_ =	shalt  }
0x55: {  	_ =	shalt  }
0x56: {  	_ =	shalt  }
0x57: {  	_ =	shalt  }
0x58: {  	_ =	shalt  }
0x59: {  	_ =	shalt  }
0x5a: {  	_ =	shalt  }
0x5b: {  	_ =	shalt  }
0x5c: {  	_ =	shalt  }
0x5d: {  	_ =	shalt  }
0x5e: {  	_ =	shalt  }
0x5f: {  	_ =	shalt  }
0x60: {  	_ =	shalt  }
0x61: {  	_ =	shalt  }
0x62: {  	_ =	shalt  }
0x63: {  	_ =	shalt  }
0x64: {  	_ =	shalt  }
0x65: {  	_ =	shalt  }
0x66: {  	_ =	shalt  }
0x67: {  	_ =	shalt  }
0x68: {  	_ =	shalt  }
0x69: {  	_ =	shalt  }
0x6a: {  	_ =	shalt  }
0x6b: {  	_ =	shalt  }
0x6c: {  	_ =	shalt  }
0x6d: {  	_ =	shalt  }
0x6e: {  	_ =	shalt  }
0x6f: {  	_ =	shalt  }
0x70: {  	_ =	shalt  }
0x71: {  	_ =	shalt  }
0x72: {  	_ =	shalt  }
0x73: {  	_ =	shalt  }
0x74: {  	_ =	shalt  }
0x75: {  	_ =	shalt  }
0x76: {  	_ =	shalt  }
0x77: {  	_ =	shalt  }
0x78: {  	_ =	shalt  }
0x79: {  	_ =	shalt  }
0x7a: {  	_ =	shalt  }
0x7b: {  	_ =	shalt  }
0x7c: {  	_ =	shalt  }
0x7d: {  	_ =	shalt  }
0x7e: {  	_ =	shalt  }
0x7f: {  	_ =	shalt  }
0x80: {  	_ =	shalt  }
0x81: {  	_ =	shalt  }
0x82: {  	_ =	shalt  }
0x83: {  	_ =	shalt  }
0x84: {  	_ =	shalt  }
0x85: {  	_ =	shalt  }
0x86: {  	_ =	shalt  }
0x87: {  	_ =	shalt  }
.Lfunc_end0:
.L_simem_size_0:
called_computation_lowered:
.L_overlay_start_0:
0x88: {  	s2 =	sld [smem:$0x3FD9]  }
0x89: {  	s3 =	sld [smem:$0x3FFE];
	_ =	sdelay $0x1  }
0x8a: {  	s1 =	srdreg.scid  }
0x8b: {  	s0 =	sand.u32 $0x1, s1  }
0x8c: {  	s17 =	sshll.u32 s0, $0xA;
	s2 =	sadd.s32 s3, s2  }
0x8d: {  	s2 =	sadd.s32 s2, s17  }
0x8e: {  	[smem:$0x3FBC] =	sst s2  }
0x8f: {  	_ = 	snop  }
0x90: {  	s2 =	sld [smem:$0x3FD0];
	(tm) =	ssettm $0x1  }
0x91: {  	s18 =	sld [smem:$0x3FFB];
	_ =	sdelay $0x3  }
0x92: {  	_ =	strace s18  }
0x93: {  	s3 =	sld [smem:$0x3FFC];
	_ =	sdelay $0x3  }
0x94: {  	_ =	strace s3  }
0x95: {  	s3 =	sld [smem:$0x3FFD];
	_ =	sdelay $0x3  }
0x96: {  	_ =	strace s3  }
0x97: {  	_ =	strace $0x8FFFFFFF  }
0x98: {  	s19 =	sld [smem:$0x3FDB];
	_ =	sdelay $0x1  }
0x99: {  	s4 =	simm.s32 $_scs_section_size  }
0x9a: {  	s5 =	simm.s32 $_size__tile_overlayer_lowered;
	s6 =	simm.s32 $_tile_overlayer_lowered  }
0x9b: {  	s22 =	simm.s32 $0x1BFF;
	s21 =	sshll.u32 s6, $0x1;
	s3 =	sadd.s32 s4, s19  }
0x9c: {  	s7 =	simm.s32 $0x0;
	s20 =	sshll.u32 s5, $0x1;
	s5 =	sadd.s32 s21, s3  }
0x9d: {  	[timem:s7], [sflag:s22] =	dma.local [hbm:s5], s20  }
0x9e: {  	_ =	swait.ge [sflag:s22], s20  }
0x9f: {  	s4 =	ssub.s32 $0x0, s20;
	[sflag:s22] =	ssyncset.done $0x0  }
0xa0: {  	[sflag:s22] =	ssyncadd.s32 s4;
	_ =	sdelay $0x1  }
0xa1: {  	s23 =	simm.s32 $0x1B8B  }
0xa2: {  	_ =	swait.ge [sflag:s23], $0x1  }
0xa3: {  	[sflag:s23] =	ssyncset.done $0x0  }
0xa4: {  	s25 =	simm.s32 $0x1B8E;
	s24 =	sld [smem:$0x3FFE];
	[sflag:s23] =	ssyncadd.s32 $0xFFFFFFFF  }
0xa5: {  	s26 =	simm.s32 $execute0_lowered;
	[smem:$0x3FD2] =	sst s25  }
0xa6: {  	s5 =	sshll.u32 s26, $0x1;
	_ =	strace $0x80000046;
	[dreg:$0x1] =	wrdreg $0xFFFFFFFF  }
0xa7: {  	s28 =	simm.s32 $_size_execute0_lowered;
	s3 =	sadd.s32 s3, s5;
	[dreg:$0x0] =	wrdreg $0x0  }
0xa8: {  	s5 =	sshll.u32 s28, $0x1;
	[dreg:$0x2] =	wrdreg s3  }
0xa9: {  	[dreg:$0x3] =	wrdreg s5  }
0xaa: {  	[dreg:$0x4] =	wrdreg $0xC0  }
0xab: {  	_ =	task [dreg:s7], $0x5FFFF  }
0xac: {  	[dreg:$0x1] =	wrdreg $0xFFFFFFFF  }
0xad: {  	[dreg:$0x0] =	wrdreg $0x60  }
0xae: {  	[dreg:$0x2] =	wrdreg s24  }
0xaf: {  	[dreg:$0x3] =	wrdreg s2  }
0xb0: {  	[dreg:$0x4] =	wrdreg $0x9  }
0xb1: {  	_ =	task.clear_ibuf [dreg:s7], $0x5FFFF;
	_ =	strace $0x90000046  }
0xb2: {  	s29 =	simm.s32 $0x9;
	_ =	strace $0x80000048  }
0xb3: {  	_ =	swait.ge [sflag:s29], $0x1  }
0xb4: {  	[sflag:s29] =	ssyncadd.s32 $0xFFFFFFFF  }
0xb5: {  	_ =	strace $0x90000048  }
0xb6: {  	_ =	sfence  }
0xb7: {  	s30 =	sld [smem:$0x0];
	_ =	sdelay $0x2  }
0xb8: {  	s31 =	sshll.u32 s1, $0xD;
	s1 =	sshrl.u32 s1, $0x2  }
0xb9: {  	s3 =	sand.u32 $0x4000, s31;
	s1 =	sadd.s32 s1, s30  }
0xba: {  	s0 =	sor.u32 s3, s0;
	s1 =	sshll.u32 s1, $0x11  }
0xbb: {  	s0 =	sor.u32 s1, s0  }
0xbc: {  	s0 =	sadd.s32 $0x8F2B, s0  }
0xbd: {  	[sflag:s0] =	ssyncadd.remote.s32 $0x1  }
0xbe: {  	_ =	sfence.sel $0xFFFF  }
0xbf: {  	[dreg:$0x0] =	wrdreg $0xFFFFFFFF;
	(pc) =	sbr.abs _section_cstart, $3  }
0xc0: {  	[dreg:$0x1] =	wrdreg $0xFFFFFFFF  }
0xc1: {  	_ =	task.clear_ibuf [dreg:s7], $0x2FFFF;
	_ =	strace $0x9FFFFFFF  }
0xc2: {  	(tm) =	ssettm $0x7FFFFFFF  }
0xc3: {  	_ =	shalt  }
tec
execute0_lowered:
.L_overlay_start_1:
0x0: {  	(tag) =	ssettag $0x1  }
0x1: {  	s7 =	rddreg [dreg:$0x0]  }
0x2: {  	s1 =	rddreg [dreg:$0x1]  }
0x3: {  	s0 =	rddreg [dreg:$0x2];
	s2 =	simm.s32 $0x0  }
0x4: {  	s3 =	srdreg.scid;
	s14 =	simm.s32 $0x4E80;
	s15 =	simm.s32 $0x9D00  }
0x5: {  	s16 =	simm.s32 $0xA100;
	s17 =	simm.s32 $0xB500;
	s18 =	simm.s32 $0xAD00  }
0x6: {  	s19 =	simm.s32 $0x0;
	[smem:$0x7FF] =	sst s2;
	s8 =	sand.u32 $0x1, s3  }
0x7: {  	s3 =	stileid.u32;
	s4 =	sadd.s32 $0x4200, s7;
	_ =	strace $0x80000047  }
0x8: {  	s5 =	sshll.u32 s8, $0x4;
	s6 =	smul.u32 $0x9C4, s8;
	s10 =	ssub.s32 $0x2, s8  }
0x9: {  	s8 =	smul.u32 $0x9C400, s8;
	s9 =	sor.u32 s3, s5;
	s5 =	sadd.s32 $0xE000, s7  }
0xa: {  	s12 =	sshrl.u32 s10, $0x1;
	s9 =	smul.u32 $0x9C4, s9;
	s11 =	sadd.s32 s6, s7  }
0xb: {  	s6 =	sadd.s32 $0x2B800, s7;
	s12 =	ssub.s32 s10, s12;
	s10 =	sadd.s32 $0x2E00, s11  }
0xc: {  	v2 =	vlaneseq.u32;
	s12 =	smax.u32 s12, $0x1;
	s13 =	sadd.s32 s9, s7;
	s7 =	smul.u32 $0x4E20, s3  }
0xd: {  	v0 =	vimm.f32 $0.0e+00;
	v1 =	vshrl.u32 v2, $0x1;
	v2 =	vand.u32 $0x1, v2;
	s9 =	sadd.s32 $0xED400, s11;
	s11 =	sadd.s32 $0x17E00, s13;
	s13 =	simm.s32 $0x1  }
.LBB2_1:
0xe: {  	[tilespmem:s2], [sflag:$0x1] =	stream.linear.gather [hbm4b:s9+s2], $0x4E20, $0x38;
	[tilespmem:$0x10380] =	vst v63  }
0xf: {  	_ =	swait.ge [sflag:s13], $0x4E20  }
0x10: {  	[sflag:s13] =	ssyncset.done $0x0  }
0x11: {  	[sflag:s13] =	ssyncadd.s32 $0xFFFFB1E0  }
0x12: {  	[tilespmem:s14], [sflag:$0x1] =	stream.linear.gather [hbm4b:s10+s2], $0x4E20, $0x38;
	[tilespmem:$0x10380] =	vst v63  }
0x13: {  	_ =	swait.ge [sflag:s13], $0x4E20  }
0x14: {  	[sflag:s13] =	ssyncset.done $0x0  }
0x15: {  	s20 =	simm.s32 $0x40;
	s21 =	simm.s32 $0x0;
	[sflag:s13] =	ssyncadd.s32 $0xFFFFB1E0  }
.LBB2_2:
0x16: {  	p0 =	sne.s32 s20, $0x13840;
	[tilespmem:s21+$0xB500] =	vst v0;
	s21 =	smov.u32 s20;
	s20 =	sadd.s32 $0x40, s20  }
.Ltmp0:
0x17: {  	(pc) =	sbr.rel @p0 .LBB2_2-.Ltmp0, $2  }
0x18: {  	_ =	sdelay $0x2  }
0x19: {  	s21 =	sshra.s32 s21, $0x2  }
0x1a: {  	[tilespmem:s21+$0xB500] =	vst v0;
	s20 =	simm.s32 $0x0;
	s21 =	simm.s32 $0x0  }
.LBB2_4:
0x1b: {  	s22 =	smul.u32 $0x3E8, s21;
	_ =	sdelay $0x1  }
0x1c: {  	s22 =	sadd.s32 s7, s22  }
0x1d: {  	s23 =	sshrl.u32 s22, $0x3  }
0x1e: {  	s24 =	sadd.s32 s4, s23  }
0x1f: {  	[tilespmem:s15], [sflag:$0x1] =	stream.linear.gather [hbm4b:s24+s20], $0x3E8, $0x38;
	[tilespmem:$0x10380] =	vst v63  }
0x20: {  	_ =	swait.ge [sflag:s13], $0x3E8  }
0x21: {  	[sflag:s13] =	ssyncset.done $0x0  }
0x22: {  	s22 =	sshll.u32 s22, $0x1;
	s23 =	sadd.s32 s5, s23;
	[sflag:s13] =	ssyncadd.s32 $0xFFFFFC18  }
0x23: {  	[tilespmem:s16], [sflag:$0x1] =	stream.linear.gather [hbm4b:s23+s20], $0x3E8, $0x38;
	[tilespmem:$0x10380] =	vst v63  }
0x24: {  	s22 =	sadd.s32 s8, s22;
	_ =	swait.ge [sflag:s13], $0x3E8  }
0x25: {  	s22 =	sshrl.u32 s22, $0x3;
	[sflag:s13] =	ssyncset.done $0x0  }
0x26: {  	v3 =	vor.u32 s20, v1;
	s31 =	sadd.s32 s1, s22;
	s23 =	simm.s32 $0xA500;
	[sflag:s13] =	ssyncadd.s32 $0xFFFFFC18  }
0x27: {  	[tilespmem:s23], [sflag:$0x1] =	stream.linear.gather [hbm4b:s31+s20], $0x7D0, $0x38;
	[tilespmem:$0x10380] =	vst v63  }
0x28: {  	_ =	swait.ge [sflag:s13], $0x7D0  }
0x29: {  	[sflag:s13] =	ssyncset.done $0x0  }
0x2a: {  	[sflag:s13] =	ssyncadd.s32 $0xFFFFF830  }
0x2b: {  	v4 =	vld.idx.msk [tilespmem:v3+s15+$0x0], $0xffff  }
0x2c: {  	v3 =	vld.idx.msk [tilespmem:v3+s16+$0x0], $0xffff;
	_ =	sdelay $0x3  }
0x2d: {  	v4 =	vshll.u32 v4, $0x1  }
0x2e: {  	v3 =	vshll.u32 v3, $0x1;
	v4 =	vor.u32 v2, v4  }
0x2f: {  	v3 =	vor.u32 v2, v3;
	_ =	sdelay $0x3  }
0x30: {  	v4 =	vld.idx.msk [tilespmem:v4+s14+$0x0], $0xffff  }
0x31: {  	v5 =	vld.idx.msk [tilespmem:v3+s2+$0x0], $0xffff;
	_ =	sdelay $0x1  }
0x32: {  	v6 =	vld [tilespmem:s23+$0x0];
	_ =	sdelay $0x2  }
0x33: {  	v4 =	vadd.f32 v4, v5;
	_ =	sdelay $0x1  }
0x34: {  	v4 =	vadd.f32 v6, v4;
	_ =	sdelay $0x1  }
0x35: {  	v5 =	vmul.f32 $2.000000030e-01, v4  }
0x36: {  	vm0 =	vge.f32 v4, $0.0e+00  }
0x37: {  	v4 =	vsel vm0, v4, v5  }
0x38: {  	v4 =	vmul.f32 $1.442695020e+00, v4;
	_ =	sdelay $0x1  }
0x39: {  	(erf) = vpow2.f32 v4;
	_ =	sdelay $0x5  }
0x3a: {  	s25 =	simm.s32 $0x8  }
0x3b: {  	v4 =	vor.u32 s25, v1;
	_ =	sdelay $0x1  }
0x3c: {  	s24 =	simm.s32 $0xAD00;
	s25 =	simm.s32 $0x10;
	v5 =	vpop (erf)  }
.LBB2_5:
0x3d: {  	p0 =	sne.s32 s25, $0x3E0;
	[tilespmem:s24+$0x0] =	vst v5  }
0x3e: {  	[tilespmem:v3+s17+$0x0] =	vst.idx.add.f32.msk $0xffff, v5  }
0x3f: {  	v3 =	vld.idx.msk [tilespmem:v4+s15+$0x0], $0xffff  }
0x40: {  	v4 =	vld.idx.msk [tilespmem:v4+s16+$0x0], $0xffff;
	_ =	sdelay $0x4  }
0x41: {  	v3 =	vshll.u32 v3, $0x1  }
0x42: {  	v4 =	vshll.u32 v4, $0x1;
	v5 =	vor.u32 v2, v3  }
0x43: {  	v3 =	vor.u32 v2, v4;
	_ =	sdelay $0x3  }
0x44: {  	v4 =	vld.idx.msk [tilespmem:v5+s14+$0x0], $0xffff  }
0x45: {  	v5 =	vld.idx.msk [tilespmem:v3+s2+$0x0], $0xffff;
	_ =	sdelay $0x1  }
0x46: {  	s23 =	sadd.s32 $0x10, s23  }
0x47: {  	v6 =	vld [tilespmem:s23+$0x0];
	_ =	sdelay $0x2  }
0x48: {  	v4 =	vadd.f32 v4, v5;
	_ =	sdelay $0x1  }
0x49: {  	v4 =	vadd.f32 v6, v4;
	_ =	sdelay $0x1  }
0x4a: {  	v5 =	vmul.f32 $2.000000030e-01, v4  }
0x4b: {  	vm0 =	vge.f32 v4, $0.0e+00  }
0x4c: {  	v4 =	vsel vm0, v4, v5  }
0x4d: {  	v4 =	vmul.f32 $1.442695020e+00, v4;
	_ =	sdelay $0x1  }
0x4e: {  	(erf) = vpow2.f32 v4;
	_ =	sdelay $0x4  }
.Ltmp1:
0x4f: {  	(pc) =	sbr.rel @p0 .LBB2_5-.Ltmp1, $3  }
0x50: {  	_ = 	snop  }
0x51: {  	v4 =	vor.u32 s25, v1;
	_ =	sdelay $0x1  }
0x52: {  	s24 =	sadd.s32 $0x10, s24;
	s25 =	sadd.s32 $0x8, s25;
	v5 =	vpop (erf)  }
0x53: {  	_ =	sdelay $0x2  }
0x54: {  	[tilespmem:s24+$0x0] =	vst v5  }
0x55: {  	[tilespmem:v3+s17+$0x0] =	vst.idx.add.f32.msk $0xffff, v5  }
0x56: {  	v3 =	vld.idx.msk [tilespmem:v4+s15+$0x0], $0xffff  }
0x57: {  	v62 =	vld.idx.msk [tilespmem:v4+s16+$0x0], $0xffff;
	_ =	sdelay $0x3  }
0x58: {  	v3 =	vshll.u32 v3, $0x1  }
0x59: {  	v4 =	vshll.u32 v62, $0x1;
	v3 =	vor.u32 v2, v3  }
0x5a: {  	v4 =	vor.u32 v2, v4;
	_ =	sdelay $0x3  }
0x5b: {  	v3 =	vld.idx.msk [tilespmem:v3+s14+$0x0], $0xffff  }
0x5c: {  	v5 =	vld.idx.msk [tilespmem:v4+s2+$0x0], $0xffff  }
0x5d: {  	s23 =	sadd.s32 $0x10, s23  }
0x5e: {  	v6 =	vld [tilespmem:s23+$0x0];
	_ =	sdelay $0x2  }
0x5f: {  	v3 =	vadd.f32 v3, v5;
	_ =	sdelay $0x1  }
0x60: {  	v3 =	vadd.f32 v6, v3;
	_ =	sdelay $0x1  }
0x61: {  	v63 =	vmul.f32 $2.000000030e-01, v3  }
0x62: {  	vm0 =	vge.f32 v3, $0.0e+00  }
0x63: {  	v3 =	vsel vm0, v3, v63  }
0x64: {  	v3 =	vmul.f32 $1.442695020e+00, v3;
	_ =	sdelay $0x1  }
0x65: {  	(erf) = vpow2.f32 v3;
	_ =	sdelay $0x8  }
0x66: {  	s31 =	sadd.s32 $0x10, s24;
	s21 =	sadd.s32 $0x1, s21;
	v3 =	vpop (erf)  }
0x67: {  	p0 =	sne.s32 s21, $0x14;
	[tilespmem:s31+$0x0] =	vst v3  }
.Ltmp2:
0x68: {  	s22 =	sadd.s32 s6, s22;
	[tilespmem:v4+s17+$0x0] =	vst.idx.add.f32.msk $0xffff, v3;
	(pc) =	sbr.rel @p0 .LBB2_4-.Ltmp2, $4  }
0x69: {  	[hbm4b:s22+s2] =	stream.linear.scatter [tilespmem:s18], [sflag:$0x1], $0x7D0, $0x38;
	[tilespmem:$0x10380] =	vst v63  }
0x6a: {  	_ =	swait.ge [sflag:s13], $0x7D0  }
0x6b: {  	[sflag:s13] =	ssyncset.done $0x0  }
0x6c: {  	[sflag:s13] =	ssyncadd.s32 $0xFFFFF830  }
0x6d: {  	s19 =	sadd.s32 $0x1, s19  }
0x6e: {  	p0 =	sne.s32 s19, s12  }
.Ltmp3:
0x6f: {  	_ = 	snop;
	(pc) =	sbr.rel @p0 .LBB2_1-.Ltmp3, $4  }
0x70: {  	[hbm4b:s11+s2] =	stream.linear.scatter [tilespmem:s17], [sflag:$0x1], $0x4E20, $0x38;
	[tilespmem:$0x10380] =	vst v63  }
0x71: {  	_ =	swait.ge [sflag:s13], $0x4E20  }
0x72: {  	[sflag:s13] =	ssyncset.done $0x0  }
0x73: {  	[sflag:s13] =	ssyncadd.s32 $0xFFFFB1E0  }
0x74: {  	_ =	sfence.sel $0x180000  }
0x75: {  	[bflag:$0x0] =	sbarrier.arrive $0xFFFF  }
0x76: {  	p0 =	sne.s32 s3, $0x0;
	_ =	strace $0x90000047  }
0x77: {  	s0 =	sadd.s32 @!p0 $0x100000, s0;
	[bflag:$0x2] =	sbarrier.arrive $0xFFFF  }
0x78: {  	[sflag:s0] =	ssyncadd.tile.s32 @!p0 $0x1;
	_ =	shalt  }
.Lfunc_end2:
_tile_overlayer_lowered:
.L_overlay_start_2:
0x79: {  	(tag) =	ssettag $0x2  }
0x7a: {  	s0 =	rddreg [dreg:$0x0];
	s2 =	stileid.u32  }
0x7b: {  	s1 =	rddreg [dreg:$0x1];
	p0 =	sne.s32 s2, $0x0  }
0x7c: {  	s3 =	rddreg [dreg:$0x2];
	[bflag:$0x3] =	sbarrier.arrive $0xFFFF;
	s2 =	simm.s32 @!p0 $0x1C01  }
0x7d: {  	[timem:s3], [sflag:s2] =	dma.local @!p0 [hbm:s0], s1  }
0x7e: {  	s0 =	simm.s32 @!p0 $0x1  }
0x7f: {  	_ =	swait.ge @!p0 [sflag:s0], s1  }
0x80: {  	s1 =	ssub.s32 @!p0 $0x0, s1;
	[sflag:s0] =	ssyncset.done @!p0 $0x0  }
0x81: {  	[sflag:s0] =	ssyncadd.s32 @!p0 s1  }
0x82: {  	[bflag:$0x3] =	sbarrier.arrive $0xFFFF  }
0x83: {  	_ =	shalt  }

</sc_bundles>
